<compile_context>
chip_gen: v7x
topology: tpu7x:2x2x1
jax: 0.10.2.dev20260603
libtpu: 0.0.44.dev20260713+nightly
codegen_flags: <defaults>
</compile_context>

<pallas_src>
import functools

import jax
import jax.numpy as jnp
from jax import lax
from jax.experimental import pallas as pl
from jax.experimental.pallas import tpu as pltpu
from jax.experimental.pallas import tpu_sc as plsc

N_EMBD = 512
N_EXPERTS = 32
D_FF = 4 * N_EMBD
TOKENS = 8192
CAPACITY = 128
L = 16
NW = 32
ROWS_PER_W = (N_EXPERTS * CAPACITY) // L


def _router_kernel(x_ref, wg_ref, pt_ref, tau_ref):
    x = x_ref[...]
    wg = wg_ref[...]
    logits = jnp.dot(x, wg, preferred_element_type=jnp.float32)
    m = jnp.max(logits, axis=1, keepdims=True)
    ex = jnp.exp(logits - m)
    probs = ex / jnp.sum(ex, axis=1, keepdims=True)
    pt = probs.T
    pt_ref[...] = pt

    pbits = lax.bitcast_convert_type(pt, jnp.int32)

    def body(_, lohi):
        lo, hi = lohi
        mid = lo + lax.shift_right_logical(hi - lo, 1)
        cnt = jnp.sum((pbits >= mid).astype(jnp.int32), axis=1, keepdims=True)
        ok = cnt >= CAPACITY
        return jnp.where(ok, mid, lo), jnp.where(ok, hi, mid)

    lo0 = jnp.zeros((N_EXPERTS, 1), jnp.int32)
    hi0 = jnp.full((N_EXPERTS, 1), 0x3F800001, jnp.int32)
    lo, _ = lax.fori_loop(0, 30, body, (lo0, hi0))
    tau = lax.bitcast_convert_type(lo, jnp.float32)
    tau_ref[...] = jnp.broadcast_to(tau, (N_EXPERTS, L))


def _sc_route_kernel(pt_hbm, tau_hbm, x_hbm,
                     idx_hbm, gates_hbm, xe_hbm,
                     pcol, tauv, idxbuf, gatebuf, eqbuf, idx128, gate128,
                     rows, sem):
    c = lax.axis_index("c")
    s = lax.axis_index("s")
    w = s * 2 + c

    pltpu.sync_copy(pt_hbm.at[w], pcol)
    pltpu.sync_copy(tau_hbm.at[w], tauv)
    tau_vec = tauv[...]

    zero16 = jnp.zeros((L,), jnp.int32)

    def scan_body(i, carry):
        cgt, ceq = carry
        v = pcol[pl.ds(i * L, L)]
        tid = lax.iota(jnp.int32, L) + i * L
        mgt = v > tau_vec
        meq = v == tau_vec
        csg = plsc.cumsum(mgt.astype(jnp.int32))
        cse = plsc.cumsum(meq.astype(jnp.int32))
        plsc.store_scatter(idxbuf, [cgt + csg - 1], tid, mask=mgt)
        plsc.store_scatter(gatebuf, [cgt + csg - 1], v, mask=mgt)
        plsc.store_scatter(eqbuf, [ceq + cse - 1], tid, mask=meq)
        cgt = cgt + plsc.all_reduce_population_count(mgt)
        ceq = ceq + plsc.all_reduce_population_count(meq)
        return cgt, ceq

    cgt, _ = lax.fori_loop(0, TOKENS // L, scan_body, (zero16, zero16))

    for k in range(CAPACITY // L):
        j = lax.iota(jnp.int32, L) + k * L
        take = j < (CAPACITY - cgt)
        vals = eqbuf[pl.ds(k * L, L)]
        plsc.store_scatter(idxbuf, [cgt + j], vals, mask=take)
        plsc.store_scatter(gatebuf, [cgt + j], tau_vec, mask=take)

    for k in range(CAPACITY // L):
        sl = pl.ds(k * L, L)
        idx128[sl] = idxbuf[sl]
        gate128[sl] = gatebuf[sl]

    pltpu.sync_copy(idx128, idx_hbm.at[w])
    pltpu.sync_copy(gate128, gates_hbm.at[w])
    pltpu.async_copy(x_hbm.at[idx128], rows, sem).wait()
    pltpu.sync_copy(rows, xe_hbm.at[pl.ds(w * CAPACITY, CAPACITY)])


def _sc_route(probsT, tau, x):
    mesh = plsc.VectorSubcoreMesh(core_axis_name="c", subcore_axis_name="s")
    f = functools.partial(
        pl.kernel,
        mesh=mesh,
        compiler_params=pltpu.CompilerParams(needs_layout_passes=False),
        out_type=[
            jax.ShapeDtypeStruct((N_EXPERTS, CAPACITY), jnp.int32),
            jax.ShapeDtypeStruct((N_EXPERTS, CAPACITY), jnp.float32),
            jax.ShapeDtypeStruct((N_EXPERTS * CAPACITY, N_EMBD), jnp.float32),
        ],
        scratch_types=[
            pltpu.VMEM((TOKENS,), jnp.float32),
            pltpu.VMEM((L,), jnp.float32),
            pltpu.VMEM((CAPACITY + L,), jnp.int32),
            pltpu.VMEM((CAPACITY + L,), jnp.float32),
            pltpu.VMEM((TOKENS,), jnp.int32),
            pltpu.VMEM((CAPACITY,), jnp.int32),
            pltpu.VMEM((CAPACITY,), jnp.float32),
            pltpu.VMEM((CAPACITY, N_EMBD), jnp.float32),
            pltpu.SemaphoreType.DMA,
        ],
    )(_sc_route_kernel)
    return f(probsT, tau, x)


def _ffn_kernel(xe_ref, w1_ref, b1_ref, w2_ref, b2_ref, gate_ref, ye_ref):
    xe = xe_ref[...].astype(jnp.bfloat16)
    w1 = w1_ref[0].astype(jnp.bfloat16)
    h = jnp.dot(xe, w1, preferred_element_type=jnp.float32)
    h = jax.nn.gelu(h + b1_ref[0]).astype(jnp.bfloat16)
    w2 = w2_ref[0].astype(jnp.bfloat16)
    ye = jnp.dot(h, w2, preferred_element_type=jnp.float32)
    ye = ye + b2_ref[0]
    g = gate_ref[0, 0].reshape(CAPACITY, 1)
    ye_ref[...] = ye * g


def _sc_combine_kernel(idx_hbm, ye_hbm, y_hbm, idxv, upd, zbuf, yq):
    c = lax.axis_index("c")
    s = lax.axis_index("s")

    for i in range(N_EXPERTS):
        for k in range(CAPACITY // L):
            zbuf[i, pl.ds(k * L, L)] = jnp.zeros((L,), jnp.float32)

    pltpu.sync_copy(idx_hbm.at[pl.ds(2 * s, 2)], idxv)

    stripe = TOKENS // L
    for q in range(2):
        col0 = (c * 2 + q) * CAPACITY
        for j in range(stripe // N_EXPERTS):
            pltpu.sync_copy(zbuf, yq.at[pl.ds(s * stripe + j * N_EXPERTS,
                                              N_EXPERTS)])
        plsc.subcore_barrier()
        pltpu.sync_copy(
            ye_hbm.at[pl.ds(s * ROWS_PER_W, ROWS_PER_W), pl.ds(col0, CAPACITY)],
            upd)
        for j in range(2):
            pltpu.sync_copy(upd.at[pl.ds(j * CAPACITY, CAPACITY)],
                            yq.at[idxv.at[j]], add=True)
        plsc.subcore_barrier()
        pltpu.sync_copy(
            yq.at[pl.ds(s * 512, 512)],
            y_hbm.at[pl.ds(s * 512, 512), pl.ds(col0, CAPACITY)])
        plsc.subcore_barrier()


def _sc_combine(idx, ye):
    mesh = plsc.VectorSubcoreMesh(core_axis_name="c", subcore_axis_name="s")
    f = functools.partial(
        pl.kernel,
        mesh=mesh,
        out_type=jax.ShapeDtypeStruct((TOKENS, N_EMBD), jnp.float32),
        scratch_types=[
            pltpu.VMEM((2, CAPACITY), jnp.int32),
            pltpu.VMEM((ROWS_PER_W, CAPACITY), jnp.float32),
            pltpu.VMEM((N_EXPERTS, CAPACITY), jnp.float32),
            pltpu.VMEM_SHARED((TOKENS, CAPACITY), jnp.float32),
        ],
    )(_sc_combine_kernel)
    return f(idx, ye)


@jax.jit
def kernel(x, Wg, W1, b1, W2, b2):
    probsT, tau = pl.pallas_call(
        _router_kernel,
        out_shape=(
            jax.ShapeDtypeStruct((N_EXPERTS, TOKENS), jnp.float32),
            jax.ShapeDtypeStruct((N_EXPERTS, L), jnp.float32),
        ),
    )(x, Wg)

    idx, gates, xe = _sc_route(probsT, tau, x)

    ye = pl.pallas_call(
        _ffn_kernel,
        grid=(N_EXPERTS,),
        in_specs=[
            pl.BlockSpec((CAPACITY, N_EMBD), lambda e: (e, 0)),
            pl.BlockSpec((1, N_EMBD, D_FF), lambda e: (e, 0, 0)),
            pl.BlockSpec((1, 1, D_FF), lambda e: (e, 0, 0)),
            pl.BlockSpec((1, D_FF, N_EMBD), lambda e: (e, 0, 0)),
            pl.BlockSpec((1, 1, N_EMBD), lambda e: (e, 0, 0)),
            pl.BlockSpec((1, 1, CAPACITY), lambda e: (e, 0, 0)),
        ],
        out_specs=pl.BlockSpec((CAPACITY, N_EMBD), lambda e: (e, 0)),
        out_shape=jax.ShapeDtypeStruct((N_EXPERTS * CAPACITY, N_EMBD),
                                       jnp.float32),
        compiler_params=pltpu.CompilerParams(
            dimension_semantics=("arbitrary",),
        ),
    )(xe, W1, b1.reshape(N_EXPERTS, 1, D_FF), W2,
      b2.reshape(N_EXPERTS, 1, N_EMBD), gates.reshape(N_EXPERTS, 1, CAPACITY))

    return _sc_combine(idx, ye)

# --- scband reference (transcript-rebuilt; emitter-appended) ---
"""Pipeline reference for scband-deep-seek-qnn-43439299231938 (READ-ONLY COPY).

The authoritative reference and input builder live on the scoring server;
editing this copy changes nothing except your own understanding.
"""

import jax, jax.numpy as jnp
import numpy as np

N_EMBD = 512
N_EXPERTS = 32
D_FF = 4 * N_EMBD
BLOCK_SIZE = 2048
BATCH = 4
TOKENS = BATCH * BLOCK_SIZE
CAPACITY = int(2.0 * (BLOCK_SIZE / N_EXPERTS))  # = 128, matches module's expert_capacity formula


def setup_inputs(seed: int = 0) -> dict:
    key = jax.random.key(seed)
    k0, k1, k2, k3 = jax.random.split(key, 4)
    x = jax.random.normal(k0, (TOKENS, N_EMBD), dtype=jnp.float32)
    Wg = jax.random.normal(k1, (N_EMBD, N_EXPERTS), dtype=jnp.float32) / np.sqrt(N_EMBD)
    W1 = jax.random.normal(k2, (N_EXPERTS, N_EMBD, D_FF), dtype=jnp.float32) / np.sqrt(N_EMBD)
    b1 = jnp.zeros((N_EXPERTS, D_FF), dtype=jnp.float32)
    W2 = jax.random.normal(k3, (N_EXPERTS, D_FF, N_EMBD), dtype=jnp.float32) / np.sqrt(D_FF)
    b2 = jnp.zeros((N_EXPERTS, N_EMBD), dtype=jnp.float32)
    return {"x": x, "Wg": Wg, "W1": W1, "b1": b1, "W2": W2, "b2": b2}


def reference(x, Wg, W1, b1, W2, b2):
    # Expert-choice MoE routing (use_expert_choice=True in the torch module):
    # each of the 32 experts selects its top-CAPACITY tokens by router probability.
    logits = jnp.dot(x, Wg)                       # [T, E]
    probs = jax.nn.softmax(logits, axis=-1)       # [T, E]
    # experts choose tokens: top-k over the token axis per expert
    gates, idx = jax.lax.top_k(probs.T, CAPACITY)  # [E, C], [E, C] token ids
    # dispatch: gather selected tokens per expert (SparseCore gather)
    xe = jnp.take(x, idx, axis=0)                 # [E, C, D]
    # per-expert FFN (MoE hidden_size = 4*n_embd, GELU activation)
    h = jax.nn.gelu(jnp.einsum('ecd,edf->ecf', xe, W1) + b1[:, None, :])  # [E, C, DFF]
    ye = jnp.einsum('ecf,efd->ecd', h, W2) + b2[:, None, :]               # [E, C, D]
    ye = ye * gates[..., None]
    # combine: scatter-add expert outputs back to token positions (SparseCore scatter-add)
    y = jnp.zeros_like(x).at[idx.reshape(-1)].add(ye.reshape(-1, N_EMBD))  # [T, D]
    return y

if __name__ == "__main__":
    import jax
    _d = setup_inputs()
    print(jax.jit(kernel)(*tuple(_d.values())))

</pallas_src>

<mosaic_0001>
#map = affine_map<(d0, d1) -> (0, 0)>
module attributes {stable_mosaic.version = 14 : i64} {
  func.func @_sc_route_kernel(%arg0: i32, %arg1: i32, %arg2: memref<32x8192xf32, #tpu.memory_space<hbm>>, %arg3: memref<32x16xf32, #tpu.memory_space<hbm>>, %arg4: memref<8192x512xf32, #tpu.memory_space<hbm>>, %arg5: memref<32x128xi32, #tpu.memory_space<hbm>>, %arg6: memref<32x128xf32, #tpu.memory_space<hbm>>, %arg7: memref<4096x512xf32, #tpu.memory_space<hbm>>, %arg8: memref<8192xf32, #tpu.memory_space<vmem>>, %arg9: memref<16xf32, #tpu.memory_space<vmem>>, %arg10: memref<144xi32, #tpu.memory_space<vmem>>, %arg11: memref<144xf32, #tpu.memory_space<vmem>>, %arg12: memref<8192xi32, #tpu.memory_space<vmem>>, %arg13: memref<128xi32, #tpu.memory_space<vmem>>, %arg14: memref<128xf32, #tpu.memory_space<vmem>>, %arg15: memref<128x512xf32, #tpu.memory_space<vmem>>, %arg16: memref<!tpu.dma_semaphore, #tpu.memory_space<semaphore_mem>>) attributes {dimension_semantics = [#tpu.dimension_semantics<core_parallel>, #tpu.dimension_semantics<subcore_parallel>], iteration_bounds = array<i64: 2, 16>, scalar_prefetch = 0 : i64, scratch_operands = 9 : i64, tpu.core_type = #tpu.core_type<sc_vector_subcore>, window_params = [{transform_indices = #map}, {transform_indices = #map}, {transform_indices = #map}, {transform_indices = #map}, {transform_indices = #map}, {transform_indices = #map}]} {
    %mul3A = arith.constant 2 : i32
    %mul3A_0 = arith.muli %arg1, %mul3A : i32
    %add3A = arith.addi %mul3A_0, %arg0 : i32
    "tpu.region"() ({
      %run_scoped3A = tpu.sem_alloc : memref<!tpu.dma_semaphore, #tpu.memory_space<semaphore_mem>>
      %dma_start3A_170 = arith.constant 0 : i32
      %dma_start3A_171 = tpu.memref_slice %arg2[%add3A, %dma_start3A_170] : memref<32x8192xf32, #tpu.memory_space<hbm>> -> memref<1x8192xf32, #tpu.memory_space<hbm>>
      %dma_start3A_172 = tpu.memref_squeeze %dma_start3A_171 : memref<1x8192xf32, #tpu.memory_space<hbm>> -> memref<8192xf32, #tpu.memory_space<hbm>>
      %dma_start3A_173 = arith.constant 0 : i32
      %dma_start3A_174 = tpu.memref_slice %arg2[%add3A, %dma_start3A_173] : memref<32x8192xf32, #tpu.memory_space<hbm>> -> memref<1x8192xf32, #tpu.memory_space<hbm>>
      %dma_start3A_175 = tpu.memref_squeeze %dma_start3A_174 : memref<1x8192xf32, #tpu.memory_space<hbm>> -> memref<8192xf32, #tpu.memory_space<hbm>>
      tpu.enqueue_dma source(%dma_start3A_175 : memref<8192xf32, #tpu.memory_space<hbm>>) target(%arg8 : memref<8192xf32, #tpu.memory_space<vmem>>) target_semaphore(%run_scoped3A : memref<!tpu.dma_semaphore, #tpu.memory_space<semaphore_mem>>)
      %dma_wait3A_176 = arith.constant 0 : i32
      %dma_wait3A_177 = tpu.memref_slice %arg2[%add3A, %dma_wait3A_176] : memref<32x8192xf32, #tpu.memory_space<hbm>> -> memref<1x8192xf32, #tpu.memory_space<hbm>>
      %dma_wait3A_178 = tpu.memref_squeeze %dma_wait3A_177 : memref<1x8192xf32, #tpu.memory_space<hbm>> -> memref<8192xf32, #tpu.memory_space<hbm>>
      %dma_wait3A_179 = arith.constant 0 : i32
      %dma_wait3A_180 = tpu.memref_slice %arg2[%add3A, %dma_wait3A_179] : memref<32x8192xf32, #tpu.memory_space<hbm>> -> memref<1x8192xf32, #tpu.memory_space<hbm>>
      %dma_wait3A_181 = tpu.memref_squeeze %dma_wait3A_180 : memref<1x8192xf32, #tpu.memory_space<hbm>> -> memref<8192xf32, #tpu.memory_space<hbm>>
      tpu.wait_dma2 semaphore(%run_scoped3A : memref<!tpu.dma_semaphore, #tpu.memory_space<semaphore_mem>>) src(%dma_wait3A_181 : memref<8192xf32, #tpu.memory_space<hbm>>) dst(%arg8 : memref<8192xf32, #tpu.memory_space<vmem>>)
      tpu.yield
    }) : () -> ()
    "tpu.region"() ({
      %run_scoped3A = tpu.sem_alloc : memref<!tpu.dma_semaphore, #tpu.memory_space<semaphore_mem>>
      %dma_start3A_170 = arith.constant 0 : i32
      %dma_start3A_171 = tpu.memref_slice %arg3[%add3A, %dma_start3A_170] : memref<32x16xf32, #tpu.memory_space<hbm>> -> memref<1x16xf32, #tpu.memory_space<hbm>>
      %dma_start3A_172 = tpu.memref_squeeze %dma_start3A_171 : memref<1x16xf32, #tpu.memory_space<hbm>> -> memref<16xf32, #tpu.memory_space<hbm>>
      %dma_start3A_173 = arith.constant 0 : i32
      %dma_start3A_174 = tpu.memref_slice %arg3[%add3A, %dma_start3A_173] : memref<32x16xf32, #tpu.memory_space<hbm>> -> memref<1x16xf32, #tpu.memory_space<hbm>>
      %dma_start3A_175 = tpu.memref_squeeze %dma_start3A_174 : memref<1x16xf32, #tpu.memory_space<hbm>> -> memref<16xf32, #tpu.memory_space<hbm>>
      tpu.enqueue_dma source(%dma_start3A_175 : memref<16xf32, #tpu.memory_space<hbm>>) target(%arg9 : memref<16xf32, #tpu.memory_space<vmem>>) target_semaphore(%run_scoped3A : memref<!tpu.dma_semaphore, #tpu.memory_space<semaphore_mem>>)
      %dma_wait3A_176 = arith.constant 0 : i32
      %dma_wait3A_177 = tpu.memref_slice %arg3[%add3A, %dma_wait3A_176] : memref<32x16xf32, #tpu.memory_space<hbm>> -> memref<1x16xf32, #tpu.memory_space<hbm>>
      %dma_wait3A_178 = tpu.memref_squeeze %dma_wait3A_177 : memref<1x16xf32, #tpu.memory_space<hbm>> -> memref<16xf32, #tpu.memory_space<hbm>>
      %dma_wait3A_179 = arith.constant 0 : i32
      %dma_wait3A_180 = tpu.memref_slice %arg3[%add3A, %dma_wait3A_179] : memref<32x16xf32, #tpu.memory_space<hbm>> -> memref<1x16xf32, #tpu.memory_space<hbm>>
      %dma_wait3A_181 = tpu.memref_squeeze %dma_wait3A_180 : memref<1x16xf32, #tpu.memory_space<hbm>> -> memref<16xf32, #tpu.memory_space<hbm>>
      tpu.wait_dma2 semaphore(%run_scoped3A : memref<!tpu.dma_semaphore, #tpu.memory_space<semaphore_mem>>) src(%dma_wait3A_181 : memref<16xf32, #tpu.memory_space<hbm>>) dst(%arg9 : memref<16xf32, #tpu.memory_space<vmem>>)
      tpu.yield
    }) : () -> ()
    %get3A = arith.constant 0 : index
    %get3A_1 = tpu.vector_load %arg9[%get3A] {strides = array<i32>} : memref<16xf32, #tpu.memory_space<vmem>>, vector<16xf32>,
    %broadcast_in_dim3A = arith.constant 0 : i32
    %broadcast_in_dim3A_2 = vector.broadcast %broadcast_in_dim3A : i32 to vector<16xi32>
    %scan3A = arith.constant 0 : i32
    %scan3A_3 = arith.constant 512 : i32
    %scan3A_4 = arith.addi %scan3A, %scan3A_3 : i32
    %scan3A_5 = arith.constant 1 : i32
    %scan3A_6:2 = scf.for %scan3A_170 = %scan3A to %scan3A_4 step %scan3A_5 iter_args(%scan3A_171 = %broadcast_in_dim3A_2, %scan3A_172 = %broadcast_in_dim3A_2) -> (vector<16xi32>, vector<16xi32>)  : i32 {
      %mul3A_173 = arith.constant 16 : i32
      %mul3A_174 = arith.muli %scan3A_170, %mul3A_173 : i32
      %get3A_175 = arith.index_cast %mul3A_174 : i32 to index
      %get3A_176 = tpu.vector_load %arg8[%get3A_175] {strides = array<i32>} : memref<8192xf32, #tpu.memory_space<vmem>>, vector<16xf32>,
      %iota3A_177 = tpu.iota {dimensions = array<i32: 0>} : vector<16xi32>
      %mul3A_178 = arith.constant 16 : i32
      %mul3A_179 = arith.muli %scan3A_170, %mul3A_178 : i32
      %add3A_180 = vector.broadcast %mul3A_179 : i32 to vector<16xi32>
      %add3A_181 = arith.addi %iota3A_177, %add3A_180 : vector<16xi32>
      %gt3A = arith.cmpf ogt, %get3A_176, %get3A_1 : vector<16xf32>
      %eq3A = arith.cmpf oeq, %get3A_176, %get3A_1 : vector<16xf32>
      %convert_element_type3A = arith.extui %gt3A : vector<16xi1> to vector<16xi32>
      %broadcast_in_dim3A_182 = arith.constant true
      %broadcast_in_dim3A_183 = vector.broadcast %broadcast_in_dim3A_182 : i1 to vector<16xi1>
      %masked_cumsum3A = tpu.scan <sum>, %convert_element_type3A masked %broadcast_in_dim3A_183 : vector<16xi32>, vector<16xi1> -> vector<16xi32>
      %convert_element_type3A_184 = arith.extui %eq3A : vector<16xi1> to vector<16xi32>
      %broadcast_in_dim3A_185 = arith.constant true
      %broadcast_in_dim3A_186 = vector.broadcast %broadcast_in_dim3A_185 : i1 to vector<16xi1>
      %masked_cumsum3A_187 = tpu.scan <sum>, %convert_element_type3A_184 masked %broadcast_in_dim3A_186 : vector<16xi32>, vector<16xi1> -> vector<16xi32>
      %add3A_188 = arith.addi %scan3A_171, %masked_cumsum3A : vector<16xi32>
      %sub3A_189 = arith.constant 1 : i32
      %sub3A_190 = vector.broadcast %sub3A_189 : i32 to vector<16xi32>
      %sub3A_191 = arith.subi %add3A_188, %sub3A_190 : vector<16xi32>
      tpu.vector_store_idx %arg10[%sub3A_191], %add3A_181 masked %gt3A : memref<144xi32, #tpu.memory_space<vmem>>[vector<16xi32>], vector<16xi32>, vector<16xi1>
      %add3A_192 = arith.addi %scan3A_171, %masked_cumsum3A : vector<16xi32>
      %sub3A_193 = arith.constant 1 : i32
      %sub3A_194 = vector.broadcast %sub3A_193 : i32 to vector<16xi32>
      %sub3A_195 = arith.subi %add3A_192, %sub3A_194 : vector<16xi32>
      tpu.vector_store_idx %arg11[%sub3A_195], %get3A_176 masked %gt3A : memref<144xf32, #tpu.memory_space<vmem>>[vector<16xi32>], vector<16xf32>, vector<16xi1>
      %add3A_196 = arith.addi %scan3A_172, %masked_cumsum3A_187 : vector<16xi32>
      %sub3A_197 = arith.constant 1 : i32
      %sub3A_198 = vector.broadcast %sub3A_197 : i32 to vector<16xi32>
      %sub3A_199 = arith.subi %add3A_196, %sub3A_198 : vector<16xi32>
      tpu.vector_store_idx %arg12[%sub3A_199], %add3A_181 masked %eq3A : memref<8192xi32, #tpu.memory_space<vmem>>[vector<16xi32>], vector<16xi32>, vector<16xi1>
      %all_reduce_population_count3A = tpu.all_reduce %gt3A {dim = 0 : i64, kind = #tpu.reduction_kind<sum>} : vector<16xi1> -> vector<16xi32>
      %add3A_200 = arith.addi %scan3A_171, %all_reduce_population_count3A : vector<16xi32>
      %all_reduce_population_count3A_201 = tpu.all_reduce %eq3A {dim = 0 : i64, kind = #tpu.reduction_kind<sum>} : vector<16xi1> -> vector<16xi32>
      %add3A_202 = arith.addi %scan3A_172, %all_reduce_population_count3A_201 : vector<16xi32>
      scf.yield %add3A_200, %add3A_202 : vector<16xi32>, vector<16xi32>
    }
    %scan3A_7 = arith.constant 512 : i32
    %iota3A = tpu.iota {dimensions = array<i32: 0>} : vector<16xi32>
    %add3A_8 = arith.constant 0 : i32
    %add3A_9 = vector.broadcast %add3A_8 : i32 to vector<16xi32>
    %add3A_10 = arith.addi %iota3A, %add3A_9 : vector<16xi32>
    %sub3A = arith.constant 128 : i32
    %sub3A_11 = vector.broadcast %sub3A : i32 to vector<16xi32>
    %sub3A_12 = arith.subi %sub3A_11, %scan3A_6#0 : vector<16xi32>
    %lt3A = arith.cmpi slt, %add3A_10, %sub3A_12 : vector<16xi32>
    %get3A_13 = arith.constant 0 : index
    %get3A_14 = tpu.vector_load %arg12[%get3A_13] {strides = array<i32>} : memref<8192xi32, #tpu.memory_space<vmem>>, vector<16xi32>,
    %add3A_15 = arith.addi %scan3A_6#0, %add3A_10 : vector<16xi32>
    tpu.vector_store_idx %arg10[%add3A_15], %get3A_14 masked %lt3A : memref<144xi32, #tpu.memory_space<vmem>>[vector<16xi32>], vector<16xi32>, vector<16xi1>
    %add3A_16 = arith.addi %scan3A_6#0, %add3A_10 : vector<16xi32>
    tpu.vector_store_idx %arg11[%add3A_16], %get3A_1 masked %lt3A : memref<144xf32, #tpu.memory_space<vmem>>[vector<16xi32>], vector<16xf32>, vector<16xi1>
    %iota3A_17 = tpu.iota {dimensions = array<i32: 0>} : vector<16xi32>
    %add3A_18 = arith.constant 16 : i32
    %add3A_19 = vector.broadcast %add3A_18 : i32 to vector<16xi32>
    %add3A_20 = arith.addi %iota3A_17, %add3A_19 : vector<16xi32>
    %sub3A_21 = arith.constant 128 : i32
    %sub3A_22 = vector.broadcast %sub3A_21 : i32 to vector<16xi32>
    %sub3A_23 = arith.subi %sub3A_22, %scan3A_6#0 : vector<16xi32>
    %lt3A_24 = arith.cmpi slt, %add3A_20, %sub3A_23 : vector<16xi32>
    %get3A_25 = arith.constant 16 : index
    %get3A_26 = tpu.vector_load %arg12[%get3A_25] {strides = array<i32>} : memref<8192xi32, #tpu.memory_space<vmem>>, vector<16xi32>,
    %add3A_27 = arith.addi %scan3A_6#0, %add3A_20 : vector<16xi32>
    tpu.vector_store_idx %arg10[%add3A_27], %get3A_26 masked %lt3A_24 : memref<144xi32, #tpu.memory_space<vmem>>[vector<16xi32>], vector<16xi32>, vector<16xi1>
    %add3A_28 = arith.addi %scan3A_6#0, %add3A_20 : vector<16xi32>
    tpu.vector_store_idx %arg11[%add3A_28], %get3A_1 masked %lt3A_24 : memref<144xf32, #tpu.memory_space<vmem>>[vector<16xi32>], vector<16xf32>, vector<16xi1>
    %iota3A_29 = tpu.iota {dimensions = array<i32: 0>} : vector<16xi32>
    %add3A_30 = arith.constant 32 : i32
    %add3A_31 = vector.broadcast %add3A_30 : i32 to vector<16xi32>
    %add3A_32 = arith.addi %iota3A_29, %add3A_31 : vector<16xi32>
    %sub3A_33 = arith.constant 128 : i32
    %sub3A_34 = vector.broadcast %sub3A_33 : i32 to vector<16xi32>
    %sub3A_35 = arith.subi %sub3A_34, %scan3A_6#0 : vector<16xi32>
    %lt3A_36 = arith.cmpi slt, %add3A_32, %sub3A_35 : vector<16xi32>
    %get3A_37 = arith.constant 32 : index
    %get3A_38 = tpu.vector_load %arg12[%get3A_37] {strides = array<i32>} : memref<8192xi32, #tpu.memory_space<vmem>>, vector<16xi32>,
    %add3A_39 = arith.addi %scan3A_6#0, %add3A_32 : vector<16xi32>
    tpu.vector_store_idx %arg10[%add3A_39], %get3A_38 masked %lt3A_36 : memref<144xi32, #tpu.memory_space<vmem>>[vector<16xi32>], vector<16xi32>, vector<16xi1>
    %add3A_40 = arith.addi %scan3A_6#0, %add3A_32 : vector<16xi32>
    tpu.vector_store_idx %arg11[%add3A_40], %get3A_1 masked %lt3A_36 : memref<144xf32, #tpu.memory_space<vmem>>[vector<16xi32>], vector<16xf32>, vector<16xi1>
    %iota3A_41 = tpu.iota {dimensions = array<i32: 0>} : vector<16xi32>
    %add3A_42 = arith.constant 48 : i32
    %add3A_43 = vector.broadcast %add3A_42 : i32 to vector<16xi32>
    %add3A_44 = arith.addi %iota3A_41, %add3A_43 : vector<16xi32>
    %sub3A_45 = arith.constant 128 : i32
    %sub3A_46 = vector.broadcast %sub3A_45 : i32 to vector<16xi32>
    %sub3A_47 = arith.subi %sub3A_46, %scan3A_6#0 : vector<16xi32>
    %lt3A_48 = arith.cmpi slt, %add3A_44, %sub3A_47 : vector<16xi32>
    %get3A_49 = arith.constant 48 : index
    %get3A_50 = tpu.vector_load %arg12[%get3A_49] {strides = array<i32>} : memref<8192xi32, #tpu.memory_space<vmem>>, vector<16xi32>,
    %add3A_51 = arith.addi %scan3A_6#0, %add3A_44 : vector<16xi32>
    tpu.vector_store_idx %arg10[%add3A_51], %get3A_50 masked %lt3A_48 : memref<144xi32, #tpu.memory_space<vmem>>[vector<16xi32>], vector<16xi32>, vector<16xi1>
    %add3A_52 = arith.addi %scan3A_6#0, %add3A_44 : vector<16xi32>
    tpu.vector_store_idx %arg11[%add3A_52], %get3A_1 masked %lt3A_48 : memref<144xf32, #tpu.memory_space<vmem>>[vector<16xi32>], vector<16xf32>, vector<16xi1>
    %iota3A_53 = tpu.iota {dimensions = array<i32: 0>} : vector<16xi32>
    %add3A_54 = arith.constant 64 : i32
    %add3A_55 = vector.broadcast %add3A_54 : i32 to vector<16xi32>
    %add3A_56 = arith.addi %iota3A_53, %add3A_55 : vector<16xi32>
    %sub3A_57 = arith.constant 128 : i32
    %sub3A_58 = vector.broadcast %sub3A_57 : i32 to vector<16xi32>
    %sub3A_59 = arith.subi %sub3A_58, %scan3A_6#0 : vector<16xi32>
    %lt3A_60 = arith.cmpi slt, %add3A_56, %sub3A_59 : vector<16xi32>
    %get3A_61 = arith.constant 64 : index
    %get3A_62 = tpu.vector_load %arg12[%get3A_61] {strides = array<i32>} : memref<8192xi32, #tpu.memory_space<vmem>>, vector<16xi32>,
    %add3A_63 = arith.addi %scan3A_6#0, %add3A_56 : vector<16xi32>
    tpu.vector_store_idx %arg10[%add3A_63], %get3A_62 masked %lt3A_60 : memref<144xi32, #tpu.memory_space<vmem>>[vector<16xi32>], vector<16xi32>, vector<16xi1>
    %add3A_64 = arith.addi %scan3A_6#0, %add3A_56 : vector<16xi32>
    tpu.vector_store_idx %arg11[%add3A_64], %get3A_1 masked %lt3A_60 : memref<144xf32, #tpu.memory_space<vmem>>[vector<16xi32>], vector<16xf32>, vector<16xi1>
    %iota3A_65 = tpu.iota {dimensions = array<i32: 0>} : vector<16xi32>
    %add3A_66 = arith.constant 80 : i32
    %add3A_67 = vector.broadcast %add3A_66 : i32 to vector<16xi32>
    %add3A_68 = arith.addi %iota3A_65, %add3A_67 : vector<16xi32>
    %sub3A_69 = arith.constant 128 : i32
    %sub3A_70 = vector.broadcast %sub3A_69 : i32 to vector<16xi32>
    %sub3A_71 = arith.subi %sub3A_70, %scan3A_6#0 : vector<16xi32>
    %lt3A_72 = arith.cmpi slt, %add3A_68, %sub3A_71 : vector<16xi32>
    %get3A_73 = arith.constant 80 : index
    %get3A_74 = tpu.vector_load %arg12[%get3A_73] {strides = array<i32>} : memref<8192xi32, #tpu.memory_space<vmem>>, vector<16xi32>,
    %add3A_75 = arith.addi %scan3A_6#0, %add3A_68 : vector<16xi32>
    tpu.vector_store_idx %arg10[%add3A_75], %get3A_74 masked %lt3A_72 : memref<144xi32, #tpu.memory_space<vmem>>[vector<16xi32>], vector<16xi32>, vector<16xi1>
    %add3A_76 = arith.addi %scan3A_6#0, %add3A_68 : vector<16xi32>
    tpu.vector_store_idx %arg11[%add3A_76], %get3A_1 masked %lt3A_72 : memref<144xf32, #tpu.memory_space<vmem>>[vector<16xi32>], vector<16xf32>, vector<16xi1>
    %iota3A_77 = tpu.iota {dimensions = array<i32: 0>} : vector<16xi32>
    %add3A_78 = arith.constant 96 : i32
    %add3A_79 = vector.broadcast %add3A_78 : i32 to vector<16xi32>
    %add3A_80 = arith.addi %iota3A_77, %add3A_79 : vector<16xi32>
    %sub3A_81 = arith.constant 128 : i32
    %sub3A_82 = vector.broadcast %sub3A_81 : i32 to vector<16xi32>
    %sub3A_83 = arith.subi %sub3A_82, %scan3A_6#0 : vector<16xi32>
    %lt3A_84 = arith.cmpi slt, %add3A_80, %sub3A_83 : vector<16xi32>
    %get3A_85 = arith.constant 96 : index
    %get3A_86 = tpu.vector_load %arg12[%get3A_85] {strides = array<i32>} : memref<8192xi32, #tpu.memory_space<vmem>>, vector<16xi32>,
    %add3A_87 = arith.addi %scan3A_6#0, %add3A_80 : vector<16xi32>
    tpu.vector_store_idx %arg10[%add3A_87], %get3A_86 masked %lt3A_84 : memref<144xi32, #tpu.memory_space<vmem>>[vector<16xi32>], vector<16xi32>, vector<16xi1>
    %add3A_88 = arith.addi %scan3A_6#0, %add3A_80 : vector<16xi32>
    tpu.vector_store_idx %arg11[%add3A_88], %get3A_1 masked %lt3A_84 : memref<144xf32, #tpu.memory_space<vmem>>[vector<16xi32>], vector<16xf32>, vector<16xi1>
    %iota3A_89 = tpu.iota {dimensions = array<i32: 0>} : vector<16xi32>
    %add3A_90 = arith.constant 112 : i32
    %add3A_91 = vector.broadcast %add3A_90 : i32 to vector<16xi32>
    %add3A_92 = arith.addi %iota3A_89, %add3A_91 : vector<16xi32>
    %sub3A_93 = arith.constant 128 : i32
    %sub3A_94 = vector.broadcast %sub3A_93 : i32 to vector<16xi32>
    %sub3A_95 = arith.subi %sub3A_94, %scan3A_6#0 : vector<16xi32>
    %lt3A_96 = arith.cmpi slt, %add3A_92, %sub3A_95 : vector<16xi32>
    %get3A_97 = arith.constant 112 : index
    %get3A_98 = tpu.vector_load %arg12[%get3A_97] {strides = array<i32>} : memref<8192xi32, #tpu.memory_space<vmem>>, vector<16xi32>,
    %add3A_99 = arith.addi %scan3A_6#0, %add3A_92 : vector<16xi32>
    tpu.vector_store_idx %arg10[%add3A_99], %get3A_98 masked %lt3A_96 : memref<144xi32, #tpu.memory_space<vmem>>[vector<16xi32>], vector<16xi32>, vector<16xi1>
    %add3A_100 = arith.addi %scan3A_6#0, %add3A_92 : vector<16xi32>
    tpu.vector_store_idx %arg11[%add3A_100], %get3A_1 masked %lt3A_96 : memref<144xf32, #tpu.memory_space<vmem>>[vector<16xi32>], vector<16xf32>, vector<16xi1>
    %get3A_101 = arith.constant 0 : index
    %get3A_102 = tpu.vector_load %arg10[%get3A_101] {strides = array<i32>} : memref<144xi32, #tpu.memory_space<vmem>>, vector<16xi32>,
    %swap3A = arith.constant 0 : index
    %swap3A_103 = tpu.vector_load %arg13[%swap3A] {strides = array<i32>} : memref<128xi32, #tpu.memory_space<vmem>>, vector<16xi32>,
    tpu.vector_store %arg13[%swap3A], %get3A_102 {strides = array<i32>} : memref<128xi32, #tpu.memory_space<vmem>>, vector<16xi32>,
    %get3A_104 = arith.constant 0 : index
    %get3A_105 = tpu.vector_load %arg11[%get3A_104] {strides = array<i32>} : memref<144xf32, #tpu.memory_space<vmem>>, vector<16xf32>,
    %swap3A_106 = arith.constant 0 : index
    %swap3A_107 = tpu.vector_load %arg14[%swap3A_106] {strides = array<i32>} : memref<128xf32, #tpu.memory_space<vmem>>, vector<16xf32>,
    tpu.vector_store %arg14[%swap3A_106], %get3A_105 {strides = array<i32>} : memref<128xf32, #tpu.memory_space<vmem>>, vector<16xf32>,
    %get3A_108 = arith.constant 16 : index
    %get3A_109 = tpu.vector_load %arg10[%get3A_108] {strides = array<i32>} : memref<144xi32, #tpu.memory_space<vmem>>, vector<16xi32>,
    %swap3A_110 = arith.constant 16 : index
    %swap3A_111 = tpu.vector_load %arg13[%swap3A_110] {strides = array<i32>} : memref<128xi32, #tpu.memory_space<vmem>>, vector<16xi32>,
    tpu.vector_store %arg13[%swap3A_110], %get3A_109 {strides = array<i32>} : memref<128xi32, #tpu.memory_space<vmem>>, vector<16xi32>,
    %get3A_112 = arith.constant 16 : index
    %get3A_113 = tpu.vector_load %arg11[%get3A_112] {strides = array<i32>} : memref<144xf32, #tpu.memory_space<vmem>>, vector<16xf32>,
    %swap3A_114 = arith.constant 16 : index
    %swap3A_115 = tpu.vector_load %arg14[%swap3A_114] {strides = array<i32>} : memref<128xf32, #tpu.memory_space<vmem>>, vector<16xf32>,
    tpu.vector_store %arg14[%swap3A_114], %get3A_113 {strides = array<i32>} : memref<128xf32, #tpu.memory_space<vmem>>, vector<16xf32>,
    %get3A_116 = arith.constant 32 : index
    %get3A_117 = tpu.vector_load %arg10[%get3A_116] {strides = array<i32>} : memref<144xi32, #tpu.memory_space<vmem>>, vector<16xi32>,
    %swap3A_118 = arith.constant 32 : index
    %swap3A_119 = tpu.vector_load %arg13[%swap3A_118] {strides = array<i32>} : memref<128xi32, #tpu.memory_space<vmem>>, vector<16xi32>,
    tpu.vector_store %arg13[%swap3A_118], %get3A_117 {strides = array<i32>} : memref<128xi32, #tpu.memory_space<vmem>>, vector<16xi32>,
    %get3A_120 = arith.constant 32 : index
    %get3A_121 = tpu.vector_load %arg11[%get3A_120] {strides = array<i32>} : memref<144xf32, #tpu.memory_space<vmem>>, vector<16xf32>,
    %swap3A_122 = arith.constant 32 : index
    %swap3A_123 = tpu.vector_load %arg14[%swap3A_122] {strides = array<i32>} : memref<128xf32, #tpu.memory_space<vmem>>, vector<16xf32>,
    tpu.vector_store %arg14[%swap3A_122], %get3A_121 {strides = array<i32>} : memref<128xf32, #tpu.memory_space<vmem>>, vector<16xf32>,
    %get3A_124 = arith.constant 48 : index
    %get3A_125 = tpu.vector_load %arg10[%get3A_124] {strides = array<i32>} : memref<144xi32, #tpu.memory_space<vmem>>, vector<16xi32>,
    %swap3A_126 = arith.constant 48 : index
    %swap3A_127 = tpu.vector_load %arg13[%swap3A_126] {strides = array<i32>} : memref<128xi32, #tpu.memory_space<vmem>>, vector<16xi32>,
    tpu.vector_store %arg13[%swap3A_126], %get3A_125 {strides = array<i32>} : memref<128xi32, #tpu.memory_space<vmem>>, vector<16xi32>,
    %get3A_128 = arith.constant 48 : index
    %get3A_129 = tpu.vector_load %arg11[%get3A_128] {strides = array<i32>} : memref<144xf32, #tpu.memory_space<vmem>>, vector<16xf32>,
    %swap3A_130 = arith.constant 48 : index
    %swap3A_131 = tpu.vector_load %arg14[%swap3A_130] {strides = array<i32>} : memref<128xf32, #tpu.memory_space<vmem>>, vector<16xf32>,
    tpu.vector_store %arg14[%swap3A_130], %get3A_129 {strides = array<i32>} : memref<128xf32, #tpu.memory_space<vmem>>, vector<16xf32>,
    %get3A_132 = arith.constant 64 : index
    %get3A_133 = tpu.vector_load %arg10[%get3A_132] {strides = array<i32>} : memref<144xi32, #tpu.memory_space<vmem>>, vector<16xi32>,
    %swap3A_134 = arith.constant 64 : index
    %swap3A_135 = tpu.vector_load %arg13[%swap3A_134] {strides = array<i32>} : memref<128xi32, #tpu.memory_space<vmem>>, vector<16xi32>,
    tpu.vector_store %arg13[%swap3A_134], %get3A_133 {strides = array<i32>} : memref<128xi32, #tpu.memory_space<vmem>>, vector<16xi32>,
    %get3A_136 = arith.constant 64 : index
    %get3A_137 = tpu.vector_load %arg11[%get3A_136] {strides = array<i32>} : memref<144xf32, #tpu.memory_space<vmem>>, vector<16xf32>,
    %swap3A_138 = arith.constant 64 : index
    %swap3A_139 = tpu.vector_load %arg14[%swap3A_138] {strides = array<i32>} : memref<128xf32, #tpu.memory_space<vmem>>, vector<16xf32>,
    tpu.vector_store %arg14[%swap3A_138], %get3A_137 {strides = array<i32>} : memref<128xf32, #tpu.memory_space<vmem>>, vector<16xf32>,
    %get3A_140 = arith.constant 80 : index
    %get3A_141 = tpu.vector_load %arg10[%get3A_140] {strides = array<i32>} : memref<144xi32, #tpu.memory_space<vmem>>, vector<16xi32>,
    %swap3A_142 = arith.constant 80 : index
    %swap3A_143 = tpu.vector_load %arg13[%swap3A_142] {strides = array<i32>} : memref<128xi32, #tpu.memory_space<vmem>>, vector<16xi32>,
    tpu.vector_store %arg13[%swap3A_142], %get3A_141 {strides = array<i32>} : memref<128xi32, #tpu.memory_space<vmem>>, vector<16xi32>,
    %get3A_144 = arith.constant 80 : index
    %get3A_145 = tpu.vector_load %arg11[%get3A_144] {strides = array<i32>} : memref<144xf32, #tpu.memory_space<vmem>>, vector<16xf32>,
    %swap3A_146 = arith.constant 80 : index
    %swap3A_147 = tpu.vector_load %arg14[%swap3A_146] {strides = array<i32>} : memref<128xf32, #tpu.memory_space<vmem>>, vector<16xf32>,
    tpu.vector_store %arg14[%swap3A_146], %get3A_145 {strides = array<i32>} : memref<128xf32, #tpu.memory_space<vmem>>, vector<16xf32>,
    %get3A_148 = arith.constant 96 : index
    %get3A_149 = tpu.vector_load %arg10[%get3A_148] {strides = array<i32>} : memref<144xi32, #tpu.memory_space<vmem>>, vector<16xi32>,
    %swap3A_150 = arith.constant 96 : index
    %swap3A_151 = tpu.vector_load %arg13[%swap3A_150] {strides = array<i32>} : memref<128xi32, #tpu.memory_space<vmem>>, vector<16xi32>,
    tpu.vector_store %arg13[%swap3A_150], %get3A_149 {strides = array<i32>} : memref<128xi32, #tpu.memory_space<vmem>>, vector<16xi32>,
    %get3A_152 = arith.constant 96 : index
    %get3A_153 = tpu.vector_load %arg11[%get3A_152] {strides = array<i32>} : memref<144xf32, #tpu.memory_space<vmem>>, vector<16xf32>,
    %swap3A_154 = arith.constant 96 : index
    %swap3A_155 = tpu.vector_load %arg14[%swap3A_154] {strides = array<i32>} : memref<128xf32, #tpu.memory_space<vmem>>, vector<16xf32>,
    tpu.vector_store %arg14[%swap3A_154], %get3A_153 {strides = array<i32>} : memref<128xf32, #tpu.memory_space<vmem>>, vector<16xf32>,
    %get3A_156 = arith.constant 112 : index
    %get3A_157 = tpu.vector_load %arg10[%get3A_156] {strides = array<i32>} : memref<144xi32, #tpu.memory_space<vmem>>, vector<16xi32>,
    %swap3A_158 = arith.constant 112 : index
    %swap3A_159 = tpu.vector_load %arg13[%swap3A_158] {strides = array<i32>} : memref<128xi32, #tpu.memory_space<vmem>>, vector<16xi32>,
    tpu.vector_store %arg13[%swap3A_158], %get3A_157 {strides = array<i32>} : memref<128xi32, #tpu.memory_space<vmem>>, vector<16xi32>,
    %get3A_160 = arith.constant 112 : index
    %get3A_161 = tpu.vector_load %arg11[%get3A_160] {strides = array<i32>} : memref<144xf32, #tpu.memory_space<vmem>>, vector<16xf32>,
    %swap3A_162 = arith.constant 112 : index
    %swap3A_163 = tpu.vector_load %arg14[%swap3A_162] {strides = array<i32>} : memref<128xf32, #tpu.memory_space<vmem>>, vector<16xf32>,
    tpu.vector_store %arg14[%swap3A_162], %get3A_161 {strides = array<i32>} : memref<128xf32, #tpu.memory_space<vmem>>, vector<16xf32>,
    "tpu.region"() ({
      %run_scoped3A = tpu.sem_alloc : memref<!tpu.dma_semaphore, #tpu.memory_space<semaphore_mem>>
      %dma_start3A_170 = arith.constant 0 : i32
      %dma_start3A_171 = tpu.memref_slice %arg5[%add3A, %dma_start3A_170] : memref<32x128xi32, #tpu.memory_space<hbm>> -> memref<1x128xi32, #tpu.memory_space<hbm>>
      %dma_start3A_172 = tpu.memref_squeeze %dma_start3A_171 : memref<1x128xi32, #tpu.memory_space<hbm>> -> memref<128xi32, #tpu.memory_space<hbm>>
      %dma_start3A_173 = arith.constant 0 : i32
      %dma_start3A_174 = tpu.memref_slice %arg5[%add3A, %dma_start3A_173] : memref<32x128xi32, #tpu.memory_space<hbm>> -> memref<1x128xi32, #tpu.memory_space<hbm>>
      %dma_start3A_175 = tpu.memref_squeeze %dma_start3A_174 : memref<1x128xi32, #tpu.memory_space<hbm>> -> memref<128xi32, #tpu.memory_space<hbm>>
      tpu.enqueue_dma source(%arg13 : memref<128xi32, #tpu.memory_space<vmem>>) target(%dma_start3A_175 : memref<128xi32, #tpu.memory_space<hbm>>) target_semaphore(%run_scoped3A : memref<!tpu.dma_semaphore, #tpu.memory_space<semaphore_mem>>)
      %dma_wait3A_176 = arith.constant 0 : i32
      %dma_wait3A_177 = tpu.memref_slice %arg5[%add3A, %dma_wait3A_176] : memref<32x128xi32, #tpu.memory_space<hbm>> -> memref<1x128xi32, #tpu.memory_space<hbm>>
      %dma_wait3A_178 = tpu.memref_squeeze %dma_wait3A_177 : memref<1x128xi32, #tpu.memory_space<hbm>> -> memref<128xi32, #tpu.memory_space<hbm>>
      %dma_wait3A_179 = arith.constant 0 : i32
      %dma_wait3A_180 = tpu.memref_slice %arg5[%add3A, %dma_wait3A_179] : memref<32x128xi32, #tpu.memory_space<hbm>> -> memref<1x128xi32, #tpu.memory_space<hbm>>
      %dma_wait3A_181 = tpu.memref_squeeze %dma_wait3A_180 : memref<1x128xi32, #tpu.memory_space<hbm>> -> memref<128xi32, #tpu.memory_space<hbm>>
      tpu.wait_dma2 semaphore(%run_scoped3A : memref<!tpu.dma_semaphore, #tpu.memory_space<semaphore_mem>>) src(%arg13 : memref<128xi32, #tpu.memory_space<vmem>>) dst(%dma_wait3A_181 : memref<128xi32, #tpu.memory_space<hbm>>)
      tpu.yield
    }) : () -> ()
    "tpu.region"() ({
      %run_scoped3A = tpu.sem_alloc : memref<!tpu.dma_semaphore, #tpu.memory_space<semaphore_mem>>
      %dma_start3A_170 = arith.constant 0 : i32
      %dma_start3A_171 = tpu.memref_slice %arg6[%add3A, %dma_start3A_170] : memref<32x128xf32, #tpu.memory_space<hbm>> -> memref<1x128xf32, #tpu.memory_space<hbm>>
      %dma_start3A_172 = tpu.memref_squeeze %dma_start3A_171 : memref<1x128xf32, #tpu.memory_space<hbm>> -> memref<128xf32, #tpu.memory_space<hbm>>
      %dma_start3A_173 = arith.constant 0 : i32
      %dma_start3A_174 = tpu.memref_slice %arg6[%add3A, %dma_start3A_173] : memref<32x128xf32, #tpu.memory_space<hbm>> -> memref<1x128xf32, #tpu.memory_space<hbm>>
      %dma_start3A_175 = tpu.memref_squeeze %dma_start3A_174 : memref<1x128xf32, #tpu.memory_space<hbm>> -> memref<128xf32, #tpu.memory_space<hbm>>
      tpu.enqueue_dma source(%arg14 : memref<128xf32, #tpu.memory_space<vmem>>) target(%dma_start3A_175 : memref<128xf32, #tpu.memory_space<hbm>>) target_semaphore(%run_scoped3A : memref<!tpu.dma_semaphore, #tpu.memory_space<semaphore_mem>>)
      %dma_wait3A_176 = arith.constant 0 : i32
      %dma_wait3A_177 = tpu.memref_slice %arg6[%add3A, %dma_wait3A_176] : memref<32x128xf32, #tpu.memory_space<hbm>> -> memref<1x128xf32, #tpu.memory_space<hbm>>
      %dma_wait3A_178 = tpu.memref_squeeze %dma_wait3A_177 : memref<1x128xf32, #tpu.memory_space<hbm>> -> memref<128xf32, #tpu.memory_space<hbm>>
      %dma_wait3A_179 = arith.constant 0 : i32
      %dma_wait3A_180 = tpu.memref_slice %arg6[%add3A, %dma_wait3A_179] : memref<32x128xf32, #tpu.memory_space<hbm>> -> memref<1x128xf32, #tpu.memory_space<hbm>>
      %dma_wait3A_181 = tpu.memref_squeeze %dma_wait3A_180 : memref<1x128xf32, #tpu.memory_space<hbm>> -> memref<128xf32, #tpu.memory_space<hbm>>
      tpu.wait_dma2 semaphore(%run_scoped3A : memref<!tpu.dma_semaphore, #tpu.memory_space<semaphore_mem>>) src(%arg14 : memref<128xf32, #tpu.memory_space<vmem>>) dst(%dma_wait3A_181 : memref<128xf32, #tpu.memory_space<hbm>>)
      tpu.yield
    }) : () -> ()
    %dma_start3A = arith.constant 0 : i32
    %dma_start3A_164 = arith.constant 0 : i32
    %dma_start3A_165 = tpu.memref_slice %arg4[%dma_start3A, %dma_start3A_164] : memref<8192x512xf32, #tpu.memory_space<hbm>> -> memref<8192x512xf32, #tpu.memory_space<hbm>>
    tpu.enqueue_indirect_dma source(%dma_start3A_165 : memref<8192x512xf32, #tpu.memory_space<hbm>>) target(%arg15 : memref<128x512xf32, #tpu.memory_space<vmem>>) offsets(%arg13 : memref<128xi32, #tpu.memory_space<vmem>>) semaphore(%arg16 : memref<!tpu.dma_semaphore, #tpu.memory_space<semaphore_mem>>)
    %dma_wait3A = arith.constant 0 : i32
    %dma_wait3A_166 = arith.constant 0 : i32
    %dma_wait3A_167 = tpu.memref_slice %arg4[%dma_wait3A, %dma_wait3A_166] : memref<8192x512xf32, #tpu.memory_space<hbm>> -> memref<8192x512xf32, #tpu.memory_space<hbm>>
    tpu.wait_indirect_dma semaphore(%arg16 : memref<!tpu.dma_semaphore, #tpu.memory_space<semaphore_mem>>) src(%dma_wait3A_167 : memref<8192x512xf32, #tpu.memory_space<hbm>>) dst(%arg15 : memref<128x512xf32, #tpu.memory_space<vmem>>)
    %mul3A_168 = arith.constant 128 : i32
    %mul3A_169 = arith.muli %add3A, %mul3A_168 : i32
    "tpu.region"() ({
      %run_scoped3A = tpu.sem_alloc : memref<!tpu.dma_semaphore, #tpu.memory_space<semaphore_mem>>
      %dma_start3A_170 = arith.constant 0 : i32
      %dma_start3A_171 = tpu.memref_slice %arg7[%mul3A_169, %dma_start3A_170] : memref<4096x512xf32, #tpu.memory_space<hbm>> -> memref<128x512xf32, #tpu.memory_space<hbm>>
      %dma_start3A_172 = arith.constant 0 : i32
      %dma_start3A_173 = tpu.memref_slice %arg7[%mul3A_169, %dma_start3A_172] : memref<4096x512xf32, #tpu.memory_space<hbm>> -> memref<128x512xf32, #tpu.memory_space<hbm>>
      tpu.enqueue_dma source(%arg15 : memref<128x512xf32, #tpu.memory_space<vmem>>) target(%dma_start3A_173 : memref<128x512xf32, #tpu.memory_space<hbm>>) target_semaphore(%run_scoped3A : memref<!tpu.dma_semaphore, #tpu.memory_space<semaphore_mem>>)
      %dma_wait3A_174 = arith.constant 0 : i32
      %dma_wait3A_175 = tpu.memref_slice %arg7[%mul3A_169, %dma_wait3A_174] : memref<4096x512xf32, #tpu.memory_space<hbm>> -> memref<128x512xf32, #tpu.memory_space<hbm>>
      %dma_wait3A_176 = arith.constant 0 : i32
      %dma_wait3A_177 = tpu.memref_slice %arg7[%mul3A_169, %dma_wait3A_176] : memref<4096x512xf32, #tpu.memory_space<hbm>> -> memref<128x512xf32, #tpu.memory_space<hbm>>
      tpu.wait_dma2 semaphore(%run_scoped3A : memref<!tpu.dma_semaphore, #tpu.memory_space<semaphore_mem>>) src(%arg15 : memref<128x512xf32, #tpu.memory_space<vmem>>) dst(%dma_wait3A_177 : memref<128x512xf32, #tpu.memory_space<hbm>>)
      tpu.yield
    }) : () -> ()
    return
  }
}

#map = affine_map<(d0, d1) -> (0, 0)>
module attributes {stable_mosaic.version = 14 : i64} {
  func.func @_sc_combine_kernel(%arg0: i32, %arg1: i32, %arg2: memref<32x128xi32, #tpu.memory_space<hbm>>, %arg3: memref<4096x512xf32, #tpu.memory_space<hbm>>, %arg4: memref<8192x512xf32, #tpu.memory_space<hbm>>, %arg5: memref<2x128xi32, #tpu.memory_space<vmem>>, %arg6: memref<256x128xf32, #tpu.memory_space<vmem>>, %arg7: memref<32x128xf32, #tpu.memory_space<vmem>>, %arg8: memref<8192x128xf32, #tpu.memory_space<vmem_shared>>) attributes {dimension_semantics = [#tpu.dimension_semantics<core_parallel>, #tpu.dimension_semantics<subcore_parallel>], iteration_bounds = array<i64: 2, 16>, scalar_prefetch = 0 : i64, scratch_operands = 4 : i64, tpu.core_type = #tpu.core_type<sc_vector_subcore>, window_params = [{transform_indices = #map}, {transform_indices = #map}, {transform_indices = #map}]} {
    %broadcast_in_dim3A = arith.constant 0.000000e+00 : f32
    %broadcast_in_dim3A_0 = vector.broadcast %broadcast_in_dim3A : f32 to vector<16xf32>
    %swap3A = arith.constant 0 : i32
    %swap3A_1 = arith.index_cast %swap3A : i32 to index
    %swap3A_2 = arith.constant 0 : index
    %swap3A_3 = tpu.vector_load %arg7[%swap3A_1, %swap3A_2] {strides = array<i32>} : memref<32x128xf32, #tpu.memory_space<vmem>>, vector<1x16xf32>,
    %swap3A_4 = vector.shape_cast %swap3A_3 : vector<1x16xf32> to vector<16xf32>
    %swap3A_5 = vector.shape_cast %broadcast_in_dim3A_0 : vector<16xf32> to vector<1x16xf32>
    tpu.vector_store %arg7[%swap3A_1, %swap3A_2], %swap3A_5 {strides = array<i32>} : memref<32x128xf32, #tpu.memory_space<vmem>>, vector<1x16xf32>,
    %broadcast_in_dim3A_6 = arith.constant 0.000000e+00 : f32
    %broadcast_in_dim3A_7 = vector.broadcast %broadcast_in_dim3A_6 : f32 to vector<16xf32>
    %swap3A_8 = arith.constant 0 : i32
    %swap3A_9 = arith.index_cast %swap3A_8 : i32 to index
    %swap3A_10 = arith.constant 16 : index
    %swap3A_11 = tpu.vector_load %arg7[%swap3A_9, %swap3A_10] {strides = array<i32>} : memref<32x128xf32, #tpu.memory_space<vmem>>, vector<1x16xf32>,
    %swap3A_12 = vector.shape_cast %swap3A_11 : vector<1x16xf32> to vector<16xf32>
    %swap3A_13 = vector.shape_cast %broadcast_in_dim3A_7 : vector<16xf32> to vector<1x16xf32>
    tpu.vector_store %arg7[%swap3A_9, %swap3A_10], %swap3A_13 {strides = array<i32>} : memref<32x128xf32, #tpu.memory_space<vmem>>, vector<1x16xf32>,
    %broadcast_in_dim3A_14 = arith.constant 0.000000e+00 : f32
    %broadcast_in_dim3A_15 = vector.broadcast %broadcast_in_dim3A_14 : f32 to vector<16xf32>
    %swap3A_16 = arith.constant 0 : i32
    %swap3A_17 = arith.index_cast %swap3A_16 : i32 to index
    %swap3A_18 = arith.constant 32 : index
    %swap3A_19 = tpu.vector_load %arg7[%swap3A_17, %swap3A_18] {strides = array<i32>} : memref<32x128xf32, #tpu.memory_space<vmem>>, vector<1x16xf32>,
    %swap3A_20 = vector.shape_cast %swap3A_19 : vector<1x16xf32> to vector<16xf32>
    %swap3A_21 = vector.shape_cast %broadcast_in_dim3A_15 : vector<16xf32> to vector<1x16xf32>
    tpu.vector_store %arg7[%swap3A_17, %swap3A_18], %swap3A_21 {strides = array<i32>} : memref<32x128xf32, #tpu.memory_space<vmem>>, vector<1x16xf32>,
    %broadcast_in_dim3A_22 = arith.constant 0.000000e+00 : f32
    %broadcast_in_dim3A_23 = vector.broadcast %broadcast_in_dim3A_22 : f32 to vector<16xf32>
    %swap3A_24 = arith.constant 0 : i32
    %swap3A_25 = arith.index_cast %swap3A_24 : i32 to index
    %swap3A_26 = arith.constant 48 : index
    %swap3A_27 = tpu.vector_load %arg7[%swap3A_25, %swap3A_26] {strides = array<i32>} : memref<32x128xf32, #tpu.memory_space<vmem>>, vector<1x16xf32>,
    %swap3A_28 = vector.shape_cast %swap3A_27 : vector<1x16xf32> to vector<16xf32>
    %swap3A_29 = vector.shape_cast %broadcast_in_dim3A_23 : vector<16xf32> to vector<1x16xf32>
    tpu.vector_store %arg7[%swap3A_25, %swap3A_26], %swap3A_29 {strides = array<i32>} : memref<32x128xf32, #tpu.memory_space<vmem>>, vector<1x16xf32>,
    %broadcast_in_dim3A_30 = arith.constant 0.000000e+00 : f32
    %broadcast_in_dim3A_31 = vector.broadcast %broadcast_in_dim3A_30 : f32 to vector<16xf32>
    %swap3A_32 = arith.constant 0 : i32
    %swap3A_33 = arith.index_cast %swap3A_32 : i32 to index
    %swap3A_34 = arith.constant 64 : index
    %swap3A_35 = tpu.vector_load %arg7[%swap3A_33, %swap3A_34] {strides = array<i32>} : memref<32x128xf32, #tpu.memory_space<vmem>>, vector<1x16xf32>,
    %swap3A_36 = vector.shape_cast %swap3A_35 : vector<1x16xf32> to vector<16xf32>
    %swap3A_37 = vector.shape_cast %broadcast_in_dim3A_31 : vector<16xf32> to vector<1x16xf32>
    tpu.vector_store %arg7[%swap3A_33, %swap3A_34], %swap3A_37 {strides = array<i32>} : memref<32x128xf32, #tpu.memory_space<vmem>>, vector<1x16xf32>,
    %broadcast_in_dim3A_38 = arith.constant 0.000000e+00 : f32
    %broadcast_in_dim3A_39 = vector.broadcast %broadcast_in_dim3A_38 : f32 to vector<16xf32>
    %swap3A_40 = arith.constant 0 : i32
    %swap3A_41 = arith.index_cast %swap3A_40 : i32 to index
    %swap3A_42 = arith.constant 80 : index
    %swap3A_43 = tpu.vector_load %arg7[%swap3A_41, %swap3A_42] {strides = array<i32>} : memref<32x128xf32, #tpu.memory_space<vmem>>, vector<1x16xf32>,
    %swap3A_44 = vector.shape_cast %swap3A_43 : vector<1x16xf32> to vector<16xf32>
    %swap3A_45 = vector.shape_cast %broadcast_in_dim3A_39 : vector<16xf32> to vector<1x16xf32>
    tpu.vector_store %arg7[%swap3A_41, %swap3A_42], %swap3A_45 {strides = array<i32>} : memref<32x128xf32, #tpu.memory_space<vmem>>, vector<1x16xf32>,
    %broadcast_in_dim3A_46 = arith.constant 0.000000e+00 : f32
    %broadcast_in_dim3A_47 = vector.broadcast %broadcast_in_dim3A_46 : f32 to vector<16xf32>
    %swap3A_48 = arith.constant 0 : i32
    %swap3A_49 = arith.index_cast %swap3A_48 : i32 to index
    %swap3A_50 = arith.constant 96 : index
    %swap3A_51 = tpu.vector_load %arg7[%swap3A_49, %swap3A_50] {strides = array<i32>} : memref<32x128xf32, #tpu.memory_space<vmem>>, vector<1x16xf32>,
    %swap3A_52 = vector.shape_cast %swap3A_51 : vector<1x16xf32> to vector<16xf32>
    %swap3A_53 = vector.shape_cast %broadcast_in_dim3A_47 : vector<16xf32> to vector<1x16xf32>
    tpu.vector_store %arg7[%swap3A_49, %swap3A_50], %swap3A_53 {strides = array<i32>} : memref<32x128xf32, #tpu.memory_space<vmem>>, vector<1x16xf32>,
    %broadcast_in_dim3A_54 = arith.constant 0.000000e+00 : f32
    %broadcast_in_dim3A_55 = vector.broadcast %broadcast_in_dim3A_54 : f32 to vector<16xf32>
    %swap3A_56 = arith.constant 0 : i32
    %swap3A_57 = arith.index_cast %swap3A_56 : i32 to index
    %swap3A_58 = arith.constant 112 : index
    %swap3A_59 = tpu.vector_load %arg7[%swap3A_57, %swap3A_58] {strides = array<i32>} : memref<32x128xf32, #tpu.memory_space<vmem>>, vector<1x16xf32>,
    %swap3A_60 = vector.shape_cast %swap3A_59 : vector<1x16xf32> to vector<16xf32>
    %swap3A_61 = vector.shape_cast %broadcast_in_dim3A_55 : vector<16xf32> to vector<1x16xf32>
    tpu.vector_store %arg7[%swap3A_57, %swap3A_58], %swap3A_61 {strides = array<i32>} : memref<32x128xf32, #tpu.memory_space<vmem>>, vector<1x16xf32>,
    %broadcast_in_dim3A_62 = arith.constant 0.000000e+00 : f32
    %broadcast_in_dim3A_63 = vector.broadcast %broadcast_in_dim3A_62 : f32 to vector<16xf32>
    %swap3A_64 = arith.constant 1 : i32
    %swap3A_65 = arith.index_cast %swap3A_64 : i32 to index
    %swap3A_66 = arith.constant 0 : index
    %swap3A_67 = tpu.vector_load %arg7[%swap3A_65, %swap3A_66] {strides = array<i32>} : memref<32x128xf32, #tpu.memory_space<vmem>>, vector<1x16xf32>,
    %swap3A_68 = vector.shape_cast %swap3A_67 : vector<1x16xf32> to vector<16xf32>
    %swap3A_69 = vector.shape_cast %broadcast_in_dim3A_63 : vector<16xf32> to vector<1x16xf32>
    tpu.vector_store %arg7[%swap3A_65, %swap3A_66], %swap3A_69 {strides = array<i32>} : memref<32x128xf32, #tpu.memory_space<vmem>>, vector<1x16xf32>,
    %broadcast_in_dim3A_70 = arith.constant 0.000000e+00 : f32
    %broadcast_in_dim3A_71 = vector.broadcast %broadcast_in_dim3A_70 : f32 to vector<16xf32>
    %swap3A_72 = arith.constant 1 : i32
    %swap3A_73 = arith.index_cast %swap3A_72 : i32 to index
    %swap3A_74 = arith.constant 16 : index
    %swap3A_75 = tpu.vector_load %arg7[%swap3A_73, %swap3A_74] {strides = array<i32>} : memref<32x128xf32, #tpu.memory_space<vmem>>, vector<1x16xf32>,
    %swap3A_76 = vector.shape_cast %swap3A_75 : vector<1x16xf32> to vector<16xf32>
    %swap3A_77 = vector.shape_cast %broadcast_in_dim3A_71 : vector<16xf32> to vector<1x16xf32>
    tpu.vector_store %arg7[%swap3A_73, %swap3A_74], %swap3A_77 {strides = array<i32>} : memref<32x128xf32, #tpu.memory_space<vmem>>, vector<1x16xf32>,
    %broadcast_in_dim3A_78 = arith.constant 0.000000e+00 : f32
    %broadcast_in_dim3A_79 = vector.broadcast %broadcast_in_dim3A_78 : f32 to vector<16xf32>
    %swap3A_80 = arith.constant 1 : i32
    %swap3A_81 = arith.index_cast %swap3A_80 : i32 to index
    %swap3A_82 = arith.constant 32 : index
    %swap3A_83 = tpu.vector_load %arg7[%swap3A_81, %swap3A_82] {strides = array<i32>} : memref<32x128xf32, #tpu.memory_space<vmem>>, vector<1x16xf32>,
    %swap3A_84 = vector.shape_cast %swap3A_83 : vector<1x16xf32> to vector<16xf32>
    %swap3A_85 = vector.shape_cast %broadcast_in_dim3A_79 : vector<16xf32> to vector<1x16xf32>
    tpu.vector_store %arg7[%swap3A_81, %swap3A_82], %swap3A_85 {strides = array<i32>} : memref<32x128xf32, #tpu.memory_space<vmem>>, vector<1x16xf32>,
    %broadcast_in_dim3A_86 = arith.constant 0.000000e+00 : f32
    %broadcast_in_dim3A_87 = vector.broadcast %broadcast_in_dim3A_86 : f32 to vector<16xf32>
    %swap3A_88 = arith.constant 1 : i32
    %swap3A_89 = arith.index_cast %swap3A_88 : i32 to index
    %swap3A_90 = arith.constant 48 : index
    %swap3A_91 = tpu.vector_load %arg7[%swap3A_89, %swap3A_90] {strides = array<i32>} : memref<32x128xf32, #tpu.memory_space<vmem>>, vector<1x16xf32>,
    %swap3A_92 = vector.shape_cast %swap3A_91 : vector<1x16xf32> to vector<16xf32>
    %swap3A_93 = vector.shape_cast %broadcast_in_dim3A_87 : vector<16xf32> to vector<1x16xf32>
    tpu.vector_store %arg7[%swap3A_89, %swap3A_90], %swap3A_93 {strides = array<i32>} : memref<32x128xf32, #tpu.memory_space<vmem>>, vector<1x16xf32>,
    %broadcast_in_dim3A_94 = arith.constant 0.000000e+00 : f32
    %broadcast_in_dim3A_95 = vector.broadcast %broadcast_in_dim3A_94 : f32 to vector<16xf32>
    %swap3A_96 = arith.constant 1 : i32
    %swap3A_97 = arith.index_cast %swap3A_96 : i32 to index
    %swap3A_98 = arith.constant 64 : index
    %swap3A_99 = tpu.vector_load %arg7[%swap3A_97, %swap3A_98] {strides = array<i32>} : memref<32x128xf32, #tpu.memory_space<vmem>>, vector<1x16xf32>,
    %swap3A_100 = vector.shape_cast %swap3A_99 : vector<1x16xf32> to vector<16xf32>
    %swap3A_101 = vector.shape_cast %broadcast_in_dim3A_95 : vector<16xf32> to vector<1x16xf32>
    tpu.vector_store %arg7[%swap3A_97, %swap3A_98], %swap3A_101 {strides = array<i32>} : memref<32x128xf32, #tpu.memory_space<vmem>>, vector<1x16xf32>,
    %broadcast_in_dim3A_102 = arith.constant 0.000000e+00 : f32
    %broadcast_in_dim3A_103 = vector.broadcast %broadcast_in_dim3A_102 : f32 to vector<16xf32>
    %swap3A_104 = arith.constant 1 : i32
    %swap3A_105 = arith.index_cast %swap3A_104 : i32 to index
    %swap3A_106 = arith.constant 80 : index
    %swap3A_107 = tpu.vector_load %arg7[%swap3A_105, %swap3A_106] {strides = array<i32>} : memref<32x128xf32, #tpu.memory_space<vmem>>, vector<1x16xf32>,
    %swap3A_108 = vector.shape_cast %swap3A_107 : vector<1x16xf32> to vector<16xf32>
    %swap3A_109 = vector.shape_cast %broadcast_in_dim3A_103 : vector<16xf32> to vector<1x16xf32>
    tpu.vector_store %arg7[%swap3A_105, %swap3A_106], %swap3A_109 {strides = array<i32>} : memref<32x128xf32, #tpu.memory_space<vmem>>, vector<1x16xf32>,
    %broadcast_in_dim3A_110 = arith.constant 0.000000e+00 : f32
    %broadcast_in_dim3A_111 = vector.broadcast %broadcast_in_dim3A_110 : f32 to vector<16xf32>
    %swap3A_112 = arith.constant 1 : i32
    %swap3A_113 = arith.index_cast %swap3A_112 : i32 to index
    %swap3A_114 = arith.constant 96 : index
    %swap3A_115 = tpu.vector_load %arg7[%swap3A_113, %swap3A_114] {strides = array<i32>} : memref<32x128xf32, #tpu.memory_space<vmem>>, vector<1x16xf32>,
    %swap3A_116 = vector.shape_cast %swap3A_115 : vector<1x16xf32> to vector<16xf32>
    %swap3A_117 = vector.shape_cast %broadcast_in_dim3A_111 : vector<16xf32> to vector<1x16xf32>
    tpu.vector_store %arg7[%swap3A_113, %swap3A_114], %swap3A_117 {strides = array<i32>} : memref<32x128xf32, #tpu.memory_space<vmem>>, vector<1x16xf32>,
    %broadcast_in_dim3A_118 = arith.constant 0.000000e+00 : f32
    %broadcast_in_dim3A_119 = vector.broadcast %broadcast_in_dim3A_118 : f32 to vector<16xf32>
    %swap3A_120 = arith.constant 1 : i32
    %swap3A_121 = arith.index_cast %swap3A_120 : i32 to index
    %swap3A_122 = arith.constant 112 : index
    %swap3A_123 = tpu.vector_load %arg7[%swap3A_121, %swap3A_122] {strides = array<i32>} : memref<32x128xf32, #tpu.memory_space<vmem>>, vector<1x16xf32>,
    %swap3A_124 = vector.shape_cast %swap3A_123 : vector<1x16xf32> to vector<16xf32>
    %swap3A_125 = vector.shape_cast %broadcast_in_dim3A_119 : vector<16xf32> to vector<1x16xf32>
    tpu.vector_store %arg7[%swap3A_121, %swap3A_122], %swap3A_125 {strides = array<i32>} : memref<32x128xf32, #tpu.memory_space<vmem>>, vector<1x16xf32>,
    %broadcast_in_dim3A_126 = arith.constant 0.000000e+00 : f32
    %broadcast_in_dim3A_127 = vector.broadcast %broadcast_in_dim3A_126 : f32 to vector<16xf32>
    %swap3A_128 = arith.constant 2 : i32
    %swap3A_129 = arith.index_cast %swap3A_128 : i32 to index
    %swap3A_130 = arith.constant 0 : index
    %swap3A_131 = tpu.vector_load %arg7[%swap3A_129, %swap3A_130] {strides = array<i32>} : memref<32x128xf32, #tpu.memory_space<vmem>>, vector<1x16xf32>,
    %swap3A_132 = vector.shape_cast %swap3A_131 : vector<1x16xf32> to vector<16xf32>
    %swap3A_133 = vector.shape_cast %broadcast_in_dim3A_127 : vector<16xf32> to vector<1x16xf32>
    tpu.vector_store %arg7[%swap3A_129, %swap3A_130], %swap3A_133 {strides = array<i32>} : memref<32x128xf32, #tpu.memory_space<vmem>>, vector<1x16xf32>,
    %broadcast_in_dim3A_134 = arith.constant 0.000000e+00 : f32
    %broadcast_in_dim3A_135 = vector.broadcast %broadcast_in_dim3A_134 : f32 to vector<16xf32>
    %swap3A_136 = arith.constant 2 : i32
    %swap3A_137 = arith.index_cast %swap3A_136 : i32 to index
    %swap3A_138 = arith.constant 16 : index
    %swap3A_139 = tpu.vector_load %arg7[%swap3A_137, %swap3A_138] {strides = array<i32>} : memref<32x128xf32, #tpu.memory_space<vmem>>, vector<1x16xf32>,
    %swap3A_140 = vector.shape_cast %swap3A_139 : vector<1x16xf32> to vector<16xf32>
    %swap3A_141 = vector.shape_cast %broadcast_in_dim3A_135 : vector<16xf32> to vector<1x16xf32>
    tpu.vector_store %arg7[%swap3A_137, %swap3A_138], %swap3A_141 {strides = array<i32>} : memref<32x128xf32, #tpu.memory_space<vmem>>, vector<1x16xf32>,
    %broadcast_in_dim3A_142 = arith.constant 0.000000e+00 : f32
    %broadcast_in_dim3A_143 = vector.broadcast %broadcast_in_dim3A_142 : f32 to vector<16xf32>
    %swap3A_144 = arith.constant 2 : i32
    %swap3A_145 = arith.index_cast %swap3A_144 : i32 to index
    %swap3A_146 = arith.constant 32 : index
    %swap3A_147 = tpu.vector_load %arg7[%swap3A_145, %swap3A_146] {strides = array<i32>} : memref<32x128xf32, #tpu.memory_space<vmem>>, vector<1x16xf32>,
    %swap3A_148 = vector.shape_cast %swap3A_147 : vector<1x16xf32> to vector<16xf32>
    %swap3A_149 = vector.shape_cast %broadcast_in_dim3A_143 : vector<16xf32> to vector<1x16xf32>
    tpu.vector_store %arg7[%swap3A_145, %swap3A_146], %swap3A_149 {strides = array<i32>} : memref<32x128xf32, #tpu.memory_space<vmem>>, vector<1x16xf32>,
    %broadcast_in_dim3A_150 = arith.constant 0.000000e+00 : f32
    %broadcast_in_dim3A_151 = vector.broadcast %broadcast_in_dim3A_150 : f32 to vector<16xf32>
    %swap3A_152 = arith.constant 2 : i32
    %swap3A_153 = arith.index_cast %swap3A_152 : i32 to index
    %swap3A_154 = arith.constant 48 : index
    %swap3A_155 = tpu.vector_load %arg7[%swap3A_153, %swap3A_154] {strides = array<i32>} : memref<32x128xf32, #tpu.memory_space<vmem>>, vector<1x16xf32>,
    %swap3A_156 = vector.shape_cast %swap3A_155 : vector<1x16xf32> to vector<16xf32>
    %swap3A_157 = vector.shape_cast %broadcast_in_dim3A_151 : vector<16xf32> to vector<1x16xf32>
    tpu.vector_store %arg7[%swap3A_153, %swap3A_154], %swap3A_157 {strides = array<i32>} : memref<32x128xf32, #tpu.memory_space<vmem>>, vector<1x16xf32>,
    %broadcast_in_dim3A_158 = arith.constant 0.000000e+00 : f32
    %broadcast_in_dim3A_159 = vector.broadcast %broadcast_in_dim3A_158 : f32 to vector<16xf32>
    %swap3A_160 = arith.constant 2 : i32
    %swap3A_161 = arith.index_cast %swap3A_160 : i32 to index
    %swap3A_162 = arith.constant 64 : index
    %swap3A_163 = tpu.vector_load %arg7[%swap3A_161, %swap3A_162] {strides = array<i32>} : memref<32x128xf32, #tpu.memory_space<vmem>>, vector<1x16xf32>,
    %swap3A_164 = vector.shape_cast %swap3A_163 : vector<1x16xf32> to vector<16xf32>
    %swap3A_165 = vector.shape_cast %broadcast_in_dim3A_159 : vector<16xf32> to vector<1x16xf32>
    tpu.vector_store %arg7[%swap3A_161, %swap3A_162], %swap3A_165 {strides = array<i32>} : memref<32x128xf32, #tpu.memory_space<vmem>>, vector<1x16xf32>,
    %broadcast_in_dim3A_166 = arith.constant 0.000000e+00 : f32
    %broadcast_in_dim3A_167 = vector.broadcast %broadcast_in_dim3A_166 : f32 to vector<16xf32>
    %swap3A_168 = arith.constant 2 : i32
    %swap3A_169 = arith.index_cast %swap3A_168 : i32 to index
    %swap3A_170 = arith.constant 80 : index
    %swap3A_171 = tpu.vector_load %arg7[%swap3A_169, %swap3A_170] {strides = array<i32>} : memref<32x128xf32, #tpu.memory_space<vmem>>, vector<1x16xf32>,
    %swap3A_172 = vector.shape_cast %swap3A_171 : vector<1x16xf32> to vector<16xf32>
    %swap3A_173 = vector.shape_cast %broadcast_in_dim3A_167 : vector<16xf32> to vector<1x16xf32>
    tpu.vector_store %arg7[%swap3A_169, %swap3A_170], %swap3A_173 {strides = array<i32>} : memref<32x128xf32, #tpu.memory_space<vmem>>, vector<1x16xf32>,
    %broadcast_in_dim3A_174 = arith.constant 0.000000e+00 : f32
    %broadcast_in_dim3A_175 = vector.broadcast %broadcast_in_dim3A_174 : f32 to vector<16xf32>
    %swap3A_176 = arith.constant 2 : i32
    %swap3A_177 = arith.index_cast %swap3A_176 : i32 to index
    %swap3A_178 = arith.constant 96 : index
    %swap3A_179 = tpu.vector_load %arg7[%swap3A_177, %swap3A_178] {strides = array<i32>} : memref<32x128xf32, #tpu.memory_space<vmem>>, vector<1x16xf32>,
    %swap3A_180 = vector.shape_cast %swap3A_179 : vector<1x16xf32> to vector<16xf32>
    %swap3A_181 = vector.shape_cast %broadcast_in_dim3A_175 : vector<16xf32> to vector<1x16xf32>
    tpu.vector_store %arg7[%swap3A_177, %swap3A_178], %swap3A_181 {strides = array<i32>} : memref<32x128xf32, #tpu.memory_space<vmem>>, vector<1x16xf32>,
    %broadcast_in_dim3A_182 = arith.constant 0.000000e+00 : f32
    %broadcast_in_dim3A_183 = vector.broadcast %broadcast_in_dim3A_182 : f32 to vector<16xf32>
    %swap3A_184 = arith.constant 2 : i32
    %swap3A_185 = arith.index_cast %swap3A_184 : i32 to index
    %swap3A_186 = arith.constant 112 : index
    %swap3A_187 = tpu.vector_load %arg7[%swap3A_185, %swap3A_186] {strides = array<i32>} : memref<32x128xf32, #tpu.memory_space<vmem>>, vector<1x16xf32>,
    %swap3A_188 = vector.shape_cast %swap3A_187 : vector<1x16xf32> to vector<16xf32>
    %swap3A_189 = vector.shape_cast %broadcast_in_dim3A_183 : vector<16xf32> to vector<1x16xf32>
    tpu.vector_store %arg7[%swap3A_185, %swap3A_186], %swap3A_189 {strides = array<i32>} : memref<32x128xf32, #tpu.memory_space<vmem>>, vector<1x16xf32>,
    %broadcast_in_dim3A_190 = arith.constant 0.000000e+00 : f32
    %broadcast_in_dim3A_191 = vector.broadcast %broadcast_in_dim3A_190 : f32 to vector<16xf32>
    %swap3A_192 = arith.constant 3 : i32
    %swap3A_193 = arith.index_cast %swap3A_192 : i32 to index
    %swap3A_194 = arith.constant 0 : index
    %swap3A_195 = tpu.vector_load %arg7[%swap3A_193, %swap3A_194] {strides = array<i32>} : memref<32x128xf32, #tpu.memory_space<vmem>>, vector<1x16xf32>,
    %swap3A_196 = vector.shape_cast %swap3A_195 : vector<1x16xf32> to vector<16xf32>
    %swap3A_197 = vector.shape_cast %broadcast_in_dim3A_191 : vector<16xf32> to vector<1x16xf32>
    tpu.vector_store %arg7[%swap3A_193, %swap3A_194], %swap3A_197 {strides = array<i32>} : memref<32x128xf32, #tpu.memory_space<vmem>>, vector<1x16xf32>,
    %broadcast_in_dim3A_198 = arith.constant 0.000000e+00 : f32
    %broadcast_in_dim3A_199 = vector.broadcast %broadcast_in_dim3A_198 : f32 to vector<16xf32>
    %swap3A_200 = arith.constant 3 : i32
    %swap3A_201 = arith.index_cast %swap3A_200 : i32 to index
    %swap3A_202 = arith.constant 16 : index
    %swap3A_203 = tpu.vector_load %arg7[%swap3A_201, %swap3A_202] {strides = array<i32>} : memref<32x128xf32, #tpu.memory_space<vmem>>, vector<1x16xf32>,
    %swap3A_204 = vector.shape_cast %swap3A_203 : vector<1x16xf32> to vector<16xf32>
    %swap3A_205 = vector.shape_cast %broadcast_in_dim3A_199 : vector<16xf32> to vector<1x16xf32>
    tpu.vector_store %arg7[%swap3A_201, %swap3A_202], %swap3A_205 {strides = array<i32>} : memref<32x128xf32, #tpu.memory_space<vmem>>, vector<1x16xf32>,
    %broadcast_in_dim3A_206 = arith.constant 0.000000e+00 : f32
    %broadcast_in_dim3A_207 = vector.broadcast %broadcast_in_dim3A_206 : f32 to vector<16xf32>
    %swap3A_208 = arith.constant 3 : i32
    %swap3A_209 = arith.index_cast %swap3A_208 : i32 to index
    %swap3A_210 = arith.constant 32 : index
    %swap3A_211 = tpu.vector_load %arg7[%swap3A_209, %swap3A_210] {strides = array<i32>} : memref<32x128xf32, #tpu.memory_space<vmem>>, vector<1x16xf32>,
    %swap3A_212 = vector.shape_cast %swap3A_211 : vector<1x16xf32> to vector<16xf32>
    %swap3A_213 = vector.shape_cast %broadcast_in_dim3A_207 : vector<16xf32> to vector<1x16xf32>
    tpu.vector_store %arg7[%swap3A_209, %swap3A_210], %swap3A_213 {strides = array<i32>} : memref<32x128xf32, #tpu.memory_space<vmem>>, vector<1x16xf32>,
    %broadcast_in_dim3A_214 = arith.constant 0.000000e+00 : f32
    %broadcast_in_dim3A_215 = vector.broadcast %broadcast_in_dim3A_214 : f32 to vector<16xf32>
    %swap3A_216 = arith.constant 3 : i32
    %swap3A_217 = arith.index_cast %swap3A_216 : i32 to index
    %swap3A_218 = arith.constant 48 : index
    %swap3A_219 = tpu.vector_load %arg7[%swap3A_217, %swap3A_218] {strides = array<i32>} : memref<32x128xf32, #tpu.memory_space<vmem>>, vector<1x16xf32>,
    %swap3A_220 = vector.shape_cast %swap3A_219 : vector<1x16xf32> to vector<16xf32>
    %swap3A_221 = vector.shape_cast %broadcast_in_dim3A_215 : vector<16xf32> to vector<1x16xf32>
    tpu.vector_store %arg7[%swap3A_217, %swap3A_218], %swap3A_221 {strides = array<i32>} : memref<32x128xf32, #tpu.memory_space<vmem>>, vector<1x16xf32>,
    %broadcast_in_dim3A_222 = arith.constant 0.000000e+00 : f32
    %broadcast_in_dim3A_223 = vector.broadcast %broadcast_in_dim3A_222 : f32 to vector<16xf32>
    %swap3A_224 = arith.constant 3 : i32
    %swap3A_225 = arith.index_cast %swap3A_224 : i32 to index
    %swap3A_226 = arith.constant 64 : index
    %swap3A_227 = tpu.vector_load %arg7[%swap3A_225, %swap3A_226] {strides = array<i32>} : memref<32x128xf32, #tpu.memory_space<vmem>>, vector<1x16xf32>,
    %swap3A_228 = vector.shape_cast %swap3A_227 : vector<1x16xf32> to vector<16xf32>
    %swap3A_229 = vector.shape_cast %broadcast_in_dim3A_223 : vector<16xf32> to vector<1x16xf32>
    tpu.vector_store %arg7[%swap3A_225, %swap3A_226], %swap3A_229 {strides = array<i32>} : memref<32x128xf32, #tpu.memory_space<vmem>>, vector<1x16xf32>,
    %broadcast_in_dim3A_230 = arith.constant 0.000000e+00 : f32
    %broadcast_in_dim3A_231 = vector.broadcast %broadcast_in_dim3A_230 : f32 to vector<16xf32>
    %swap3A_232 = arith.constant 3 : i32
    %swap3A_233 = arith.index_cast %swap3A_232 : i32 to index
    %swap3A_234 = arith.constant 80 : index
    %swap3A_235 = tpu.vector_load %arg7[%swap3A_233, %swap3A_234] {strides = array<i32>} : memref<32x128xf32, #tpu.memory_space<vmem>>, vector<1x16xf32>,
    %swap3A_236 = vector.shape_cast %swap3A_235 : vector<1x16xf32> to vector<16xf32>
    %swap3A_237 = vector.shape_cast %broadcast_in_dim3A_231 : vector<16xf32> to vector<1x16xf32>
    tpu.vector_store %arg7[%swap3A_233, %swap3A_234], %swap3A_237 {strides = array<i32>} : memref<32x128xf32, #tpu.memory_space<vmem>>, vector<1x16xf32>,
    %broadcast_in_dim3A_238 = arith.constant 0.000000e+00 : f32
    %broadcast_in_dim3A_239 = vector.broadcast %broadcast_in_dim3A_238 : f32 to vector<16xf32>
    %swap3A_240 = arith.constant 3 : i32
    %swap3A_241 = arith.index_cast %swap3A_240 : i32 to index
    %swap3A_242 = arith.constant 96 : index
    %swap3A_243 = tpu.vector_load %arg7[%swap3A_241, %swap3A_242] {strides = array<i32>} : memref<32x128xf32, #tpu.memory_space<vmem>>, vector<1x16xf32>,
    %swap3A_244 = vector.shape_cast %swap3A_243 : vector<1x16xf32> to vector<16xf32>
    %swap3A_245 = vector.shape_cast %broadcast_in_dim3A_239 : vector<16xf32> to vector<1x16xf32>
    tpu.vector_store %arg7[%swap3A_241, %swap3A_242], %swap3A_245 {strides = array<i32>} : memref<32x128xf32, #tpu.memory_space<vmem>>, vector<1x16xf32>,
    %broadcast_in_dim3A_246 = arith.constant 0.000000e+00 : f32
    %broadcast_in_dim3A_247 = vector.broadcast %broadcast_in_dim3A_246 : f32 to vector<16xf32>
    %swap3A_248 = arith.constant 3 : i32
    %swap3A_249 = arith.index_cast %swap3A_248 : i32 to index
    %swap3A_250 = arith.constant 112 : index
    %swap3A_251 = tpu.vector_load %arg7[%swap3A_249, %swap3A_250] {strides = array<i32>} : memref<32x128xf32, #tpu.memory_space<vmem>>, vector<1x16xf32>,
    %swap3A_252 = vector.shape_cast %swap3A_251 : vector<1x16xf32> to vector<16xf32>
    %swap3A_253 = vector.shape_cast %broadcast_in_dim3A_247 : vector<16xf32> to vector<1x16xf32>
    tpu.vector_store %arg7[%swap3A_249, %swap3A_250], %swap3A_253 {strides = array<i32>} : memref<32x128xf32, #tpu.memory_space<vmem>>, vector<1x16xf32>,
    %broadcast_in_dim3A_254 = arith.constant 0.000000e+00 : f32
    %broadcast_in_dim3A_255 = vector.broadcast %broadcast_in_dim3A_254 : f32 to vector<16xf32>
    %swap3A_256 = arith.constant 4 : i32
    %swap3A_257 = arith.index_cast %swap3A_256 : i32 to index
    %swap3A_258 = arith.constant 0 : index
    %swap3A_259 = tpu.vector_load %arg7[%swap3A_257, %swap3A_258] {strides = array<i32>} : memref<32x128xf32, #tpu.memory_space<vmem>>, vector<1x16xf32>,
    %swap3A_260 = vector.shape_cast %swap3A_259 : vector<1x16xf32> to vector<16xf32>
    %swap3A_261 = vector.shape_cast %broadcast_in_dim3A_255 : vector<16xf32> to vector<1x16xf32>
    tpu.vector_store %arg7[%swap3A_257, %swap3A_258], %swap3A_261 {strides = array<i32>} : memref<32x128xf32, #tpu.memory_space<vmem>>, vector<1x16xf32>,
    %broadcast_in_dim3A_262 = arith.constant 0.000000e+00 : f32
    %broadcast_in_dim3A_263 = vector.broadcast %broadcast_in_dim3A_262 : f32 to vector<16xf32>
    %swap3A_264 = arith.constant 4 : i32
    %swap3A_265 = arith.index_cast %swap3A_264 : i32 to index
    %swap3A_266 = arith.constant 16 : index
    %swap3A_267 = tpu.vector_load %arg7[%swap3A_265, %swap3A_266] {strides = array<i32>} : memref<32x128xf32, #tpu.memory_space<vmem>>, vector<1x16xf32>,
    %swap3A_268 = vector.shape_cast %swap3A_267 : vector<1x16xf32> to vector<16xf32>
    %swap3A_269 = vector.shape_cast %broadcast_in_dim3A_263 : vector<16xf32> to vector<1x16xf32>
    tpu.vector_store %arg7[%swap3A_265, %swap3A_266], %swap3A_269 {strides = array<i32>} : memref<32x128xf32, #tpu.memory_space<vmem>>, vector<1x16xf32>,
    %broadcast_in_dim3A_270 = arith.constant 0.000000e+00 : f32
    %broadcast_in_dim3A_271 = vector.broadcast %broadcast_in_dim3A_270 : f32 to vector<16xf32>
    %swap3A_272 = arith.constant 4 : i32
    %swap3A_273 = arith.index_cast %swap3A_272 : i32 to index
    %swap3A_274 = arith.constant 32 : index
    %swap3A_275 = tpu.vector_load %arg7[%swap3A_273, %swap3A_274] {strides = array<i32>} : memref<32x128xf32, #tpu.memory_space<vmem>>, vector<1x16xf32>,
    %swap3A_276 = vector.shape_cast %swap3A_275 : vector<1x16xf32> to vector<16xf32>
    %swap3A_277 = vector.shape_cast %broadcast_in_dim3A_271 : vector<16xf32> to vector<1x16xf32>
    tpu.vector_store %arg7[%swap3A_273, %swap3A_274], %swap3A_277 {strides = array<i32>} : memref<32x128xf32, #tpu.memory_space<vmem>>, vector<1x16xf32>,
    %broadcast_in_dim3A_278 = arith.constant 0.000000e+00 : f32
    %broadcast_in_dim3A_279 = vector.broadcast %broadcast_in_dim3A_278 : f32 to vector<16xf32>
    %swap3A_280 = arith.constant 4 : i32
    %swap3A_281 = arith.index_cast %swap3A_280 : i32 to index
    %swap3A_282 = arith.constant 48 : index
    %swap3A_283 = tpu.vector_load %arg7[%swap3A_281, %swap3A_282] {strides = array<i32>} : memref<32x128xf32, #tpu.memory_space<vmem>>, vector<1x16xf32>,
    %swap3A_284 = vector.shape_cast %swap3A_283 : vector<1x16xf32> to vector<16xf32>
    %swap3A_285 = vector.shape_cast %broadcast_in_dim3A_279 : vector<16xf32> to vector<1x16xf32>
    tpu.vector_store %arg7[%swap3A_281, %swap3A_282], %swap3A_285 {strides = array<i32>} : memref<32x128xf32, #tpu.memory_space<vmem>>, vector<1x16xf32>,
    %broadcast_in_dim3A_286 = arith.constant 0.000000e+00 : f32
    %broadcast_in_dim3A_287 = vector.broadcast %broadcast_in_dim3A_286 : f32 to vector<16xf32>
    %swap3A_288 = arith.constant 4 : i32
    %swap3A_289 = arith.index_cast %swap3A_288 : i32 to index
    %swap3A_290 = arith.constant 64 : index
    %swap3A_291 = tpu.vector_load %arg7[%swap3A_289, %swap3A_290] {strides = array<i32>} : memref<32x128xf32, #tpu.memory_space<vmem>>, vector<1x16xf32>,
    %swap3A_292 = vector.shape_cast %swap3A_291 : vector<1x16xf32> to vector<16xf32>
    %swap3A_293 = vector.shape_cast %broadcast_in_dim3A_287 : vector<16xf32> to vector<1x16xf32>
    tpu.vector_store %arg7[%swap3A_289, %swap3A_290], %swap3A_293 {strides = array<i32>} : memref<32x128xf32, #tpu.memory_space<vmem>>, vector<1x16xf32>,
    %broadcast_in_dim3A_294 = arith.constant 0.000000e+00 : f32
    %broadcast_in_dim3A_295 = vector.broadcast %broadcast_in_dim3A_294 : f32 to vector<16xf32>
    %swap3A_296 = arith.constant 4 : i32
    %swap3A_297 = arith.index_cast %swap3A_296 : i32 to index
    %swap3A_298 = arith.constant 80 : index
    %swap3A_299 = tpu.vector_load %arg7[%swap3A_297, %swap3A_298] {strides = array<i32>} : memref<32x128xf32, #tpu.memory_space<vmem>>, vector<1x16xf32>,
    %swap3A_300 = vector.shape_cast %swap3A_299 : vector<1x16xf32> to vector<16xf32>
    %swap3A_301 = vector.shape_cast %broadcast_in_dim3A_295 : vector<16xf32> to vector<1x16xf32>
    tpu.vector_store %arg7[%swap3A_297, %swap3A_298], %swap3A_301 {strides = array<i32>} : memref<32x128xf32, #tpu.memory_space<vmem>>, vector<1x16xf32>,
    %broadcast_in_dim3A_302 = arith.constant 0.000000e+00 : f32
    %broadcast_in_dim3A_303 = vector.broadcast %broadcast_in_dim3A_302 : f32 to vector<16xf32>
    %swap3A_304 = arith.constant 4 : i32
    %swap3A_305 = arith.index_cast %swap3A_304 : i32 to index
    %swap3A_306 = arith.constant 96 : index
    %swap3A_307 = tpu.vector_load %arg7[%swap3A_305, %swap3A_306] {strides = array<i32>} : memref<32x128xf32, #tpu.memory_space<vmem>>, vector<1x16xf32>,
    %swap3A_308 = vector.shape_cast %swap3A_307 : vector<1x16xf32> to vector<16xf32>
    %swap3A_309 = vector.shape_cast %broadcast_in_dim3A_303 : vector<16xf32> to vector<1x16xf32>
    tpu.vector_store %arg7[%swap3A_305, %swap3A_306], %swap3A_309 {strides = array<i32>} : memref<32x128xf32, #tpu.memory_space<vmem>>, vector<1x16xf32>,
    %broadcast_in_dim3A_310 = arith.constant 0.000000e+00 : f32
    %broadcast_in_dim3A_311 = vector.broadcast %broadcast_in_dim3A_310 : f32 to vector<16xf32>
    %swap3A_312 = arith.constant 4 : i32
    %swap3A_313 = arith.index_cast %swap3A_312 : i32 to index
    %swap3A_314 = arith.constant 112 : index
    %swap3A_315 = tpu.vector_load %arg7[%swap3A_313, %swap3A_314] {strides = array<i32>} : memref<32x128xf32, #tpu.memory_space<vmem>>, vector<1x16xf32>,
    %swap3A_316 = vector.shape_cast %swap3A_315 : vector<1x16xf32> to vector<16xf32>
    %swap3A_317 = vector.shape_cast %broadcast_in_dim3A_311 : vector<16xf32> to vector<1x16xf32>
    tpu.vector_store %arg7[%swap3A_313, %swap3A_314], %swap3A_317 {strides = array<i32>} : memref<32x128xf32, #tpu.memory_space<vmem>>, vector<1x16xf32>,
    %broadcast_in_dim3A_318 = arith.constant 0.000000e+00 : f32
    %broadcast_in_dim3A_319 = vector.broadcast %broadcast_in_dim3A_318 : f32 to vector<16xf32>
    %swap3A_320 = arith.constant 5 : i32
    %swap3A_321 = arith.index_cast %swap3A_320 : i32 to index
    %swap3A_322 = arith.constant 0 : index
    %swap3A_323 = tpu.vector_load %arg7[%swap3A_321, %swap3A_322] {strides = array<i32>} : memref<32x128xf32, #tpu.memory_space<vmem>>, vector<1x16xf32>,
    %swap3A_324 = vector.shape_cast %swap3A_323 : vector<1x16xf32> to vector<16xf32>
    %swap3A_325 = vector.shape_cast %broadcast_in_dim3A_319 : vector<16xf32> to vector<1x16xf32>
    tpu.vector_store %arg7[%swap3A_321, %swap3A_322], %swap3A_325 {strides = array<i32>} : memref<32x128xf32, #tpu.memory_space<vmem>>, vector<1x16xf32>,
    %broadcast_in_dim3A_326 = arith.constant 0.000000e+00 : f32
    %broadcast_in_dim3A_327 = vector.broadcast %broadcast_in_dim3A_326 : f32 to vector<16xf32>
    %swap3A_328 = arith.constant 5 : i32
    %swap3A_329 = arith.index_cast %swap3A_328 : i32 to index
    %swap3A_330 = arith.constant 16 : index
    %swap3A_331 = tpu.vector_load %arg7[%swap3A_329, %swap3A_330] {strides = array<i32>} : memref<32x128xf32, #tpu.memory_space<vmem>>, vector<1x16xf32>,
    %swap3A_332 = vector.shape_cast %swap3A_331 : vector<1x16xf32> to vector<16xf32>
    %swap3A_333 = vector.shape_cast %broadcast_in_dim3A_327 : vector<16xf32> to vector<1x16xf32>
    tpu.vector_store %arg7[%swap3A_329, %swap3A_330], %swap3A_333 {strides = array<i32>} : memref<32x128xf32, #tpu.memory_space<vmem>>, vector<1x16xf32>,
    %broadcast_in_dim3A_334 = arith.constant 0.000000e+00 : f32
    %broadcast_in_dim3A_335 = vector.broadcast %broadcast_in_dim3A_334 : f32 to vector<16xf32>
    %swap3A_336 = arith.constant 5 : i32
    %swap3A_337 = arith.index_cast %swap3A_336 : i32 to index
    %swap3A_338 = arith.constant 32 : index
    %swap3A_339 = tpu.vector_load %arg7[%swap3A_337, %swap3A_338] {strides = array<i32>} : memref<32x128xf32, #tpu.memory_space<vmem>>, vector<1x16xf32>,
    %swap3A_340 = vector.shape_cast %swap3A_339 : vector<1x16xf32> to vector<16xf32>
    %swap3A_341 = vector.shape_cast %broadcast_in_dim3A_335 : vector<16xf32> to vector<1x16xf32>
    tpu.vector_store %arg7[%swap3A_337, %swap3A_338], %swap3A_341 {strides = array<i32>} : memref<32x128xf32, #tpu.memory_space<vmem>>, vector<1x16xf32>,
    %broadcast_in_dim3A_342 = arith.constant 0.000000e+00 : f32
    %broadcast_in_dim3A_343 = vector.broadcast %broadcast_in_dim3A_342 : f32 to vector<16xf32>
    %swap3A_344 = arith.constant 5 : i32
    %swap3A_345 = arith.index_cast %swap3A_344 : i32 to index
    %swap3A_346 = arith.constant 48 : index
    %swap3A_347 = tpu.vector_load %arg7[%swap3A_345, %swap3A_346] {strides = array<i32>} : memref<32x128xf32, #tpu.memory_space<vmem>>, vector<1x16xf32>,
    %swap3A_348 = vector.shape_cast %swap3A_347 : vector<1x16xf32> to vector<16xf32>
    %swap3A_349 = vector.shape_cast %broadcast_in_dim3A_343 : vector<16xf32> to vector<1x16xf32>
    tpu.vector_store %arg7[%swap3A_345, %swap3A_346], %swap3A_349 {strides = array<i32>} : memref<32x128xf32, #tpu.memory_space<vmem>>, vector<1x16xf32>,
    %broadcast_in_dim3A_350 = arith.constant 0.000000e+00 : f32
    %broadcast_in_dim3A_351 = vector.broadcast %broadcast_in_dim3A_350 : f32 to vector<16xf32>
    %swap3A_352 = arith.constant 5 : i32
    %swap3A_353 = arith.index_cast %swap3A_352 : i32 to index
    %swap3A_354 = arith.constant 64 : index
    %swap3A_355 = tpu.vector_load %arg7[%swap3A_353, %swap3A_354] {strides = array<i32>} : memref<32x128xf32, #tpu.memory_space<vmem>>, vector<1x16xf32>,
    %swap3A_356 = vector.shape_cast %swap3A_355 : vector<1x16xf32> to vector<16xf32>
    %swap3A_357 = vector.shape_cast %broadcast_in_dim3A_351 : vector<16xf32> to vector<1x16xf32>
    tpu.vector_store %arg7[%swap3A_353, %swap3A_354], %swap3A_357 {strides = array<i32>} : memref<32x128xf32, #tpu.memory_space<vmem>>, vector<1x16xf32>,
    %broadcast_in_dim3A_358 = arith.constant 0.000000e+00 : f32
    %broadcast_in_dim3A_359 = vector.broadcast %broadcast_in_dim3A_358 : f32 to vector<16xf32>
    %swap3A_360 = arith.constant 5 : i32
    %swap3A_361 = arith.index_cast %swap3A_360 : i32 to index
    %swap3A_362 = arith.constant 80 : index
    %swap3A_363 = tpu.vector_load %arg7[%swap3A_361, %swap3A_362] {strides = array<i32>} : memref<32x128xf32, #tpu.memory_space<vmem>>, vector<1x16xf32>,
    %swap3A_364 = vector.shape_cast %swap3A_363 : vector<1x16xf32> to vector<16xf32>
    %swap3A_365 = vector.shape_cast %broadcast_in_dim3A_359 : vector<16xf32> to vector<1x16xf32>
    tpu.vector_store %arg7[%swap3A_361, %swap3A_362], %swap3A_365 {strides = array<i32>} : memref<32x128xf32, #tpu.memory_space<vmem>>, vector<1x16xf32>,
    %broadcast_in_dim3A_366 = arith.constant 0.000000e+00 : f32
    %broadcast_in_dim3A_367 = vector.broadcast %broadcast_in_dim3A_366 : f32 to vector<16xf32>
    %swap3A_368 = arith.constant 5 : i32
    %swap3A_369 = arith.index_cast %swap3A_368 : i32 to index
    %swap3A_370 = arith.constant 96 : index
    %swap3A_371 = tpu.vector_load %arg7[%swap3A_369, %swap3A_370] {strides = array<i32>} : memref<32x128xf32, #tpu.memory_space<vmem>>, vector<1x16xf32>,
    %swap3A_372 = vector.shape_cast %swap3A_371 : vector<1x16xf32> to vector<16xf32>
    %swap3A_373 = vector.shape_cast %broadcast_in_dim3A_367 : vector<16xf32> to vector<1x16xf32>
    tpu.vector_store %arg7[%swap3A_369, %swap3A_370], %swap3A_373 {strides = array<i32>} : memref<32x128xf32, #tpu.memory_space<vmem>>, vector<1x16xf32>,
    %broadcast_in_dim3A_374 = arith.constant 0.000000e+00 : f32
    %broadcast_in_dim3A_375 = vector.broadcast %broadcast_in_dim3A_374 : f32 to vector<16xf32>
    %swap3A_376 = arith.constant 5 : i32
    %swap3A_377 = arith.index_cast %swap3A_376 : i32 to index
    %swap3A_378 = arith.constant 112 : index
    %swap3A_379 = tpu.vector_load %arg7[%swap3A_377, %swap3A_378] {strides = array<i32>} : memref<32x128xf32, #tpu.memory_space<vmem>>, vector<1x16xf32>,
    %swap3A_380 = vector.shape_cast %swap3A_379 : vector<1x16xf32> to vector<16xf32>
    %swap3A_381 = vector.shape_cast %broadcast_in_dim3A_375 : vector<16xf32> to vector<1x16xf32>
    tpu.vector_store %arg7[%swap3A_377, %swap3A_378], %swap3A_381 {strides = array<i32>} : memref<32x128xf32, #tpu.memory_space<vmem>>, vector<1x16xf32>,
    %broadcast_in_dim3A_382 = arith.constant 0.000000e+00 : f32
    %broadcast_in_dim3A_383 = vector.broadcast %broadcast_in_dim3A_382 : f32 to vector<16xf32>
    %swap3A_384 = arith.constant 6 : i32
    %swap3A_385 = arith.index_cast %swap3A_384 : i32 to index
    %swap3A_386 = arith.constant 0 : index
    %swap3A_387 = tpu.vector_load %arg7[%swap3A_385, %swap3A_386] {strides = array<i32>} : memref<32x128xf32, #tpu.memory_space<vmem>>, vector<1x16xf32>,
    %swap3A_388 = vector.shape_cast %swap3A_387 : vector<1x16xf32> to vector<16xf32>
    %swap3A_389 = vector.shape_cast %broadcast_in_dim3A_383 : vector<16xf32> to vector<1x16xf32>
    tpu.vector_store %arg7[%swap3A_385, %swap3A_386], %swap3A_389 {strides = array<i32>} : memref<32x128xf32, #tpu.memory_space<vmem>>, vector<1x16xf32>,
    %broadcast_in_dim3A_390 = arith.constant 0.000000e+00 : f32
    %broadcast_in_dim3A_391 = vector.broadcast %broadcast_in_dim3A_390 : f32 to vector<16xf32>
    %swap3A_392 = arith.constant 6 : i32
    %swap3A_393 = arith.index_cast %swap3A_392 : i32 to index
    %swap3A_394 = arith.constant 16 : index
    %swap3A_395 = tpu.vector_load %arg7[%swap3A_393, %swap3A_394] {strides = array<i32>} : memref<32x128xf32, #tpu.memory_space<vmem>>, vector<1x16xf32>,
    %swap3A_396 = vector.shape_cast %swap3A_395 : vector<1x16xf32> to vector<16xf32>
    %swap3A_397 = vector.shape_cast %broadcast_in_dim3A_391 : vector<16xf32> to vector<1x16xf32>
    tpu.vector_store %arg7[%swap3A_393, %swap3A_394], %swap3A_397 {strides = array<i32>} : memref<32x128xf32, #tpu.memory_space<vmem>>, vector<1x16xf32>,
    %broadcast_in_dim3A_398 = arith.constant 0.000000e+00 : f32
    %broadcast_in_dim3A_399 = vector.broadcast %broadcast_in_dim3A_398 : f32 to vector<16xf32>
    %swap3A_400 = arith.constant 6 : i32
    %swap3A_401 = arith.index_cast %swap3A_400 : i32 to index
    %swap3A_402 = arith.constant 32 : index
    %swap3A_403 = tpu.vector_load %arg7[%swap3A_401, %swap3A_402] {strides = array<i32>} : memref<32x128xf32, #tpu.memory_space<vmem>>, vector<1x16xf32>,
    %swap3A_404 = vector.shape_cast %swap3A_403 : vector<1x16xf32> to vector<16xf32>
    %swap3A_405 = vector.shape_cast %broadcast_in_dim3A_399 : vector<16xf32> to vector<1x16xf32>
    tpu.vector_store %arg7[%swap3A_401, %swap3A_402], %swap3A_405 {strides = array<i32>} : memref<32x128xf32, #tpu.memory_space<vmem>>, vector<1x16xf32>,
    %broadcast_in_dim3A_406 = arith.constant 0.000000e+00 : f32
    %broadcast_in_dim3A_407 = vector.broadcast %broadcast_in_dim3A_406 : f32 to vector<16xf32>
    %swap3A_408 = arith.constant 6 : i32
    %swap3A_409 = arith.index_cast %swap3A_408 : i32 to index
    %swap3A_410 = arith.constant 48 : index
    %swap3A_411 = tpu.vector_load %arg7[%swap3A_409, %swap3A_410] {strides = array<i32>} : memref<32x128xf32, #tpu.memory_space<vmem>>, vector<1x16xf32>,
    %swap3A_412 = vector.shape_cast %swap3A_411 : vector<1x16xf32> to vector<16xf32>
    %swap3A_413 = vector.shape_cast %broadcast_in_dim3A_407 : vector<16xf32> to vector<1x16xf32>
    tpu.vector_store %arg7[%swap3A_409, %swap3A_410], %swap3A_413 {strides = array<i32>} : memref<32x128xf32, #tpu.memory_space<vmem>>, vector<1x16xf32>,
    %broadcast_in_dim3A_414 = arith.constant 0.000000e+00 : f32
    %broadcast_in_dim3A_415 = vector.broadcast %broadcast_in_dim3A_414 : f32 to vector<16xf32>
    %swap3A_416 = arith.constant 6 : i32
    %swap3A_417 = arith.index_cast %swap3A_416 : i32 to index
    %swap3A_418 = arith.constant 64 : index
    %swap3A_419 = tpu.vector_load %arg7[%swap3A_417, %swap3A_418] {strides = array<i32>} : memref<32x128xf32, #tpu.memory_space<vmem>>, vector<1x16xf32>,
    %swap3A_420 = vector.shape_cast %swap3A_419 : vector<1x16xf32> to vector<16xf32>
    %swap3A_421 = vector.shape_cast %broadcast_in_dim3A_415 : vector<16xf32> to vector<1x16xf32>
    tpu.vector_store %arg7[%swap3A_417, %swap3A_418], %swap3A_421 {strides = array<i32>} : memref<32x128xf32, #tpu.memory_space<vmem>>, vector<1x16xf32>,
    %broadcast_in_dim3A_422 = arith.constant 0.000000e+00 : f32
    %broadcast_in_dim3A_423 = vector.broadcast %broadcast_in_dim3A_422 : f32 to vector<16xf32>
    %swap3A_424 = arith.constant 6 : i32
    %swap3A_425 = arith.index_cast %swap3A_424 : i32 to index
    %swap3A_426 = arith.constant 80 : index
    %swap3A_427 = tpu.vector_load %arg7[%swap3A_425, %swap3A_426] {strides = array<i32>} : memref<32x128xf32, #tpu.memory_space<vmem>>, vector<1x16xf32>,
    %swap3A_428 = vector.shape_cast %swap3A_427 : vector<1x16xf32> to vector<16xf32>
    %swap3A_429 = vector.shape_cast %broadcast_in_dim3A_423 : vector<16xf32> to vector<1x16xf32>
    tpu.vector_store %arg7[%swap3A_425, %swap3A_426], %swap3A_429 {strides = array<i32>} : memref<32x128xf32, #tpu.memory_space<vmem>>, vector<1x16xf32>,
    %broadcast_in_dim3A_430 = arith.constant 0.000000e+00 : f32
    %broadcast_in_dim3A_431 = vector.broadcast %broadcast_in_dim3A_430 : f32 to vector<16xf32>
    %swap3A_432 = arith.constant 6 : i32
    %swap3A_433 = arith.index_cast %swap3A_432 : i32 to index
    %swap3A_434 = arith.constant 96 : index
    %swap3A_435 = tpu.vector_load %arg7[%swap3A_433, %swap3A_434] {strides = array<i32>} : memref<32x128xf32, #tpu.memory_space<vmem>>, vector<1x16xf32>,
    %swap3A_436 = vector.shape_cast %swap3A_435 : vector<1x16xf32> to vector<16xf32>
    %swap3A_437 = vector.shape_cast %broadcast_in_dim3A_431 : vector<16xf32> to vector<1x16xf32>
    tpu.vector_store %arg7[%swap3A_433, %swap3A_434], %swap3A_437 {strides = array<i32>} : memref<32x128xf32, #tpu.memory_space<vmem>>, vector<1x16xf32>,
    %broadcast_in_dim3A_438 = arith.constant 0.000000e+00 : f32
    %broadcast_in_dim3A_439 = vector.broadcast %broadcast_in_dim3A_438 : f32 to vector<16xf32>
    %swap3A_440 = arith.constant 6 : i32
    %swap3A_441 = arith.index_cast %swap3A_440 : i32 to index
    %swap3A_442 = arith.constant 112 : index
    %swap3A_443 = tpu.vector_load %arg7[%swap3A_441, %swap3A_442] {strides = array<i32>} : memref<32x128xf32, #tpu.memory_space<vmem>>, vector<1x16xf32>,
    %swap3A_444 = vector.shape_cast %swap3A_443 : vector<1x16xf32> to vector<16xf32>
    %swap3A_445 = vector.shape_cast %broadcast_in_dim3A_439 : vector<16xf32> to vector<1x16xf32>
    tpu.vector_store %arg7[%swap3A_441, %swap3A_442], %swap3A_445 {strides = array<i32>} : memref<32x128xf32, #tpu.memory_space<vmem>>, vector<1x16xf32>,
    %broadcast_in_dim3A_446 = arith.constant 0.000000e+00 : f32
    %broadcast_in_dim3A_447 = vector.broadcast %broadcast_in_dim3A_446 : f32 to vector<16xf32>
    %swap3A_448 = arith.constant 7 : i32
    %swap3A_449 = arith.index_cast %swap3A_448 : i32 to index
    %swap3A_450 = arith.constant 0 : index
    %swap3A_451 = tpu.vector_load %arg7[%swap3A_449, %swap3A_450] {strides = array<i32>} : memref<32x128xf32, #tpu.memory_space<vmem>>, vector<1x16xf32>,
    %swap3A_452 = vector.shape_cast %swap3A_451 : vector<1x16xf32> to vector<16xf32>
    %swap3A_453 = vector.shape_cast %broadcast_in_dim3A_447 : vector<16xf32> to vector<1x16xf32>
    tpu.vector_store %arg7[%swap3A_449, %swap3A_450], %swap3A_453 {strides = array<i32>} : memref<32x128xf32, #tpu.memory_space<vmem>>, vector<1x16xf32>,
    %broadcast_in_dim3A_454 = arith.constant 0.000000e+00 : f32
    %broadcast_in_dim3A_455 = vector.broadcast %broadcast_in_dim3A_454 : f32 to vector<16xf32>
    %swap3A_456 = arith.constant 7 : i32
    %swap3A_457 = arith.index_cast %swap3A_456 : i32 to index
    %swap3A_458 = arith.constant 16 : index
    %swap3A_459 = tpu.vector_load %arg7[%swap3A_457, %swap3A_458] {strides = array<i32>} : memref<32x128xf32, #tpu.memory_space<vmem>>, vector<1x16xf32>,
    %swap3A_460 = vector.shape_cast %swap3A_459 : vector<1x16xf32> to vector<16xf32>
    %swap3A_461 = vector.shape_cast %broadcast_in_dim3A_455 : vector<16xf32> to vector<1x16xf32>
    tpu.vector_store %arg7[%swap3A_457, %swap3A_458], %swap3A_461 {strides = array<i32>} : memref<32x128xf32, #tpu.memory_space<vmem>>, vector<1x16xf32>,
    %broadcast_in_dim3A_462 = arith.constant 0.000000e+00 : f32
    %broadcast_in_dim3A_463 = vector.broadcast %broadcast_in_dim3A_462 : f32 to vector<16xf32>
    %swap3A_464 = arith.constant 7 : i32
    %swap3A_465 = arith.index_cast %swap3A_464 : i32 to index
    %swap3A_466 = arith.constant 32 : index
    %swap3A_467 = tpu.vector_load %arg7[%swap3A_465, %swap3A_466] {strides = array<i32>} : memref<32x128xf32, #tpu.memory_space<vmem>>, vector<1x16xf32>,
    %swap3A_468 = vector.shape_cast %swap3A_467 : vector<1x16xf32> to vector<16xf32>
    %swap3A_469 = vector.shape_cast %broadcast_in_dim3A_463 : vector<16xf32> to vector<1x16xf32>
    tpu.vector_store %arg7[%swap3A_465, %swap3A_466], %swap3A_469 {strides = array<i32>} : memref<32x128xf32, #tpu.memory_space<vmem>>, vector<1x16xf32>,
    %broadcast_in_dim3A_470 = arith.constant 0.000000e+00 : f32
    %broadcast_in_dim3A_471 = vector.broadcast %broadcast_in_dim3A_470 : f32 to vector<16xf32>
    %swap3A_472 = arith.constant 7 : i32
    %swap3A_473 = arith.index_cast %swap3A_472 : i32 to index
    %swap3A_474 = arith.constant 48 : index
    %swap3A_475 = tpu.vector_load %arg7[%swap3A_473, %swap3A_474] {strides = array<i32>} : memref<32x128xf32, #tpu.memory_space<vmem>>, vector<1x16xf32>,
    %swap3A_476 = vector.shape_cast %swap3A_475 : vector<1x16xf32> to vector<16xf32>
    %swap3A_477 = vector.shape_cast %broadcast_in_dim3A_471 : vector<16xf32> to vector<1x16xf32>
    tpu.vector_store %arg7[%swap3A_473, %swap3A_474], %swap3A_477 {strides = array<i32>} : memref<32x128xf32, #tpu.memory_space<vmem>>, vector<1x16xf32>,
    %broadcast_in_dim3A_478 = arith.constant 0.000000e+00 : f32
    %broadcast_in_dim3A_479 = vector.broadcast %broadcast_in_dim3A_478 : f32 to vector<16xf32>
    %swap3A_480 = arith.constant 7 : i32
    %swap3A_481 = arith.index_cast %swap3A_480 : i32 to index
    %swap3A_482 = arith.constant 64 : index
    %swap3A_483 = tpu.vector_load %arg7[%swap3A_481, %swap3A_482] {strides = array<i32>} : memref<32x128xf32, #tpu.memory_space<vmem>>, vector<1x16xf32>,
    %swap3A_484 = vector.shape_cast %swap3A_483 : vector<1x16xf32> to vector<16xf32>
    %swap3A_485 = vector.shape_cast %broadcast_in_dim3A_479 : vector<16xf32> to vector<1x16xf32>
    tpu.vector_store %arg7[%swap3A_481, %swap3A_482], %swap3A_485 {strides = array<i32>} : memref<32x128xf32, #tpu.memory_space<vmem>>, vector<1x16xf32>,
    %broadcast_in_dim3A_486 = arith.constant 0.000000e+00 : f32
    %broadcast_in_dim3A_487 = vector.broadcast %broadcast_in_dim3A_486 : f32 to vector<16xf32>
    %swap3A_488 = arith.constant 7 : i32
    %swap3A_489 = arith.index_cast %swap3A_488 : i32 to index
    %swap3A_490 = arith.constant 80 : index
    %swap3A_491 = tpu.vector_load %arg7[%swap3A_489, %swap3A_490] {strides = array<i32>} : memref<32x128xf32, #tpu.memory_space<vmem>>, vector<1x16xf32>,
    %swap3A_492 = vector.shape_cast %swap3A_491 : vector<1x16xf32> to vector<16xf32>
    %swap3A_493 = vector.shape_cast %broadcast_in_dim3A_487 : vector<16xf32> to vector<1x16xf32>
    tpu.vector_store %arg7[%swap3A_489, %swap3A_490], %swap3A_493 {strides = array<i32>} : memref<32x128xf32, #tpu.memory_space<vmem>>, vector<1x16xf32>,
    %broadcast_in_dim3A_494 = arith.constant 0.000000e+00 : f32
    %broadcast_in_dim3A_495 = vector.broadcast %broadcast_in_dim3A_494 : f32 to vector<16xf32>
    %swap3A_496 = arith.constant 7 : i32
    %swap3A_497 = arith.index_cast %swap3A_496 : i32 to index
    %swap3A_498 = arith.constant 96 : index
    %swap3A_499 = tpu.vector_load %arg7[%swap3A_497, %swap3A_498] {strides = array<i32>} : memref<32x128xf32, #tpu.memory_space<vmem>>, vector<1x16xf32>,
    %swap3A_500 = vector.shape_cast %swap3A_499 : vector<1x16xf32> to vector<16xf32>
    %swap3A_501 = vector.shape_cast %broadcast_in_dim3A_495 : vector<16xf32> to vector<1x16xf32>
    tpu.vector_store %arg7[%swap3A_497, %swap3A_498], %swap3A_501 {strides = array<i32>} : memref<32x128xf32, #tpu.memory_space<vmem>>, vector<1x16xf32>,
    %broadcast_in_dim3A_502 = arith.constant 0.000000e+00 : f32
    %broadcast_in_dim3A_503 = vector.broadcast %broadcast_in_dim3A_502 : f32 to vector<16xf32>
    %swap3A_504 = arith.constant 7 : i32
    %swap3A_505 = arith.index_cast %swap3A_504 : i32 to index
    %swap3A_506 = arith.constant 112 : index
    %swap3A_507 = tpu.vector_load %arg7[%swap3A_505, %swap3A_506] {strides = array<i32>} : memref<32x128xf32, #tpu.memory_space<vmem>>, vector<1x16xf32>,
    %swap3A_508 = vector.shape_cast %swap3A_507 : vector<1x16xf32> to vector<16xf32>
    %swap3A_509 = vector.shape_cast %broadcast_in_dim3A_503 : vector<16xf32> to vector<1x16xf32>
    tpu.vector_store %arg7[%swap3A_505, %swap3A_506], %swap3A_509 {strides = array<i32>} : memref<32x128xf32, #tpu.memory_space<vmem>>, vector<1x16xf32>,
    %broadcast_in_dim3A_510 = arith.constant 0.000000e+00 : f32
    %broadcast_in_dim3A_511 = vector.broadcast %broadcast_in_dim3A_510 : f32 to vector<16xf32>
    %swap3A_512 = arith.constant 8 : i32
    %swap3A_513 = arith.index_cast %swap3A_512 : i32 to index
    %swap3A_514 = arith.constant 0 : index
    %swap3A_515 = tpu.vector_load %arg7[%swap3A_513, %swap3A_514] {strides = array<i32>} : memref<32x128xf32, #tpu.memory_space<vmem>>, vector<1x16xf32>,
    %swap3A_516 = vector.shape_cast %swap3A_515 : vector<1x16xf32> to vector<16xf32>
    %swap3A_517 = vector.shape_cast %broadcast_in_dim3A_511 : vector<16xf32> to vector<1x16xf32>
    tpu.vector_store %arg7[%swap3A_513, %swap3A_514], %swap3A_517 {strides = array<i32>} : memref<32x128xf32, #tpu.memory_space<vmem>>, vector<1x16xf32>,
    %broadcast_in_dim3A_518 = arith.constant 0.000000e+00 : f32
    %broadcast_in_dim3A_519 = vector.broadcast %broadcast_in_dim3A_518 : f32 to vector<16xf32>
    %swap3A_520 = arith.constant 8 : i32
    %swap3A_521 = arith.index_cast %swap3A_520 : i32 to index
    %swap3A_522 = arith.constant 16 : index
    %swap3A_523 = tpu.vector_load %arg7[%swap3A_521, %swap3A_522] {strides = array<i32>} : memref<32x128xf32, #tpu.memory_space<vmem>>, vector<1x16xf32>,
    %swap3A_524 = vector.shape_cast %swap3A_523 : vector<1x16xf32> to vector<16xf32>
    %swap3A_525 = vector.shape_cast %broadcast_in_dim3A_519 : vector<16xf32> to vector<1x16xf32>
    tpu.vector_store %arg7[%swap3A_521, %swap3A_522], %swap3A_525 {strides = array<i32>} : memref<32x128xf32, #tpu.memory_space<vmem>>, vector<1x16xf32>,
    %broadcast_in_dim3A_526 = arith.constant 0.000000e+00 : f32
    %broadcast_in_dim3A_527 = vector.broadcast %broadcast_in_dim3A_526 : f32 to vector<16xf32>
    %swap3A_528 = arith.constant 8 : i32
    %swap3A_529 = arith.index_cast %swap3A_528 : i32 to index
    %swap3A_530 = arith.constant 32 : index
    %swap3A_531 = tpu.vector_load %arg7[%swap3A_529, %swap3A_530] {strides = array<i32>} : memref<32x128xf32, #tpu.memory_space<vmem>>, vector<1x16xf32>,
    %swap3A_532 = vector.shape_cast %swap3A_531 : vector<1x16xf32> to vector<16xf32>
    %swap3A_533 = vector.shape_cast %broadcast_in_dim3A_527 : vector<16xf32> to vector<1x16xf32>
    tpu.vector_store %arg7[%swap3A_529, %swap3A_530], %swap3A_533 {strides = array<i32>} : memref<32x128xf32, #tpu.memory_space<vmem>>, vector<1x16xf32>,
    %broadcast_in_dim3A_534 = arith.constant 0.000000e+00 : f32
    %broadcast_in_dim3A_535 = vector.broadcast %broadcast_in_dim3A_534 : f32 to vector<16xf32>
    %swap3A_536 = arith.constant 8 : i32
    %swap3A_537 = arith.index_cast %swap3A_536 : i32 to index
    %swap3A_538 = arith.constant 48 : index
    %swap3A_539 = tpu.vector_load %arg7[%swap3A_537, %swap3A_538] {strides = array<i32>} : memref<32x128xf32, #tpu.memory_space<vmem>>, vector<1x16xf32>,
    %swap3A_540 = vector.shape_cast %swap3A_539 : vector<1x16xf32> to vector<16xf32>
    %swap3A_541 = vector.shape_cast %broadcast_in_dim3A_535 : vector<16xf32> to vector<1x16xf32>
    tpu.vector_store %arg7[%swap3A_537, %swap3A_538], %swap3A_541 {strides = array<i32>} : memref<32x128xf32, #tpu.memory_space<vmem>>, vector<1x16xf32>,
    %broadcast_in_dim3A_542 = arith.constant 0.000000e+00 : f32
    %broadcast_in_dim3A_543 = vector.broadcast %broadcast_in_dim3A_542 : f32 to vector<16xf32>
    %swap3A_544 = arith.constant 8 : i32
    %swap3A_545 = arith.index_cast %swap3A_544 : i32 to index
    %swap3A_546 = arith.constant 64 : index
    %swap3A_547 = tpu.vector_load %arg7[%swap3A_545, %swap3A_546] {strides = array<i32>} : memref<32x128xf32, #tpu.memory_space<vmem>>, vector<1x16xf32>,
    %swap3A_548 = vector.shape_cast %swap3A_547 : vector<1x16xf32> to vector<16xf32>
    %swap3A_549 = vector.shape_cast %broadcast_in_dim3A_543 : vector<16xf32> to vector<1x16xf32>
    tpu.vector_store %arg7[%swap3A_545, %swap3A_546], %swap3A_549 {strides = array<i32>} : memref<32x128xf32, #tpu.memory_space<vmem>>, vector<1x16xf32>,
    %broadcast_in_dim3A_550 = arith.constant 0.000000e+00 : f32
    %broadcast_in_dim3A_551 = vector.broadcast %broadcast_in_dim3A_550 : f32 to vector<16xf32>
    %swap3A_552 = arith.constant 8 : i32
    %swap3A_553 = arith.index_cast %swap3A_552 : i32 to index
    %swap3A_554 = arith.constant 80 : index
    %swap3A_555 = tpu.vector_load %arg7[%swap3A_553, %swap3A_554] {strides = array<i32>} : memref<32x128xf32, #tpu.memory_space<vmem>>, vector<1x16xf32>,
    %swap3A_556 = vector.shape_cast %swap3A_555 : vector<1x16xf32> to vector<16xf32>
    %swap3A_557 = vector.shape_cast %broadcast_in_dim3A_551 : vector<16xf32> to vector<1x16xf32>
    tpu.vector_store %arg7[%swap3A_553, %swap3A_554], %swap3A_557 {strides = array<i32>} : memref<32x128xf32, #tpu.memory_space<vmem>>, vector<1x16xf32>,
    %broadcast_in_dim3A_558 = arith.constant 0.000000e+00 : f32
    %broadcast_in_dim3A_559 = vector.broadcast %broadcast_in_dim3A_558 : f32 to vector<16xf32>
    %swap3A_560 = arith.constant 8 : i32
    %swap3A_561 = arith.index_cast %swap3A_560 : i32 to index
    %swap3A_562 = arith.constant 96 : index
    %swap3A_563 = tpu.vector_load %arg7[%swap3A_561, %swap3A_562] {strides = array<i32>} : memref<32x128xf32, #tpu.memory_space<vmem>>, vector<1x16xf32>,
    %swap3A_564 = vector.shape_cast %swap3A_563 : vector<1x16xf32> to vector<16xf32>
    %swap3A_565 = vector.shape_cast %broadcast_in_dim3A_559 : vector<16xf32> to vector<1x16xf32>
    tpu.vector_store %arg7[%swap3A_561, %swap3A_562], %swap3A_565 {strides = array<i32>} : memref<32x128xf32, #tpu.memory_space<vmem>>, vector<1x16xf32>,
    %broadcast_in_dim3A_566 = arith.constant 0.000000e+00 : f32
    %broadcast_in_dim3A_567 = vector.broadcast %broadcast_in_dim3A_566 : f32 to vector<16xf32>
    %swap3A_568 = arith.constant 8 : i32
    %swap3A_569 = arith.index_cast %swap3A_568 : i32 to index
    %swap3A_570 = arith.constant 112 : index
    %swap3A_571 = tpu.vector_load %arg7[%swap3A_569, %swap3A_570] {strides = array<i32>} : memref<32x128xf32, #tpu.memory_space<vmem>>, vector<1x16xf32>,
    %swap3A_572 = vector.shape_cast %swap3A_571 : vector<1x16xf32> to vector<16xf32>
    %swap3A_573 = vector.shape_cast %broadcast_in_dim3A_567 : vector<16xf32> to vector<1x16xf32>
    tpu.vector_store %arg7[%swap3A_569, %swap3A_570], %swap3A_573 {strides = array<i32>} : memref<32x128xf32, #tpu.memory_space<vmem>>, vector<1x16xf32>,
    %broadcast_in_dim3A_574 = arith.constant 0.000000e+00 : f32
    %broadcast_in_dim3A_575 = vector.broadcast %broadcast_in_dim3A_574 : f32 to vector<16xf32>
    %swap3A_576 = arith.constant 9 : i32
    %swap3A_577 = arith.index_cast %swap3A_576 : i32 to index
    %swap3A_578 = arith.constant 0 : index
    %swap3A_579 = tpu.vector_load %arg7[%swap3A_577, %swap3A_578] {strides = array<i32>} : memref<32x128xf32, #tpu.memory_space<vmem>>, vector<1x16xf32>,
    %swap3A_580 = vector.shape_cast %swap3A_579 : vector<1x16xf32> to vector<16xf32>
    %swap3A_581 = vector.shape_cast %broadcast_in_dim3A_575 : vector<16xf32> to vector<1x16xf32>
    tpu.vector_store %arg7[%swap3A_577, %swap3A_578], %swap3A_581 {strides = array<i32>} : memref<32x128xf32, #tpu.memory_space<vmem>>, vector<1x16xf32>,
    %broadcast_in_dim3A_582 = arith.constant 0.000000e+00 : f32
    %broadcast_in_dim3A_583 = vector.broadcast %broadcast_in_dim3A_582 : f32 to vector<16xf32>
    %swap3A_584 = arith.constant 9 : i32
    %swap3A_585 = arith.index_cast %swap3A_584 : i32 to index
    %swap3A_586 = arith.constant 16 : index
    %swap3A_587 = tpu.vector_load %arg7[%swap3A_585, %swap3A_586] {strides = array<i32>} : memref<32x128xf32, #tpu.memory_space<vmem>>, vector<1x16xf32>,
    %swap3A_588 = vector.shape_cast %swap3A_587 : vector<1x16xf32> to vector<16xf32>
    %swap3A_589 = vector.shape_cast %broadcast_in_dim3A_583 : vector<16xf32> to vector<1x16xf32>
    tpu.vector_store %arg7[%swap3A_585, %swap3A_586], %swap3A_589 {strides = array<i32>} : memref<32x128xf32, #tpu.memory_space<vmem>>, vector<1x16xf32>,
    %broadcast_in_dim3A_590 = arith.constant 0.000000e+00 : f32
    %broadcast_in_dim3A_591 = vector.broadcast %broadcast_in_dim3A_590 : f32 to vector<16xf32>
    %swap3A_592 = arith.constant 9 : i32
    %swap3A_593 = arith.index_cast %swap3A_592 : i32 to index
    %swap3A_594 = arith.constant 32 : index
    %swap3A_595 = tpu.vector_load %arg7[%swap3A_593, %swap3A_594] {strides = array<i32>} : memref<32x128xf32, #tpu.memory_space<vmem>>, vector<1x16xf32>,
    %swap3A_596 = vector.shape_cast %swap3A_595 : vector<1x16xf32> to vector<16xf32>
    %swap3A_597 = vector.shape_cast %broadcast_in_dim3A_591 : vector<16xf32> to vector<1x16xf32>
    tpu.vector_store %arg7[%swap3A_593, %swap3A_594], %swap3A_597 {strides = array<i32>} : memref<32x128xf32, #tpu.memory_space<vmem>>, vector<1x16xf32>,
    %broadcast_in_dim3A_598 = arith.constant 0.000000e+00 : f32
    %broadcast_in_dim3A_599 = vector.broadcast %broadcast_in_dim3A_598 : f32 to vector<16xf32>
    %swap3A_600 = arith.constant 9 : i32
    %swap3A_601 = arith.index_cast %swap3A_600 : i32 to index
    %swap3A_602 = arith.constant 48 : index
    %swap3A_603 = tpu.vector_load %arg7[%swap3A_601, %swap3A_602] {strides = array<i32>} : memref<32x128xf32, #tpu.memory_space<vmem>>, vector<1x16xf32>,
    %swap3A_604 = vector.shape_cast %swap3A_603 : vector<1x16xf32> to vector<16xf32>
    %swap3A_605 = vector.shape_cast %broadcast_in_dim3A_599 : vector<16xf32> to vector<1x16xf32>
    tpu.vector_store %arg7[%swap3A_601, %swap3A_602], %swap3A_605 {strides = array<i32>} : memref<32x128xf32, #tpu.memory_space<vmem>>, vector<1x16xf32>,
    %broadcast_in_dim3A_606 = arith.constant 0.000000e+00 : f32
    %broadcast_in_dim3A_607 = vector.broadcast %broadcast_in_dim3A_606 : f32 to vector<16xf32>
    %swap3A_608 = arith.constant 9 : i32
    %swap3A_609 = arith.index_cast %swap3A_608 : i32 to index
    %swap3A_610 = arith.constant 64 : index
    %swap3A_611 = tpu.vector_load %arg7[%swap3A_609, %swap3A_610] {strides = array<i32>} : memref<32x128xf32, #tpu.memory_space<vmem>>, vector<1x16xf32>,
    %swap3A_612 = vector.shape_cast %swap3A_611 : vector<1x16xf32> to vector<16xf32>
    %swap3A_613 = vector.shape_cast %broadcast_in_dim3A_607 : vector<16xf32> to vector<1x16xf32>
    tpu.vector_store %arg7[%swap3A_609, %swap3A_610], %swap3A_613 {strides = array<i32>} : memref<32x128xf32, #tpu.memory_space<vmem>>, vector<1x16xf32>,
    %broadcast_in_dim3A_614 = arith.constant 0.000000e+00 : f32
    %broadcast_in_dim3A_615 = vector.broadcast %broadcast_in_dim3A_614 : f32 to vector<16xf32>
    %swap3A_616 = arith.constant 9 : i32
    %swap3A_617 = arith.index_cast %swap3A_616 : i32 to index
    %swap3A_618 = arith.constant 80 : index
    %swap3A_619 = tpu.vector_load %arg7[%swap3A_617, %swap3A_618] {strides = array<i32>} : memref<32x128xf32, #tpu.memory_space<vmem>>, vector<1x16xf32>,
    %swap3A_620 = vector.shape_cast %swap3A_619 : vector<1x16xf32> to vector<16xf32>
    %swap3A_621 = vector.shape_cast %broadcast_in_dim3A_615 : vector<16xf32> to vector<1x16xf32>
    tpu.vector_store %arg7[%swap3A_617, %swap3A_618], %swap3A_621 {strides = array<i32>} : memref<32x128xf32, #tpu.memory_space<vmem>>, vector<1x16xf32>,
    %broadcast_in_dim3A_622 = arith.constant 0.000000e+00 : f32
    %broadcast_in_dim3A_623 = vector.broadcast %broadcast_in_dim3A_622 : f32 to vector<16xf32>
    %swap3A_624 = arith.constant 9 : i32
    %swap3A_625 = arith.index_cast %swap3A_624 : i32 to index
    %swap3A_626 = arith.constant 96 : index
    %swap3A_627 = tpu.vector_load %arg7[%swap3A_625, %swap3A_626] {strides = array<i32>} : memref<32x128xf32, #tpu.memory_space<vmem>>, vector<1x16xf32>,
    %swap3A_628 = vector.shape_cast %swap3A_627 : vector<1x16xf32> to vector<16xf32>
    %swap3A_629 = vector.shape_cast %broadcast_in_dim3A_623 : vector<16xf32> to vector<1x16xf32>
    tpu.vector_store %arg7[%swap3A_625, %swap3A_626], %swap3A_629 {strides = array<i32>} : memref<32x128xf32, #tpu.memory_space<vmem>>, vector<1x16xf32>,
    %broadcast_in_dim3A_630 = arith.constant 0.000000e+00 : f32
    %broadcast_in_dim3A_631 = vector.broadcast %broadcast_in_dim3A_630 : f32 to vector<16xf32>
    %swap3A_632 = arith.constant 9 : i32
    %swap3A_633 = arith.index_cast %swap3A_632 : i32 to index
    %swap3A_634 = arith.constant 112 : index
    %swap3A_635 = tpu.vector_load %arg7[%swap3A_633, %swap3A_634] {strides = array<i32>} : memref<32x128xf32, #tpu.memory_space<vmem>>, vector<1x16xf32>,
    %swap3A_636 = vector.shape_cast %swap3A_635 : vector<1x16xf32> to vector<16xf32>
    %swap3A_637 = vector.shape_cast %broadcast_in_dim3A_631 : vector<16xf32> to vector<1x16xf32>
    tpu.vector_store %arg7[%swap3A_633, %swap3A_634], %swap3A_637 {strides = array<i32>} : memref<32x128xf32, #tpu.memory_space<vmem>>, vector<1x16xf32>,
    %broadcast_in_dim3A_638 = arith.constant 0.000000e+00 : f32
    %broadcast_in_dim3A_639 = vector.broadcast %broadcast_in_dim3A_638 : f32 to vector<16xf32>
    %swap3A_640 = arith.constant 10 : i32
    %swap3A_641 = arith.index_cast %swap3A_640 : i32 to index
    %swap3A_642 = arith.constant 0 : index
    %swap3A_643 = tpu.vector_load %arg7[%swap3A_641, %swap3A_642] {strides = array<i32>} : memref<32x128xf32, #tpu.memory_space<vmem>>, vector<1x16xf32>,
    %swap3A_644 = vector.shape_cast %swap3A_643 : vector<1x16xf32> to vector<16xf32>
    %swap3A_645 = vector.shape_cast %broadcast_in_dim3A_639 : vector<16xf32> to vector<1x16xf32>
    tpu.vector_store %arg7[%swap3A_641, %swap3A_642], %swap3A_645 {strides = array<i32>} : memref<32x128xf32, #tpu.memory_space<vmem>>, vector<1x16xf32>,
    %broadcast_in_dim3A_646 = arith.constant 0.000000e+00 : f32
    %broadcast_in_dim3A_647 = vector.broadcast %broadcast_in_dim3A_646 : f32 to vector<16xf32>
    %swap3A_648 = arith.constant 10 : i32
    %swap3A_649 = arith.index_cast %swap3A_648 : i32 to index
    %swap3A_650 = arith.constant 16 : index
    %swap3A_651 = tpu.vector_load %arg7[%swap3A_649, %swap3A_650] {strides = array<i32>} : memref<32x128xf32, #tpu.memory_space<vmem>>, vector<1x16xf32>,
    %swap3A_652 = vector.shape_cast %swap3A_651 : vector<1x16xf32> to vector<16xf32>
    %swap3A_653 = vector.shape_cast %broadcast_in_dim3A_647 : vector<16xf32> to vector<1x16xf32>
    tpu.vector_store %arg7[%swap3A_649, %swap3A_650], %swap3A_653 {strides = array<i32>} : memref<32x128xf32, #tpu.memory_space<vmem>>, vector<1x16xf32>,
    %broadcast_in_dim3A_654 = arith.constant 0.000000e+00 : f32
    %broadcast_in_dim3A_655 = vector.broadcast %broadcast_in_dim3A_654 : f32 to vector<16xf32>
    %swap3A_656 = arith.constant 10 : i32
    %swap3A_657 = arith.index_cast %swap3A_656 : i32 to index
    %swap3A_658 = arith.constant 32 : index
    %swap3A_659 = tpu.vector_load %arg7[%swap3A_657, %swap3A_658] {strides = array<i32>} : memref<32x128xf32, #tpu.memory_space<vmem>>, vector<1x16xf32>,
    %swap3A_660 = vector.shape_cast %swap3A_659 : vector<1x16xf32> to vector<16xf32>
    %swap3A_661 = vector.shape_cast %broadcast_in_dim3A_655 : vector<16xf32> to vector<1x16xf32>
    tpu.vector_store %arg7[%swap3A_657, %swap3A_658], %swap3A_661 {strides = array<i32>} : memref<32x128xf32, #tpu.memory_space<vmem>>, vector<1x16xf32>,
    %broadcast_in_dim3A_662 = arith.constant 0.000000e+00 : f32
    %broadcast_in_dim3A_663 = vector.broadcast %broadcast_in_dim3A_662 : f32 to vector<16xf32>
    %swap3A_664 = arith.constant 10 : i32
    %swap3A_665 = arith.index_cast %swap3A_664 : i32 to index
    %swap3A_666 = arith.constant 48 : index
    %swap3A_667 = tpu.vector_load %arg7[%swap3A_665, %swap3A_666] {strides = array<i32>} : memref<32x128xf32, #tpu.memory_space<vmem>>, vector<1x16xf32>,
    %swap3A_668 = vector.shape_cast %swap3A_667 : vector<1x16xf32> to vector<16xf32>
    %swap3A_669 = vector.shape_cast %broadcast_in_dim3A_663 : vector<16xf32> to vector<1x16xf32>
    tpu.vector_store %arg7[%swap3A_665, %swap3A_666], %swap3A_669 {strides = array<i32>} : memref<32x128xf32, #tpu.memory_space<vmem>>, vector<1x16xf32>,
    %broadcast_in_dim3A_670 = arith.constant 0.000000e+00 : f32
    %broadcast_in_dim3A_671 = vector.broadcast %broadcast_in_dim3A_670 : f32 to vector<16xf32>
    %swap3A_672 = arith.constant 10 : i32
    %swap3A_673 = arith.index_cast %swap3A_672 : i32 to index
    %swap3A_674 = arith.constant 64 : index
    %swap3A_675 = tpu.vector_load %arg7[%swap3A_673, %swap3A_674] {strides = array<i32>} : memref<32x128xf32, #tpu.memory_space<vmem>>, vector<1x16xf32>,
    %swap3A_676 = vector.shape_cast %swap3A_675 : vector<1x16xf32> to vector<16xf32>
    %swap3A_677 = vector.shape_cast %broadcast_in_dim3A_671 : vector<16xf32> to vector<1x16xf32>
    tpu.vector_store %arg7[%swap3A_673, %swap3A_674], %swap3A_677 {strides = array<i32>} : memref<32x128xf32, #tpu.memory_space<vmem>>, vector<1x16xf32>,
    %broadcast_in_dim3A_678 = arith.constant 0.000000e+00 : f32
    %broadcast_in_dim3A_679 = vector.broadcast %broadcast_in_dim3A_678 : f32 to vector<16xf32>
    %swap3A_680 = arith.constant 10 : i32
    %swap3A_681 = arith.index_cast %swap3A_680 : i32 to index
    %swap3A_682 = arith.constant 80 : index
    %swap3A_683 = tpu.vector_load %arg7[%swap3A_681, %swap3A_682] {strides = array<i32>} : memref<32x128xf32, #tpu.memory_space<vmem>>, vector<1x16xf32>,
    %swap3A_684 = vector.shape_cast %swap3A_683 : vector<1x16xf32> to vector<16xf32>
    %swap3A_685 = vector.shape_cast %broadcast_in_dim3A_679 : vector<16xf32> to vector<1x16xf32>
    tpu.vector_store %arg7[%swap3A_681, %swap3A_682], %swap3A_685 {strides = array<i32>} : memref<32x128xf32, #tpu.memory_space<vmem>>, vector<1x16xf32>,
    %broadcast_in_dim3A_686 = arith.constant 0.000000e+00 : f32
    %broadcast_in_dim3A_687 = vector.broadcast %broadcast_in_dim3A_686 : f32 to vector<16xf32>
    %swap3A_688 = arith.constant 10 : i32
    %swap3A_689 = arith.index_cast %swap3A_688 : i32 to index
    %swap3A_690 = arith.constant 96 : index
    %swap3A_691 = tpu.vector_load %arg7[%swap3A_689, %swap3A_690] {strides = array<i32>} : memref<32x128xf32, #tpu.memory_space<vmem>>, vector<1x16xf32>,
    %swap3A_692 = vector.shape_cast %swap3A_691 : vector<1x16xf32> to vector<16xf32>
    %swap3A_693 = vector.shape_cast %broadcast_in_dim3A_687 : vector<16xf32> to vector<1x16xf32>
    tpu.vector_store %arg7[%swap3A_689, %swap3A_690], %swap3A_693 {strides = array<i32>} : memref<32x128xf32, #tpu.memory_space<vmem>>, vector<1x16xf32>,
    %broadcast_in_dim3A_694 = arith.constant 0.000000e+00 : f32
    %broadcast_in_dim3A_695 = vector.broadcast %broadcast_in_dim3A_694 : f32 to vector<16xf32>
    %swap3A_696 = arith.constant 10 : i32
    %swap3A_697 = arith.index_cast %swap3A_696 : i32 to index
    %swap3A_698 = arith.constant 112 : index
    %swap3A_699 = tpu.vector_load %arg7[%swap3A_697, %swap3A_698] {strides = array<i32>} : memref<32x128xf32, #tpu.memory_space<vmem>>, vector<1x16xf32>,
    %swap3A_700 = vector.shape_cast %swap3A_699 : vector<1x16xf32> to vector<16xf32>
    %swap3A_701 = vector.shape_cast %broadcast_in_dim3A_695 : vector<16xf32> to vector<1x16xf32>
    tpu.vector_store %arg7[%swap3A_697, %swap3A_698], %swap3A_701 {strides = array<i32>} : memref<32x128xf32, #tpu.memory_space<vmem>>, vector<1x16xf32>,
    %broadcast_in_dim3A_702 = arith.constant 0.000000e+00 : f32
    %broadcast_in_dim3A_703 = vector.broadcast %broadcast_in_dim3A_702 : f32 to vector<16xf32>
    %swap3A_704 = arith.constant 11 : i32
    %swap3A_705 = arith.index_cast %swap3A_704 : i32 to index
    %swap3A_706 = arith.constant 0 : index
    %swap3A_707 = tpu.vector_load %arg7[%swap3A_705, %swap3A_706] {strides = array<i32>} : memref<32x128xf32, #tpu.memory_space<vmem>>, vector<1x16xf32>,
    %swap3A_708 = vector.shape_cast %swap3A_707 : vector<1x16xf32> to vector<16xf32>
    %swap3A_709 = vector.shape_cast %broadcast_in_dim3A_703 : vector<16xf32> to vector<1x16xf32>
    tpu.vector_store %arg7[%swap3A_705, %swap3A_706], %swap3A_709 {strides = array<i32>} : memref<32x128xf32, #tpu.memory_space<vmem>>, vector<1x16xf32>,
    %broadcast_in_dim3A_710 = arith.constant 0.000000e+00 : f32
    %broadcast_in_dim3A_711 = vector.broadcast %broadcast_in_dim3A_710 : f32 to vector<16xf32>
    %swap3A_712 = arith.constant 11 : i32
    %swap3A_713 = arith.index_cast %swap3A_712 : i32 to index
    %swap3A_714 = arith.constant 16 : index
    %swap3A_715 = tpu.vector_load %arg7[%swap3A_713, %swap3A_714] {strides = array<i32>} : memref<32x128xf32, #tpu.memory_space<vmem>>, vector<1x16xf32>,
    %swap3A_716 = vector.shape_cast %swap3A_715 : vector<1x16xf32> to vector<16xf32>
    %swap3A_717 = vector.shape_cast %broadcast_in_dim3A_711 : vector<16xf32> to vector<1x16xf32>
    tpu.vector_store %arg7[%swap3A_713, %swap3A_714], %swap3A_717 {strides = array<i32>} : memref<32x128xf32, #tpu.memory_space<vmem>>, vector<1x16xf32>,
    %broadcast_in_dim3A_718 = arith.constant 0.000000e+00 : f32
    %broadcast_in_dim3A_719 = vector.broadcast %broadcast_in_dim3A_718 : f32 to vector<16xf32>
    %swap3A_720 = arith.constant 11 : i32
    %swap3A_721 = arith.index_cast %swap3A_720 : i32 to index
    %swap3A_722 = arith.constant 32 : index
    %swap3A_723 = tpu.vector_load %arg7[%swap3A_721, %swap3A_722] {strides = array<i32>} : memref<32x128xf32, #tpu.memory_space<vmem>>, vector<1x16xf32>,
    %swap3A_724 = vector.shape_cast %swap3A_723 : vector<1x16xf32> to vector<16xf32>
    %swap3A_725 = vector.shape_cast %broadcast_in_dim3A_719 : vector<16xf32> to vector<1x16xf32>
    tpu.vector_store %arg7[%swap3A_721, %swap3A_722], %swap3A_725 {strides = array<i32>} : memref<32x128xf32, #tpu.memory_space<vmem>>, vector<1x16xf32>,
    %broadcast_in_dim3A_726 = arith.constant 0.000000e+00 : f32
    %broadcast_in_dim3A_727 = vector.broadcast %broadcast_in_dim3A_726 : f32 to vector<16xf32>
    %swap3A_728 = arith.constant 11 : i32
    %swap3A_729 = arith.index_cast %swap3A_728 : i32 to index
    %swap3A_730 = arith.constant 48 : index
    %swap3A_731 = tpu.vector_load %arg7[%swap3A_729, %swap3A_730] {strides = array<i32>} : memref<32x128xf32, #tpu.memory_space<vmem>>, vector<1x16xf32>,
    %swap3A_732 = vector.shape_cast %swap3A_731 : vector<1x16xf32> to vector<16xf32>
    %swap3A_733 = vector.shape_cast %broadcast_in_dim3A_727 : vector<16xf32> to vector<1x16xf32>
    tpu.vector_store %arg7[%swap3A_729, %swap3A_730], %swap3A_733 {strides = array<i32>} : memref<32x128xf32, #tpu.memory_space<vmem>>, vector<1x16xf32>,
    %broadcast_in_dim3A_734 = arith.constant 0.000000e+00 : f32
    %broadcast_in_dim3A_735 = vector.broadcast %broadcast_in_dim3A_734 : f32 to vector<16xf32>
    %swap3A_736 = arith.constant 11 : i32
    %swap3A_737 = arith.index_cast %swap3A_736 : i32 to index
    %swap3A_738 = arith.constant 64 : index
    %swap3A_739 = tpu.vector_load %arg7[%swap3A_737, %swap3A_738] {strides = array<i32>} : memref<32x128xf32, #tpu.memory_space<vmem>>, vector<1x16xf32>,
    %swap3A_740 = vector.shape_cast %swap3A_739 : vector<1x16xf32> to vector<16xf32>
    %swap3A_741 = vector.shape_cast %broadcast_in_dim3A_735 : vector<16xf32> to vector<1x16xf32>
    tpu.vector_store %arg7[%swap3A_737, %swap3A_738], %swap3A_741 {strides = array<i32>} : memref<32x128xf32, #tpu.memory_space<vmem>>, vector<1x16xf32>,
    %broadcast_in_dim3A_742 = arith.constant 0.000000e+00 : f32
    %broadcast_in_dim3A_743 = vector.broadcast %broadcast_in_dim3A_742 : f32 to vector<16xf32>
    %swap3A_744 = arith.constant 11 : i32
    %swap3A_745 = arith.index_cast %swap3A_744 : i32 to index
    %swap3A_746 = arith.constant 80 : index
    %swap3A_747 = tpu.vector_load %arg7[%swap3A_745, %swap3A_746] {strides = array<i32>} : memref<32x128xf32, #tpu.memory_space<vmem>>, vector<1x16xf32>,
    %swap3A_748 = vector.shape_cast %swap3A_747 : vector<1x16xf32> to vector<16xf32>
    %swap3A_749 = vector.shape_cast %broadcast_in_dim3A_743 : vector<16xf32> to vector<1x16xf32>
    tpu.vector_store %arg7[%swap3A_745, %swap3A_746], %swap3A_749 {strides = array<i32>} : memref<32x128xf32, #tpu.memory_space<vmem>>, vector<1x16xf32>,
    %broadcast_in_dim3A_750 = arith.constant 0.000000e+00 : f32
    %broadcast_in_dim3A_751 = vector.broadcast %broadcast_in_dim3A_750 : f32 to vector<16xf32>
    %swap3A_752 = arith.constant 11 : i32
    %swap3A_753 = arith.index_cast %swap3A_752 : i32 to index
    %swap3A_754 = arith.constant 96 : index
    %swap3A_755 = tpu.vector_load %arg7[%swap3A_753, %swap3A_754] {strides = array<i32>} : memref<32x128xf32, #tpu.memory_space<vmem>>, vector<1x16xf32>,
    %swap3A_756 = vector.shape_cast %swap3A_755 : vector<1x16xf32> to vector<16xf32>
    %swap3A_757 = vector.shape_cast %broadcast_in_dim3A_751 : vector<16xf32> to vector<1x16xf32>
    tpu.vector_store %arg7[%swap3A_753, %swap3A_754], %swap3A_757 {strides = array<i32>} : memref<32x128xf32, #tpu.memory_space<vmem>>, vector<1x16xf32>,
    %broadcast_in_dim3A_758 = arith.constant 0.000000e+00 : f32
    %broadcast_in_dim3A_759 = vector.broadcast %broadcast_in_dim3A_758 : f32 to vector<16xf32>
    %swap3A_760 = arith.constant 11 : i32
    %swap3A_761 = arith.index_cast %swap3A_760 : i32 to index
    %swap3A_762 = arith.constant 112 : index
    %swap3A_763 = tpu.vector_load %arg7[%swap3A_761, %swap3A_762] {strides = array<i32>} : memref<32x128xf32, #tpu.memory_space<vmem>>, vector<1x16xf32>,
    %swap3A_764 = vector.shape_cast %swap3A_763 : vector<1x16xf32> to vector<16xf32>
    %swap3A_765 = vector.shape_cast %broadcast_in_dim3A_759 : vector<16xf32> to vector<1x16xf32>
    tpu.vector_store %arg7[%swap3A_761, %swap3A_762], %swap3A_765 {strides = array<i32>} : memref<32x128xf32, #tpu.memory_space<vmem>>, vector<1x16xf32>,
    %broadcast_in_dim3A_766 = arith.constant 0.000000e+00 : f32
    %broadcast_in_dim3A_767 = vector.broadcast %broadcast_in_dim3A_766 : f32 to vector<16xf32>
    %swap3A_768 = arith.constant 12 : i32
    %swap3A_769 = arith.index_cast %swap3A_768 : i32 to index
    %swap3A_770 = arith.constant 0 : index
    %swap3A_771 = tpu.vector_load %arg7[%swap3A_769, %swap3A_770] {strides = array<i32>} : memref<32x128xf32, #tpu.memory_space<vmem>>, vector<1x16xf32>,
    %swap3A_772 = vector.shape_cast %swap3A_771 : vector<1x16xf32> to vector<16xf32>
    %swap3A_773 = vector.shape_cast %broadcast_in_dim3A_767 : vector<16xf32> to vector<1x16xf32>
    tpu.vector_store %arg7[%swap3A_769, %swap3A_770], %swap3A_773 {strides = array<i32>} : memref<32x128xf32, #tpu.memory_space<vmem>>, vector<1x16xf32>,
    %broadcast_in_dim3A_774 = arith.constant 0.000000e+00 : f32
    %broadcast_in_dim3A_775 = vector.broadcast %broadcast_in_dim3A_774 : f32 to vector<16xf32>
    %swap3A_776 = arith.constant 12 : i32
    %swap3A_777 = arith.index_cast %swap3A_776 : i32 to index
    %swap3A_778 = arith.constant 16 : index
    %swap3A_779 = tpu.vector_load %arg7[%swap3A_777, %swap3A_778] {strides = array<i32>} : memref<32x128xf32, #tpu.memory_space<vmem>>, vector<1x16xf32>,
    %swap3A_780 = vector.shape_cast %swap3A_779 : vector<1x16xf32> to vector<16xf32>
    %swap3A_781 = vector.shape_cast %broadcast_in_dim3A_775 : vector<16xf32> to vector<1x16xf32>
    tpu.vector_store %arg7[%swap3A_777, %swap3A_778], %swap3A_781 {strides = array<i32>} : memref<32x128xf32, #tpu.memory_space<vmem>>, vector<1x16xf32>,
    %broadcast_in_dim3A_782 = arith.constant 0.000000e+00 : f32
    %broadcast_in_dim3A_783 = vector.broadcast %broadcast_in_dim3A_782 : f32 to vector<16xf32>
    %swap3A_784 = arith.constant 12 : i32
    %swap3A_785 = arith.index_cast %swap3A_784 : i32 to index
    %swap3A_786 = arith.constant 32 : index
    %swap3A_787 = tpu.vector_load %arg7[%swap3A_785, %swap3A_786] {strides = array<i32>} : memref<32x128xf32, #tpu.memory_space<vmem>>, vector<1x16xf32>,
    %swap3A_788 = vector.shape_cast %swap3A_787 : vector<1x16xf32> to vector<16xf32>
    %swap3A_789 = vector.shape_cast %broadcast_in_dim3A_783 : vector<16xf32> to vector<1x16xf32>
    tpu.vector_store %arg7[%swap3A_785, %swap3A_786], %swap3A_789 {strides = array<i32>} : memref<32x128xf32, #tpu.memory_space<vmem>>, vector<1x16xf32>,
    %broadcast_in_dim3A_790 = arith.constant 0.000000e+00 : f32
    %broadcast_in_dim3A_791 = vector.broadcast %broadcast_in_dim3A_790 : f32 to vector<16xf32>
    %swap3A_792 = arith.constant 12 : i32
    %swap3A_793 = arith.index_cast %swap3A_792 : i32 to index
    %swap3A_794 = arith.constant 48 : index
    %swap3A_795 = tpu.vector_load %arg7[%swap3A_793, %swap3A_794] {strides = array<i32>} : memref<32x128xf32, #tpu.memory_space<vmem>>, vector<1x16xf32>,
    %swap3A_796 = vector.shape_cast %swap3A_795 : vector<1x16xf32> to vector<16xf32>
    %swap3A_797 = vector.shape_cast %broadcast_in_dim3A_791 : vector<16xf32> to vector<1x16xf32>
    tpu.vector_store %arg7[%swap3A_793, %swap3A_794], %swap3A_797 {strides = array<i32>} : memref<32x128xf32, #tpu.memory_space<vmem>>, vector<1x16xf32>,
    %broadcast_in_dim3A_798 = arith.constant 0.000000e+00 : f32
    %broadcast_in_dim3A_799 = vector.broadcast %broadcast_in_dim3A_798 : f32 to vector<16xf32>
    %swap3A_800 = arith.constant 12 : i32
    %swap3A_801 = arith.index_cast %swap3A_800 : i32 to index
    %swap3A_802 = arith.constant 64 : index
    %swap3A_803 = tpu.vector_load %arg7[%swap3A_801, %swap3A_802] {strides = array<i32>} : memref<32x128xf32, #tpu.memory_space<vmem>>, vector<1x16xf32>,
    %swap3A_804 = vector.shape_cast %swap3A_803 : vector<1x16xf32> to vector<16xf32>
    %swap3A_805 = vector.shape_cast %broadcast_in_dim3A_799 : vector<16xf32> to vector<1x16xf32>
    tpu.vector_store %arg7[%swap3A_801, %swap3A_802], %swap3A_805 {strides = array<i32>} : memref<32x128xf32, #tpu.memory_space<vmem>>, vector<1x16xf32>,
    %broadcast_in_dim3A_806 = arith.constant 0.000000e+00 : f32
    %broadcast_in_dim3A_807 = vector.broadcast %broadcast_in_dim3A_806 : f32 to vector<16xf32>
    %swap3A_808 = arith.constant 12 : i32
    %swap3A_809 = arith.index_cast %swap3A_808 : i32 to index
    %swap3A_810 = arith.constant 80 : index
    %swap3A_811 = tpu.vector_load %arg7[%swap3A_809, %swap3A_810] {strides = array<i32>} : memref<32x128xf32, #tpu.memory_space<vmem>>, vector<1x16xf32>,
    %swap3A_812 = vector.shape_cast %swap3A_811 : vector<1x16xf32> to vector<16xf32>
    %swap3A_813 = vector.shape_cast %broadcast_in_dim3A_807 : vector<16xf32> to vector<1x16xf32>
    tpu.vector_store %arg7[%swap3A_809, %swap3A_810], %swap3A_813 {strides = array<i32>} : memref<32x128xf32, #tpu.memory_space<vmem>>, vector<1x16xf32>,
    %broadcast_in_dim3A_814 = arith.constant 0.000000e+00 : f32
    %broadcast_in_dim3A_815 = vector.broadcast %broadcast_in_dim3A_814 : f32 to vector<16xf32>
    %swap3A_816 = arith.constant 12 : i32
    %swap3A_817 = arith.index_cast %swap3A_816 : i32 to index
    %swap3A_818 = arith.constant 96 : index
    %swap3A_819 = tpu.vector_load %arg7[%swap3A_817, %swap3A_818] {strides = array<i32>} : memref<32x128xf32, #tpu.memory_space<vmem>>, vector<1x16xf32>,
    %swap3A_820 = vector.shape_cast %swap3A_819 : vector<1x16xf32> to vector<16xf32>
    %swap3A_821 = vector.shape_cast %broadcast_in_dim3A_815 : vector<16xf32> to vector<1x16xf32>
    tpu.vector_store %arg7[%swap3A_817, %swap3A_818], %swap3A_821 {strides = array<i32>} : memref<32x128xf32, #tpu.memory_space<vmem>>, vector<1x16xf32>,
    %broadcast_in_dim3A_822 = arith.constant 0.000000e+00 : f32
    %broadcast_in_dim3A_823 = vector.broadcast %broadcast_in_dim3A_822 : f32 to vector<16xf32>
    %swap3A_824 = arith.constant 12 : i32
    %swap3A_825 = arith.index_cast %swap3A_824 : i32 to index
    %swap3A_826 = arith.constant 112 : index
    %swap3A_827 = tpu.vector_load %arg7[%swap3A_825, %swap3A_826] {strides = array<i32>} : memref<32x128xf32, #tpu.memory_space<vmem>>, vector<1x16xf32>,
    %swap3A_828 = vector.shape_cast %swap3A_827 : vector<1x16xf32> to vector<16xf32>
    %swap3A_829 = vector.shape_cast %broadcast_in_dim3A_823 : vector<16xf32> to vector<1x16xf32>
    tpu.vector_store %arg7[%swap3A_825, %swap3A_826], %swap3A_829 {strides = array<i32>} : memref<32x128xf32, #tpu.memory_space<vmem>>, vector<1x16xf32>,
    %broadcast_in_dim3A_830 = arith.constant 0.000000e+00 : f32
    %broadcast_in_dim3A_831 = vector.broadcast %broadcast_in_dim3A_830 : f32 to vector<16xf32>
    %swap3A_832 = arith.constant 13 : i32
    %swap3A_833 = arith.index_cast %swap3A_832 : i32 to index
    %swap3A_834 = arith.constant 0 : index
    %swap3A_835 = tpu.vector_load %arg7[%swap3A_833, %swap3A_834] {strides = array<i32>} : memref<32x128xf32, #tpu.memory_space<vmem>>, vector<1x16xf32>,
    %swap3A_836 = vector.shape_cast %swap3A_835 : vector<1x16xf32> to vector<16xf32>
    %swap3A_837 = vector.shape_cast %broadcast_in_dim3A_831 : vector<16xf32> to vector<1x16xf32>
    tpu.vector_store %arg7[%swap3A_833, %swap3A_834], %swap3A_837 {strides = array<i32>} : memref<32x128xf32, #tpu.memory_space<vmem>>, vector<1x16xf32>,
    %broadcast_in_dim3A_838 = arith.constant 0.000000e+00 : f32
    %broadcast_in_dim3A_839 = vector.broadcast %broadcast_in_dim3A_838 : f32 to vector<16xf32>
    %swap3A_840 = arith.constant 13 : i32
    %swap3A_841 = arith.index_cast %swap3A_840 : i32 to index
    %swap3A_842 = arith.constant 16 : index
    %swap3A_843 = tpu.vector_load %arg7[%swap3A_841, %swap3A_842] {strides = array<i32>} : memref<32x128xf32, #tpu.memory_space<vmem>>, vector<1x16xf32>,
    %swap3A_844 = vector.shape_cast %swap3A_843 : vector<1x16xf32> to vector<16xf32>
    %swap3A_845 = vector.shape_cast %broadcast_in_dim3A_839 : vector<16xf32> to vector<1x16xf32>
    tpu.vector_store %arg7[%swap3A_841, %swap3A_842], %swap3A_845 {strides = array<i32>} : memref<32x128xf32, #tpu.memory_space<vmem>>, vector<1x16xf32>,
    %broadcast_in_dim3A_846 = arith.constant 0.000000e+00 : f32
    %broadcast_in_dim3A_847 = vector.broadcast %broadcast_in_dim3A_846 : f32 to vector<16xf32>
    %swap3A_848 = arith.constant 13 : i32
    %swap3A_849 = arith.index_cast %swap3A_848 : i32 to index
    %swap3A_850 = arith.constant 32 : index
    %swap3A_851 = tpu.vector_load %arg7[%swap3A_849, %swap3A_850] {strides = array<i32>} : memref<32x128xf32, #tpu.memory_space<vmem>>, vector<1x16xf32>,
    %swap3A_852 = vector.shape_cast %swap3A_851 : vector<1x16xf32> to vector<16xf32>
    %swap3A_853 = vector.shape_cast %broadcast_in_dim3A_847 : vector<16xf32> to vector<1x16xf32>
    tpu.vector_store %arg7[%swap3A_849, %swap3A_850], %swap3A_853 {strides = array<i32>} : memref<32x128xf32, #tpu.memory_space<vmem>>, vector<1x16xf32>,
    %broadcast_in_dim3A_854 = arith.constant 0.000000e+00 : f32
    %broadcast_in_dim3A_855 = vector.broadcast %broadcast_in_dim3A_854 : f32 to vector<16xf32>
    %swap3A_856 = arith.constant 13 : i32
    %swap3A_857 = arith.index_cast %swap3A_856 : i32 to index
    %swap3A_858 = arith.constant 48 : index
    %swap3A_859 = tpu.vector_load %arg7[%swap3A_857, %swap3A_858] {strides = array<i32>} : memref<32x128xf32, #tpu.memory_space<vmem>>, vector<1x16xf32>,
    %swap3A_860 = vector.shape_cast %swap3A_859 : vector<1x16xf32> to vector<16xf32>
    %swap3A_861 = vector.shape_cast %broadcast_in_dim3A_855 : vector<16xf32> to vector<1x16xf32>
    tpu.vector_store %arg7[%swap3A_857, %swap3A_858], %swap3A_861 {strides = array<i32>} : memref<32x128xf32, #tpu.memory_space<vmem>>, vector<1x16xf32>,
    %broadcast_in_dim3A_862 = arith.constant 0.000000e+00 : f32
    %broadcast_in_dim3A_863 = vector.broadcast %broadcast_in_dim3A_862 : f32 to vector<16xf32>
    %swap3A_864 = arith.constant 13 : i32
    %swap3A_865 = arith.index_cast %swap3A_864 : i32 to index
    %swap3A_866 = arith.constant 64 : index
    %swap3A_867 = tpu.vector_load %arg7[%swap3A_865, %swap3A_866] {strides = array<i32>} : memref<32x128xf32, #tpu.memory_space<vmem>>, vector<1x16xf32>,
    %swap3A_868 = vector.shape_cast %swap3A_867 : vector<1x16xf32> to vector<16xf32>
    %swap3A_869 = vector.shape_cast %broadcast_in_dim3A_863 : vector<16xf32> to vector<1x16xf32>
    tpu.vector_store %arg7[%swap3A_865, %swap3A_866], %swap3A_869 {strides = array<i32>} : memref<32x128xf32, #tpu.memory_space<vmem>>, vector<1x16xf32>,
    %broadcast_in_dim3A_870 = arith.constant 0.000000e+00 : f32
    %broadcast_in_dim3A_871 = vector.broadcast %broadcast_in_dim3A_870 : f32 to vector<16xf32>
    %swap3A_872 = arith.constant 13 : i32
    %swap3A_873 = arith.index_cast %swap3A_872 : i32 to index
    %swap3A_874 = arith.constant 80 : index
    %swap3A_875 = tpu.vector_load %arg7[%swap3A_873, %swap3A_874] {strides = array<i32>} : memref<32x128xf32, #tpu.memory_space<vmem>>, vector<1x16xf32>,
    %swap3A_876 = vector.shape_cast %swap3A_875 : vector<1x16xf32> to vector<16xf32>
    %swap3A_877 = vector.shape_cast %broadcast_in_dim3A_871 : vector<16xf32> to vector<1x16xf32>
    tpu.vector_store %arg7[%swap3A_873, %swap3A_874], %swap3A_877 {strides = array<i32>} : memref<32x128xf32, #tpu.memory_space<vmem>>, vector<1x16xf32>,
    %broadcast_in_dim3A_878 = arith.constant 0.000000e+00 : f32
    %broadcast_in_dim3A_879 = vector.broadcast %broadcast_in_dim3A_878 : f32 to vector<16xf32>
    %swap3A_880 = arith.constant 13 : i32
    %swap3A_881 = arith.index_cast %swap3A_880 : i32 to index
    %swap3A_882 = arith.constant 96 : index
    %swap3A_883 = tpu.vector_load %arg7[%swap3A_881, %swap3A_882] {strides = array<i32>} : memref<32x128xf32, #tpu.memory_space<vmem>>, vector<1x16xf32>,
    %swap3A_884 = vector.shape_cast %swap3A_883 : vector<1x16xf32> to vector<16xf32>
    %swap3A_885 = vector.shape_cast %broadcast_in_dim3A_879 : vector<16xf32> to vector<1x16xf32>
    tpu.vector_store %arg7[%swap3A_881, %swap3A_882], %swap3A_885 {strides = array<i32>} : memref<32x128xf32, #tpu.memory_space<vmem>>, vector<1x16xf32>,
    %broadcast_in_dim3A_886 = arith.constant 0.000000e+00 : f32
    %broadcast_in_dim3A_887 = vector.broadcast %broadcast_in_dim3A_886 : f32 to vector<16xf32>
    %swap3A_888 = arith.constant 13 : i32
    %swap3A_889 = arith.index_cast %swap3A_888 : i32 to index
    %swap3A_890 = arith.constant 112 : index
    %swap3A_891 = tpu.vector_load %arg7[%swap3A_889, %swap3A_890] {strides = array<i32>} : memref<32x128xf32, #tpu.memory_space<vmem>>, vector<1x16xf32>,
    %swap3A_892 = vector.shape_cast %swap3A_891 : vector<1x16xf32> to vector<16xf32>
    %swap3A_893 = vector.shape_cast %broadcast_in_dim3A_887 : vector<16xf32> to vector<1x16xf32>
    tpu.vector_store %arg7[%swap3A_889, %swap3A_890], %swap3A_893 {strides = array<i32>} : memref<32x128xf32, #tpu.memory_space<vmem>>, vector<1x16xf32>,
    %broadcast_in_dim3A_894 = arith.constant 0.000000e+00 : f32
    %broadcast_in_dim3A_895 = vector.broadcast %broadcast_in_dim3A_894 : f32 to vector<16xf32>
    %swap3A_896 = arith.constant 14 : i32
    %swap3A_897 = arith.index_cast %swap3A_896 : i32 to index
    %swap3A_898 = arith.constant 0 : index
    %swap3A_899 = tpu.vector_load %arg7[%swap3A_897, %swap3A_898] {strides = array<i32>} : memref<32x128xf32, #tpu.memory_space<vmem>>, vector<1x16xf32>,
    %swap3A_900 = vector.shape_cast %swap3A_899 : vector<1x16xf32> to vector<16xf32>
    %swap3A_901 = vector.shape_cast %broadcast_in_dim3A_895 : vector<16xf32> to vector<1x16xf32>
    tpu.vector_store %arg7[%swap3A_897, %swap3A_898], %swap3A_901 {strides = array<i32>} : memref<32x128xf32, #tpu.memory_space<vmem>>, vector<1x16xf32>,
    %broadcast_in_dim3A_902 = arith.constant 0.000000e+00 : f32
    %broadcast_in_dim3A_903 = vector.broadcast %broadcast_in_dim3A_902 : f32 to vector<16xf32>
    %swap3A_904 = arith.constant 14 : i32
    %swap3A_905 = arith.index_cast %swap3A_904 : i32 to index
    %swap3A_906 = arith.constant 16 : index
    %swap3A_907 = tpu.vector_load %arg7[%swap3A_905, %swap3A_906] {strides = array<i32>} : memref<32x128xf32, #tpu.memory_space<vmem>>, vector<1x16xf32>,
    %swap3A_908 = vector.shape_cast %swap3A_907 : vector<1x16xf32> to vector<16xf32>
    %swap3A_909 = vector.shape_cast %broadcast_in_dim3A_903 : vector<16xf32> to vector<1x16xf32>
    tpu.vector_store %arg7[%swap3A_905, %swap3A_906], %swap3A_909 {strides = array<i32>} : memref<32x128xf32, #tpu.memory_space<vmem>>, vector<1x16xf32>,
    %broadcast_in_dim3A_910 = arith.constant 0.000000e+00 : f32
    %broadcast_in_dim3A_911 = vector.broadcast %broadcast_in_dim3A_910 : f32 to vector<16xf32>
    %swap3A_912 = arith.constant 14 : i32
    %swap3A_913 = arith.index_cast %swap3A_912 : i32 to index
    %swap3A_914 = arith.constant 32 : index
    %swap3A_915 = tpu.vector_load %arg7[%swap3A_913, %swap3A_914] {strides = array<i32>} : memref<32x128xf32, #tpu.memory_space<vmem>>, vector<1x16xf32>,
    %swap3A_916 = vector.shape_cast %swap3A_915 : vector<1x16xf32> to vector<16xf32>
    %swap3A_917 = vector.shape_cast %broadcast_in_dim3A_911 : vector<16xf32> to vector<1x16xf32>
    tpu.vector_store %arg7[%swap3A_913, %swap3A_914], %swap3A_917 {strides = array<i32>} : memref<32x128xf32, #tpu.memory_space<vmem>>, vector<1x16xf32>,
    %broadcast_in_dim3A_918 = arith.constant 0.000000e+00 : f32
    %broadcast_in_dim3A_919 = vector.broadcast %broadcast_in_dim3A_918 : f32 to vector<16xf32>
    %swap3A_920 = arith.constant 14 : i32
    %swap3A_921 = arith.index_cast %swap3A_920 : i32 to index
    %swap3A_922 = arith.constant 48 : index
    %swap3A_923 = tpu.vector_load %arg7[%swap3A_921, %swap3A_922] {strides = array<i32>} : memref<32x128xf32, #tpu.memory_space<vmem>>, vector<1x16xf32>,
    %swap3A_924 = vector.shape_cast %swap3A_923 : vector<1x16xf32> to vector<16xf32>
    %swap3A_925 = vector.shape_cast %broadcast_in_dim3A_919 : vector<16xf32> to vector<1x16xf32>
    tpu.vector_store %arg7[%swap3A_921, %swap3A_922], %swap3A_925 {strides = array<i32>} : memref<32x128xf32, #tpu.memory_space<vmem>>, vector<1x16xf32>,
    %broadcast_in_dim3A_926 = arith.constant 0.000000e+00 : f32
    %broadcast_in_dim3A_927 = vector.broadcast %broadcast_in_dim3A_926 : f32 to vector<16xf32>
    %swap3A_928 = arith.constant 14 : i32
    %swap3A_929 = arith.index_cast %swap3A_928 : i32 to index
    %swap3A_930 = arith.constant 64 : index
    %swap3A_931 = tpu.vector_load %arg7[%swap3A_929, %swap3A_930] {strides = array<i32>} : memref<32x128xf32, #tpu.memory_space<vmem>>, vector<1x16xf32>,
    %swap3A_932 = vector.shape_cast %swap3A_931 : vector<1x16xf32> to vector<16xf32>
    %swap3A_933 = vector.shape_cast %broadcast_in_dim3A_927 : vector<16xf32> to vector<1x16xf32>
    tpu.vector_store %arg7[%swap3A_929, %swap3A_930], %swap3A_933 {strides = array<i32>} : memref<32x128xf32, #tpu.memory_space<vmem>>, vector<1x16xf32>,
    %broadcast_in_dim3A_934 = arith.constant 0.000000e+00 : f32
    %broadcast_in_dim3A_935 = vector.broadcast %broadcast_in_dim3A_934 : f32 to vector<16xf32>
    %swap3A_936 = arith.constant 14 : i32
    %swap3A_937 = arith.index_cast %swap3A_936 : i32 to index
    %swap3A_938 = arith.constant 80 : index
    %swap3A_939 = tpu.vector_load %arg7[%swap3A_937, %swap3A_938] {strides = array<i32>} : memref<32x128xf32, #tpu.memory_space<vmem>>, vector<1x16xf32>,
    %swap3A_940 = vector.shape_cast %swap3A_939 : vector<1x16xf32> to vector<16xf32>
    %swap3A_941 = vector.shape_cast %broadcast_in_dim3A_935 : vector<16xf32> to vector<1x16xf32>
    tpu.vector_store %arg7[%swap3A_937, %swap3A_938], %swap3A_941 {strides = array<i32>} : memref<32x128xf32, #tpu.memory_space<vmem>>, vector<1x16xf32>,
    %broadcast_in_dim3A_942 = arith.constant 0.000000e+00 : f32
    %broadcast_in_dim3A_943 = vector.broadcast %broadcast_in_dim3A_942 : f32 to vector<16xf32>
    %swap3A_944 = arith.constant 14 : i32
    %swap3A_945 = arith.index_cast %swap3A_944 : i32 to index
    %swap3A_946 = arith.constant 96 : index
    %swap3A_947 = tpu.vector_load %arg7[%swap3A_945, %swap3A_946] {strides = array<i32>} : memref<32x128xf32, #tpu.memory_space<vmem>>, vector<1x16xf32>,
    %swap3A_948 = vector.shape_cast %swap3A_947 : vector<1x16xf32> to vector<16xf32>
    %swap3A_949 = vector.shape_cast %broadcast_in_dim3A_943 : vector<16xf32> to vector<1x16xf32>
    tpu.vector_store %arg7[%swap3A_945, %swap3A_946], %swap3A_949 {strides = array<i32>} : memref<32x128xf32, #tpu.memory_space<vmem>>, vector<1x16xf32>,
    %broadcast_in_dim3A_950 = arith.constant 0.000000e+00 : f32
    %broadcast_in_dim3A_951 = vector.broadcast %broadcast_in_dim3A_950 : f32 to vector<16xf32>
    %swap3A_952 = arith.constant 14 : i32
    %swap3A_953 = arith.index_cast %swap3A_952 : i32 to index
    %swap3A_954 = arith.constant 112 : index
    %swap3A_955 = tpu.vector_load %arg7[%swap3A_953, %swap3A_954] {strides = array<i32>} : memref<32x128xf32, #tpu.memory_space<vmem>>, vector<1x16xf32>,
    %swap3A_956 = vector.shape_cast %swap3A_955 : vector<1x16xf32> to vector<16xf32>
    %swap3A_957 = vector.shape_cast %broadcast_in_dim3A_951 : vector<16xf32> to vector<1x16xf32>
    tpu.vector_store %arg7[%swap3A_953, %swap3A_954], %swap3A_957 {strides = array<i32>} : memref<32x128xf32, #tpu.memory_space<vmem>>, vector<1x16xf32>,
    %broadcast_in_dim3A_958 = arith.constant 0.000000e+00 : f32
    %broadcast_in_dim3A_959 = vector.broadcast %broadcast_in_dim3A_958 : f32 to vector<16xf32>
    %swap3A_960 = arith.constant 15 : i32
    %swap3A_961 = arith.index_cast %swap3A_960 : i32 to index
    %swap3A_962 = arith.constant 0 : index
    %swap3A_963 = tpu.vector_load %arg7[%swap3A_961, %swap3A_962] {strides = array<i32>} : memref<32x128xf32, #tpu.memory_space<vmem>>, vector<1x16xf32>,
    %swap3A_964 = vector.shape_cast %swap3A_963 : vector<1x16xf32> to vector<16xf32>
    %swap3A_965 = vector.shape_cast %broadcast_in_dim3A_959 : vector<16xf32> to vector<1x16xf32>
    tpu.vector_store %arg7[%swap3A_961, %swap3A_962], %swap3A_965 {strides = array<i32>} : memref<32x128xf32, #tpu.memory_space<vmem>>, vector<1x16xf32>,
    %broadcast_in_dim3A_966 = arith.constant 0.000000e+00 : f32
    %broadcast_in_dim3A_967 = vector.broadcast %broadcast_in_dim3A_966 : f32 to vector<16xf32>
    %swap3A_968 = arith.constant 15 : i32
    %swap3A_969 = arith.index_cast %swap3A_968 : i32 to index
    %swap3A_970 = arith.constant 16 : index
    %swap3A_971 = tpu.vector_load %arg7[%swap3A_969, %swap3A_970] {strides = array<i32>} : memref<32x128xf32, #tpu.memory_space<vmem>>, vector<1x16xf32>,
    %swap3A_972 = vector.shape_cast %swap3A_971 : vector<1x16xf32> to vector<16xf32>
    %swap3A_973 = vector.shape_cast %broadcast_in_dim3A_967 : vector<16xf32> to vector<1x16xf32>
    tpu.vector_store %arg7[%swap3A_969, %swap3A_970], %swap3A_973 {strides = array<i32>} : memref<32x128xf32, #tpu.memory_space<vmem>>, vector<1x16xf32>,
    %broadcast_in_dim3A_974 = arith.constant 0.000000e+00 : f32
    %broadcast_in_dim3A_975 = vector.broadcast %broadcast_in_dim3A_974 : f32 to vector<16xf32>
    %swap3A_976 = arith.constant 15 : i32
    %swap3A_977 = arith.index_cast %swap3A_976 : i32 to index
    %swap3A_978 = arith.constant 32 : index
    %swap3A_979 = tpu.vector_load %arg7[%swap3A_977, %swap3A_978] {strides = array<i32>} : memref<32x128xf32, #tpu.memory_space<vmem>>, vector<1x16xf32>,
    %swap3A_980 = vector.shape_cast %swap3A_979 : vector<1x16xf32> to vector<16xf32>
    %swap3A_981 = vector.shape_cast %broadcast_in_dim3A_975 : vector<16xf32> to vector<1x16xf32>
    tpu.vector_store %arg7[%swap3A_977, %swap3A_978], %swap3A_981 {strides = array<i32>} : memref<32x128xf32, #tpu.memory_space<vmem>>, vector<1x16xf32>,
    %broadcast_in_dim3A_982 = arith.constant 0.000000e+00 : f32
    %broadcast_in_dim3A_983 = vector.broadcast %broadcast_in_dim3A_982 : f32 to vector<16xf32>
    %swap3A_984 = arith.constant 15 : i32
    %swap3A_985 = arith.index_cast %swap3A_984 : i32 to index
    %swap3A_986 = arith.constant 48 : index
    %swap3A_987 = tpu.vector_load %arg7[%swap3A_985, %swap3A_986] {strides = array<i32>} : memref<32x128xf32, #tpu.memory_space<vmem>>, vector<1x16xf32>,
    %swap3A_988 = vector.shape_cast %swap3A_987 : vector<1x16xf32> to vector<16xf32>
    %swap3A_989 = vector.shape_cast %broadcast_in_dim3A_983 : vector<16xf32> to vector<1x16xf32>
    tpu.vector_store %arg7[%swap3A_985, %swap3A_986], %swap3A_989 {strides = array<i32>} : memref<32x128xf32, #tpu.memory_space<vmem>>, vector<1x16xf32>,
    %broadcast_in_dim3A_990 = arith.constant 0.000000e+00 : f32
    %broadcast_in_dim3A_991 = vector.broadcast %broadcast_in_dim3A_990 : f32 to vector<16xf32>
    %swap3A_992 = arith.constant 15 : i32
    %swap3A_993 = arith.index_cast %swap3A_992 : i32 to index
    %swap3A_994 = arith.constant 64 : index
    %swap3A_995 = tpu.vector_load %arg7[%swap3A_993, %swap3A_994] {strides = array<i32>} : memref<32x128xf32, #tpu.memory_space<vmem>>, vector<1x16xf32>,
    %swap3A_996 = vector.shape_cast %swap3A_995 : vector<1x16xf32> to vector<16xf32>
    %swap3A_997 = vector.shape_cast %broadcast_in_dim3A_991 : vector<16xf32> to vector<1x16xf32>
    tpu.vector_store %arg7[%swap3A_993, %swap3A_994], %swap3A_997 {strides = array<i32>} : memref<32x128xf32, #tpu.memory_space<vmem>>, vector<1x16xf32>,
    %broadcast_in_dim3A_998 = arith.constant 0.000000e+00 : f32
    %broadcast_in_dim3A_999 = vector.broadcast %broadcast_in_dim3A_998 : f32 to vector<16xf32>
    %swap3A_1000 = arith.constant 15 : i32
    %swap3A_1001 = arith.index_cast %swap3A_1000 : i32 to index
    %swap3A_1002 = arith.constant 80 : index
    %swap3A_1003 = tpu.vector_load %arg7[%swap3A_1001, %swap3A_1002] {strides = array<i32>} : memref<32x128xf32, #tpu.memory_space<vmem>>, vector<1x16xf32>,
    %swap3A_1004 = vector.shape_cast %swap3A_1003 : vector<1x16xf32> to vector<16xf32>
    %swap3A_1005 = vector.shape_cast %broadcast_in_dim3A_999 : vector<16xf32> to vector<1x16xf32>
    tpu.vector_store %arg7[%swap3A_1001, %swap3A_1002], %swap3A_1005 {strides = array<i32>} : memref<32x128xf32, #tpu.memory_space<vmem>>, vector<1x16xf32>,
    %broadcast_in_dim3A_1006 = arith.constant 0.000000e+00 : f32
    %broadcast_in_dim3A_1007 = vector.broadcast %broadcast_in_dim3A_1006 : f32 to vector<16xf32>
    %swap3A_1008 = arith.constant 15 : i32
    %swap3A_1009 = arith.index_cast %swap3A_1008 : i32 to index
    %swap3A_1010 = arith.constant 96 : index
    %swap3A_1011 = tpu.vector_load %arg7[%swap3A_1009, %swap3A_1010] {strides = array<i32>} : memref<32x128xf32, #tpu.memory_space<vmem>>, vector<1x16xf32>,
    %swap3A_1012 = vector.shape_cast %swap3A_1011 : vector<1x16xf32> to vector<16xf32>
    %swap3A_1013 = vector.shape_cast %broadcast_in_dim3A_1007 : vector<16xf32> to vector<1x16xf32>
    tpu.vector_store %arg7[%swap3A_1009, %swap3A_1010], %swap3A_1013 {strides = array<i32>} : memref<32x128xf32, #tpu.memory_space<vmem>>, vector<1x16xf32>,
    %broadcast_in_dim3A_1014 = arith.constant 0.000000e+00 : f32
    %broadcast_in_dim3A_1015 = vector.broadcast %broadcast_in_dim3A_1014 : f32 to vector<16xf32>
    %swap3A_1016 = arith.constant 15 : i32
    %swap3A_1017 = arith.index_cast %swap3A_1016 : i32 to index
    %swap3A_1018 = arith.constant 112 : index
    %swap3A_1019 = tpu.vector_load %arg7[%swap3A_1017, %swap3A_1018] {strides = array<i32>} : memref<32x128xf32, #tpu.memory_space<vmem>>, vector<1x16xf32>,
    %swap3A_1020 = vector.shape_cast %swap3A_1019 : vector<1x16xf32> to vector<16xf32>
    %swap3A_1021 = vector.shape_cast %broadcast_in_dim3A_1015 : vector<16xf32> to vector<1x16xf32>
    tpu.vector_store %arg7[%swap3A_1017, %swap3A_1018], %swap3A_1021 {strides = array<i32>} : memref<32x128xf32, #tpu.memory_space<vmem>>, vector<1x16xf32>,
    %broadcast_in_dim3A_1022 = arith.constant 0.000000e+00 : f32
    %broadcast_in_dim3A_1023 = vector.broadcast %broadcast_in_dim3A_1022 : f32 to vector<16xf32>
    %swap3A_1024 = arith.constant 16 : i32
    %swap3A_1025 = arith.index_cast %swap3A_1024 : i32 to index
    %swap3A_1026 = arith.constant 0 : index
    %swap3A_1027 = tpu.vector_load %arg7[%swap3A_1025, %swap3A_1026] {strides = array<i32>} : memref<32x128xf32, #tpu.memory_space<vmem>>, vector<1x16xf32>,
    %swap3A_1028 = vector.shape_cast %swap3A_1027 : vector<1x16xf32> to vector<16xf32>
    %swap3A_1029 = vector.shape_cast %broadcast_in_dim3A_1023 : vector<16xf32> to vector<1x16xf32>
    tpu.vector_store %arg7[%swap3A_1025, %swap3A_1026], %swap3A_1029 {strides = array<i32>} : memref<32x128xf32, #tpu.memory_space<vmem>>, vector<1x16xf32>,
    %broadcast_in_dim3A_1030 = arith.constant 0.000000e+00 : f32
    %broadcast_in_dim3A_1031 = vector.broadcast %broadcast_in_dim3A_1030 : f32 to vector<16xf32>
    %swap3A_1032 = arith.constant 16 : i32
    %swap3A_1033 = arith.index_cast %swap3A_1032 : i32 to index
    %swap3A_1034 = arith.constant 16 : index
    %swap3A_1035 = tpu.vector_load %arg7[%swap3A_1033, %swap3A_1034] {strides = array<i32>} : memref<32x128xf32, #tpu.memory_space<vmem>>, vector<1x16xf32>,
    %swap3A_1036 = vector.shape_cast %swap3A_1035 : vector<1x16xf32> to vector<16xf32>
    %swap3A_1037 = vector.shape_cast %broadcast_in_dim3A_1031 : vector<16xf32> to vector<1x16xf32>
    tpu.vector_store %arg7[%swap3A_1033, %swap3A_1034], %swap3A_1037 {strides = array<i32>} : memref<32x128xf32, #tpu.memory_space<vmem>>, vector<1x16xf32>,
    %broadcast_in_dim3A_1038 = arith.constant 0.000000e+00 : f32
    %broadcast_in_dim3A_1039 = vector.broadcast %broadcast_in_dim3A_1038 : f32 to vector<16xf32>
    %swap3A_1040 = arith.constant 16 : i32
    %swap3A_1041 = arith.index_cast %swap3A_1040 : i32 to index
    %swap3A_1042 = arith.constant 32 : index
    %swap3A_1043 = tpu.vector_load %arg7[%swap3A_1041, %swap3A_1042] {strides = array<i32>} : memref<32x128xf32, #tpu.memory_space<vmem>>, vector<1x16xf32>,
    %swap3A_1044 = vector.shape_cast %swap3A_1043 : vector<1x16xf32> to vector<16xf32>
    %swap3A_1045 = vector.shape_cast %broadcast_in_dim3A_1039 : vector<16xf32> to vector<1x16xf32>
    tpu.vector_store %arg7[%swap3A_1041, %swap3A_1042], %swap3A_1045 {strides = array<i32>} : memref<32x128xf32, #tpu.memory_space<vmem>>, vector<1x16xf32>,
    %broadcast_in_dim3A_1046 = arith.constant 0.000000e+00 : f32
    %broadcast_in_dim3A_1047 = vector.broadcast %broadcast_in_dim3A_1046 : f32 to vector<16xf32>
    %swap3A_1048 = arith.constant 16 : i32
    %swap3A_1049 = arith.index_cast %swap3A_1048 : i32 to index
    %swap3A_1050 = arith.constant 48 : index
    %swap3A_1051 = tpu.vector_load %arg7[%swap3A_1049, %swap3A_1050] {strides = array<i32>} : memref<32x128xf32, #tpu.memory_space<vmem>>, vector<1x16xf32>,
    %swap3A_1052 = vector.shape_cast %swap3A_1051 : vector<1x16xf32> to vector<16xf32>
    %swap3A_1053 = vector.shape_cast %broadcast_in_dim3A_1047 : vector<16xf32> to vector<1x16xf32>
    tpu.vector_store %arg7[%swap3A_1049, %swap3A_1050], %swap3A_1053 {strides = array<i32>} : memref<32x128xf32, #tpu.memory_space<vmem>>, vector<1x16xf32>,
    %broadcast_in_dim3A_1054 = arith.constant 0.000000e+00 : f32
    %broadcast_in_dim3A_1055 = vector.broadcast %broadcast_in_dim3A_1054 : f32 to vector<16xf32>
    %swap3A_1056 = arith.constant 16 : i32
    %swap3A_1057 = arith.index_cast %swap3A_1056 : i32 to index
    %swap3A_1058 = arith.constant 64 : index
    %swap3A_1059 = tpu.vector_load %arg7[%swap3A_1057, %swap3A_1058] {strides = array<i32>} : memref<32x128xf32, #tpu.memory_space<vmem>>, vector<1x16xf32>,
    %swap3A_1060 = vector.shape_cast %swap3A_1059 : vector<1x16xf32> to vector<16xf32>
    %swap3A_1061 = vector.shape_cast %broadcast_in_dim3A_1055 : vector<16xf32> to vector<1x16xf32>
    tpu.vector_store %arg7[%swap3A_1057, %swap3A_1058], %swap3A_1061 {strides = array<i32>} : memref<32x128xf32, #tpu.memory_space<vmem>>, vector<1x16xf32>,
    %broadcast_in_dim3A_1062 = arith.constant 0.000000e+00 : f32
    %broadcast_in_dim3A_1063 = vector.broadcast %broadcast_in_dim3A_1062 : f32 to vector<16xf32>
    %swap3A_1064 = arith.constant 16 : i32
    %swap3A_1065 = arith.index_cast %swap3A_1064 : i32 to index
    %swap3A_1066 = arith.constant 80 : index
    %swap3A_1067 = tpu.vector_load %arg7[%swap3A_1065, %swap3A_1066] {strides = array<i32>} : memref<32x128xf32, #tpu.memory_space<vmem>>, vector<1x16xf32>,
    %swap3A_1068 = vector.shape_cast %swap3A_1067 : vector<1x16xf32> to vector<16xf32>
    %swap3A_1069 = vector.shape_cast %broadcast_in_dim3A_1063 : vector<16xf32> to vector<1x16xf32>
    tpu.vector_store %arg7[%swap3A_1065, %swap3A_1066], %swap3A_1069 {strides = array<i32>} : memref<32x128xf32, #tpu.memory_space<vmem>>, vector<1x16xf32>,
    %broadcast_in_dim3A_1070 = arith.constant 0.000000e+00 : f32
    %broadcast_in_dim3A_1071 = vector.broadcast %broadcast_in_dim3A_1070 : f32 to vector<16xf32>
    %swap3A_1072 = arith.constant 16 : i32
    %swap3A_1073 = arith.index_cast %swap3A_1072 : i32 to index
    %swap3A_1074 = arith.constant 96 : index
    %swap3A_1075 = tpu.vector_load %arg7[%swap3A_1073, %swap3A_1074] {strides = array<i32>} : memref<32x128xf32, #tpu.memory_space<vmem>>, vector<1x16xf32>,
    %swap3A_1076 = vector.shape_cast %swap3A_1075 : vector<1x16xf32> to vector<16xf32>
    %swap3A_1077 = vector.shape_cast %broadcast_in_dim3A_1071 : vector<16xf32> to vector<1x16xf32>
    tpu.vector_store %arg7[%swap3A_1073, %swap3A_1074], %swap3A_1077 {strides = array<i32>} : memref<32x128xf32, #tpu.memory_space<vmem>>, vector<1x16xf32>,
    %broadcast_in_dim3A_1078 = arith.constant 0.000000e+00 : f32
    %broadcast_in_dim3A_1079 = vector.broadcast %broadcast_in_dim3A_1078 : f32 to vector<16xf32>
    %swap3A_1080 = arith.constant 16 : i32
    %swap3A_1081 = arith.index_cast %swap3A_1080 : i32 to index
    %swap3A_1082 = arith.constant 112 : index
    %swap3A_1083 = tpu.vector_load %arg7[%swap3A_1081, %swap3A_1082] {strides = array<i32>} : memref<32x128xf32, #tpu.memory_space<vmem>>, vector<1x16xf32>,
    %swap3A_1084 = vector.shape_cast %swap3A_1083 : vector<1x16xf32> to vector<16xf32>
    %swap3A_1085 = vector.shape_cast %broadcast_in_dim3A_1079 : vector<16xf32> to vector<1x16xf32>
    tpu.vector_store %arg7[%swap3A_1081, %swap3A_1082], %swap3A_1085 {strides = array<i32>} : memref<32x128xf32, #tpu.memory_space<vmem>>, vector<1x16xf32>,
    %broadcast_in_dim3A_1086 = arith.constant 0.000000e+00 : f32
    %broadcast_in_dim3A_1087 = vector.broadcast %broadcast_in_dim3A_1086 : f32 to vector<16xf32>
    %swap3A_1088 = arith.constant 17 : i32
    %swap3A_1089 = arith.index_cast %swap3A_1088 : i32 to index
    %swap3A_1090 = arith.constant 0 : index
    %swap3A_1091 = tpu.vector_load %arg7[%swap3A_1089, %swap3A_1090] {strides = array<i32>} : memref<32x128xf32, #tpu.memory_space<vmem>>, vector<1x16xf32>,
    %swap3A_1092 = vector.shape_cast %swap3A_1091 : vector<1x16xf32> to vector<16xf32>
    %swap3A_1093 = vector.shape_cast %broadcast_in_dim3A_1087 : vector<16xf32> to vector<1x16xf32>
    tpu.vector_store %arg7[%swap3A_1089, %swap3A_1090], %swap3A_1093 {strides = array<i32>} : memref<32x128xf32, #tpu.memory_space<vmem>>, vector<1x16xf32>,
    %broadcast_in_dim3A_1094 = arith.constant 0.000000e+00 : f32
    %broadcast_in_dim3A_1095 = vector.broadcast %broadcast_in_dim3A_1094 : f32 to vector<16xf32>
    %swap3A_1096 = arith.constant 17 : i32
    %swap3A_1097 = arith.index_cast %swap3A_1096 : i32 to index
    %swap3A_1098 = arith.constant 16 : index
    %swap3A_1099 = tpu.vector_load %arg7[%swap3A_1097, %swap3A_1098] {strides = array<i32>} : memref<32x128xf32, #tpu.memory_space<vmem>>, vector<1x16xf32>,
    %swap3A_1100 = vector.shape_cast %swap3A_1099 : vector<1x16xf32> to vector<16xf32>
    %swap3A_1101 = vector.shape_cast %broadcast_in_dim3A_1095 : vector<16xf32> to vector<1x16xf32>
    tpu.vector_store %arg7[%swap3A_1097, %swap3A_1098], %swap3A_1101 {strides = array<i32>} : memref<32x128xf32, #tpu.memory_space<vmem>>, vector<1x16xf32>,
    %broadcast_in_dim3A_1102 = arith.constant 0.000000e+00 : f32
    %broadcast_in_dim3A_1103 = vector.broadcast %broadcast_in_dim3A_1102 : f32 to vector<16xf32>
    %swap3A_1104 = arith.constant 17 : i32
    %swap3A_1105 = arith.index_cast %swap3A_1104 : i32 to index
    %swap3A_1106 = arith.constant 32 : index
    %swap3A_1107 = tpu.vector_load %arg7[%swap3A_1105, %swap3A_1106] {strides = array<i32>} : memref<32x128xf32, #tpu.memory_space<vmem>>, vector<1x16xf32>,
    %swap3A_1108 = vector.shape_cast %swap3A_1107 : vector<1x16xf32> to vector<16xf32>
    %swap3A_1109 = vector.shape_cast %broadcast_in_dim3A_1103 : vector<16xf32> to vector<1x16xf32>
    tpu.vector_store %arg7[%swap3A_1105, %swap3A_1106], %swap3A_1109 {strides = array<i32>} : memref<32x128xf32, #tpu.memory_space<vmem>>, vector<1x16xf32>,
    %broadcast_in_dim3A_1110 = arith.constant 0.000000e+00 : f32
    %broadcast_in_dim3A_1111 = vector.broadcast %broadcast_in_dim3A_1110 : f32 to vector<16xf32>
    %swap3A_1112 = arith.constant 17 : i32
    %swap3A_1113 = arith.index_cast %swap3A_1112 : i32 to index
    %swap3A_1114 = arith.constant 48 : index
    %swap3A_1115 = tpu.vector_load %arg7[%swap3A_1113, %swap3A_1114] {strides = array<i32>} : memref<32x128xf32, #tpu.memory_space<vmem>>, vector<1x16xf32>,
    %swap3A_1116 = vector.shape_cast %swap3A_1115 : vector<1x16xf32> to vector<16xf32>
    %swap3A_1117 = vector.shape_cast %broadcast_in_dim3A_1111 : vector<16xf32> to vector<1x16xf32>
    tpu.vector_store %arg7[%swap3A_1113, %swap3A_1114], %swap3A_1117 {strides = array<i32>} : memref<32x128xf32, #tpu.memory_space<vmem>>, vector<1x16xf32>,
    %broadcast_in_dim3A_1118 = arith.constant 0.000000e+00 : f32
    %broadcast_in_dim3A_1119 = vector.broadcast %broadcast_in_dim3A_1118 : f32 to vector<16xf32>
    %swap3A_1120 = arith.constant 17 : i32
    %swap3A_1121 = arith.index_cast %swap3A_1120 : i32 to index
    %swap3A_1122 = arith.constant 64 : index
    %swap3A_1123 = tpu.vector_load %arg7[%swap3A_1121, %swap3A_1122] {strides = array<i32>} : memref<32x128xf32, #tpu.memory_space<vmem>>, vector<1x16xf32>,
    %swap3A_1124 = vector.shape_cast %swap3A_1123 : vector<1x16xf32> to vector<16xf32>
    %swap3A_1125 = vector.shape_cast %broadcast_in_dim3A_1119 : vector<16xf32> to vector<1x16xf32>
    tpu.vector_store %arg7[%swap3A_1121, %swap3A_1122], %swap3A_1125 {strides = array<i32>} : memref<32x128xf32, #tpu.memory_space<vmem>>, vector<1x16xf32>,
    %broadcast_in_dim3A_1126 = arith.constant 0.000000e+00 : f32
    %broadcast_in_dim3A_1127 = vector.broadcast %broadcast_in_dim3A_1126 : f32 to vector<16xf32>
    %swap3A_1128 = arith.constant 17 : i32
    %swap3A_1129 = arith.index_cast %swap3A_1128 : i32 to index
    %swap3A_1130 = arith.constant 80 : index
    %swap3A_1131 = tpu.vector_load %arg7[%swap3A_1129, %swap3A_1130] {strides = array<i32>} : memref<32x128xf32, #tpu.memory_space<vmem>>, vector<1x16xf32>,
    %swap3A_1132 = vector.shape_cast %swap3A_1131 : vector<1x16xf32> to vector<16xf32>
    %swap3A_1133 = vector.shape_cast %broadcast_in_dim3A_1127 : vector<16xf32> to vector<1x16xf32>
    tpu.vector_store %arg7[%swap3A_1129, %swap3A_1130], %swap3A_1133 {strides = array<i32>} : memref<32x128xf32, #tpu.memory_space<vmem>>, vector<1x16xf32>,
    %broadcast_in_dim3A_1134 = arith.constant 0.000000e+00 : f32
    %broadcast_in_dim3A_1135 = vector.broadcast %broadcast_in_dim3A_1134 : f32 to vector<16xf32>
    %swap3A_1136 = arith.constant 17 : i32
    %swap3A_1137 = arith.index_cast %swap3A_1136 : i32 to index
    %swap3A_1138 = arith.constant 96 : index
    %swap3A_1139 = tpu.vector_load %arg7[%swap3A_1137, %swap3A_1138] {strides = array<i32>} : memref<32x128xf32, #tpu.memory_space<vmem>>, vector<1x16xf32>,
    %swap3A_1140 = vector.shape_cast %swap3A_1139 : vector<1x16xf32> to vector<16xf32>
    %swap3A_1141 = vector.shape_cast %broadcast_in_dim3A_1135 : vector<16xf32> to vector<1x16xf32>
    tpu.vector_store %arg7[%swap3A_1137, %swap3A_1138], %swap3A_1141 {strides = array<i32>} : memref<32x128xf32, #tpu.memory_space<vmem>>, vector<1x16xf32>,
    %broadcast_in_dim3A_1142 = arith.constant 0.000000e+00 : f32
    %broadcast_in_dim3A_1143 = vector.broadcast %broadcast_in_dim3A_1142 : f32 to vector<16xf32>
    %swap3A_1144 = arith.constant 17 : i32
    %swap3A_1145 = arith.index_cast %swap3A_1144 : i32 to index
    %swap3A_1146 = arith.constant 112 : index
    %swap3A_1147 = tpu.vector_load %arg7[%swap3A_1145, %swap3A_1146] {strides = array<i32>} : memref<32x128xf32, #tpu.memory_space<vmem>>, vector<1x16xf32>,
    %swap3A_1148 = vector.shape_cast %swap3A_1147 : vector<1x16xf32> to vector<16xf32>
    %swap3A_1149 = vector.shape_cast %broadcast_in_dim3A_1143 : vector<16xf32> to vector<1x16xf32>
    tpu.vector_store %arg7[%swap3A_1145, %swap3A_1146], %swap3A_1149 {strides = array<i32>} : memref<32x128xf32, #tpu.memory_space<vmem>>, vector<1x16xf32>,
    %broadcast_in_dim3A_1150 = arith.constant 0.000000e+00 : f32
    %broadcast_in_dim3A_1151 = vector.broadcast %broadcast_in_dim3A_1150 : f32 to vector<16xf32>
    %swap3A_1152 = arith.constant 18 : i32
    %swap3A_1153 = arith.index_cast %swap3A_1152 : i32 to index
    %swap3A_1154 = arith.constant 0 : index
    %swap3A_1155 = tpu.vector_load %arg7[%swap3A_1153, %swap3A_1154] {strides = array<i32>} : memref<32x128xf32, #tpu.memory_space<vmem>>, vector<1x16xf32>,
    %swap3A_1156 = vector.shape_cast %swap3A_1155 : vector<1x16xf32> to vector<16xf32>
    %swap3A_1157 = vector.shape_cast %broadcast_in_dim3A_1151 : vector<16xf32> to vector<1x16xf32>
    tpu.vector_store %arg7[%swap3A_1153, %swap3A_1154], %swap3A_1157 {strides = array<i32>} : memref<32x128xf32, #tpu.memory_space<vmem>>, vector<1x16xf32>,
    %broadcast_in_dim3A_1158 = arith.constant 0.000000e+00 : f32
    %broadcast_in_dim3A_1159 = vector.broadcast %broadcast_in_dim3A_1158 : f32 to vector<16xf32>
    %swap3A_1160 = arith.constant 18 : i32
    %swap3A_1161 = arith.index_cast %swap3A_1160 : i32 to index
    %swap3A_1162 = arith.constant 16 : index
    %swap3A_1163 = tpu.vector_load %arg7[%swap3A_1161, %swap3A_1162] {strides = array<i32>} : memref<32x128xf32, #tpu.memory_space<vmem>>, vector<1x16xf32>,
    %swap3A_1164 = vector.shape_cast %swap3A_1163 : vector<1x16xf32> to vector<16xf32>
    %swap3A_1165 = vector.shape_cast %broadcast_in_dim3A_1159 : vector<16xf32> to vector<1x16xf32>
    tpu.vector_store %arg7[%swap3A_1161, %swap3A_1162], %swap3A_1165 {strides = array<i32>} : memref<32x128xf32, #tpu.memory_space<vmem>>, vector<1x16xf32>,
    %broadcast_in_dim3A_1166 = arith.constant 0.000000e+00 : f32
    %broadcast_in_dim3A_1167 = vector.broadcast %broadcast_in_dim3A_1166 : f32 to vector<16xf32>
    %swap3A_1168 = arith.constant 18 : i32
    %swap3A_1169 = arith.index_cast %swap3A_1168 : i32 to index
    %swap3A_1170 = arith.constant 32 : index
    %swap3A_1171 = tpu.vector_load %arg7[%swap3A_1169, %swap3A_1170] {strides = array<i32>} : memref<32x128xf32, #tpu.memory_space<vmem>>, vector<1x16xf32>,
    %swap3A_1172 = vector.shape_cast %swap3A_1171 : vector<1x16xf32> to vector<16xf32>
    %swap3A_1173 = vector.shape_cast %broadcast_in_dim3A_1167 : vector<16xf32> to vector<1x16xf32>
    tpu.vector_store %arg7[%swap3A_1169, %swap3A_1170], %swap3A_1173 {strides = array<i32>} : memref<32x128xf32, #tpu.memory_space<vmem>>, vector<1x16xf32>,
    %broadcast_in_dim3A_1174 = arith.constant 0.000000e+00 : f32
    %broadcast_in_dim3A_1175 = vector.broadcast %broadcast_in_dim3A_1174 : f32 to vector<16xf32>
    %swap3A_1176 = arith.constant 18 : i32
    %swap3A_1177 = arith.index_cast %swap3A_1176 : i32 to index
    %swap3A_1178 = arith.constant 48 : index
    %swap3A_1179 = tpu.vector_load %arg7[%swap3A_1177, %swap3A_1178] {strides = array<i32>} : memref<32x128xf32, #tpu.memory_space<vmem>>, vector<1x16xf32>,
    %swap3A_1180 = vector.shape_cast %swap3A_1179 : vector<1x16xf32> to vector<16xf32>
    %swap3A_1181 = vector.shape_cast %broadcast_in_dim3A_1175 : vector<16xf32> to vector<1x16xf32>
    tpu.vector_store %arg7[%swap3A_1177, %swap3A_1178], %swap3A_1181 {strides = array<i32>} : memref<32x128xf32, #tpu.memory_space<vmem>>, vector<1x16xf32>,
    %broadcast_in_dim3A_1182 = arith.constant 0.000000e+00 : f32
    %broadcast_in_dim3A_1183 = vector.broadcast %broadcast_in_dim3A_1182 : f32 to vector<16xf32>
    %swap3A_1184 = arith.constant 18 : i32
    %swap3A_1185 = arith.index_cast %swap3A_1184 : i32 to index
    %swap3A_1186 = arith.constant 64 : index
    %swap3A_1187 = tpu.vector_load %arg7[%swap3A_1185, %swap3A_1186] {strides = array<i32>} : memref<32x128xf32, #tpu.memory_space<vmem>>, vector<1x16xf32>,
    %swap3A_1188 = vector.shape_cast %swap3A_1187 : vector<1x16xf32> to vector<16xf32>
    %swap3A_1189 = vector.shape_cast %broadcast_in_dim3A_1183 : vector<16xf32> to vector<1x16xf32>
    tpu.vector_store %arg7[%swap3A_1185, %swap3A_1186], %swap3A_1189 {strides = array<i32>} : memref<32x128xf32, #tpu.memory_space<vmem>>, vector<1x16xf32>,
    %broadcast_in_dim3A_1190 = arith.constant 0.000000e+00 : f32
    %broadcast_in_dim3A_1191 = vector.broadcast %broadcast_in_dim3A_1190 : f32 to vector<16xf32>
    %swap3A_1192 = arith.constant 18 : i32
    %swap3A_1193 = arith.index_cast %swap3A_1192 : i32 to index
    %swap3A_1194 = arith.constant 80 : index
    %swap3A_1195 = tpu.vector_load %arg7[%swap3A_1193, %swap3A_1194] {strides = array<i32>} : memref<32x128xf32, #tpu.memory_space<vmem>>, vector<1x16xf32>,
    %swap3A_1196 = vector.shape_cast %swap3A_1195 : vector<1x16xf32> to vector<16xf32>
    %swap3A_1197 = vector.shape_cast %broadcast_in_dim3A_1191 : vector<16xf32> to vector<1x16xf32>
    tpu.vector_store %arg7[%swap3A_1193, %swap3A_1194], %swap3A_1197 {strides = array<i32>} : memref<32x128xf32, #tpu.memory_space<vmem>>, vector<1x16xf32>,
    %broadcast_in_dim3A_1198 = arith.constant 0.000000e+00 : f32
    %broadcast_in_dim3A_1199 = vector.broadcast %broadcast_in_dim3A_1198 : f32 to vector<16xf32>
    %swap3A_1200 = arith.constant 18 : i32
    %swap3A_1201 = arith.index_cast %swap3A_1200 : i32 to index
    %swap3A_1202 = arith.constant 96 : index
    %swap3A_1203 = tpu.vector_load %arg7[%swap3A_1201, %swap3A_1202] {strides = array<i32>} : memref<32x128xf32, #tpu.memory_space<vmem>>, vector<1x16xf32>,
    %swap3A_1204 = vector.shape_cast %swap3A_1203 : vector<1x16xf32> to vector<16xf32>
    %swap3A_1205 = vector.shape_cast %broadcast_in_dim3A_1199 : vector<16xf32> to vector<1x16xf32>
    tpu.vector_store %arg7[%swap3A_1201, %swap3A_1202], %swap3A_1205 {strides = array<i32>} : memref<32x128xf32, #tpu.memory_space<vmem>>, vector<1x16xf32>,
    %broadcast_in_dim3A_1206 = arith.constant 0.000000e+00 : f32
    %broadcast_in_dim3A_1207 = vector.broadcast %broadcast_in_dim3A_1206 : f32 to vector<16xf32>
    %swap3A_1208 = arith.constant 18 : i32
    %swap3A_1209 = arith.index_cast %swap3A_1208 : i32 to index
    %swap3A_1210 = arith.constant 112 : index
    %swap3A_1211 = tpu.vector_load %arg7[%swap3A_1209, %swap3A_1210] {strides = array<i32>} : memref<32x128xf32, #tpu.memory_space<vmem>>, vector<1x16xf32>,
    %swap3A_1212 = vector.shape_cast %swap3A_1211 : vector<1x16xf32> to vector<16xf32>
    %swap3A_1213 = vector.shape_cast %broadcast_in_dim3A_1207 : vector<16xf32> to vector<1x16xf32>
    tpu.vector_store %arg7[%swap3A_1209, %swap3A_1210], %swap3A_1213 {strides = array<i32>} : memref<32x128xf32, #tpu.memory_space<vmem>>, vector<1x16xf32>,
    %broadcast_in_dim3A_1214 = arith.constant 0.000000e+00 : f32
    %broadcast_in_dim3A_1215 = vector.broadcast %broadcast_in_dim3A_1214 : f32 to vector<16xf32>
    %swap3A_1216 = arith.constant 19 : i32
    %swap3A_1217 = arith.index_cast %swap3A_1216 : i32 to index
    %swap3A_1218 = arith.constant 0 : index
    %swap3A_1219 = tpu.vector_load %arg7[%swap3A_1217, %swap3A_1218] {strides = array<i32>} : memref<32x128xf32, #tpu.memory_space<vmem>>, vector<1x16xf32>,
    %swap3A_1220 = vector.shape_cast %swap3A_1219 : vector<1x16xf32> to vector<16xf32>
    %swap3A_1221 = vector.shape_cast %broadcast_in_dim3A_1215 : vector<16xf32> to vector<1x16xf32>
    tpu.vector_store %arg7[%swap3A_1217, %swap3A_1218], %swap3A_1221 {strides = array<i32>} : memref<32x128xf32, #tpu.memory_space<vmem>>, vector<1x16xf32>,
    %broadcast_in_dim3A_1222 = arith.constant 0.000000e+00 : f32
    %broadcast_in_dim3A_1223 = vector.broadcast %broadcast_in_dim3A_1222 : f32 to vector<16xf32>
    %swap3A_1224 = arith.constant 19 : i32
    %swap3A_1225 = arith.index_cast %swap3A_1224 : i32 to index
    %swap3A_1226 = arith.constant 16 : index
    %swap3A_1227 = tpu.vector_load %arg7[%swap3A_1225, %swap3A_1226] {strides = array<i32>} : memref<32x128xf32, #tpu.memory_space<vmem>>, vector<1x16xf32>,
    %swap3A_1228 = vector.shape_cast %swap3A_1227 : vector<1x16xf32> to vector<16xf32>
    %swap3A_1229 = vector.shape_cast %broadcast_in_dim3A_1223 : vector<16xf32> to vector<1x16xf32>
    tpu.vector_store %arg7[%swap3A_1225, %swap3A_1226], %swap3A_1229 {strides = array<i32>} : memref<32x128xf32, #tpu.memory_space<vmem>>, vector<1x16xf32>,
    %broadcast_in_dim3A_1230 = arith.constant 0.000000e+00 : f32
    %broadcast_in_dim3A_1231 = vector.broadcast %broadcast_in_dim3A_1230 : f32 to vector<16xf32>
    %swap3A_1232 = arith.constant 19 : i32
    %swap3A_1233 = arith.index_cast %swap3A_1232 : i32 to index
    %swap3A_1234 = arith.constant 32 : index
    %swap3A_1235 = tpu.vector_load %arg7[%swap3A_1233, %swap3A_1234] {strides = array<i32>} : memref<32x128xf32, #tpu.memory_space<vmem>>, vector<1x16xf32>,
    %swap3A_1236 = vector.shape_cast %swap3A_1235 : vector<1x16xf32> to vector<16xf32>
    %swap3A_1237 = vector.shape_cast %broadcast_in_dim3A_1231 : vector<16xf32> to vector<1x16xf32>
    tpu.vector_store %arg7[%swap3A_1233, %swap3A_1234], %swap3A_1237 {strides = array<i32>} : memref<32x128xf32, #tpu.memory_space<vmem>>, vector<1x16xf32>,
    %broadcast_in_dim3A_1238 = arith.constant 0.000000e+00 : f32
    %broadcast_in_dim3A_1239 = vector.broadcast %broadcast_in_dim3A_1238 : f32 to vector<16xf32>
    %swap3A_1240 = arith.constant 19 : i32
    %swap3A_1241 = arith.index_cast %swap3A_1240 : i32 to index
    %swap3A_1242 = arith.constant 48 : index
    %swap3A_1243 = tpu.vector_load %arg7[%swap3A_1241, %swap3A_1242] {strides = array<i32>} : memref<32x128xf32, #tpu.memory_space<vmem>>, vector<1x16xf32>,
    %swap3A_1244 = vector.shape_cast %swap3A_1243 : vector<1x16xf32> to vector<16xf32>
    %swap3A_1245 = vector.shape_cast %broadcast_in_dim3A_1239 : vector<16xf32> to vector<1x16xf32>
    tpu.vector_store %arg7[%swap3A_1241, %swap3A_1242], %swap3A_1245 {strides = array<i32>} : memref<32x128xf32, #tpu.memory_space<vmem>>, vector<1x16xf32>,
    %broadcast_in_dim3A_1246 = arith.constant 0.000000e+00 : f32
    %broadcast_in_dim3A_1247 = vector.broadcast %broadcast_in_dim3A_1246 : f32 to vector<16xf32>
    %swap3A_1248 = arith.constant 19 : i32
    %swap3A_1249 = arith.index_cast %swap3A_1248 : i32 to index
    %swap3A_1250 = arith.constant 64 : index
    %swap3A_1251 = tpu.vector_load %arg7[%swap3A_1249, %swap3A_1250] {strides = array<i32>} : memref<32x128xf32, #tpu.memory_space<vmem>>, vector<1x16xf32>,
    %swap3A_1252 = vector.shape_cast %swap3A_1251 : vector<1x16xf32> to vector<16xf32>
    %swap3A_1253 = vector.shape_cast %broadcast_in_dim3A_1247 : vector<16xf32> to vector<1x16xf32>
    tpu.vector_store %arg7[%swap3A_1249, %swap3A_1250], %swap3A_1253 {strides = array<i32>} : memref<32x128xf32, #tpu.memory_space<vmem>>, vector<1x16xf32>,
    %broadcast_in_dim3A_1254 = arith.constant 0.000000e+00 : f32
    %broadcast_in_dim3A_1255 = vector.broadcast %broadcast_in_dim3A_1254 : f32 to vector<16xf32>
    %swap3A_1256 = arith.constant 19 : i32
    %swap3A_1257 = arith.index_cast %swap3A_1256 : i32 to index
    %swap3A_1258 = arith.constant 80 : index
    %swap3A_1259 = tpu.vector_load %arg7[%swap3A_1257, %swap3A_1258] {strides = array<i32>} : memref<32x128xf32, #tpu.memory_space<vmem>>, vector<1x16xf32>,
    %swap3A_1260 = vector.shape_cast %swap3A_1259 : vector<1x16xf32> to vector<16xf32>
    %swap3A_1261 = vector.shape_cast %broadcast_in_dim3A_1255 : vector<16xf32> to vector<1x16xf32>
    tpu.vector_store %arg7[%swap3A_1257, %swap3A_1258], %swap3A_1261 {strides = array<i32>} : memref<32x128xf32, #tpu.memory_space<vmem>>, vector<1x16xf32>,
    %broadcast_in_dim3A_1262 = arith.constant 0.000000e+00 : f32
    %broadcast_in_dim3A_1263 = vector.broadcast %broadcast_in_dim3A_1262 : f32 to vector<16xf32>
    %swap3A_1264 = arith.constant 19 : i32
    %swap3A_1265 = arith.index_cast %swap3A_1264 : i32 to index
    %swap3A_1266 = arith.constant 96 : index
    %swap3A_1267 = tpu.vector_load %arg7[%swap3A_1265, %swap3A_1266] {strides = array<i32>} : memref<32x128xf32, #tpu.memory_space<vmem>>, vector<1x16xf32>,
    %swap3A_1268 = vector.shape_cast %swap3A_1267 : vector<1x16xf32> to vector<16xf32>
    %swap3A_1269 = vector.shape_cast %broadcast_in_dim3A_1263 : vector<16xf32> to vector<1x16xf32>
    tpu.vector_store %arg7[%swap3A_1265, %swap3A_1266], %swap3A_1269 {strides = array<i32>} : memref<32x128xf32, #tpu.memory_space<vmem>>, vector<1x16xf32>,
    %broadcast_in_dim3A_1270 = arith.constant 0.000000e+00 : f32
    %broadcast_in_dim3A_1271 = vector.broadcast %broadcast_in_dim3A_1270 : f32 to vector<16xf32>
    %swap3A_1272 = arith.constant 19 : i32
    %swap3A_1273 = arith.index_cast %swap3A_1272 : i32 to index
    %swap3A_1274 = arith.constant 112 : index
    %swap3A_1275 = tpu.vector_load %arg7[%swap3A_1273, %swap3A_1274] {strides = array<i32>} : memref<32x128xf32, #tpu.memory_space<vmem>>, vector<1x16xf32>,
    %swap3A_1276 = vector.shape_cast %swap3A_1275 : vector<1x16xf32> to vector<16xf32>
    %swap3A_1277 = vector.shape_cast %broadcast_in_dim3A_1271 : vector<16xf32> to vector<1x16xf32>
    tpu.vector_store %arg7[%swap3A_1273, %swap3A_1274], %swap3A_1277 {strides = array<i32>} : memref<32x128xf32, #tpu.memory_space<vmem>>, vector<1x16xf32>,
    %broadcast_in_dim3A_1278 = arith.constant 0.000000e+00 : f32
    %broadcast_in_dim3A_1279 = vector.broadcast %broadcast_in_dim3A_1278 : f32 to vector<16xf32>
    %swap3A_1280 = arith.constant 20 : i32
    %swap3A_1281 = arith.index_cast %swap3A_1280 : i32 to index
    %swap3A_1282 = arith.constant 0 : index
    %swap3A_1283 = tpu.vector_load %arg7[%swap3A_1281, %swap3A_1282] {strides = array<i32>} : memref<32x128xf32, #tpu.memory_space<vmem>>, vector<1x16xf32>,
    %swap3A_1284 = vector.shape_cast %swap3A_1283 : vector<1x16xf32> to vector<16xf32>
    %swap3A_1285 = vector.shape_cast %broadcast_in_dim3A_1279 : vector<16xf32> to vector<1x16xf32>
    tpu.vector_store %arg7[%swap3A_1281, %swap3A_1282], %swap3A_1285 {strides = array<i32>} : memref<32x128xf32, #tpu.memory_space<vmem>>, vector<1x16xf32>,
    %broadcast_in_dim3A_1286 = arith.constant 0.000000e+00 : f32
    %broadcast_in_dim3A_1287 = vector.broadcast %broadcast_in_dim3A_1286 : f32 to vector<16xf32>
    %swap3A_1288 = arith.constant 20 : i32
    %swap3A_1289 = arith.index_cast %swap3A_1288 : i32 to index
    %swap3A_1290 = arith.constant 16 : index
    %swap3A_1291 = tpu.vector_load %arg7[%swap3A_1289, %swap3A_1290] {strides = array<i32>} : memref<32x128xf32, #tpu.memory_space<vmem>>, vector<1x16xf32>,
    %swap3A_1292 = vector.shape_cast %swap3A_1291 : vector<1x16xf32> to vector<16xf32>
    %swap3A_1293 = vector.shape_cast %broadcast_in_dim3A_1287 : vector<16xf32> to vector<1x16xf32>
    tpu.vector_store %arg7[%swap3A_1289, %swap3A_1290], %swap3A_1293 {strides = array<i32>} : memref<32x128xf32, #tpu.memory_space<vmem>>, vector<1x16xf32>,
    %broadcast_in_dim3A_1294 = arith.constant 0.000000e+00 : f32
    %broadcast_in_dim3A_1295 = vector.broadcast %broadcast_in_dim3A_1294 : f32 to vector<16xf32>
    %swap3A_1296 = arith.constant 20 : i32
    %swap3A_1297 = arith.index_cast %swap3A_1296 : i32 to index
    %swap3A_1298 = arith.constant 32 : index
    %swap3A_1299 = tpu.vector_load %arg7[%swap3A_1297, %swap3A_1298] {strides = array<i32>} : memref<32x128xf32, #tpu.memory_space<vmem>>, vector<1x16xf32>,
    %swap3A_1300 = vector.shape_cast %swap3A_1299 : vector<1x16xf32> to vector<16xf32>
    %swap3A_1301 = vector.shape_cast %broadcast_in_dim3A_1295 : vector<16xf32> to vector<1x16xf32>
    tpu.vector_store %arg7[%swap3A_1297, %swap3A_1298], %swap3A_1301 {strides = array<i32>} : memref<32x128xf32, #tpu.memory_space<vmem>>, vector<1x16xf32>,
    %broadcast_in_dim3A_1302 = arith.constant 0.000000e+00 : f32
    %broadcast_in_dim3A_1303 = vector.broadcast %broadcast_in_dim3A_1302 : f32 to vector<16xf32>
    %swap3A_1304 = arith.constant 20 : i32
    %swap3A_1305 = arith.index_cast %swap3A_1304 : i32 to index
    %swap3A_1306 = arith.constant 48 : index
    %swap3A_1307 = tpu.vector_load %arg7[%swap3A_1305, %swap3A_1306] {strides = array<i32>} : memref<32x128xf32, #tpu.memory_space<vmem>>, vector<1x16xf32>,
    %swap3A_1308 = vector.shape_cast %swap3A_1307 : vector<1x16xf32> to vector<16xf32>
    %swap3A_1309 = vector.shape_cast %broadcast_in_dim3A_1303 : vector<16xf32> to vector<1x16xf32>
    tpu.vector_store %arg7[%swap3A_1305, %swap3A_1306], %swap3A_1309 {strides = array<i32>} : memref<32x128xf32, #tpu.memory_space<vmem>>, vector<1x16xf32>,
    %broadcast_in_dim3A_1310 = arith.constant 0.000000e+00 : f32
    %broadcast_in_dim3A_1311 = vector.broadcast %broadcast_in_dim3A_1310 : f32 to vector<16xf32>
    %swap3A_1312 = arith.constant 20 : i32
    %swap3A_1313 = arith.index_cast %swap3A_1312 : i32 to index
    %swap3A_1314 = arith.constant 64 : index
    %swap3A_1315 = tpu.vector_load %arg7[%swap3A_1313, %swap3A_1314] {strides = array<i32>} : memref<32x128xf32, #tpu.memory_space<vmem>>, vector<1x16xf32>,
    %swap3A_1316 = vector.shape_cast %swap3A_1315 : vector<1x16xf32> to vector<16xf32>
    %swap3A_1317 = vector.shape_cast %broadcast_in_dim3A_1311 : vector<16xf32> to vector<1x16xf32>
    tpu.vector_store %arg7[%swap3A_1313, %swap3A_1314], %swap3A_1317 {strides = array<i32>} : memref<32x128xf32, #tpu.memory_space<vmem>>, vector<1x16xf32>,
    %broadcast_in_dim3A_1318 = arith.constant 0.000000e+00 : f32
    %broadcast_in_dim3A_1319 = vector.broadcast %broadcast_in_dim3A_1318 : f32 to vector<16xf32>
    %swap3A_1320 = arith.constant 20 : i32
    %swap3A_1321 = arith.index_cast %swap3A_1320 : i32 to index
    %swap3A_1322 = arith.constant 80 : index
    %swap3A_1323 = tpu.vector_load %arg7[%swap3A_1321, %swap3A_1322] {strides = array<i32>} : memref<32x128xf32, #tpu.memory_space<vmem>>, vector<1x16xf32>,
    %swap3A_1324 = vector.shape_cast %swap3A_1323 : vector<1x16xf32> to vector<16xf32>
    %swap3A_1325 = vector.shape_cast %broadcast_in_dim3A_1319 : vector<16xf32> to vector<1x16xf32>
    tpu.vector_store %arg7[%swap3A_1321, %swap3A_1322], %swap3A_1325 {strides = array<i32>} : memref<32x128xf32, #tpu.memory_space<vmem>>, vector<1x16xf32>,
    %broadcast_in_dim3A_1326 = arith.constant 0.000000e+00 : f32
    %broadcast_in_dim3A_1327 = vector.broadcast %broadcast_in_dim3A_1326 : f32 to vector<16xf32>
    %swap3A_1328 = arith.constant 20 : i32
    %swap3A_1329 = arith.index_cast %swap3A_1328 : i32 to index
    %swap3A_1330 = arith.constant 96 : index
    %swap3A_1331 = tpu.vector_load %arg7[%swap3A_1329, %swap3A_1330] {strides = array<i32>} : memref<32x128xf32, #tpu.memory_space<vmem>>, vector<1x16xf32>,
    %swap3A_1332 = vector.shape_cast %swap3A_1331 : vector<1x16xf32> to vector<16xf32>
    %swap3A_1333 = vector.shape_cast %broadcast_in_dim3A_1327 : vector<16xf32> to vector<1x16xf32>
    tpu.vector_store %arg7[%swap3A_1329, %swap3A_1330], %swap3A_1333 {strides = array<i32>} : memref<32x128xf32, #tpu.memory_space<vmem>>, vector<1x16xf32>,
    %broadcast_in_dim3A_1334 = arith.constant 0.000000e+00 : f32
    %broadcast_in_dim3A_1335 = vector.broadcast %broadcast_in_dim3A_1334 : f32 to vector<16xf32>
    %swap3A_1336 = arith.constant 20 : i32
    %swap3A_1337 = arith.index_cast %swap3A_1336 : i32 to index
    %swap3A_1338 = arith.constant 112 : index
    %swap3A_1339 = tpu.vector_load %arg7[%swap3A_1337, %swap3A_1338] {strides = array<i32>} : memref<32x128xf32, #tpu.memory_space<vmem>>, vector<1x16xf32>,
    %swap3A_1340 = vector.shape_cast %swap3A_1339 : vector<1x16xf32> to vector<16xf32>
    %swap3A_1341 = vector.shape_cast %broadcast_in_dim3A_1335 : vector<16xf32> to vector<1x16xf32>
    tpu.vector_store %arg7[%swap3A_1337, %swap3A_1338], %swap3A_1341 {strides = array<i32>} : memref<32x128xf32, #tpu.memory_space<vmem>>, vector<1x16xf32>,
    %broadcast_in_dim3A_1342 = arith.constant 0.000000e+00 : f32
    %broadcast_in_dim3A_1343 = vector.broadcast %broadcast_in_dim3A_1342 : f32 to vector<16xf32>
    %swap3A_1344 = arith.constant 21 : i32
    %swap3A_1345 = arith.index_cast %swap3A_1344 : i32 to index
    %swap3A_1346 = arith.constant 0 : index
    %swap3A_1347 = tpu.vector_load %arg7[%swap3A_1345, %swap3A_1346] {strides = array<i32>} : memref<32x128xf32, #tpu.memory_space<vmem>>, vector<1x16xf32>,
    %swap3A_1348 = vector.shape_cast %swap3A_1347 : vector<1x16xf32> to vector<16xf32>
    %swap3A_1349 = vector.shape_cast %broadcast_in_dim3A_1343 : vector<16xf32> to vector<1x16xf32>
    tpu.vector_store %arg7[%swap3A_1345, %swap3A_1346], %swap3A_1349 {strides = array<i32>} : memref<32x128xf32, #tpu.memory_space<vmem>>, vector<1x16xf32>,
    %broadcast_in_dim3A_1350 = arith.constant 0.000000e+00 : f32
    %broadcast_in_dim3A_1351 = vector.broadcast %broadcast_in_dim3A_1350 : f32 to vector<16xf32>
    %swap3A_1352 = arith.constant 21 : i32
    %swap3A_1353 = arith.index_cast %swap3A_1352 : i32 to index
    %swap3A_1354 = arith.constant 16 : index
    %swap3A_1355 = tpu.vector_load %arg7[%swap3A_1353, %swap3A_1354] {strides = array<i32>} : memref<32x128xf32, #tpu.memory_space<vmem>>, vector<1x16xf32>,
    %swap3A_1356 = vector.shape_cast %swap3A_1355 : vector<1x16xf32> to vector<16xf32>
    %swap3A_1357 = vector.shape_cast %broadcast_in_dim3A_1351 : vector<16xf32> to vector<1x16xf32>
    tpu.vector_store %arg7[%swap3A_1353, %swap3A_1354], %swap3A_1357 {strides = array<i32>} : memref<32x128xf32, #tpu.memory_space<vmem>>, vector<1x16xf32>,
    %broadcast_in_dim3A_1358 = arith.constant 0.000000e+00 : f32
    %broadcast_in_dim3A_1359 = vector.broadcast %broadcast_in_dim3A_1358 : f32 to vector<16xf32>
    %swap3A_1360 = arith.constant 21 : i32
    %swap3A_1361 = arith.index_cast %swap3A_1360 : i32 to index
    %swap3A_1362 = arith.constant 32 : index
    %swap3A_1363 = tpu.vector_load %arg7[%swap3A_1361, %swap3A_1362] {strides = array<i32>} : memref<32x128xf32, #tpu.memory_space<vmem>>, vector<1x16xf32>,
    %swap3A_1364 = vector.shape_cast %swap3A_1363 : vector<1x16xf32> to vector<16xf32>
    %swap3A_1365 = vector.shape_cast %broadcast_in_dim3A_1359 : vector<16xf32> to vector<1x16xf32>
    tpu.vector_store %arg7[%swap3A_1361, %swap3A_1362], %swap3A_1365 {strides = array<i32>} : memref<32x128xf32, #tpu.memory_space<vmem>>, vector<1x16xf32>,
    %broadcast_in_dim3A_1366 = arith.constant 0.000000e+00 : f32
    %broadcast_in_dim3A_1367 = vector.broadcast %broadcast_in_dim3A_1366 : f32 to vector<16xf32>
    %swap3A_1368 = arith.constant 21 : i32
    %swap3A_1369 = arith.index_cast %swap3A_1368 : i32 to index
    %swap3A_1370 = arith.constant 48 : index
    %swap3A_1371 = tpu.vector_load %arg7[%swap3A_1369, %swap3A_1370] {strides = array<i32>} : memref<32x128xf32, #tpu.memory_space<vmem>>, vector<1x16xf32>,
    %swap3A_1372 = vector.shape_cast %swap3A_1371 : vector<1x16xf32> to vector<16xf32>
    %swap3A_1373 = vector.shape_cast %broadcast_in_dim3A_1367 : vector<16xf32> to vector<1x16xf32>
    tpu.vector_store %arg7[%swap3A_1369, %swap3A_1370], %swap3A_1373 {strides = array<i32>} : memref<32x128xf32, #tpu.memory_space<vmem>>, vector<1x16xf32>,
    %broadcast_in_dim3A_1374 = arith.constant 0.000000e+00 : f32
    %broadcast_in_dim3A_1375 = vector.broadcast %broadcast_in_dim3A_1374 : f32 to vector<16xf32>
    %swap3A_1376 = arith.constant 21 : i32
    %swap3A_1377 = arith.index_cast %swap3A_1376 : i32 to index
    %swap3A_1378 = arith.constant 64 : index
    %swap3A_1379 = tpu.vector_load %arg7[%swap3A_1377, %swap3A_1378] {strides = array<i32>} : memref<32x128xf32, #tpu.memory_space<vmem>>, vector<1x16xf32>,
    %swap3A_1380 = vector.shape_cast %swap3A_1379 : vector<1x16xf32> to vector<16xf32>
    %swap3A_1381 = vector.shape_cast %broadcast_in_dim3A_1375 : vector<16xf32> to vector<1x16xf32>
    tpu.vector_store %arg7[%swap3A_1377, %swap3A_1378], %swap3A_1381 {strides = array<i32>} : memref<32x128xf32, #tpu.memory_space<vmem>>, vector<1x16xf32>,
    %broadcast_in_dim3A_1382 = arith.constant 0.000000e+00 : f32
    %broadcast_in_dim3A_1383 = vector.broadcast %broadcast_in_dim3A_1382 : f32 to vector<16xf32>
    %swap3A_1384 = arith.constant 21 : i32
    %swap3A_1385 = arith.index_cast %swap3A_1384 : i32 to index
    %swap3A_1386 = arith.constant 80 : index
    %swap3A_1387 = tpu.vector_load %arg7[%swap3A_1385, %swap3A_1386] {strides = array<i32>} : memref<32x128xf32, #tpu.memory_space<vmem>>, vector<1x16xf32>,
    %swap3A_1388 = vector.shape_cast %swap3A_1387 : vector<1x16xf32> to vector<16xf32>
    %swap3A_1389 = vector.shape_cast %broadcast_in_dim3A_1383 : vector<16xf32> to vector<1x16xf32>
    tpu.vector_store %arg7[%swap3A_1385, %swap3A_1386], %swap3A_1389 {strides = array<i32>} : memref<32x128xf32, #tpu.memory_space<vmem>>, vector<1x16xf32>,
    %broadcast_in_dim3A_1390 = arith.constant 0.000000e+00 : f32
    %broadcast_in_dim3A_1391 = vector.broadcast %broadcast_in_dim3A_1390 : f32 to vector<16xf32>
    %swap3A_1392 = arith.constant 21 : i32
    %swap3A_1393 = arith.index_cast %swap3A_1392 : i32 to index
    %swap3A_1394 = arith.constant 96 : index
    %swap3A_1395 = tpu.vector_load %arg7[%swap3A_1393, %swap3A_1394] {strides = array<i32>} : memref<32x128xf32, #tpu.memory_space<vmem>>, vector<1x16xf32>,
    %swap3A_1396 = vector.shape_cast %swap3A_1395 : vector<1x16xf32> to vector<16xf32>
    %swap3A_1397 = vector.shape_cast %broadcast_in_dim3A_1391 : vector<16xf32> to vector<1x16xf32>
    tpu.vector_store %arg7[%swap3A_1393, %swap3A_1394], %swap3A_1397 {strides = array<i32>} : memref<32x128xf32, #tpu.memory_space<vmem>>, vector<1x16xf32>,
    %broadcast_in_dim3A_1398 = arith.constant 0.000000e+00 : f32
    %broadcast_in_dim3A_1399 = vector.broadcast %broadcast_in_dim3A_1398 : f32 to vector<16xf32>
    %swap3A_1400 = arith.constant 21 : i32
    %swap3A_1401 = arith.index_cast %swap3A_1400 : i32 to index
    %swap3A_1402 = arith.constant 112 : index
    %swap3A_1403 = tpu.vector_load %arg7[%swap3A_1401, %swap3A_1402] {strides = array<i32>} : memref<32x128xf32, #tpu.memory_space<vmem>>, vector<1x16xf32>,
    %swap3A_1404 = vector.shape_cast %swap3A_1403 : vector<1x16xf32> to vector<16xf32>
    %swap3A_1405 = vector.shape_cast %broadcast_in_dim3A_1399 : vector<16xf32> to vector<1x16xf32>
    tpu.vector_store %arg7[%swap3A_1401, %swap3A_1402], %swap3A_1405 {strides = array<i32>} : memref<32x128xf32, #tpu.memory_space<vmem>>, vector<1x16xf32>,
    %broadcast_in_dim3A_1406 = arith.constant 0.000000e+00 : f32
    %broadcast_in_dim3A_1407 = vector.broadcast %broadcast_in_dim3A_1406 : f32 to vector<16xf32>
    %swap3A_1408 = arith.constant 22 : i32
    %swap3A_1409 = arith.index_cast %swap3A_1408 : i32 to index
    %swap3A_1410 = arith.constant 0 : index
    %swap3A_1411 = tpu.vector_load %arg7[%swap3A_1409, %swap3A_1410] {strides = array<i32>} : memref<32x128xf32, #tpu.memory_space<vmem>>, vector<1x16xf32>,
    %swap3A_1412 = vector.shape_cast %swap3A_1411 : vector<1x16xf32> to vector<16xf32>
    %swap3A_1413 = vector.shape_cast %broadcast_in_dim3A_1407 : vector<16xf32> to vector<1x16xf32>
    tpu.vector_store %arg7[%swap3A_1409, %swap3A_1410], %swap3A_1413 {strides = array<i32>} : memref<32x128xf32, #tpu.memory_space<vmem>>, vector<1x16xf32>,
    %broadcast_in_dim3A_1414 = arith.constant 0.000000e+00 : f32
    %broadcast_in_dim3A_1415 = vector.broadcast %broadcast_in_dim3A_1414 : f32 to vector<16xf32>
    %swap3A_1416 = arith.constant 22 : i32
    %swap3A_1417 = arith.index_cast %swap3A_1416 : i32 to index
    %swap3A_1418 = arith.constant 16 : index
    %swap3A_1419 = tpu.vector_load %arg7[%swap3A_1417, %swap3A_1418] {strides = array<i32>} : memref<32x128xf32, #tpu.memory_space<vmem>>, vector<1x16xf32>,
    %swap3A_1420 = vector.shape_cast %swap3A_1419 : vector<1x16xf32> to vector<16xf32>
    %swap3A_1421 = vector.shape_cast %broadcast_in_dim3A_1415 : vector<16xf32> to vector<1x16xf32>
    tpu.vector_store %arg7[%swap3A_1417, %swap3A_1418], %swap3A_1421 {strides = array<i32>} : memref<32x128xf32, #tpu.memory_space<vmem>>, vector<1x16xf32>,
    %broadcast_in_dim3A_1422 = arith.constant 0.000000e+00 : f32
    %broadcast_in_dim3A_1423 = vector.broadcast %broadcast_in_dim3A_1422 : f32 to vector<16xf32>
    %swap3A_1424 = arith.constant 22 : i32
    %swap3A_1425 = arith.index_cast %swap3A_1424 : i32 to index
    %swap3A_1426 = arith.constant 32 : index
    %swap3A_1427 = tpu.vector_load %arg7[%swap3A_1425, %swap3A_1426] {strides = array<i32>} : memref<32x128xf32, #tpu.memory_space<vmem>>, vector<1x16xf32>,
    %swap3A_1428 = vector.shape_cast %swap3A_1427 : vector<1x16xf32> to vector<16xf32>
    %swap3A_1429 = vector.shape_cast %broadcast_in_dim3A_1423 : vector<16xf32> to vector<1x16xf32>
    tpu.vector_store %arg7[%swap3A_1425, %swap3A_1426], %swap3A_1429 {strides = array<i32>} : memref<32x128xf32, #tpu.memory_space<vmem>>, vector<1x16xf32>,
    %broadcast_in_dim3A_1430 = arith.constant 0.000000e+00 : f32
    %broadcast_in_dim3A_1431 = vector.broadcast %broadcast_in_dim3A_1430 : f32 to vector<16xf32>
    %swap3A_1432 = arith.constant 22 : i32
    %swap3A_1433 = arith.index_cast %swap3A_1432 : i32 to index
    %swap3A_1434 = arith.constant 48 : index
    %swap3A_1435 = tpu.vector_load %arg7[%swap3A_1433, %swap3A_1434] {strides = array<i32>} : memref<32x128xf32, #tpu.memory_space<vmem>>, vector<1x16xf32>,
    %swap3A_1436 = vector.shape_cast %swap3A_1435 : vector<1x16xf32> to vector<16xf32>
    %swap3A_1437 = vector.shape_cast %broadcast_in_dim3A_1431 : vector<16xf32> to vector<1x16xf32>
    tpu.vector_store %arg7[%swap3A_1433, %swap3A_1434], %swap3A_1437 {strides = array<i32>} : memref<32x128xf32, #tpu.memory_space<vmem>>, vector<1x16xf32>,
    %broadcast_in_dim3A_1438 = arith.constant 0.000000e+00 : f32
    %broadcast_in_dim3A_1439 = vector.broadcast %broadcast_in_dim3A_1438 : f32 to vector<16xf32>
    %swap3A_1440 = arith.constant 22 : i32
    %swap3A_1441 = arith.index_cast %swap3A_1440 : i32 to index
    %swap3A_1442 = arith.constant 64 : index
    %swap3A_1443 = tpu.vector_load %arg7[%swap3A_1441, %swap3A_1442] {strides = array<i32>} : memref<32x128xf32, #tpu.memory_space<vmem>>, vector<1x16xf32>,
    %swap3A_1444 = vector.shape_cast %swap3A_1443 : vector<1x16xf32> to vector<16xf32>
    %swap3A_1445 = vector.shape_cast %broadcast_in_dim3A_1439 : vector<16xf32> to vector<1x16xf32>
    tpu.vector_store %arg7[%swap3A_1441, %swap3A_1442], %swap3A_1445 {strides = array<i32>} : memref<32x128xf32, #tpu.memory_space<vmem>>, vector<1x16xf32>,
    %broadcast_in_dim3A_1446 = arith.constant 0.000000e+00 : f32
    %broadcast_in_dim3A_1447 = vector.broadcast %broadcast_in_dim3A_1446 : f32 to vector<16xf32>
    %swap3A_1448 = arith.constant 22 : i32
    %swap3A_1449 = arith.index_cast %swap3A_1448 : i32 to index
    %swap3A_1450 = arith.constant 80 : index
    %swap3A_1451 = tpu.vector_load %arg7[%swap3A_1449, %swap3A_1450] {strides = array<i32>} : memref<32x128xf32, #tpu.memory_space<vmem>>, vector<1x16xf32>,
    %swap3A_1452 = vector.shape_cast %swap3A_1451 : vector<1x16xf32> to vector<16xf32>
    %swap3A_1453 = vector.shape_cast %broadcast_in_dim3A_1447 : vector<16xf32> to vector<1x16xf32>
    tpu.vector_store %arg7[%swap3A_1449, %swap3A_1450], %swap3A_1453 {strides = array<i32>} : memref<32x128xf32, #tpu.memory_space<vmem>>, vector<1x16xf32>,
    %broadcast_in_dim3A_1454 = arith.constant 0.000000e+00 : f32
    %broadcast_in_dim3A_1455 = vector.broadcast %broadcast_in_dim3A_1454 : f32 to vector<16xf32>
    %swap3A_1456 = arith.constant 22 : i32
    %swap3A_1457 = arith.index_cast %swap3A_1456 : i32 to index
    %swap3A_1458 = arith.constant 96 : index
    %swap3A_1459 = tpu.vector_load %arg7[%swap3A_1457, %swap3A_1458] {strides = array<i32>} : memref<32x128xf32, #tpu.memory_space<vmem>>, vector<1x16xf32>,
    %swap3A_1460 = vector.shape_cast %swap3A_1459 : vector<1x16xf32> to vector<16xf32>
    %swap3A_1461 = vector.shape_cast %broadcast_in_dim3A_1455 : vector<16xf32> to vector<1x16xf32>
    tpu.vector_store %arg7[%swap3A_1457, %swap3A_1458], %swap3A_1461 {strides = array<i32>} : memref<32x128xf32, #tpu.memory_space<vmem>>, vector<1x16xf32>,
    %broadcast_in_dim3A_1462 = arith.constant 0.000000e+00 : f32
    %broadcast_in_dim3A_1463 = vector.broadcast %broadcast_in_dim3A_1462 : f32 to vector<16xf32>
    %swap3A_1464 = arith.constant 22 : i32
    %swap3A_1465 = arith.index_cast %swap3A_1464 : i32 to index
    %swap3A_1466 = arith.constant 112 : index
    %swap3A_1467 = tpu.vector_load %arg7[%swap3A_1465, %swap3A_1466] {strides = array<i32>} : memref<32x128xf32, #tpu.memory_space<vmem>>, vector<1x16xf32>,
    %swap3A_1468 = vector.shape_cast %swap3A_1467 : vector<1x16xf32> to vector<16xf32>
    %swap3A_1469 = vector.shape_cast %broadcast_in_dim3A_1463 : vector<16xf32> to vector<1x16xf32>
    tpu.vector_store %arg7[%swap3A_1465, %swap3A_1466], %swap3A_1469 {strides = array<i32>} : memref<32x128xf32, #tpu.memory_space<vmem>>, vector<1x16xf32>,
    %broadcast_in_dim3A_1470 = arith.constant 0.000000e+00 : f32
    %broadcast_in_dim3A_1471 = vector.broadcast %broadcast_in_dim3A_1470 : f32 to vector<16xf32>
    %swap3A_1472 = arith.constant 23 : i32
    %swap3A_1473 = arith.index_cast %swap3A_1472 : i32 to index
    %swap3A_1474 = arith.constant 0 : index
    %swap3A_1475 = tpu.vector_load %arg7[%swap3A_1473, %swap3A_1474] {strides = array<i32>} : memref<32x128xf32, #tpu.memory_space<vmem>>, vector<1x16xf32>,
    %swap3A_1476 = vector.shape_cast %swap3A_1475 : vector<1x16xf32> to vector<16xf32>
    %swap3A_1477 = vector.shape_cast %broadcast_in_dim3A_1471 : vector<16xf32> to vector<1x16xf32>
    tpu.vector_store %arg7[%swap3A_1473, %swap3A_1474], %swap3A_1477 {strides = array<i32>} : memref<32x128xf32, #tpu.memory_space<vmem>>, vector<1x16xf32>,
    %broadcast_in_dim3A_1478 = arith.constant 0.000000e+00 : f32
    %broadcast_in_dim3A_1479 = vector.broadcast %broadcast_in_dim3A_1478 : f32 to vector<16xf32>
    %swap3A_1480 = arith.constant 23 : i32
    %swap3A_1481 = arith.index_cast %swap3A_1480 : i32 to index
    %swap3A_1482 = arith.constant 16 : index
    %swap3A_1483 = tpu.vector_load %arg7[%swap3A_1481, %swap3A_1482] {strides = array<i32>} : memref<32x128xf32, #tpu.memory_space<vmem>>, vector<1x16xf32>,
    %swap3A_1484 = vector.shape_cast %swap3A_1483 : vector<1x16xf32> to vector<16xf32>
    %swap3A_1485 = vector.shape_cast %broadcast_in_dim3A_1479 : vector<16xf32> to vector<1x16xf32>
    tpu.vector_store %arg7[%swap3A_1481, %swap3A_1482], %swap3A_1485 {strides = array<i32>} : memref<32x128xf32, #tpu.memory_space<vmem>>, vector<1x16xf32>,
    %broadcast_in_dim3A_1486 = arith.constant 0.000000e+00 : f32
    %broadcast_in_dim3A_1487 = vector.broadcast %broadcast_in_dim3A_1486 : f32 to vector<16xf32>
    %swap3A_1488 = arith.constant 23 : i32
    %swap3A_1489 = arith.index_cast %swap3A_1488 : i32 to index
    %swap3A_1490 = arith.constant 32 : index
    %swap3A_1491 = tpu.vector_load %arg7[%swap3A_1489, %swap3A_1490] {strides = array<i32>} : memref<32x128xf32, #tpu.memory_space<vmem>>, vector<1x16xf32>,
    %swap3A_1492 = vector.shape_cast %swap3A_1491 : vector<1x16xf32> to vector<16xf32>
    %swap3A_1493 = vector.shape_cast %broadcast_in_dim3A_1487 : vector<16xf32> to vector<1x16xf32>
    tpu.vector_store %arg7[%swap3A_1489, %swap3A_1490], %swap3A_1493 {strides = array<i32>} : memref<32x128xf32, #tpu.memory_space<vmem>>, vector<1x16xf32>,
    %broadcast_in_dim3A_1494 = arith.constant 0.000000e+00 : f32
    %broadcast_in_dim3A_1495 = vector.broadcast %broadcast_in_dim3A_1494 : f32 to vector<16xf32>
    %swap3A_1496 = arith.constant 23 : i32
    %swap3A_1497 = arith.index_cast %swap3A_1496 : i32 to index
    %swap3A_1498 = arith.constant 48 : index
    %swap3A_1499 = tpu.vector_load %arg7[%swap3A_1497, %swap3A_1498] {strides = array<i32>} : memref<32x128xf32, #tpu.memory_space<vmem>>, vector<1x16xf32>,
    %swap3A_1500 = vector.shape_cast %swap3A_1499 : vector<1x16xf32> to vector<16xf32>
    %swap3A_1501 = vector.shape_cast %broadcast_in_dim3A_1495 : vector<16xf32> to vector<1x16xf32>
    tpu.vector_store %arg7[%swap3A_1497, %swap3A_1498], %swap3A_1501 {strides = array<i32>} : memref<32x128xf32, #tpu.memory_space<vmem>>, vector<1x16xf32>,
    %broadcast_in_dim3A_1502 = arith.constant 0.000000e+00 : f32
    %broadcast_in_dim3A_1503 = vector.broadcast %broadcast_in_dim3A_1502 : f32 to vector<16xf32>
    %swap3A_1504 = arith.constant 23 : i32
    %swap3A_1505 = arith.index_cast %swap3A_1504 : i32 to index
    %swap3A_1506 = arith.constant 64 : index
    %swap3A_1507 = tpu.vector_load %arg7[%swap3A_1505, %swap3A_1506] {strides = array<i32>} : memref<32x128xf32, #tpu.memory_space<vmem>>, vector<1x16xf32>,
    %swap3A_1508 = vector.shape_cast %swap3A_1507 : vector<1x16xf32> to vector<16xf32>
    %swap3A_1509 = vector.shape_cast %broadcast_in_dim3A_1503 : vector<16xf32> to vector<1x16xf32>
    tpu.vector_store %arg7[%swap3A_1505, %swap3A_1506], %swap3A_1509 {strides = array<i32>} : memref<32x128xf32, #tpu.memory_space<vmem>>, vector<1x16xf32>,
    %broadcast_in_dim3A_1510 = arith.constant 0.000000e+00 : f32
    %broadcast_in_dim3A_1511 = vector.broadcast %broadcast_in_dim3A_1510 : f32 to vector<16xf32>
    %swap3A_1512 = arith.constant 23 : i32
    %swap3A_1513 = arith.index_cast %swap3A_1512 : i32 to index
    %swap3A_1514 = arith.constant 80 : index
    %swap3A_1515 = tpu.vector_load %arg7[%swap3A_1513, %swap3A_1514] {strides = array<i32>} : memref<32x128xf32, #tpu.memory_space<vmem>>, vector<1x16xf32>,
    %swap3A_1516 = vector.shape_cast %swap3A_1515 : vector<1x16xf32> to vector<16xf32>
    %swap3A_1517 = vector.shape_cast %broadcast_in_dim3A_1511 : vector<16xf32> to vector<1x16xf32>
    tpu.vector_store %arg7[%swap3A_1513, %swap3A_1514], %swap3A_1517 {strides = array<i32>} : memref<32x128xf32, #tpu.memory_space<vmem>>, vector<1x16xf32>,
    %broadcast_in_dim3A_1518 = arith.constant 0.000000e+00 : f32
    %broadcast_in_dim3A_1519 = vector.broadcast %broadcast_in_dim3A_1518 : f32 to vector<16xf32>
    %swap3A_1520 = arith.constant 23 : i32
    %swap3A_1521 = arith.index_cast %swap3A_1520 : i32 to index
    %swap3A_1522 = arith.constant 96 : index
    %swap3A_1523 = tpu.vector_load %arg7[%swap3A_1521, %swap3A_1522] {strides = array<i32>} : memref<32x128xf32, #tpu.memory_space<vmem>>, vector<1x16xf32>,
    %swap3A_1524 = vector.shape_cast %swap3A_1523 : vector<1x16xf32> to vector<16xf32>
    %swap3A_1525 = vector.shape_cast %broadcast_in_dim3A_1519 : vector<16xf32> to vector<1x16xf32>
    tpu.vector_store %arg7[%swap3A_1521, %swap3A_1522], %swap3A_1525 {strides = array<i32>} : memref<32x128xf32, #tpu.memory_space<vmem>>, vector<1x16xf32>,
    %broadcast_in_dim3A_1526 = arith.constant 0.000000e+00 : f32
    %broadcast_in_dim3A_1527 = vector.broadcast %broadcast_in_dim3A_1526 : f32 to vector<16xf32>
    %swap3A_1528 = arith.constant 23 : i32
    %swap3A_1529 = arith.index_cast %swap3A_1528 : i32 to index
    %swap3A_1530 = arith.constant 112 : index
    %swap3A_1531 = tpu.vector_load %arg7[%swap3A_1529, %swap3A_1530] {strides = array<i32>} : memref<32x128xf32, #tpu.memory_space<vmem>>, vector<1x16xf32>,
    %swap3A_1532 = vector.shape_cast %swap3A_1531 : vector<1x16xf32> to vector<16xf32>
    %swap3A_1533 = vector.shape_cast %broadcast_in_dim3A_1527 : vector<16xf32> to vector<1x16xf32>
    tpu.vector_store %arg7[%swap3A_1529, %swap3A_1530], %swap3A_1533 {strides = array<i32>} : memref<32x128xf32, #tpu.memory_space<vmem>>, vector<1x16xf32>,
    %broadcast_in_dim3A_1534 = arith.constant 0.000000e+00 : f32
    %broadcast_in_dim3A_1535 = vector.broadcast %broadcast_in_dim3A_1534 : f32 to vector<16xf32>
    %swap3A_1536 = arith.constant 24 : i32
    %swap3A_1537 = arith.index_cast %swap3A_1536 : i32 to index
    %swap3A_1538 = arith.constant 0 : index
    %swap3A_1539 = tpu.vector_load %arg7[%swap3A_1537, %swap3A_1538] {strides = array<i32>} : memref<32x128xf32, #tpu.memory_space<vmem>>, vector<1x16xf32>,
    %swap3A_1540 = vector.shape_cast %swap3A_1539 : vector<1x16xf32> to vector<16xf32>
    %swap3A_1541 = vector.shape_cast %broadcast_in_dim3A_1535 : vector<16xf32> to vector<1x16xf32>
    tpu.vector_store %arg7[%swap3A_1537, %swap3A_1538], %swap3A_1541 {strides = array<i32>} : memref<32x128xf32, #tpu.memory_space<vmem>>, vector<1x16xf32>,
    %broadcast_in_dim3A_1542 = arith.constant 0.000000e+00 : f32
    %broadcast_in_dim3A_1543 = vector.broadcast %broadcast_in_dim3A_1542 : f32 to vector<16xf32>
    %swap3A_1544 = arith.constant 24 : i32
    %swap3A_1545 = arith.index_cast %swap3A_1544 : i32 to index
    %swap3A_1546 = arith.constant 16 : index
    %swap3A_1547 = tpu.vector_load %arg7[%swap3A_1545, %swap3A_1546] {strides = array<i32>} : memref<32x128xf32, #tpu.memory_space<vmem>>, vector<1x16xf32>,
    %swap3A_1548 = vector.shape_cast %swap3A_1547 : vector<1x16xf32> to vector<16xf32>
    %swap3A_1549 = vector.shape_cast %broadcast_in_dim3A_1543 : vector<16xf32> to vector<1x16xf32>
    tpu.vector_store %arg7[%swap3A_1545, %swap3A_1546], %swap3A_1549 {strides = array<i32>} : memref<32x128xf32, #tpu.memory_space<vmem>>, vector<1x16xf32>,
    %broadcast_in_dim3A_1550 = arith.constant 0.000000e+00 : f32
    %broadcast_in_dim3A_1551 = vector.broadcast %broadcast_in_dim3A_1550 : f32 to vector<16xf32>
    %swap3A_1552 = arith.constant 24 : i32
    %swap3A_1553 = arith.index_cast %swap3A_1552 : i32 to index
    %swap3A_1554 = arith.constant 32 : index
    %swap3A_1555 = tpu.vector_load %arg7[%swap3A_1553, %swap3A_1554] {strides = array<i32>} : memref<32x128xf32, #tpu.memory_space<vmem>>, vector<1x16xf32>,
    %swap3A_1556 = vector.shape_cast %swap3A_1555 : vector<1x16xf32> to vector<16xf32>
    %swap3A_1557 = vector.shape_cast %broadcast_in_dim3A_1551 : vector<16xf32> to vector<1x16xf32>
    tpu.vector_store %arg7[%swap3A_1553, %swap3A_1554], %swap3A_1557 {strides = array<i32>} : memref<32x128xf32, #tpu.memory_space<vmem>>, vector<1x16xf32>,
    %broadcast_in_dim3A_1558 = arith.constant 0.000000e+00 : f32
    %broadcast_in_dim3A_1559 = vector.broadcast %broadcast_in_dim3A_1558 : f32 to vector<16xf32>
    %swap3A_1560 = arith.constant 24 : i32
    %swap3A_1561 = arith.index_cast %swap3A_1560 : i32 to index
    %swap3A_1562 = arith.constant 48 : index
    %swap3A_1563 = tpu.vector_load %arg7[%swap3A_1561, %swap3A_1562] {strides = array<i32>} : memref<32x128xf32, #tpu.memory_space<vmem>>, vector<1x16xf32>,
    %swap3A_1564 = vector.shape_cast %swap3A_1563 : vector<1x16xf32> to vector<16xf32>
    %swap3A_1565 = vector.shape_cast %broadcast_in_dim3A_1559 : vector<16xf32> to vector<1x16xf32>
    tpu.vector_store %arg7[%swap3A_1561, %swap3A_1562], %swap3A_1565 {strides = array<i32>} : memref<32x128xf32, #tpu.memory_space<vmem>>, vector<1x16xf32>,
    %broadcast_in_dim3A_1566 = arith.constant 0.000000e+00 : f32
    %broadcast_in_dim3A_1567 = vector.broadcast %broadcast_in_dim3A_1566 : f32 to vector<16xf32>
    %swap3A_1568 = arith.constant 24 : i32
    %swap3A_1569 = arith.index_cast %swap3A_1568 : i32 to index
    %swap3A_1570 = arith.constant 64 : index
    %swap3A_1571 = tpu.vector_load %arg7[%swap3A_1569, %swap3A_1570] {strides = array<i32>} : memref<32x128xf32, #tpu.memory_space<vmem>>, vector<1x16xf32>,
    %swap3A_1572 = vector.shape_cast %swap3A_1571 : vector<1x16xf32> to vector<16xf32>
    %swap3A_1573 = vector.shape_cast %broadcast_in_dim3A_1567 : vector<16xf32> to vector<1x16xf32>
    tpu.vector_store %arg7[%swap3A_1569, %swap3A_1570], %swap3A_1573 {strides = array<i32>} : memref<32x128xf32, #tpu.memory_space<vmem>>, vector<1x16xf32>,
    %broadcast_in_dim3A_1574 = arith.constant 0.000000e+00 : f32
    %broadcast_in_dim3A_1575 = vector.broadcast %broadcast_in_dim3A_1574 : f32 to vector<16xf32>
    %swap3A_1576 = arith.constant 24 : i32
    %swap3A_1577 = arith.index_cast %swap3A_1576 : i32 to index
    %swap3A_1578 = arith.constant 80 : index
    %swap3A_1579 = tpu.vector_load %arg7[%swap3A_1577, %swap3A_1578] {strides = array<i32>} : memref<32x128xf32, #tpu.memory_space<vmem>>, vector<1x16xf32>,
    %swap3A_1580 = vector.shape_cast %swap3A_1579 : vector<1x16xf32> to vector<16xf32>
    %swap3A_1581 = vector.shape_cast %broadcast_in_dim3A_1575 : vector<16xf32> to vector<1x16xf32>
    tpu.vector_store %arg7[%swap3A_1577, %swap3A_1578], %swap3A_1581 {strides = array<i32>} : memref<32x128xf32, #tpu.memory_space<vmem>>, vector<1x16xf32>,
    %broadcast_in_dim3A_1582 = arith.constant 0.000000e+00 : f32
    %broadcast_in_dim3A_1583 = vector.broadcast %broadcast_in_dim3A_1582 : f32 to vector<16xf32>
    %swap3A_1584 = arith.constant 24 : i32
    %swap3A_1585 = arith.index_cast %swap3A_1584 : i32 to index
    %swap3A_1586 = arith.constant 96 : index
    %swap3A_1587 = tpu.vector_load %arg7[%swap3A_1585, %swap3A_1586] {strides = array<i32>} : memref<32x128xf32, #tpu.memory_space<vmem>>, vector<1x16xf32>,
    %swap3A_1588 = vector.shape_cast %swap3A_1587 : vector<1x16xf32> to vector<16xf32>
    %swap3A_1589 = vector.shape_cast %broadcast_in_dim3A_1583 : vector<16xf32> to vector<1x16xf32>
    tpu.vector_store %arg7[%swap3A_1585, %swap3A_1586], %swap3A_1589 {strides = array<i32>} : memref<32x128xf32, #tpu.memory_space<vmem>>, vector<1x16xf32>,
    %broadcast_in_dim3A_1590 = arith.constant 0.000000e+00 : f32
    %broadcast_in_dim3A_1591 = vector.broadcast %broadcast_in_dim3A_1590 : f32 to vector<16xf32>
    %swap3A_1592 = arith.constant 24 : i32
    %swap3A_1593 = arith.index_cast %swap3A_1592 : i32 to index
    %swap3A_1594 = arith.constant 112 : index
    %swap3A_1595 = tpu.vector_load %arg7[%swap3A_1593, %swap3A_1594] {strides = array<i32>} : memref<32x128xf32, #tpu.memory_space<vmem>>, vector<1x16xf32>,
    %swap3A_1596 = vector.shape_cast %swap3A_1595 : vector<1x16xf32> to vector<16xf32>
    %swap3A_1597 = vector.shape_cast %broadcast_in_dim3A_1591 : vector<16xf32> to vector<1x16xf32>
    tpu.vector_store %arg7[%swap3A_1593, %swap3A_1594], %swap3A_1597 {strides = array<i32>} : memref<32x128xf32, #tpu.memory_space<vmem>>, vector<1x16xf32>,
    %broadcast_in_dim3A_1598 = arith.constant 0.000000e+00 : f32
    %broadcast_in_dim3A_1599 = vector.broadcast %broadcast_in_dim3A_1598 : f32 to vector<16xf32>
    %swap3A_1600 = arith.constant 25 : i32
    %swap3A_1601 = arith.index_cast %swap3A_1600 : i32 to index
    %swap3A_1602 = arith.constant 0 : index
    %swap3A_1603 = tpu.vector_load %arg7[%swap3A_1601, %swap3A_1602] {strides = array<i32>} : memref<32x128xf32, #tpu.memory_space<vmem>>, vector<1x16xf32>,
    %swap3A_1604 = vector.shape_cast %swap3A_1603 : vector<1x16xf32> to vector<16xf32>
    %swap3A_1605 = vector.shape_cast %broadcast_in_dim3A_1599 : vector<16xf32> to vector<1x16xf32>
    tpu.vector_store %arg7[%swap3A_1601, %swap3A_1602], %swap3A_1605 {strides = array<i32>} : memref<32x128xf32, #tpu.memory_space<vmem>>, vector<1x16xf32>,
    %broadcast_in_dim3A_1606 = arith.constant 0.000000e+00 : f32
    %broadcast_in_dim3A_1607 = vector.broadcast %broadcast_in_dim3A_1606 : f32 to vector<16xf32>
    %swap3A_1608 = arith.constant 25 : i32
    %swap3A_1609 = arith.index_cast %swap3A_1608 : i32 to index
    %swap3A_1610 = arith.constant 16 : index
    %swap3A_1611 = tpu.vector_load %arg7[%swap3A_1609, %swap3A_1610] {strides = array<i32>} : memref<32x128xf32, #tpu.memory_space<vmem>>, vector<1x16xf32>,
    %swap3A_1612 = vector.shape_cast %swap3A_1611 : vector<1x16xf32> to vector<16xf32>
    %swap3A_1613 = vector.shape_cast %broadcast_in_dim3A_1607 : vector<16xf32> to vector<1x16xf32>
    tpu.vector_store %arg7[%swap3A_1609, %swap3A_1610], %swap3A_1613 {strides = array<i32>} : memref<32x128xf32, #tpu.memory_space<vmem>>, vector<1x16xf32>,
    %broadcast_in_dim3A_1614 = arith.constant 0.000000e+00 : f32
    %broadcast_in_dim3A_1615 = vector.broadcast %broadcast_in_dim3A_1614 : f32 to vector<16xf32>
    %swap3A_1616 = arith.constant 25 : i32
    %swap3A_1617 = arith.index_cast %swap3A_1616 : i32 to index
    %swap3A_1618 = arith.constant 32 : index
    %swap3A_1619 = tpu.vector_load %arg7[%swap3A_1617, %swap3A_1618] {strides = array<i32>} : memref<32x128xf32, #tpu.memory_space<vmem>>, vector<1x16xf32>,
    %swap3A_1620 = vector.shape_cast %swap3A_1619 : vector<1x16xf32> to vector<16xf32>
    %swap3A_1621 = vector.shape_cast %broadcast_in_dim3A_1615 : vector<16xf32> to vector<1x16xf32>
    tpu.vector_store %arg7[%swap3A_1617, %swap3A_1618], %swap3A_1621 {strides = array<i32>} : memref<32x128xf32, #tpu.memory_space<vmem>>, vector<1x16xf32>,
    %broadcast_in_dim3A_1622 = arith.constant 0.000000e+00 : f32
    %broadcast_in_dim3A_1623 = vector.broadcast %broadcast_in_dim3A_1622 : f32 to vector<16xf32>
    %swap3A_1624 = arith.constant 25 : i32
    %swap3A_1625 = arith.index_cast %swap3A_1624 : i32 to index
    %swap3A_1626 = arith.constant 48 : index
    %swap3A_1627 = tpu.vector_load %arg7[%swap3A_1625, %swap3A_1626] {strides = array<i32>} : memref<32x128xf32, #tpu.memory_space<vmem>>, vector<1x16xf32>,
    %swap3A_1628 = vector.shape_cast %swap3A_1627 : vector<1x16xf32> to vector<16xf32>
    %swap3A_1629 = vector.shape_cast %broadcast_in_dim3A_1623 : vector<16xf32> to vector<1x16xf32>
    tpu.vector_store %arg7[%swap3A_1625, %swap3A_1626], %swap3A_1629 {strides = array<i32>} : memref<32x128xf32, #tpu.memory_space<vmem>>, vector<1x16xf32>,
    %broadcast_in_dim3A_1630 = arith.constant 0.000000e+00 : f32
    %broadcast_in_dim3A_1631 = vector.broadcast %broadcast_in_dim3A_1630 : f32 to vector<16xf32>
    %swap3A_1632 = arith.constant 25 : i32
    %swap3A_1633 = arith.index_cast %swap3A_1632 : i32 to index
    %swap3A_1634 = arith.constant 64 : index
    %swap3A_1635 = tpu.vector_load %arg7[%swap3A_1633, %swap3A_1634] {strides = array<i32>} : memref<32x128xf32, #tpu.memory_space<vmem>>, vector<1x16xf32>,
    %swap3A_1636 = vector.shape_cast %swap3A_1635 : vector<1x16xf32> to vector<16xf32>
    %swap3A_1637 = vector.shape_cast %broadcast_in_dim3A_1631 : vector<16xf32> to vector<1x16xf32>
    tpu.vector_store %arg7[%swap3A_1633, %swap3A_1634], %swap3A_1637 {strides = array<i32>} : memref<32x128xf32, #tpu.memory_space<vmem>>, vector<1x16xf32>,
    %broadcast_in_dim3A_1638 = arith.constant 0.000000e+00 : f32
    %broadcast_in_dim3A_1639 = vector.broadcast %broadcast_in_dim3A_1638 : f32 to vector<16xf32>
    %swap3A_1640 = arith.constant 25 : i32
    %swap3A_1641 = arith.index_cast %swap3A_1640 : i32 to index
    %swap3A_1642 = arith.constant 80 : index
    %swap3A_1643 = tpu.vector_load %arg7[%swap3A_1641, %swap3A_1642] {strides = array<i32>} : memref<32x128xf32, #tpu.memory_space<vmem>>, vector<1x16xf32>,
    %swap3A_1644 = vector.shape_cast %swap3A_1643 : vector<1x16xf32> to vector<16xf32>
    %swap3A_1645 = vector.shape_cast %broadcast_in_dim3A_1639 : vector<16xf32> to vector<1x16xf32>
    tpu.vector_store %arg7[%swap3A_1641, %swap3A_1642], %swap3A_1645 {strides = array<i32>} : memref<32x128xf32, #tpu.memory_space<vmem>>, vector<1x16xf32>,
    %broadcast_in_dim3A_1646 = arith.constant 0.000000e+00 : f32
    %broadcast_in_dim3A_1647 = vector.broadcast %broadcast_in_dim3A_1646 : f32 to vector<16xf32>
    %swap3A_1648 = arith.constant 25 : i32
    %swap3A_1649 = arith.index_cast %swap3A_1648 : i32 to index
    %swap3A_1650 = arith.constant 96 : index
    %swap3A_1651 = tpu.vector_load %arg7[%swap3A_1649, %swap3A_1650] {strides = array<i32>} : memref<32x128xf32, #tpu.memory_space<vmem>>, vector<1x16xf32>,
    %swap3A_1652 = vector.shape_cast %swap3A_1651 : vector<1x16xf32> to vector<16xf32>
    %swap3A_1653 = vector.shape_cast %broadcast_in_dim3A_1647 : vector<16xf32> to vector<1x16xf32>
    tpu.vector_store %arg7[%swap3A_1649, %swap3A_1650], %swap3A_1653 {strides = array<i32>} : memref<32x128xf32, #tpu.memory_space<vmem>>, vector<1x16xf32>,
    %broadcast_in_dim3A_1654 = arith.constant 0.000000e+00 : f32
    %broadcast_in_dim3A_1655 = vector.broadcast %broadcast_in_dim3A_1654 : f32 to vector<16xf32>
    %swap3A_1656 = arith.constant 25 : i32
    %swap3A_1657 = arith.index_cast %swap3A_1656 : i32 to index
    %swap3A_1658 = arith.constant 112 : index
    %swap3A_1659 = tpu.vector_load %arg7[%swap3A_1657, %swap3A_1658] {strides = array<i32>} : memref<32x128xf32, #tpu.memory_space<vmem>>, vector<1x16xf32>,
    %swap3A_1660 = vector.shape_cast %swap3A_1659 : vector<1x16xf32> to vector<16xf32>
    %swap3A_1661 = vector.shape_cast %broadcast_in_dim3A_1655 : vector<16xf32> to vector<1x16xf32>
    tpu.vector_store %arg7[%swap3A_1657, %swap3A_1658], %swap3A_1661 {strides = array<i32>} : memref<32x128xf32, #tpu.memory_space<vmem>>, vector<1x16xf32>,
    %broadcast_in_dim3A_1662 = arith.constant 0.000000e+00 : f32
    %broadcast_in_dim3A_1663 = vector.broadcast %broadcast_in_dim3A_1662 : f32 to vector<16xf32>
    %swap3A_1664 = arith.constant 26 : i32
    %swap3A_1665 = arith.index_cast %swap3A_1664 : i32 to index
    %swap3A_1666 = arith.constant 0 : index
    %swap3A_1667 = tpu.vector_load %arg7[%swap3A_1665, %swap3A_1666] {strides = array<i32>} : memref<32x128xf32, #tpu.memory_space<vmem>>, vector<1x16xf32>,
    %swap3A_1668 = vector.shape_cast %swap3A_1667 : vector<1x16xf32> to vector<16xf32>
    %swap3A_1669 = vector.shape_cast %broadcast_in_dim3A_1663 : vector<16xf32> to vector<1x16xf32>
    tpu.vector_store %arg7[%swap3A_1665, %swap3A_1666], %swap3A_1669 {strides = array<i32>} : memref<32x128xf32, #tpu.memory_space<vmem>>, vector<1x16xf32>,
    %broadcast_in_dim3A_1670 = arith.constant 0.000000e+00 : f32
    %broadcast_in_dim3A_1671 = vector.broadcast %broadcast_in_dim3A_1670 : f32 to vector<16xf32>
    %swap3A_1672 = arith.constant 26 : i32
    %swap3A_1673 = arith.index_cast %swap3A_1672 : i32 to index
    %swap3A_1674 = arith.constant 16 : index
    %swap3A_1675 = tpu.vector_load %arg7[%swap3A_1673, %swap3A_1674] {strides = array<i32>} : memref<32x128xf32, #tpu.memory_space<vmem>>, vector<1x16xf32>,
    %swap3A_1676 = vector.shape_cast %swap3A_1675 : vector<1x16xf32> to vector<16xf32>
    %swap3A_1677 = vector.shape_cast %broadcast_in_dim3A_1671 : vector<16xf32> to vector<1x16xf32>
    tpu.vector_store %arg7[%swap3A_1673, %swap3A_1674], %swap3A_1677 {strides = array<i32>} : memref<32x128xf32, #tpu.memory_space<vmem>>, vector<1x16xf32>,
    %broadcast_in_dim3A_1678 = arith.constant 0.000000e+00 : f32
    %broadcast_in_dim3A_1679 = vector.broadcast %broadcast_in_dim3A_1678 : f32 to vector<16xf32>
    %swap3A_1680 = arith.constant 26 : i32
    %swap3A_1681 = arith.index_cast %swap3A_1680 : i32 to index
    %swap3A_1682 = arith.constant 32 : index
    %swap3A_1683 = tpu.vector_load %arg7[%swap3A_1681, %swap3A_1682] {strides = array<i32>} : memref<32x128xf32, #tpu.memory_space<vmem>>, vector<1x16xf32>,
    %swap3A_1684 = vector.shape_cast %swap3A_1683 : vector<1x16xf32> to vector<16xf32>
    %swap3A_1685 = vector.shape_cast %broadcast_in_dim3A_1679 : vector<16xf32> to vector<1x16xf32>
    tpu.vector_store %arg7[%swap3A_1681, %swap3A_1682], %swap3A_1685 {strides = array<i32>} : memref<32x128xf32, #tpu.memory_space<vmem>>, vector<1x16xf32>,
    %broadcast_in_dim3A_1686 = arith.constant 0.000000e+00 : f32
    %broadcast_in_dim3A_1687 = vector.broadcast %broadcast_in_dim3A_1686 : f32 to vector<16xf32>
    %swap3A_1688 = arith.constant 26 : i32
    %swap3A_1689 = arith.index_cast %swap3A_1688 : i32 to index
    %swap3A_1690 = arith.constant 48 : index
    %swap3A_1691 = tpu.vector_load %arg7[%swap3A_1689, %swap3A_1690] {strides = array<i32>} : memref<32x128xf32, #tpu.memory_space<vmem>>, vector<1x16xf32>,
    %swap3A_1692 = vector.shape_cast %swap3A_1691 : vector<1x16xf32> to vector<16xf32>
    %swap3A_1693 = vector.shape_cast %broadcast_in_dim3A_1687 : vector<16xf32> to vector<1x16xf32>
    tpu.vector_store %arg7[%swap3A_1689, %swap3A_1690], %swap3A_1693 {strides = array<i32>} : memref<32x128xf32, #tpu.memory_space<vmem>>, vector<1x16xf32>,
    %broadcast_in_dim3A_1694 = arith.constant 0.000000e+00 : f32
    %broadcast_in_dim3A_1695 = vector.broadcast %broadcast_in_dim3A_1694 : f32 to vector<16xf32>
    %swap3A_1696 = arith.constant 26 : i32
    %swap3A_1697 = arith.index_cast %swap3A_1696 : i32 to index
    %swap3A_1698 = arith.constant 64 : index
    %swap3A_1699 = tpu.vector_load %arg7[%swap3A_1697, %swap3A_1698] {strides = array<i32>} : memref<32x128xf32, #tpu.memory_space<vmem>>, vector<1x16xf32>,
    %swap3A_1700 = vector.shape_cast %swap3A_1699 : vector<1x16xf32> to vector<16xf32>
    %swap3A_1701 = vector.shape_cast %broadcast_in_dim3A_1695 : vector<16xf32> to vector<1x16xf32>
    tpu.vector_store %arg7[%swap3A_1697, %swap3A_1698], %swap3A_1701 {strides = array<i32>} : memref<32x128xf32, #tpu.memory_space<vmem>>, vector<1x16xf32>,
    %broadcast_in_dim3A_1702 = arith.constant 0.000000e+00 : f32
    %broadcast_in_dim3A_1703 = vector.broadcast %broadcast_in_dim3A_1702 : f32 to vector<16xf32>
    %swap3A_1704 = arith.constant 26 : i32
    %swap3A_1705 = arith.index_cast %swap3A_1704 : i32 to index
    %swap3A_1706 = arith.constant 80 : index
    %swap3A_1707 = tpu.vector_load %arg7[%swap3A_1705, %swap3A_1706] {strides = array<i32>} : memref<32x128xf32, #tpu.memory_space<vmem>>, vector<1x16xf32>,
    %swap3A_1708 = vector.shape_cast %swap3A_1707 : vector<1x16xf32> to vector<16xf32>
    %swap3A_1709 = vector.shape_cast %broadcast_in_dim3A_1703 : vector<16xf32> to vector<1x16xf32>
    tpu.vector_store %arg7[%swap3A_1705, %swap3A_1706], %swap3A_1709 {strides = array<i32>} : memref<32x128xf32, #tpu.memory_space<vmem>>, vector<1x16xf32>,
    %broadcast_in_dim3A_1710 = arith.constant 0.000000e+00 : f32
    %broadcast_in_dim3A_1711 = vector.broadcast %broadcast_in_dim3A_1710 : f32 to vector<16xf32>
    %swap3A_1712 = arith.constant 26 : i32
    %swap3A_1713 = arith.index_cast %swap3A_1712 : i32 to index
    %swap3A_1714 = arith.constant 96 : index
    %swap3A_1715 = tpu.vector_load %arg7[%swap3A_1713, %swap3A_1714] {strides = array<i32>} : memref<32x128xf32, #tpu.memory_space<vmem>>, vector<1x16xf32>,
    %swap3A_1716 = vector.shape_cast %swap3A_1715 : vector<1x16xf32> to vector<16xf32>
    %swap3A_1717 = vector.shape_cast %broadcast_in_dim3A_1711 : vector<16xf32> to vector<1x16xf32>
    tpu.vector_store %arg7[%swap3A_1713, %swap3A_1714], %swap3A_1717 {strides = array<i32>} : memref<32x128xf32, #tpu.memory_space<vmem>>, vector<1x16xf32>,
    %broadcast_in_dim3A_1718 = arith.constant 0.000000e+00 : f32
    %broadcast_in_dim3A_1719 = vector.broadcast %broadcast_in_dim3A_1718 : f32 to vector<16xf32>
    %swap3A_1720 = arith.constant 26 : i32
    %swap3A_1721 = arith.index_cast %swap3A_1720 : i32 to index
    %swap3A_1722 = arith.constant 112 : index
    %swap3A_1723 = tpu.vector_load %arg7[%swap3A_1721, %swap3A_1722] {strides = array<i32>} : memref<32x128xf32, #tpu.memory_space<vmem>>, vector<1x16xf32>,
    %swap3A_1724 = vector.shape_cast %swap3A_1723 : vector<1x16xf32> to vector<16xf32>
    %swap3A_1725 = vector.shape_cast %broadcast_in_dim3A_1719 : vector<16xf32> to vector<1x16xf32>
    tpu.vector_store %arg7[%swap3A_1721, %swap3A_1722], %swap3A_1725 {strides = array<i32>} : memref<32x128xf32, #tpu.memory_space<vmem>>, vector<1x16xf32>,
    %broadcast_in_dim3A_1726 = arith.constant 0.000000e+00 : f32
    %broadcast_in_dim3A_1727 = vector.broadcast %broadcast_in_dim3A_1726 : f32 to vector<16xf32>
    %swap3A_1728 = arith.constant 27 : i32
    %swap3A_1729 = arith.index_cast %swap3A_1728 : i32 to index
    %swap3A_1730 = arith.constant 0 : index
    %swap3A_1731 = tpu.vector_load %arg7[%swap3A_1729, %swap3A_1730] {strides = array<i32>} : memref<32x128xf32, #tpu.memory_space<vmem>>, vector<1x16xf32>,
    %swap3A_1732 = vector.shape_cast %swap3A_1731 : vector<1x16xf32> to vector<16xf32>
    %swap3A_1733 = vector.shape_cast %broadcast_in_dim3A_1727 : vector<16xf32> to vector<1x16xf32>
    tpu.vector_store %arg7[%swap3A_1729, %swap3A_1730], %swap3A_1733 {strides = array<i32>} : memref<32x128xf32, #tpu.memory_space<vmem>>, vector<1x16xf32>,
    %broadcast_in_dim3A_1734 = arith.constant 0.000000e+00 : f32
    %broadcast_in_dim3A_1735 = vector.broadcast %broadcast_in_dim3A_1734 : f32 to vector<16xf32>
    %swap3A_1736 = arith.constant 27 : i32
    %swap3A_1737 = arith.index_cast %swap3A_1736 : i32 to index
    %swap3A_1738 = arith.constant 16 : index
    %swap3A_1739 = tpu.vector_load %arg7[%swap3A_1737, %swap3A_1738] {strides = array<i32>} : memref<32x128xf32, #tpu.memory_space<vmem>>, vector<1x16xf32>,
    %swap3A_1740 = vector.shape_cast %swap3A_1739 : vector<1x16xf32> to vector<16xf32>
    %swap3A_1741 = vector.shape_cast %broadcast_in_dim3A_1735 : vector<16xf32> to vector<1x16xf32>
    tpu.vector_store %arg7[%swap3A_1737, %swap3A_1738], %swap3A_1741 {strides = array<i32>} : memref<32x128xf32, #tpu.memory_space<vmem>>, vector<1x16xf32>,
    %broadcast_in_dim3A_1742 = arith.constant 0.000000e+00 : f32
    %broadcast_in_dim3A_1743 = vector.broadcast %broadcast_in_dim3A_1742 : f32 to vector<16xf32>
    %swap3A_1744 = arith.constant 27 : i32
    %swap3A_1745 = arith.index_cast %swap3A_1744 : i32 to index
    %swap3A_1746 = arith.constant 32 : index
    %swap3A_1747 = tpu.vector_load %arg7[%swap3A_1745, %swap3A_1746] {strides = array<i32>} : memref<32x128xf32, #tpu.memory_space<vmem>>, vector<1x16xf32>,
    %swap3A_1748 = vector.shape_cast %swap3A_1747 : vector<1x16xf32> to vector<16xf32>
    %swap3A_1749 = vector.shape_cast %broadcast_in_dim3A_1743 : vector<16xf32> to vector<1x16xf32>
    tpu.vector_store %arg7[%swap3A_1745, %swap3A_1746], %swap3A_1749 {strides = array<i32>} : memref<32x128xf32, #tpu.memory_space<vmem>>, vector<1x16xf32>,
    %broadcast_in_dim3A_1750 = arith.constant 0.000000e+00 : f32
    %broadcast_in_dim3A_1751 = vector.broadcast %broadcast_in_dim3A_1750 : f32 to vector<16xf32>
    %swap3A_1752 = arith.constant 27 : i32
    %swap3A_1753 = arith.index_cast %swap3A_1752 : i32 to index
    %swap3A_1754 = arith.constant 48 : index
    %swap3A_1755 = tpu.vector_load %arg7[%swap3A_1753, %swap3A_1754] {strides = array<i32>} : memref<32x128xf32, #tpu.memory_space<vmem>>, vector<1x16xf32>,
    %swap3A_1756 = vector.shape_cast %swap3A_1755 : vector<1x16xf32> to vector<16xf32>
    %swap3A_1757 = vector.shape_cast %broadcast_in_dim3A_1751 : vector<16xf32> to vector<1x16xf32>
    tpu.vector_store %arg7[%swap3A_1753, %swap3A_1754], %swap3A_1757 {strides = array<i32>} : memref<32x128xf32, #tpu.memory_space<vmem>>, vector<1x16xf32>,
    %broadcast_in_dim3A_1758 = arith.constant 0.000000e+00 : f32
    %broadcast_in_dim3A_1759 = vector.broadcast %broadcast_in_dim3A_1758 : f32 to vector<16xf32>
    %swap3A_1760 = arith.constant 27 : i32
    %swap3A_1761 = arith.index_cast %swap3A_1760 : i32 to index
    %swap3A_1762 = arith.constant 64 : index
    %swap3A_1763 = tpu.vector_load %arg7[%swap3A_1761, %swap3A_1762] {strides = array<i32>} : memref<32x128xf32, #tpu.memory_space<vmem>>, vector<1x16xf32>,
    %swap3A_1764 = vector.shape_cast %swap3A_1763 : vector<1x16xf32> to vector<16xf32>
    %swap3A_1765 = vector.shape_cast %broadcast_in_dim3A_1759 : vector<16xf32> to vector<1x16xf32>
    tpu.vector_store %arg7[%swap3A_1761, %swap3A_1762], %swap3A_1765 {strides = array<i32>} : memref<32x128xf32, #tpu.memory_space<vmem>>, vector<1x16xf32>,
    %broadcast_in_dim3A_1766 = arith.constant 0.000000e+00 : f32
    %broadcast_in_dim3A_1767 = vector.broadcast %broadcast_in_dim3A_1766 : f32 to vector<16xf32>
    %swap3A_1768 = arith.constant 27 : i32
    %swap3A_1769 = arith.index_cast %swap3A_1768 : i32 to index
    %swap3A_1770 = arith.constant 80 : index
    %swap3A_1771 = tpu.vector_load %arg7[%swap3A_1769, %swap3A_1770] {strides = array<i32>} : memref<32x128xf32, #tpu.memory_space<vmem>>, vector<1x16xf32>,
    %swap3A_1772 = vector.shape_cast %swap3A_1771 : vector<1x16xf32> to vector<16xf32>
    %swap3A_1773 = vector.shape_cast %broadcast_in_dim3A_1767 : vector<16xf32> to vector<1x16xf32>
    tpu.vector_store %arg7[%swap3A_1769, %swap3A_1770], %swap3A_1773 {strides = array<i32>} : memref<32x128xf32, #tpu.memory_space<vmem>>, vector<1x16xf32>,
    %broadcast_in_dim3A_1774 = arith.constant 0.000000e+00 : f32
    %broadcast_in_dim3A_1775 = vector.broadcast %broadcast_in_dim3A_1774 : f32 to vector<16xf32>
    %swap3A_1776 = arith.constant 27 : i32
    %swap3A_1777 = arith.index_cast %swap3A_1776 : i32 to index
    %swap3A_1778 = arith.constant 96 : index
    %swap3A_1779 = tpu.vector_load %arg7[%swap3A_1777, %swap3A_1778] {strides = array<i32>} : memref<32x128xf32, #tpu.memory_space<vmem>>, vector<1x16xf32>,
    %swap3A_1780 = vector.shape_cast %swap3A_1779 : vector<1x16xf32> to vector<16xf32>
    %swap3A_1781 = vector.shape_cast %broadcast_in_dim3A_1775 : vector<16xf32> to vector<1x16xf32>
    tpu.vector_store %arg7[%swap3A_1777, %swap3A_1778], %swap3A_1781 {strides = array<i32>} : memref<32x128xf32, #tpu.memory_space<vmem>>, vector<1x16xf32>,
    %broadcast_in_dim3A_1782 = arith.constant 0.000000e+00 : f32
    %broadcast_in_dim3A_1783 = vector.broadcast %broadcast_in_dim3A_1782 : f32 to vector<16xf32>
    %swap3A_1784 = arith.constant 27 : i32
    %swap3A_1785 = arith.index_cast %swap3A_1784 : i32 to index
    %swap3A_1786 = arith.constant 112 : index
    %swap3A_1787 = tpu.vector_load %arg7[%swap3A_1785, %swap3A_1786] {strides = array<i32>} : memref<32x128xf32, #tpu.memory_space<vmem>>, vector<1x16xf32>,
    %swap3A_1788 = vector.shape_cast %swap3A_1787 : vector<1x16xf32> to vector<16xf32>
    %swap3A_1789 = vector.shape_cast %broadcast_in_dim3A_1783 : vector<16xf32> to vector<1x16xf32>
    tpu.vector_store %arg7[%swap3A_1785, %swap3A_1786], %swap3A_1789 {strides = array<i32>} : memref<32x128xf32, #tpu.memory_space<vmem>>, vector<1x16xf32>,
    %broadcast_in_dim3A_1790 = arith.constant 0.000000e+00 : f32
    %broadcast_in_dim3A_1791 = vector.broadcast %broadcast_in_dim3A_1790 : f32 to vector<16xf32>
    %swap3A_1792 = arith.constant 28 : i32
    %swap3A_1793 = arith.index_cast %swap3A_1792 : i32 to index
    %swap3A_1794 = arith.constant 0 : index
    %swap3A_1795 = tpu.vector_load %arg7[%swap3A_1793, %swap3A_1794] {strides = array<i32>} : memref<32x128xf32, #tpu.memory_space<vmem>>, vector<1x16xf32>,
    %swap3A_1796 = vector.shape_cast %swap3A_1795 : vector<1x16xf32> to vector<16xf32>
    %swap3A_1797 = vector.shape_cast %broadcast_in_dim3A_1791 : vector<16xf32> to vector<1x16xf32>
    tpu.vector_store %arg7[%swap3A_1793, %swap3A_1794], %swap3A_1797 {strides = array<i32>} : memref<32x128xf32, #tpu.memory_space<vmem>>, vector<1x16xf32>,
    %broadcast_in_dim3A_1798 = arith.constant 0.000000e+00 : f32
    %broadcast_in_dim3A_1799 = vector.broadcast %broadcast_in_dim3A_1798 : f32 to vector<16xf32>
    %swap3A_1800 = arith.constant 28 : i32
    %swap3A_1801 = arith.index_cast %swap3A_1800 : i32 to index
    %swap3A_1802 = arith.constant 16 : index
    %swap3A_1803 = tpu.vector_load %arg7[%swap3A_1801, %swap3A_1802] {strides = array<i32>} : memref<32x128xf32, #tpu.memory_space<vmem>>, vector<1x16xf32>,
    %swap3A_1804 = vector.shape_cast %swap3A_1803 : vector<1x16xf32> to vector<16xf32>
    %swap3A_1805 = vector.shape_cast %broadcast_in_dim3A_1799 : vector<16xf32> to vector<1x16xf32>
    tpu.vector_store %arg7[%swap3A_1801, %swap3A_1802], %swap3A_1805 {strides = array<i32>} : memref<32x128xf32, #tpu.memory_space<vmem>>, vector<1x16xf32>,
    %broadcast_in_dim3A_1806 = arith.constant 0.000000e+00 : f32
    %broadcast_in_dim3A_1807 = vector.broadcast %broadcast_in_dim3A_1806 : f32 to vector<16xf32>
    %swap3A_1808 = arith.constant 28 : i32
    %swap3A_1809 = arith.index_cast %swap3A_1808 : i32 to index
    %swap3A_1810 = arith.constant 32 : index
    %swap3A_1811 = tpu.vector_load %arg7[%swap3A_1809, %swap3A_1810] {strides = array<i32>} : memref<32x128xf32, #tpu.memory_space<vmem>>, vector<1x16xf32>,
    %swap3A_1812 = vector.shape_cast %swap3A_1811 : vector<1x16xf32> to vector<16xf32>
    %swap3A_1813 = vector.shape_cast %broadcast_in_dim3A_1807 : vector<16xf32> to vector<1x16xf32>
    tpu.vector_store %arg7[%swap3A_1809, %swap3A_1810], %swap3A_1813 {strides = array<i32>} : memref<32x128xf32, #tpu.memory_space<vmem>>, vector<1x16xf32>,
    %broadcast_in_dim3A_1814 = arith.constant 0.000000e+00 : f32
    %broadcast_in_dim3A_1815 = vector.broadcast %broadcast_in_dim3A_1814 : f32 to vector<16xf32>
    %swap3A_1816 = arith.constant 28 : i32
    %swap3A_1817 = arith.index_cast %swap3A_1816 : i32 to index
    %swap3A_1818 = arith.constant 48 : index
    %swap3A_1819 = tpu.vector_load %arg7[%swap3A_1817, %swap3A_1818] {strides = array<i32>} : memref<32x128xf32, #tpu.memory_space<vmem>>, vector<1x16xf32>,
    %swap3A_1820 = vector.shape_cast %swap3A_1819 : vector<1x16xf32> to vector<16xf32>
    %swap3A_1821 = vector.shape_cast %broadcast_in_dim3A_1815 : vector<16xf32> to vector<1x16xf32>
    tpu.vector_store %arg7[%swap3A_1817, %swap3A_1818], %swap3A_1821 {strides = array<i32>} : memref<32x128xf32, #tpu.memory_space<vmem>>, vector<1x16xf32>,
    %broadcast_in_dim3A_1822 = arith.constant 0.000000e+00 : f32
    %broadcast_in_dim3A_1823 = vector.broadcast %broadcast_in_dim3A_1822 : f32 to vector<16xf32>
    %swap3A_1824 = arith.constant 28 : i32
    %swap3A_1825 = arith.index_cast %swap3A_1824 : i32 to index
    %swap3A_1826 = arith.constant 64 : index
    %swap3A_1827 = tpu.vector_load %arg7[%swap3A_1825, %swap3A_1826] {strides = array<i32>} : memref<32x128xf32, #tpu.memory_space<vmem>>, vector<1x16xf32>,
    %swap3A_1828 = vector.shape_cast %swap3A_1827 : vector<1x16xf32> to vector<16xf32>
    %swap3A_1829 = vector.shape_cast %broadcast_in_dim3A_1823 : vector<16xf32> to vector<1x16xf32>
    tpu.vector_store %arg7[%swap3A_1825, %swap3A_1826], %swap3A_1829 {strides = array<i32>} : memref<32x128xf32, #tpu.memory_space<vmem>>, vector<1x16xf32>,
    %broadcast_in_dim3A_1830 = arith.constant 0.000000e+00 : f32
    %broadcast_in_dim3A_1831 = vector.broadcast %broadcast_in_dim3A_1830 : f32 to vector<16xf32>
    %swap3A_1832 = arith.constant 28 : i32
    %swap3A_1833 = arith.index_cast %swap3A_1832 : i32 to index
    %swap3A_1834 = arith.constant 80 : index
    %swap3A_1835 = tpu.vector_load %arg7[%swap3A_1833, %swap3A_1834] {strides = array<i32>} : memref<32x128xf32, #tpu.memory_space<vmem>>, vector<1x16xf32>,
    %swap3A_1836 = vector.shape_cast %swap3A_1835 : vector<1x16xf32> to vector<16xf32>
    %swap3A_1837 = vector.shape_cast %broadcast_in_dim3A_1831 : vector<16xf32> to vector<1x16xf32>
    tpu.vector_store %arg7[%swap3A_1833, %swap3A_1834], %swap3A_1837 {strides = array<i32>} : memref<32x128xf32, #tpu.memory_space<vmem>>, vector<1x16xf32>,
    %broadcast_in_dim3A_1838 = arith.constant 0.000000e+00 : f32
    %broadcast_in_dim3A_1839 = vector.broadcast %broadcast_in_dim3A_1838 : f32 to vector<16xf32>
    %swap3A_1840 = arith.constant 28 : i32
    %swap3A_1841 = arith.index_cast %swap3A_1840 : i32 to index
    %swap3A_1842 = arith.constant 96 : index
    %swap3A_1843 = tpu.vector_load %arg7[%swap3A_1841, %swap3A_1842] {strides = array<i32>} : memref<32x128xf32, #tpu.memory_space<vmem>>, vector<1x16xf32>,
    %swap3A_1844 = vector.shape_cast %swap3A_1843 : vector<1x16xf32> to vector<16xf32>
    %swap3A_1845 = vector.shape_cast %broadcast_in_dim3A_1839 : vector<16xf32> to vector<1x16xf32>
    tpu.vector_store %arg7[%swap3A_1841, %swap3A_1842], %swap3A_1845 {strides = array<i32>} : memref<32x128xf32, #tpu.memory_space<vmem>>, vector<1x16xf32>,
    %broadcast_in_dim3A_1846 = arith.constant 0.000000e+00 : f32
    %broadcast_in_dim3A_1847 = vector.broadcast %broadcast_in_dim3A_1846 : f32 to vector<16xf32>
    %swap3A_1848 = arith.constant 28 : i32
    %swap3A_1849 = arith.index_cast %swap3A_1848 : i32 to index
    %swap3A_1850 = arith.constant 112 : index
    %swap3A_1851 = tpu.vector_load %arg7[%swap3A_1849, %swap3A_1850] {strides = array<i32>} : memref<32x128xf32, #tpu.memory_space<vmem>>, vector<1x16xf32>,
    %swap3A_1852 = vector.shape_cast %swap3A_1851 : vector<1x16xf32> to vector<16xf32>
    %swap3A_1853 = vector.shape_cast %broadcast_in_dim3A_1847 : vector<16xf32> to vector<1x16xf32>
    tpu.vector_store %arg7[%swap3A_1849, %swap3A_1850], %swap3A_1853 {strides = array<i32>} : memref<32x128xf32, #tpu.memory_space<vmem>>, vector<1x16xf32>,
    %broadcast_in_dim3A_1854 = arith.constant 0.000000e+00 : f32
    %broadcast_in_dim3A_1855 = vector.broadcast %broadcast_in_dim3A_1854 : f32 to vector<16xf32>
    %swap3A_1856 = arith.constant 29 : i32
    %swap3A_1857 = arith.index_cast %swap3A_1856 : i32 to index
    %swap3A_1858 = arith.constant 0 : index
    %swap3A_1859 = tpu.vector_load %arg7[%swap3A_1857, %swap3A_1858] {strides = array<i32>} : memref<32x128xf32, #tpu.memory_space<vmem>>, vector<1x16xf32>,
    %swap3A_1860 = vector.shape_cast %swap3A_1859 : vector<1x16xf32> to vector<16xf32>
    %swap3A_1861 = vector.shape_cast %broadcast_in_dim3A_1855 : vector<16xf32> to vector<1x16xf32>
    tpu.vector_store %arg7[%swap3A_1857, %swap3A_1858], %swap3A_1861 {strides = array<i32>} : memref<32x128xf32, #tpu.memory_space<vmem>>, vector<1x16xf32>,
    %broadcast_in_dim3A_1862 = arith.constant 0.000000e+00 : f32
    %broadcast_in_dim3A_1863 = vector.broadcast %broadcast_in_dim3A_1862 : f32 to vector<16xf32>
    %swap3A_1864 = arith.constant 29 : i32
    %swap3A_1865 = arith.index_cast %swap3A_1864 : i32 to index
    %swap3A_1866 = arith.constant 16 : index
    %swap3A_1867 = tpu.vector_load %arg7[%swap3A_1865, %swap3A_1866] {strides = array<i32>} : memref<32x128xf32, #tpu.memory_space<vmem>>, vector<1x16xf32>,
    %swap3A_1868 = vector.shape_cast %swap3A_1867 : vector<1x16xf32> to vector<16xf32>
    %swap3A_1869 = vector.shape_cast %broadcast_in_dim3A_1863 : vector<16xf32> to vector<1x16xf32>
    tpu.vector_store %arg7[%swap3A_1865, %swap3A_1866], %swap3A_1869 {strides = array<i32>} : memref<32x128xf32, #tpu.memory_space<vmem>>, vector<1x16xf32>,
    %broadcast_in_dim3A_1870 = arith.constant 0.000000e+00 : f32
    %broadcast_in_dim3A_1871 = vector.broadcast %broadcast_in_dim3A_1870 : f32 to vector<16xf32>
    %swap3A_1872 = arith.constant 29 : i32
    %swap3A_1873 = arith.index_cast %swap3A_1872 : i32 to index
    %swap3A_1874 = arith.constant 32 : index
    %swap3A_1875 = tpu.vector_load %arg7[%swap3A_1873, %swap3A_1874] {strides = array<i32>} : memref<32x128xf32, #tpu.memory_space<vmem>>, vector<1x16xf32>,
    %swap3A_1876 = vector.shape_cast %swap3A_1875 : vector<1x16xf32> to vector<16xf32>
    %swap3A_1877 = vector.shape_cast %broadcast_in_dim3A_1871 : vector<16xf32> to vector<1x16xf32>
    tpu.vector_store %arg7[%swap3A_1873, %swap3A_1874], %swap3A_1877 {strides = array<i32>} : memref<32x128xf32, #tpu.memory_space<vmem>>, vector<1x16xf32>,
    %broadcast_in_dim3A_1878 = arith.constant 0.000000e+00 : f32
    %broadcast_in_dim3A_1879 = vector.broadcast %broadcast_in_dim3A_1878 : f32 to vector<16xf32>
    %swap3A_1880 = arith.constant 29 : i32
    %swap3A_1881 = arith.index_cast %swap3A_1880 : i32 to index
    %swap3A_1882 = arith.constant 48 : index
    %swap3A_1883 = tpu.vector_load %arg7[%swap3A_1881, %swap3A_1882] {strides = array<i32>} : memref<32x128xf32, #tpu.memory_space<vmem>>, vector<1x16xf32>,
    %swap3A_1884 = vector.shape_cast %swap3A_1883 : vector<1x16xf32> to vector<16xf32>
    %swap3A_1885 = vector.shape_cast %broadcast_in_dim3A_1879 : vector<16xf32> to vector<1x16xf32>
    tpu.vector_store %arg7[%swap3A_1881, %swap3A_1882], %swap3A_1885 {strides = array<i32>} : memref<32x128xf32, #tpu.memory_space<vmem>>, vector<1x16xf32>,
    %broadcast_in_dim3A_1886 = arith.constant 0.000000e+00 : f32
    %broadcast_in_dim3A_1887 = vector.broadcast %broadcast_in_dim3A_1886 : f32 to vector<16xf32>
    %swap3A_1888 = arith.constant 29 : i32
    %swap3A_1889 = arith.index_cast %swap3A_1888 : i32 to index
    %swap3A_1890 = arith.constant 64 : index
    %swap3A_1891 = tpu.vector_load %arg7[%swap3A_1889, %swap3A_1890] {strides = array<i32>} : memref<32x128xf32, #tpu.memory_space<vmem>>, vector<1x16xf32>,
    %swap3A_1892 = vector.shape_cast %swap3A_1891 : vector<1x16xf32> to vector<16xf32>
    %swap3A_1893 = vector.shape_cast %broadcast_in_dim3A_1887 : vector<16xf32> to vector<1x16xf32>
    tpu.vector_store %arg7[%swap3A_1889, %swap3A_1890], %swap3A_1893 {strides = array<i32>} : memref<32x128xf32, #tpu.memory_space<vmem>>, vector<1x16xf32>,
    %broadcast_in_dim3A_1894 = arith.constant 0.000000e+00 : f32
    %broadcast_in_dim3A_1895 = vector.broadcast %broadcast_in_dim3A_1894 : f32 to vector<16xf32>
    %swap3A_1896 = arith.constant 29 : i32
    %swap3A_1897 = arith.index_cast %swap3A_1896 : i32 to index
    %swap3A_1898 = arith.constant 80 : index
    %swap3A_1899 = tpu.vector_load %arg7[%swap3A_1897, %swap3A_1898] {strides = array<i32>} : memref<32x128xf32, #tpu.memory_space<vmem>>, vector<1x16xf32>,
    %swap3A_1900 = vector.shape_cast %swap3A_1899 : vector<1x16xf32> to vector<16xf32>
    %swap3A_1901 = vector.shape_cast %broadcast_in_dim3A_1895 : vector<16xf32> to vector<1x16xf32>
    tpu.vector_store %arg7[%swap3A_1897, %swap3A_1898], %swap3A_1901 {strides = array<i32>} : memref<32x128xf32, #tpu.memory_space<vmem>>, vector<1x16xf32>,
    %broadcast_in_dim3A_1902 = arith.constant 0.000000e+00 : f32
    %broadcast_in_dim3A_1903 = vector.broadcast %broadcast_in_dim3A_1902 : f32 to vector<16xf32>
    %swap3A_1904 = arith.constant 29 : i32
    %swap3A_1905 = arith.index_cast %swap3A_1904 : i32 to index
    %swap3A_1906 = arith.constant 96 : index
    %swap3A_1907 = tpu.vector_load %arg7[%swap3A_1905, %swap3A_1906] {strides = array<i32>} : memref<32x128xf32, #tpu.memory_space<vmem>>, vector<1x16xf32>,
    %swap3A_1908 = vector.shape_cast %swap3A_1907 : vector<1x16xf32> to vector<16xf32>
    %swap3A_1909 = vector.shape_cast %broadcast_in_dim3A_1903 : vector<16xf32> to vector<1x16xf32>
    tpu.vector_store %arg7[%swap3A_1905, %swap3A_1906], %swap3A_1909 {strides = array<i32>} : memref<32x128xf32, #tpu.memory_space<vmem>>, vector<1x16xf32>,
    %broadcast_in_dim3A_1910 = arith.constant 0.000000e+00 : f32
    %broadcast_in_dim3A_1911 = vector.broadcast %broadcast_in_dim3A_1910 : f32 to vector<16xf32>
    %swap3A_1912 = arith.constant 29 : i32
    %swap3A_1913 = arith.index_cast %swap3A_1912 : i32 to index
    %swap3A_1914 = arith.constant 112 : index
    %swap3A_1915 = tpu.vector_load %arg7[%swap3A_1913, %swap3A_1914] {strides = array<i32>} : memref<32x128xf32, #tpu.memory_space<vmem>>, vector<1x16xf32>,
    %swap3A_1916 = vector.shape_cast %swap3A_1915 : vector<1x16xf32> to vector<16xf32>
    %swap3A_1917 = vector.shape_cast %broadcast_in_dim3A_1911 : vector<16xf32> to vector<1x16xf32>
    tpu.vector_store %arg7[%swap3A_1913, %swap3A_1914], %swap3A_1917 {strides = array<i32>} : memref<32x128xf32, #tpu.memory_space<vmem>>, vector<1x16xf32>,
    %broadcast_in_dim3A_1918 = arith.constant 0.000000e+00 : f32
    %broadcast_in_dim3A_1919 = vector.broadcast %broadcast_in_dim3A_1918 : f32 to vector<16xf32>
    %swap3A_1920 = arith.constant 30 : i32
    %swap3A_1921 = arith.index_cast %swap3A_1920 : i32 to index
    %swap3A_1922 = arith.constant 0 : index
    %swap3A_1923 = tpu.vector_load %arg7[%swap3A_1921, %swap3A_1922] {strides = array<i32>} : memref<32x128xf32, #tpu.memory_space<vmem>>, vector<1x16xf32>,
    %swap3A_1924 = vector.shape_cast %swap3A_1923 : vector<1x16xf32> to vector<16xf32>
    %swap3A_1925 = vector.shape_cast %broadcast_in_dim3A_1919 : vector<16xf32> to vector<1x16xf32>
    tpu.vector_store %arg7[%swap3A_1921, %swap3A_1922], %swap3A_1925 {strides = array<i32>} : memref<32x128xf32, #tpu.memory_space<vmem>>, vector<1x16xf32>,
    %broadcast_in_dim3A_1926 = arith.constant 0.000000e+00 : f32
    %broadcast_in_dim3A_1927 = vector.broadcast %broadcast_in_dim3A_1926 : f32 to vector<16xf32>
    %swap3A_1928 = arith.constant 30 : i32
    %swap3A_1929 = arith.index_cast %swap3A_1928 : i32 to index
    %swap3A_1930 = arith.constant 16 : index
    %swap3A_1931 = tpu.vector_load %arg7[%swap3A_1929, %swap3A_1930] {strides = array<i32>} : memref<32x128xf32, #tpu.memory_space<vmem>>, vector<1x16xf32>,
    %swap3A_1932 = vector.shape_cast %swap3A_1931 : vector<1x16xf32> to vector<16xf32>
    %swap3A_1933 = vector.shape_cast %broadcast_in_dim3A_1927 : vector<16xf32> to vector<1x16xf32>
    tpu.vector_store %arg7[%swap3A_1929, %swap3A_1930], %swap3A_1933 {strides = array<i32>} : memref<32x128xf32, #tpu.memory_space<vmem>>, vector<1x16xf32>,
    %broadcast_in_dim3A_1934 = arith.constant 0.000000e+00 : f32
    %broadcast_in_dim3A_1935 = vector.broadcast %broadcast_in_dim3A_1934 : f32 to vector<16xf32>
    %swap3A_1936 = arith.constant 30 : i32
    %swap3A_1937 = arith.index_cast %swap3A_1936 : i32 to index
    %swap3A_1938 = arith.constant 32 : index
    %swap3A_1939 = tpu.vector_load %arg7[%swap3A_1937, %swap3A_1938] {strides = array<i32>} : memref<32x128xf32, #tpu.memory_space<vmem>>, vector<1x16xf32>,
    %swap3A_1940 = vector.shape_cast %swap3A_1939 : vector<1x16xf32> to vector<16xf32>
    %swap3A_1941 = vector.shape_cast %broadcast_in_dim3A_1935 : vector<16xf32> to vector<1x16xf32>
    tpu.vector_store %arg7[%swap3A_1937, %swap3A_1938], %swap3A_1941 {strides = array<i32>} : memref<32x128xf32, #tpu.memory_space<vmem>>, vector<1x16xf32>,
    %broadcast_in_dim3A_1942 = arith.constant 0.000000e+00 : f32
    %broadcast_in_dim3A_1943 = vector.broadcast %broadcast_in_dim3A_1942 : f32 to vector<16xf32>
    %swap3A_1944 = arith.constant 30 : i32
    %swap3A_1945 = arith.index_cast %swap3A_1944 : i32 to index
    %swap3A_1946 = arith.constant 48 : index
    %swap3A_1947 = tpu.vector_load %arg7[%swap3A_1945, %swap3A_1946] {strides = array<i32>} : memref<32x128xf32, #tpu.memory_space<vmem>>, vector<1x16xf32>,
    %swap3A_1948 = vector.shape_cast %swap3A_1947 : vector<1x16xf32> to vector<16xf32>
    %swap3A_1949 = vector.shape_cast %broadcast_in_dim3A_1943 : vector<16xf32> to vector<1x16xf32>
    tpu.vector_store %arg7[%swap3A_1945, %swap3A_1946], %swap3A_1949 {strides = array<i32>} : memref<32x128xf32, #tpu.memory_space<vmem>>, vector<1x16xf32>,
    %broadcast_in_dim3A_1950 = arith.constant 0.000000e+00 : f32
    %broadcast_in_dim3A_1951 = vector.broadcast %broadcast_in_dim3A_1950 : f32 to vector<16xf32>
    %swap3A_1952 = arith.constant 30 : i32
    %swap3A_1953 = arith.index_cast %swap3A_1952 : i32 to index
    %swap3A_1954 = arith.constant 64 : index
    %swap3A_1955 = tpu.vector_load %arg7[%swap3A_1953, %swap3A_1954] {strides = array<i32>} : memref<32x128xf32, #tpu.memory_space<vmem>>, vector<1x16xf32>,
    %swap3A_1956 = vector.shape_cast %swap3A_1955 : vector<1x16xf32> to vector<16xf32>
    %swap3A_1957 = vector.shape_cast %broadcast_in_dim3A_1951 : vector<16xf32> to vector<1x16xf32>
    tpu.vector_store %arg7[%swap3A_1953, %swap3A_1954], %swap3A_1957 {strides = array<i32>} : memref<32x128xf32, #tpu.memory_space<vmem>>, vector<1x16xf32>,
    %broadcast_in_dim3A_1958 = arith.constant 0.000000e+00 : f32
    %broadcast_in_dim3A_1959 = vector.broadcast %broadcast_in_dim3A_1958 : f32 to vector<16xf32>
    %swap3A_1960 = arith.constant 30 : i32
    %swap3A_1961 = arith.index_cast %swap3A_1960 : i32 to index
    %swap3A_1962 = arith.constant 80 : index
    %swap3A_1963 = tpu.vector_load %arg7[%swap3A_1961, %swap3A_1962] {strides = array<i32>} : memref<32x128xf32, #tpu.memory_space<vmem>>, vector<1x16xf32>,
    %swap3A_1964 = vector.shape_cast %swap3A_1963 : vector<1x16xf32> to vector<16xf32>
    %swap3A_1965 = vector.shape_cast %broadcast_in_dim3A_1959 : vector<16xf32> to vector<1x16xf32>
    tpu.vector_store %arg7[%swap3A_1961, %swap3A_1962], %swap3A_1965 {strides = array<i32>} : memref<32x128xf32, #tpu.memory_space<vmem>>, vector<1x16xf32>,
    %broadcast_in_dim3A_1966 = arith.constant 0.000000e+00 : f32
    %broadcast_in_dim3A_1967 = vector.broadcast %broadcast_in_dim3A_1966 : f32 to vector<16xf32>
    %swap3A_1968 = arith.constant 30 : i32
    %swap3A_1969 = arith.index_cast %swap3A_1968 : i32 to index
    %swap3A_1970 = arith.constant 96 : index
    %swap3A_1971 = tpu.vector_load %arg7[%swap3A_1969, %swap3A_1970] {strides = array<i32>} : memref<32x128xf32, #tpu.memory_space<vmem>>, vector<1x16xf32>,
    %swap3A_1972 = vector.shape_cast %swap3A_1971 : vector<1x16xf32> to vector<16xf32>
    %swap3A_1973 = vector.shape_cast %broadcast_in_dim3A_1967 : vector<16xf32> to vector<1x16xf32>
    tpu.vector_store %arg7[%swap3A_1969, %swap3A_1970], %swap3A_1973 {strides = array<i32>} : memref<32x128xf32, #tpu.memory_space<vmem>>, vector<1x16xf32>,
    %broadcast_in_dim3A_1974 = arith.constant 0.000000e+00 : f32
    %broadcast_in_dim3A_1975 = vector.broadcast %broadcast_in_dim3A_1974 : f32 to vector<16xf32>
    %swap3A_1976 = arith.constant 30 : i32
    %swap3A_1977 = arith.index_cast %swap3A_1976 : i32 to index
    %swap3A_1978 = arith.constant 112 : index
    %swap3A_1979 = tpu.vector_load %arg7[%swap3A_1977, %swap3A_1978] {strides = array<i32>} : memref<32x128xf32, #tpu.memory_space<vmem>>, vector<1x16xf32>,
    %swap3A_1980 = vector.shape_cast %swap3A_1979 : vector<1x16xf32> to vector<16xf32>
    %swap3A_1981 = vector.shape_cast %broadcast_in_dim3A_1975 : vector<16xf32> to vector<1x16xf32>
    tpu.vector_store %arg7[%swap3A_1977, %swap3A_1978], %swap3A_1981 {strides = array<i32>} : memref<32x128xf32, #tpu.memory_space<vmem>>, vector<1x16xf32>,
    %broadcast_in_dim3A_1982 = arith.constant 0.000000e+00 : f32
    %broadcast_in_dim3A_1983 = vector.broadcast %broadcast_in_dim3A_1982 : f32 to vector<16xf32>
    %swap3A_1984 = arith.constant 31 : i32
    %swap3A_1985 = arith.index_cast %swap3A_1984 : i32 to index
    %swap3A_1986 = arith.constant 0 : index
    %swap3A_1987 = tpu.vector_load %arg7[%swap3A_1985, %swap3A_1986] {strides = array<i32>} : memref<32x128xf32, #tpu.memory_space<vmem>>, vector<1x16xf32>,
    %swap3A_1988 = vector.shape_cast %swap3A_1987 : vector<1x16xf32> to vector<16xf32>
    %swap3A_1989 = vector.shape_cast %broadcast_in_dim3A_1983 : vector<16xf32> to vector<1x16xf32>
    tpu.vector_store %arg7[%swap3A_1985, %swap3A_1986], %swap3A_1989 {strides = array<i32>} : memref<32x128xf32, #tpu.memory_space<vmem>>, vector<1x16xf32>,
    %broadcast_in_dim3A_1990 = arith.constant 0.000000e+00 : f32
    %broadcast_in_dim3A_1991 = vector.broadcast %broadcast_in_dim3A_1990 : f32 to vector<16xf32>
    %swap3A_1992 = arith.constant 31 : i32
    %swap3A_1993 = arith.index_cast %swap3A_1992 : i32 to index
    %swap3A_1994 = arith.constant 16 : index
    %swap3A_1995 = tpu.vector_load %arg7[%swap3A_1993, %swap3A_1994] {strides = array<i32>} : memref<32x128xf32, #tpu.memory_space<vmem>>, vector<1x16xf32>,
    %swap3A_1996 = vector.shape_cast %swap3A_1995 : vector<1x16xf32> to vector<16xf32>
    %swap3A_1997 = vector.shape_cast %broadcast_in_dim3A_1991 : vector<16xf32> to vector<1x16xf32>
    tpu.vector_store %arg7[%swap3A_1993, %swap3A_1994], %swap3A_1997 {strides = array<i32>} : memref<32x128xf32, #tpu.memory_space<vmem>>, vector<1x16xf32>,
    %broadcast_in_dim3A_1998 = arith.constant 0.000000e+00 : f32
    %broadcast_in_dim3A_1999 = vector.broadcast %broadcast_in_dim3A_1998 : f32 to vector<16xf32>
    %swap3A_2000 = arith.constant 31 : i32
    %swap3A_2001 = arith.index_cast %swap3A_2000 : i32 to index
    %swap3A_2002 = arith.constant 32 : index
    %swap3A_2003 = tpu.vector_load %arg7[%swap3A_2001, %swap3A_2002] {strides = array<i32>} : memref<32x128xf32, #tpu.memory_space<vmem>>, vector<1x16xf32>,
    %swap3A_2004 = vector.shape_cast %swap3A_2003 : vector<1x16xf32> to vector<16xf32>
    %swap3A_2005 = vector.shape_cast %broadcast_in_dim3A_1999 : vector<16xf32> to vector<1x16xf32>
    tpu.vector_store %arg7[%swap3A_2001, %swap3A_2002], %swap3A_2005 {strides = array<i32>} : memref<32x128xf32, #tpu.memory_space<vmem>>, vector<1x16xf32>,
    %broadcast_in_dim3A_2006 = arith.constant 0.000000e+00 : f32
    %broadcast_in_dim3A_2007 = vector.broadcast %broadcast_in_dim3A_2006 : f32 to vector<16xf32>
    %swap3A_2008 = arith.constant 31 : i32
    %swap3A_2009 = arith.index_cast %swap3A_2008 : i32 to index
    %swap3A_2010 = arith.constant 48 : index
    %swap3A_2011 = tpu.vector_load %arg7[%swap3A_2009, %swap3A_2010] {strides = array<i32>} : memref<32x128xf32, #tpu.memory_space<vmem>>, vector<1x16xf32>,
    %swap3A_2012 = vector.shape_cast %swap3A_2011 : vector<1x16xf32> to vector<16xf32>
    %swap3A_2013 = vector.shape_cast %broadcast_in_dim3A_2007 : vector<16xf32> to vector<1x16xf32>
    tpu.vector_store %arg7[%swap3A_2009, %swap3A_2010], %swap3A_2013 {strides = array<i32>} : memref<32x128xf32, #tpu.memory_space<vmem>>, vector<1x16xf32>,
    %broadcast_in_dim3A_2014 = arith.constant 0.000000e+00 : f32
    %broadcast_in_dim3A_2015 = vector.broadcast %broadcast_in_dim3A_2014 : f32 to vector<16xf32>
    %swap3A_2016 = arith.constant 31 : i32
    %swap3A_2017 = arith.index_cast %swap3A_2016 : i32 to index
    %swap3A_2018 = arith.constant 64 : index
    %swap3A_2019 = tpu.vector_load %arg7[%swap3A_2017, %swap3A_2018] {strides = array<i32>} : memref<32x128xf32, #tpu.memory_space<vmem>>, vector<1x16xf32>,
    %swap3A_2020 = vector.shape_cast %swap3A_2019 : vector<1x16xf32> to vector<16xf32>
    %swap3A_2021 = vector.shape_cast %broadcast_in_dim3A_2015 : vector<16xf32> to vector<1x16xf32>
    tpu.vector_store %arg7[%swap3A_2017, %swap3A_2018], %swap3A_2021 {strides = array<i32>} : memref<32x128xf32, #tpu.memory_space<vmem>>, vector<1x16xf32>,
    %broadcast_in_dim3A_2022 = arith.constant 0.000000e+00 : f32
    %broadcast_in_dim3A_2023 = vector.broadcast %broadcast_in_dim3A_2022 : f32 to vector<16xf32>
    %swap3A_2024 = arith.constant 31 : i32
    %swap3A_2025 = arith.index_cast %swap3A_2024 : i32 to index
    %swap3A_2026 = arith.constant 80 : index
    %swap3A_2027 = tpu.vector_load %arg7[%swap3A_2025, %swap3A_2026] {strides = array<i32>} : memref<32x128xf32, #tpu.memory_space<vmem>>, vector<1x16xf32>,
    %swap3A_2028 = vector.shape_cast %swap3A_2027 : vector<1x16xf32> to vector<16xf32>
    %swap3A_2029 = vector.shape_cast %broadcast_in_dim3A_2023 : vector<16xf32> to vector<1x16xf32>
    tpu.vector_store %arg7[%swap3A_2025, %swap3A_2026], %swap3A_2029 {strides = array<i32>} : memref<32x128xf32, #tpu.memory_space<vmem>>, vector<1x16xf32>,
    %broadcast_in_dim3A_2030 = arith.constant 0.000000e+00 : f32
    %broadcast_in_dim3A_2031 = vector.broadcast %broadcast_in_dim3A_2030 : f32 to vector<16xf32>
    %swap3A_2032 = arith.constant 31 : i32
    %swap3A_2033 = arith.index_cast %swap3A_2032 : i32 to index
    %swap3A_2034 = arith.constant 96 : index
    %swap3A_2035 = tpu.vector_load %arg7[%swap3A_2033, %swap3A_2034] {strides = array<i32>} : memref<32x128xf32, #tpu.memory_space<vmem>>, vector<1x16xf32>,
    %swap3A_2036 = vector.shape_cast %swap3A_2035 : vector<1x16xf32> to vector<16xf32>
    %swap3A_2037 = vector.shape_cast %broadcast_in_dim3A_2031 : vector<16xf32> to vector<1x16xf32>
    tpu.vector_store %arg7[%swap3A_2033, %swap3A_2034], %swap3A_2037 {strides = array<i32>} : memref<32x128xf32, #tpu.memory_space<vmem>>, vector<1x16xf32>,
    %broadcast_in_dim3A_2038 = arith.constant 0.000000e+00 : f32
    %broadcast_in_dim3A_2039 = vector.broadcast %broadcast_in_dim3A_2038 : f32 to vector<16xf32>
    %swap3A_2040 = arith.constant 31 : i32
    %swap3A_2041 = arith.index_cast %swap3A_2040 : i32 to index
    %swap3A_2042 = arith.constant 112 : index
    %swap3A_2043 = tpu.vector_load %arg7[%swap3A_2041, %swap3A_2042] {strides = array<i32>} : memref<32x128xf32, #tpu.memory_space<vmem>>, vector<1x16xf32>,
    %swap3A_2044 = vector.shape_cast %swap3A_2043 : vector<1x16xf32> to vector<16xf32>
    %swap3A_2045 = vector.shape_cast %broadcast_in_dim3A_2039 : vector<16xf32> to vector<1x16xf32>
    tpu.vector_store %arg7[%swap3A_2041, %swap3A_2042], %swap3A_2045 {strides = array<i32>} : memref<32x128xf32, #tpu.memory_space<vmem>>, vector<1x16xf32>,
    %mul3A = arith.constant 2 : i32
    %mul3A_2046 = arith.muli %mul3A, %arg1 : i32
    "tpu.region"() ({
      %run_scoped3A_2206 = tpu.sem_alloc : memref<!tpu.dma_semaphore, #tpu.memory_space<semaphore_mem>>
      %dma_start3A = arith.constant 0 : i32
      %dma_start3A_2207 = tpu.memref_slice %arg2[%mul3A_2046, %dma_start3A] : memref<32x128xi32, #tpu.memory_space<hbm>> -> memref<2x128xi32, #tpu.memory_space<hbm>>
      %dma_start3A_2208 = arith.constant 0 : i32
      %dma_start3A_2209 = tpu.memref_slice %arg2[%mul3A_2046, %dma_start3A_2208] : memref<32x128xi32, #tpu.memory_space<hbm>> -> memref<2x128xi32, #tpu.memory_space<hbm>>
      tpu.enqueue_dma source(%dma_start3A_2209 : memref<2x128xi32, #tpu.memory_space<hbm>>) target(%arg5 : memref<2x128xi32, #tpu.memory_space<vmem>>) target_semaphore(%run_scoped3A_2206 : memref<!tpu.dma_semaphore, #tpu.memory_space<semaphore_mem>>)
      %dma_wait3A = arith.constant 0 : i32
      %dma_wait3A_2210 = tpu.memref_slice %arg2[%mul3A_2046, %dma_wait3A] : memref<32x128xi32, #tpu.memory_space<hbm>> -> memref<2x128xi32, #tpu.memory_space<hbm>>
      %dma_wait3A_2211 = arith.constant 0 : i32
      %dma_wait3A_2212 = tpu.memref_slice %arg2[%mul3A_2046, %dma_wait3A_2211] : memref<32x128xi32, #tpu.memory_space<hbm>> -> memref<2x128xi32, #tpu.memory_space<hbm>>
      tpu.wait_dma2 semaphore(%run_scoped3A_2206 : memref<!tpu.dma_semaphore, #tpu.memory_space<semaphore_mem>>) src(%dma_wait3A_2212 : memref<2x128xi32, #tpu.memory_space<hbm>>) dst(%arg5 : memref<2x128xi32, #tpu.memory_space<vmem>>)
      tpu.yield
    }) : () -> ()
    %mul3A_2047 = arith.constant 2 : i32
    %mul3A_2048 = arith.muli %arg0, %mul3A_2047 : i32
    %add3A = arith.constant 0 : i32
    %add3A_2049 = arith.addi %mul3A_2048, %add3A : i32
    %mul3A_2050 = arith.constant 128 : i32
    %mul3A_2051 = arith.muli %add3A_2049, %mul3A_2050 : i32
    %mul3A_2052 = arith.constant 512 : i32
    %mul3A_2053 = arith.muli %arg1, %mul3A_2052 : i32
    %add3A_2054 = arith.constant 0 : i32
    %add3A_2055 = arith.addi %mul3A_2053, %add3A_2054 : i32
    "tpu.region"() ({
      %run_scoped3A_2206 = tpu.sem_alloc : memref<!tpu.dma_semaphore, #tpu.memory_space<semaphore_mem>>
      %dma_start3A = arith.constant 0 : i32
      %dma_start3A_2207 = tpu.memref_slice %arg8[%add3A_2055, %dma_start3A] : memref<8192x128xf32, #tpu.memory_space<vmem_shared>> -> memref<32x128xf32, #tpu.memory_space<vmem_shared>>
      %dma_start3A_2208 = arith.constant 0 : i32
      %dma_start3A_2209 = tpu.memref_slice %arg8[%add3A_2055, %dma_start3A_2208] : memref<8192x128xf32, #tpu.memory_space<vmem_shared>> -> memref<32x128xf32, #tpu.memory_space<vmem_shared>>
      tpu.enqueue_dma source(%arg7 : memref<32x128xf32, #tpu.memory_space<vmem>>) target(%dma_start3A_2209 : memref<32x128xf32, #tpu.memory_space<vmem_shared>>) target_semaphore(%run_scoped3A_2206 : memref<!tpu.dma_semaphore, #tpu.memory_space<semaphore_mem>>)
      %dma_wait3A = arith.constant 0 : i32
      %dma_wait3A_2210 = tpu.memref_slice %arg8[%add3A_2055, %dma_wait3A] : memref<8192x128xf32, #tpu.memory_space<vmem_shared>> -> memref<32x128xf32, #tpu.memory_space<vmem_shared>>
      %dma_wait3A_2211 = arith.constant 0 : i32
      %dma_wait3A_2212 = tpu.memref_slice %arg8[%add3A_2055, %dma_wait3A_2211] : memref<8192x128xf32, #tpu.memory_space<vmem_shared>> -> memref<32x128xf32, #tpu.memory_space<vmem_shared>>
      tpu.wait_dma2 semaphore(%run_scoped3A_2206 : memref<!tpu.dma_semaphore, #tpu.memory_space<semaphore_mem>>) src(%arg7 : memref<32x128xf32, #tpu.memory_space<vmem>>) dst(%dma_wait3A_2212 : memref<32x128xf32, #tpu.memory_space<vmem_shared>>)
      tpu.yield
    }) : () -> ()
    %mul3A_2056 = arith.constant 512 : i32
    %mul3A_2057 = arith.muli %arg1, %mul3A_2056 : i32
    %add3A_2058 = arith.constant 32 : i32
    %add3A_2059 = arith.addi %mul3A_2057, %add3A_2058 : i32
    "tpu.region"() ({
      %run_scoped3A_2206 = tpu.sem_alloc : memref<!tpu.dma_semaphore, #tpu.memory_space<semaphore_mem>>
      %dma_start3A = arith.constant 0 : i32
      %dma_start3A_2207 = tpu.memref_slice %arg8[%add3A_2059, %dma_start3A] : memref<8192x128xf32, #tpu.memory_space<vmem_shared>> -> memref<32x128xf32, #tpu.memory_space<vmem_shared>>
      %dma_start3A_2208 = arith.constant 0 : i32
      %dma_start3A_2209 = tpu.memref_slice %arg8[%add3A_2059, %dma_start3A_2208] : memref<8192x128xf32, #tpu.memory_space<vmem_shared>> -> memref<32x128xf32, #tpu.memory_space<vmem_shared>>
      tpu.enqueue_dma source(%arg7 : memref<32x128xf32, #tpu.memory_space<vmem>>) target(%dma_start3A_2209 : memref<32x128xf32, #tpu.memory_space<vmem_shared>>) target_semaphore(%run_scoped3A_2206 : memref<!tpu.dma_semaphore, #tpu.memory_space<semaphore_mem>>)
      %dma_wait3A = arith.constant 0 : i32
      %dma_wait3A_2210 = tpu.memref_slice %arg8[%add3A_2059, %dma_wait3A] : memref<8192x128xf32, #tpu.memory_space<vmem_shared>> -> memref<32x128xf32, #tpu.memory_space<vmem_shared>>
      %dma_wait3A_2211 = arith.constant 0 : i32
      %dma_wait3A_2212 = tpu.memref_slice %arg8[%add3A_2059, %dma_wait3A_2211] : memref<8192x128xf32, #tpu.memory_space<vmem_shared>> -> memref<32x128xf32, #tpu.memory_space<vmem_shared>>
      tpu.wait_dma2 semaphore(%run_scoped3A_2206 : memref<!tpu.dma_semaphore, #tpu.memory_space<semaphore_mem>>) src(%arg7 : memref<32x128xf32, #tpu.memory_space<vmem>>) dst(%dma_wait3A_2212 : memref<32x128xf32, #tpu.memory_space<vmem_shared>>)
      tpu.yield
    }) : () -> ()
    %mul3A_2060 = arith.constant 512 : i32
    %mul3A_2061 = arith.muli %arg1, %mul3A_2060 : i32
    %add3A_2062 = arith.constant 64 : i32
    %add3A_2063 = arith.addi %mul3A_2061, %add3A_2062 : i32
    "tpu.region"() ({
      %run_scoped3A_2206 = tpu.sem_alloc : memref<!tpu.dma_semaphore, #tpu.memory_space<semaphore_mem>>
      %dma_start3A = arith.constant 0 : i32
      %dma_start3A_2207 = tpu.memref_slice %arg8[%add3A_2063, %dma_start3A] : memref<8192x128xf32, #tpu.memory_space<vmem_shared>> -> memref<32x128xf32, #tpu.memory_space<vmem_shared>>
      %dma_start3A_2208 = arith.constant 0 : i32
      %dma_start3A_2209 = tpu.memref_slice %arg8[%add3A_2063, %dma_start3A_2208] : memref<8192x128xf32, #tpu.memory_space<vmem_shared>> -> memref<32x128xf32, #tpu.memory_space<vmem_shared>>
      tpu.enqueue_dma source(%arg7 : memref<32x128xf32, #tpu.memory_space<vmem>>) target(%dma_start3A_2209 : memref<32x128xf32, #tpu.memory_space<vmem_shared>>) target_semaphore(%run_scoped3A_2206 : memref<!tpu.dma_semaphore, #tpu.memory_space<semaphore_mem>>)
      %dma_wait3A = arith.constant 0 : i32
      %dma_wait3A_2210 = tpu.memref_slice %arg8[%add3A_2063, %dma_wait3A] : memref<8192x128xf32, #tpu.memory_space<vmem_shared>> -> memref<32x128xf32, #tpu.memory_space<vmem_shared>>
      %dma_wait3A_2211 = arith.constant 0 : i32
      %dma_wait3A_2212 = tpu.memref_slice %arg8[%add3A_2063, %dma_wait3A_2211] : memref<8192x128xf32, #tpu.memory_space<vmem_shared>> -> memref<32x128xf32, #tpu.memory_space<vmem_shared>>
      tpu.wait_dma2 semaphore(%run_scoped3A_2206 : memref<!tpu.dma_semaphore, #tpu.memory_space<semaphore_mem>>) src(%arg7 : memref<32x128xf32, #tpu.memory_space<vmem>>) dst(%dma_wait3A_2212 : memref<32x128xf32, #tpu.memory_space<vmem_shared>>)
      tpu.yield
    }) : () -> ()
    %mul3A_2064 = arith.constant 512 : i32
    %mul3A_2065 = arith.muli %arg1, %mul3A_2064 : i32
    %add3A_2066 = arith.constant 96 : i32
    %add3A_2067 = arith.addi %mul3A_2065, %add3A_2066 : i32
    "tpu.region"() ({
      %run_scoped3A_2206 = tpu.sem_alloc : memref<!tpu.dma_semaphore, #tpu.memory_space<semaphore_mem>>
      %dma_start3A = arith.constant 0 : i32
      %dma_start3A_2207 = tpu.memref_slice %arg8[%add3A_2067, %dma_start3A] : memref<8192x128xf32, #tpu.memory_space<vmem_shared>> -> memref<32x128xf32, #tpu.memory_space<vmem_shared>>
      %dma_start3A_2208 = arith.constant 0 : i32
      %dma_start3A_2209 = tpu.memref_slice %arg8[%add3A_2067, %dma_start3A_2208] : memref<8192x128xf32, #tpu.memory_space<vmem_shared>> -> memref<32x128xf32, #tpu.memory_space<vmem_shared>>
      tpu.enqueue_dma source(%arg7 : memref<32x128xf32, #tpu.memory_space<vmem>>) target(%dma_start3A_2209 : memref<32x128xf32, #tpu.memory_space<vmem_shared>>) target_semaphore(%run_scoped3A_2206 : memref<!tpu.dma_semaphore, #tpu.memory_space<semaphore_mem>>)
      %dma_wait3A = arith.constant 0 : i32
      %dma_wait3A_2210 = tpu.memref_slice %arg8[%add3A_2067, %dma_wait3A] : memref<8192x128xf32, #tpu.memory_space<vmem_shared>> -> memref<32x128xf32, #tpu.memory_space<vmem_shared>>
      %dma_wait3A_2211 = arith.constant 0 : i32
      %dma_wait3A_2212 = tpu.memref_slice %arg8[%add3A_2067, %dma_wait3A_2211] : memref<8192x128xf32, #tpu.memory_space<vmem_shared>> -> memref<32x128xf32, #tpu.memory_space<vmem_shared>>
      tpu.wait_dma2 semaphore(%run_scoped3A_2206 : memref<!tpu.dma_semaphore, #tpu.memory_space<semaphore_mem>>) src(%arg7 : memref<32x128xf32, #tpu.memory_space<vmem>>) dst(%dma_wait3A_2212 : memref<32x128xf32, #tpu.memory_space<vmem_shared>>)
      tpu.yield
    }) : () -> ()
    %mul3A_2068 = arith.constant 512 : i32
    %mul3A_2069 = arith.muli %arg1, %mul3A_2068 : i32
    %add3A_2070 = arith.constant 128 : i32
    %add3A_2071 = arith.addi %mul3A_2069, %add3A_2070 : i32
    "tpu.region"() ({
      %run_scoped3A_2206 = tpu.sem_alloc : memref<!tpu.dma_semaphore, #tpu.memory_space<semaphore_mem>>
      %dma_start3A = arith.constant 0 : i32
      %dma_start3A_2207 = tpu.memref_slice %arg8[%add3A_2071, %dma_start3A] : memref<8192x128xf32, #tpu.memory_space<vmem_shared>> -> memref<32x128xf32, #tpu.memory_space<vmem_shared>>
      %dma_start3A_2208 = arith.constant 0 : i32
      %dma_start3A_2209 = tpu.memref_slice %arg8[%add3A_2071, %dma_start3A_2208] : memref<8192x128xf32, #tpu.memory_space<vmem_shared>> -> memref<32x128xf32, #tpu.memory_space<vmem_shared>>
      tpu.enqueue_dma source(%arg7 : memref<32x128xf32, #tpu.memory_space<vmem>>) target(%dma_start3A_2209 : memref<32x128xf32, #tpu.memory_space<vmem_shared>>) target_semaphore(%run_scoped3A_2206 : memref<!tpu.dma_semaphore, #tpu.memory_space<semaphore_mem>>)
      %dma_wait3A = arith.constant 0 : i32
      %dma_wait3A_2210 = tpu.memref_slice %arg8[%add3A_2071, %dma_wait3A] : memref<8192x128xf32, #tpu.memory_space<vmem_shared>> -> memref<32x128xf32, #tpu.memory_space<vmem_shared>>
      %dma_wait3A_2211 = arith.constant 0 : i32
      %dma_wait3A_2212 = tpu.memref_slice %arg8[%add3A_2071, %dma_wait3A_2211] : memref<8192x128xf32, #tpu.memory_space<vmem_shared>> -> memref<32x128xf32, #tpu.memory_space<vmem_shared>>
      tpu.wait_dma2 semaphore(%run_scoped3A_2206 : memref<!tpu.dma_semaphore, #tpu.memory_space<semaphore_mem>>) src(%arg7 : memref<32x128xf32, #tpu.memory_space<vmem>>) dst(%dma_wait3A_2212 : memref<32x128xf32, #tpu.memory_space<vmem_shared>>)
      tpu.yield
    }) : () -> ()
    %mul3A_2072 = arith.constant 512 : i32
    %mul3A_2073 = arith.muli %arg1, %mul3A_2072 : i32
    %add3A_2074 = arith.constant 160 : i32
    %add3A_2075 = arith.addi %mul3A_2073, %add3A_2074 : i32
    "tpu.region"() ({
      %run_scoped3A_2206 = tpu.sem_alloc : memref<!tpu.dma_semaphore, #tpu.memory_space<semaphore_mem>>
      %dma_start3A = arith.constant 0 : i32
      %dma_start3A_2207 = tpu.memref_slice %arg8[%add3A_2075, %dma_start3A] : memref<8192x128xf32, #tpu.memory_space<vmem_shared>> -> memref<32x128xf32, #tpu.memory_space<vmem_shared>>
      %dma_start3A_2208 = arith.constant 0 : i32
      %dma_start3A_2209 = tpu.memref_slice %arg8[%add3A_2075, %dma_start3A_2208] : memref<8192x128xf32, #tpu.memory_space<vmem_shared>> -> memref<32x128xf32, #tpu.memory_space<vmem_shared>>
      tpu.enqueue_dma source(%arg7 : memref<32x128xf32, #tpu.memory_space<vmem>>) target(%dma_start3A_2209 : memref<32x128xf32, #tpu.memory_space<vmem_shared>>) target_semaphore(%run_scoped3A_2206 : memref<!tpu.dma_semaphore, #tpu.memory_space<semaphore_mem>>)
      %dma_wait3A = arith.constant 0 : i32
      %dma_wait3A_2210 = tpu.memref_slice %arg8[%add3A_2075, %dma_wait3A] : memref<8192x128xf32, #tpu.memory_space<vmem_shared>> -> memref<32x128xf32, #tpu.memory_space<vmem_shared>>
      %dma_wait3A_2211 = arith.constant 0 : i32
      %dma_wait3A_2212 = tpu.memref_slice %arg8[%add3A_2075, %dma_wait3A_2211] : memref<8192x128xf32, #tpu.memory_space<vmem_shared>> -> memref<32x128xf32, #tpu.memory_space<vmem_shared>>
      tpu.wait_dma2 semaphore(%run_scoped3A_2206 : memref<!tpu.dma_semaphore, #tpu.memory_space<semaphore_mem>>) src(%arg7 : memref<32x128xf32, #tpu.memory_space<vmem>>) dst(%dma_wait3A_2212 : memref<32x128xf32, #tpu.memory_space<vmem_shared>>)
      tpu.yield
    }) : () -> ()
    %mul3A_2076 = arith.constant 512 : i32
    %mul3A_2077 = arith.muli %arg1, %mul3A_2076 : i32
    %add3A_2078 = arith.constant 192 : i32
    %add3A_2079 = arith.addi %mul3A_2077, %add3A_2078 : i32
    "tpu.region"() ({
      %run_scoped3A_2206 = tpu.sem_alloc : memref<!tpu.dma_semaphore, #tpu.memory_space<semaphore_mem>>
      %dma_start3A = arith.constant 0 : i32
      %dma_start3A_2207 = tpu.memref_slice %arg8[%add3A_2079, %dma_start3A] : memref<8192x128xf32, #tpu.memory_space<vmem_shared>> -> memref<32x128xf32, #tpu.memory_space<vmem_shared>>
      %dma_start3A_2208 = arith.constant 0 : i32
      %dma_start3A_2209 = tpu.memref_slice %arg8[%add3A_2079, %dma_start3A_2208] : memref<8192x128xf32, #tpu.memory_space<vmem_shared>> -> memref<32x128xf32, #tpu.memory_space<vmem_shared>>
      tpu.enqueue_dma source(%arg7 : memref<32x128xf32, #tpu.memory_space<vmem>>) target(%dma_start3A_2209 : memref<32x128xf32, #tpu.memory_space<vmem_shared>>) target_semaphore(%run_scoped3A_2206 : memref<!tpu.dma_semaphore, #tpu.memory_space<semaphore_mem>>)
      %dma_wait3A = arith.constant 0 : i32
      %dma_wait3A_2210 = tpu.memref_slice %arg8[%add3A_2079, %dma_wait3A] : memref<8192x128xf32, #tpu.memory_space<vmem_shared>> -> memref<32x128xf32, #tpu.memory_space<vmem_shared>>
      %dma_wait3A_2211 = arith.constant 0 : i32
      %dma_wait3A_2212 = tpu.memref_slice %arg8[%add3A_2079, %dma_wait3A_2211] : memref<8192x128xf32, #tpu.memory_space<vmem_shared>> -> memref<32x128xf32, #tpu.memory_space<vmem_shared>>
      tpu.wait_dma2 semaphore(%run_scoped3A_2206 : memref<!tpu.dma_semaphore, #tpu.memory_space<semaphore_mem>>) src(%arg7 : memref<32x128xf32, #tpu.memory_space<vmem>>) dst(%dma_wait3A_2212 : memref<32x128xf32, #tpu.memory_space<vmem_shared>>)
      tpu.yield
    }) : () -> ()
    %mul3A_2080 = arith.constant 512 : i32
    %mul3A_2081 = arith.muli %arg1, %mul3A_2080 : i32
    %add3A_2082 = arith.constant 224 : i32
    %add3A_2083 = arith.addi %mul3A_2081, %add3A_2082 : i32
    "tpu.region"() ({
      %run_scoped3A_2206 = tpu.sem_alloc : memref<!tpu.dma_semaphore, #tpu.memory_space<semaphore_mem>>
      %dma_start3A = arith.constant 0 : i32
      %dma_start3A_2207 = tpu.memref_slice %arg8[%add3A_2083, %dma_start3A] : memref<8192x128xf32, #tpu.memory_space<vmem_shared>> -> memref<32x128xf32, #tpu.memory_space<vmem_shared>>
      %dma_start3A_2208 = arith.constant 0 : i32
      %dma_start3A_2209 = tpu.memref_slice %arg8[%add3A_2083, %dma_start3A_2208] : memref<8192x128xf32, #tpu.memory_space<vmem_shared>> -> memref<32x128xf32, #tpu.memory_space<vmem_shared>>
      tpu.enqueue_dma source(%arg7 : memref<32x128xf32, #tpu.memory_space<vmem>>) target(%dma_start3A_2209 : memref<32x128xf32, #tpu.memory_space<vmem_shared>>) target_semaphore(%run_scoped3A_2206 : memref<!tpu.dma_semaphore, #tpu.memory_space<semaphore_mem>>)
      %dma_wait3A = arith.constant 0 : i32
      %dma_wait3A_2210 = tpu.memref_slice %arg8[%add3A_2083, %dma_wait3A] : memref<8192x128xf32, #tpu.memory_space<vmem_shared>> -> memref<32x128xf32, #tpu.memory_space<vmem_shared>>
      %dma_wait3A_2211 = arith.constant 0 : i32
      %dma_wait3A_2212 = tpu.memref_slice %arg8[%add3A_2083, %dma_wait3A_2211] : memref<8192x128xf32, #tpu.memory_space<vmem_shared>> -> memref<32x128xf32, #tpu.memory_space<vmem_shared>>
      tpu.wait_dma2 semaphore(%run_scoped3A_2206 : memref<!tpu.dma_semaphore, #tpu.memory_space<semaphore_mem>>) src(%arg7 : memref<32x128xf32, #tpu.memory_space<vmem>>) dst(%dma_wait3A_2212 : memref<32x128xf32, #tpu.memory_space<vmem_shared>>)
      tpu.yield
    }) : () -> ()
    %mul3A_2084 = arith.constant 512 : i32
    %mul3A_2085 = arith.muli %arg1, %mul3A_2084 : i32
    %add3A_2086 = arith.constant 256 : i32
    %add3A_2087 = arith.addi %mul3A_2085, %add3A_2086 : i32
    "tpu.region"() ({
      %run_scoped3A_2206 = tpu.sem_alloc : memref<!tpu.dma_semaphore, #tpu.memory_space<semaphore_mem>>
      %dma_start3A = arith.constant 0 : i32
      %dma_start3A_2207 = tpu.memref_slice %arg8[%add3A_2087, %dma_start3A] : memref<8192x128xf32, #tpu.memory_space<vmem_shared>> -> memref<32x128xf32, #tpu.memory_space<vmem_shared>>
      %dma_start3A_2208 = arith.constant 0 : i32
      %dma_start3A_2209 = tpu.memref_slice %arg8[%add3A_2087, %dma_start3A_2208] : memref<8192x128xf32, #tpu.memory_space<vmem_shared>> -> memref<32x128xf32, #tpu.memory_space<vmem_shared>>
      tpu.enqueue_dma source(%arg7 : memref<32x128xf32, #tpu.memory_space<vmem>>) target(%dma_start3A_2209 : memref<32x128xf32, #tpu.memory_space<vmem_shared>>) target_semaphore(%run_scoped3A_2206 : memref<!tpu.dma_semaphore, #tpu.memory_space<semaphore_mem>>)
      %dma_wait3A = arith.constant 0 : i32
      %dma_wait3A_2210 = tpu.memref_slice %arg8[%add3A_2087, %dma_wait3A] : memref<8192x128xf32, #tpu.memory_space<vmem_shared>> -> memref<32x128xf32, #tpu.memory_space<vmem_shared>>
      %dma_wait3A_2211 = arith.constant 0 : i32
      %dma_wait3A_2212 = tpu.memref_slice %arg8[%add3A_2087, %dma_wait3A_2211] : memref<8192x128xf32, #tpu.memory_space<vmem_shared>> -> memref<32x128xf32, #tpu.memory_space<vmem_shared>>
      tpu.wait_dma2 semaphore(%run_scoped3A_2206 : memref<!tpu.dma_semaphore, #tpu.memory_space<semaphore_mem>>) src(%arg7 : memref<32x128xf32, #tpu.memory_space<vmem>>) dst(%dma_wait3A_2212 : memref<32x128xf32, #tpu.memory_space<vmem_shared>>)
      tpu.yield
    }) : () -> ()
    %mul3A_2088 = arith.constant 512 : i32
    %mul3A_2089 = arith.muli %arg1, %mul3A_2088 : i32
    %add3A_2090 = arith.constant 288 : i32
    %add3A_2091 = arith.addi %mul3A_2089, %add3A_2090 : i32
    "tpu.region"() ({
      %run_scoped3A_2206 = tpu.sem_alloc : memref<!tpu.dma_semaphore, #tpu.memory_space<semaphore_mem>>
      %dma_start3A = arith.constant 0 : i32
      %dma_start3A_2207 = tpu.memref_slice %arg8[%add3A_2091, %dma_start3A] : memref<8192x128xf32, #tpu.memory_space<vmem_shared>> -> memref<32x128xf32, #tpu.memory_space<vmem_shared>>
      %dma_start3A_2208 = arith.constant 0 : i32
      %dma_start3A_2209 = tpu.memref_slice %arg8[%add3A_2091, %dma_start3A_2208] : memref<8192x128xf32, #tpu.memory_space<vmem_shared>> -> memref<32x128xf32, #tpu.memory_space<vmem_shared>>
      tpu.enqueue_dma source(%arg7 : memref<32x128xf32, #tpu.memory_space<vmem>>) target(%dma_start3A_2209 : memref<32x128xf32, #tpu.memory_space<vmem_shared>>) target_semaphore(%run_scoped3A_2206 : memref<!tpu.dma_semaphore, #tpu.memory_space<semaphore_mem>>)
      %dma_wait3A = arith.constant 0 : i32
      %dma_wait3A_2210 = tpu.memref_slice %arg8[%add3A_2091, %dma_wait3A] : memref<8192x128xf32, #tpu.memory_space<vmem_shared>> -> memref<32x128xf32, #tpu.memory_space<vmem_shared>>
      %dma_wait3A_2211 = arith.constant 0 : i32
      %dma_wait3A_2212 = tpu.memref_slice %arg8[%add3A_2091, %dma_wait3A_2211] : memref<8192x128xf32, #tpu.memory_space<vmem_shared>> -> memref<32x128xf32, #tpu.memory_space<vmem_shared>>
      tpu.wait_dma2 semaphore(%run_scoped3A_2206 : memref<!tpu.dma_semaphore, #tpu.memory_space<semaphore_mem>>) src(%arg7 : memref<32x128xf32, #tpu.memory_space<vmem>>) dst(%dma_wait3A_2212 : memref<32x128xf32, #tpu.memory_space<vmem_shared>>)
      tpu.yield
    }) : () -> ()
    %mul3A_2092 = arith.constant 512 : i32
    %mul3A_2093 = arith.muli %arg1, %mul3A_2092 : i32
    %add3A_2094 = arith.constant 320 : i32
    %add3A_2095 = arith.addi %mul3A_2093, %add3A_2094 : i32
    "tpu.region"() ({
      %run_scoped3A_2206 = tpu.sem_alloc : memref<!tpu.dma_semaphore, #tpu.memory_space<semaphore_mem>>
      %dma_start3A = arith.constant 0 : i32
      %dma_start3A_2207 = tpu.memref_slice %arg8[%add3A_2095, %dma_start3A] : memref<8192x128xf32, #tpu.memory_space<vmem_shared>> -> memref<32x128xf32, #tpu.memory_space<vmem_shared>>
      %dma_start3A_2208 = arith.constant 0 : i32
      %dma_start3A_2209 = tpu.memref_slice %arg8[%add3A_2095, %dma_start3A_2208] : memref<8192x128xf32, #tpu.memory_space<vmem_shared>> -> memref<32x128xf32, #tpu.memory_space<vmem_shared>>
      tpu.enqueue_dma source(%arg7 : memref<32x128xf32, #tpu.memory_space<vmem>>) target(%dma_start3A_2209 : memref<32x128xf32, #tpu.memory_space<vmem_shared>>) target_semaphore(%run_scoped3A_2206 : memref<!tpu.dma_semaphore, #tpu.memory_space<semaphore_mem>>)
      %dma_wait3A = arith.constant 0 : i32
      %dma_wait3A_2210 = tpu.memref_slice %arg8[%add3A_2095, %dma_wait3A] : memref<8192x128xf32, #tpu.memory_space<vmem_shared>> -> memref<32x128xf32, #tpu.memory_space<vmem_shared>>
      %dma_wait3A_2211 = arith.constant 0 : i32
      %dma_wait3A_2212 = tpu.memref_slice %arg8[%add3A_2095, %dma_wait3A_2211] : memref<8192x128xf32, #tpu.memory_space<vmem_shared>> -> memref<32x128xf32, #tpu.memory_space<vmem_shared>>
      tpu.wait_dma2 semaphore(%run_scoped3A_2206 : memref<!tpu.dma_semaphore, #tpu.memory_space<semaphore_mem>>) src(%arg7 : memref<32x128xf32, #tpu.memory_space<vmem>>) dst(%dma_wait3A_2212 : memref<32x128xf32, #tpu.memory_space<vmem_shared>>)
      tpu.yield
    }) : () -> ()
    %mul3A_2096 = arith.constant 512 : i32
    %mul3A_2097 = arith.muli %arg1, %mul3A_2096 : i32
    %add3A_2098 = arith.constant 352 : i32
    %add3A_2099 = arith.addi %mul3A_2097, %add3A_2098 : i32
    "tpu.region"() ({
      %run_scoped3A_2206 = tpu.sem_alloc : memref<!tpu.dma_semaphore, #tpu.memory_space<semaphore_mem>>
      %dma_start3A = arith.constant 0 : i32
      %dma_start3A_2207 = tpu.memref_slice %arg8[%add3A_2099, %dma_start3A] : memref<8192x128xf32, #tpu.memory_space<vmem_shared>> -> memref<32x128xf32, #tpu.memory_space<vmem_shared>>
      %dma_start3A_2208 = arith.constant 0 : i32
      %dma_start3A_2209 = tpu.memref_slice %arg8[%add3A_2099, %dma_start3A_2208] : memref<8192x128xf32, #tpu.memory_space<vmem_shared>> -> memref<32x128xf32, #tpu.memory_space<vmem_shared>>
      tpu.enqueue_dma source(%arg7 : memref<32x128xf32, #tpu.memory_space<vmem>>) target(%dma_start3A_2209 : memref<32x128xf32, #tpu.memory_space<vmem_shared>>) target_semaphore(%run_scoped3A_2206 : memref<!tpu.dma_semaphore, #tpu.memory_space<semaphore_mem>>)
      %dma_wait3A = arith.constant 0 : i32
      %dma_wait3A_2210 = tpu.memref_slice %arg8[%add3A_2099, %dma_wait3A] : memref<8192x128xf32, #tpu.memory_space<vmem_shared>> -> memref<32x128xf32, #tpu.memory_space<vmem_shared>>
      %dma_wait3A_2211 = arith.constant 0 : i32
      %dma_wait3A_2212 = tpu.memref_slice %arg8[%add3A_2099, %dma_wait3A_2211] : memref<8192x128xf32, #tpu.memory_space<vmem_shared>> -> memref<32x128xf32, #tpu.memory_space<vmem_shared>>
      tpu.wait_dma2 semaphore(%run_scoped3A_2206 : memref<!tpu.dma_semaphore, #tpu.memory_space<semaphore_mem>>) src(%arg7 : memref<32x128xf32, #tpu.memory_space<vmem>>) dst(%dma_wait3A_2212 : memref<32x128xf32, #tpu.memory_space<vmem_shared>>)
      tpu.yield
    }) : () -> ()
    %mul3A_2100 = arith.constant 512 : i32
    %mul3A_2101 = arith.muli %arg1, %mul3A_2100 : i32
    %add3A_2102 = arith.constant 384 : i32
    %add3A_2103 = arith.addi %mul3A_2101, %add3A_2102 : i32
    "tpu.region"() ({
      %run_scoped3A_2206 = tpu.sem_alloc : memref<!tpu.dma_semaphore, #tpu.memory_space<semaphore_mem>>
      %dma_start3A = arith.constant 0 : i32
      %dma_start3A_2207 = tpu.memref_slice %arg8[%add3A_2103, %dma_start3A] : memref<8192x128xf32, #tpu.memory_space<vmem_shared>> -> memref<32x128xf32, #tpu.memory_space<vmem_shared>>
      %dma_start3A_2208 = arith.constant 0 : i32
      %dma_start3A_2209 = tpu.memref_slice %arg8[%add3A_2103, %dma_start3A_2208] : memref<8192x128xf32, #tpu.memory_space<vmem_shared>> -> memref<32x128xf32, #tpu.memory_space<vmem_shared>>
      tpu.enqueue_dma source(%arg7 : memref<32x128xf32, #tpu.memory_space<vmem>>) target(%dma_start3A_2209 : memref<32x128xf32, #tpu.memory_space<vmem_shared>>) target_semaphore(%run_scoped3A_2206 : memref<!tpu.dma_semaphore, #tpu.memory_space<semaphore_mem>>)
      %dma_wait3A = arith.constant 0 : i32
      %dma_wait3A_2210 = tpu.memref_slice %arg8[%add3A_2103, %dma_wait3A] : memref<8192x128xf32, #tpu.memory_space<vmem_shared>> -> memref<32x128xf32, #tpu.memory_space<vmem_shared>>
      %dma_wait3A_2211 = arith.constant 0 : i32
      %dma_wait3A_2212 = tpu.memref_slice %arg8[%add3A_2103, %dma_wait3A_2211] : memref<8192x128xf32, #tpu.memory_space<vmem_shared>> -> memref<32x128xf32, #tpu.memory_space<vmem_shared>>
      tpu.wait_dma2 semaphore(%run_scoped3A_2206 : memref<!tpu.dma_semaphore, #tpu.memory_space<semaphore_mem>>) src(%arg7 : memref<32x128xf32, #tpu.memory_space<vmem>>) dst(%dma_wait3A_2212 : memref<32x128xf32, #tpu.memory_space<vmem_shared>>)
      tpu.yield
    }) : () -> ()
    %mul3A_2104 = arith.constant 512 : i32
    %mul3A_2105 = arith.muli %arg1, %mul3A_2104 : i32
    %add3A_2106 = arith.constant 416 : i32
    %add3A_2107 = arith.addi %mul3A_2105, %add3A_2106 : i32
    "tpu.region"() ({
      %run_scoped3A_2206 = tpu.sem_alloc : memref<!tpu.dma_semaphore, #tpu.memory_space<semaphore_mem>>
      %dma_start3A = arith.constant 0 : i32
      %dma_start3A_2207 = tpu.memref_slice %arg8[%add3A_2107, %dma_start3A] : memref<8192x128xf32, #tpu.memory_space<vmem_shared>> -> memref<32x128xf32, #tpu.memory_space<vmem_shared>>
      %dma_start3A_2208 = arith.constant 0 : i32
      %dma_start3A_2209 = tpu.memref_slice %arg8[%add3A_2107, %dma_start3A_2208] : memref<8192x128xf32, #tpu.memory_space<vmem_shared>> -> memref<32x128xf32, #tpu.memory_space<vmem_shared>>
      tpu.enqueue_dma source(%arg7 : memref<32x128xf32, #tpu.memory_space<vmem>>) target(%dma_start3A_2209 : memref<32x128xf32, #tpu.memory_space<vmem_shared>>) target_semaphore(%run_scoped3A_2206 : memref<!tpu.dma_semaphore, #tpu.memory_space<semaphore_mem>>)
      %dma_wait3A = arith.constant 0 : i32
      %dma_wait3A_2210 = tpu.memref_slice %arg8[%add3A_2107, %dma_wait3A] : memref<8192x128xf32, #tpu.memory_space<vmem_shared>> -> memref<32x128xf32, #tpu.memory_space<vmem_shared>>
      %dma_wait3A_2211 = arith.constant 0 : i32
      %dma_wait3A_2212 = tpu.memref_slice %arg8[%add3A_2107, %dma_wait3A_2211] : memref<8192x128xf32, #tpu.memory_space<vmem_shared>> -> memref<32x128xf32, #tpu.memory_space<vmem_shared>>
      tpu.wait_dma2 semaphore(%run_scoped3A_2206 : memref<!tpu.dma_semaphore, #tpu.memory_space<semaphore_mem>>) src(%arg7 : memref<32x128xf32, #tpu.memory_space<vmem>>) dst(%dma_wait3A_2212 : memref<32x128xf32, #tpu.memory_space<vmem_shared>>)
      tpu.yield
    }) : () -> ()
    %mul3A_2108 = arith.constant 512 : i32
    %mul3A_2109 = arith.muli %arg1, %mul3A_2108 : i32
    %add3A_2110 = arith.constant 448 : i32
    %add3A_2111 = arith.addi %mul3A_2109, %add3A_2110 : i32
    "tpu.region"() ({
      %run_scoped3A_2206 = tpu.sem_alloc : memref<!tpu.dma_semaphore, #tpu.memory_space<semaphore_mem>>
      %dma_start3A = arith.constant 0 : i32
      %dma_start3A_2207 = tpu.memref_slice %arg8[%add3A_2111, %dma_start3A] : memref<8192x128xf32, #tpu.memory_space<vmem_shared>> -> memref<32x128xf32, #tpu.memory_space<vmem_shared>>
      %dma_start3A_2208 = arith.constant 0 : i32
      %dma_start3A_2209 = tpu.memref_slice %arg8[%add3A_2111, %dma_start3A_2208] : memref<8192x128xf32, #tpu.memory_space<vmem_shared>> -> memref<32x128xf32, #tpu.memory_space<vmem_shared>>
      tpu.enqueue_dma source(%arg7 : memref<32x128xf32, #tpu.memory_space<vmem>>) target(%dma_start3A_2209 : memref<32x128xf32, #tpu.memory_space<vmem_shared>>) target_semaphore(%run_scoped3A_2206 : memref<!tpu.dma_semaphore, #tpu.memory_space<semaphore_mem>>)
      %dma_wait3A = arith.constant 0 : i32
      %dma_wait3A_2210 = tpu.memref_slice %arg8[%add3A_2111, %dma_wait3A] : memref<8192x128xf32, #tpu.memory_space<vmem_shared>> -> memref<32x128xf32, #tpu.memory_space<vmem_shared>>
      %dma_wait3A_2211 = arith.constant 0 : i32
      %dma_wait3A_2212 = tpu.memref_slice %arg8[%add3A_2111, %dma_wait3A_2211] : memref<8192x128xf32, #tpu.memory_space<vmem_shared>> -> memref<32x128xf32, #tpu.memory_space<vmem_shared>>
      tpu.wait_dma2 semaphore(%run_scoped3A_2206 : memref<!tpu.dma_semaphore, #tpu.memory_space<semaphore_mem>>) src(%arg7 : memref<32x128xf32, #tpu.memory_space<vmem>>) dst(%dma_wait3A_2212 : memref<32x128xf32, #tpu.memory_space<vmem_shared>>)
      tpu.yield
    }) : () -> ()
    %mul3A_2112 = arith.constant 512 : i32
    %mul3A_2113 = arith.muli %arg1, %mul3A_2112 : i32
    %add3A_2114 = arith.constant 480 : i32
    %add3A_2115 = arith.addi %mul3A_2113, %add3A_2114 : i32
    "tpu.region"() ({
      %run_scoped3A_2206 = tpu.sem_alloc : memref<!tpu.dma_semaphore, #tpu.memory_space<semaphore_mem>>
      %dma_start3A = arith.constant 0 : i32
      %dma_start3A_2207 = tpu.memref_slice %arg8[%add3A_2115, %dma_start3A] : memref<8192x128xf32, #tpu.memory_space<vmem_shared>> -> memref<32x128xf32, #tpu.memory_space<vmem_shared>>
      %dma_start3A_2208 = arith.constant 0 : i32
      %dma_start3A_2209 = tpu.memref_slice %arg8[%add3A_2115, %dma_start3A_2208] : memref<8192x128xf32, #tpu.memory_space<vmem_shared>> -> memref<32x128xf32, #tpu.memory_space<vmem_shared>>
      tpu.enqueue_dma source(%arg7 : memref<32x128xf32, #tpu.memory_space<vmem>>) target(%dma_start3A_2209 : memref<32x128xf32, #tpu.memory_space<vmem_shared>>) target_semaphore(%run_scoped3A_2206 : memref<!tpu.dma_semaphore, #tpu.memory_space<semaphore_mem>>)
      %dma_wait3A = arith.constant 0 : i32
      %dma_wait3A_2210 = tpu.memref_slice %arg8[%add3A_2115, %dma_wait3A] : memref<8192x128xf32, #tpu.memory_space<vmem_shared>> -> memref<32x128xf32, #tpu.memory_space<vmem_shared>>
      %dma_wait3A_2211 = arith.constant 0 : i32
      %dma_wait3A_2212 = tpu.memref_slice %arg8[%add3A_2115, %dma_wait3A_2211] : memref<8192x128xf32, #tpu.memory_space<vmem_shared>> -> memref<32x128xf32, #tpu.memory_space<vmem_shared>>
      tpu.wait_dma2 semaphore(%run_scoped3A_2206 : memref<!tpu.dma_semaphore, #tpu.memory_space<semaphore_mem>>) src(%arg7 : memref<32x128xf32, #tpu.memory_space<vmem>>) dst(%dma_wait3A_2212 : memref<32x128xf32, #tpu.memory_space<vmem_shared>>)
      tpu.yield
    }) : () -> ()
    %barrier3A = arith.constant 0 : index
    tpu.barrier barrier_id(%barrier3A)
    %mul3A_2116 = arith.constant 256 : i32
    %mul3A_2117 = arith.muli %arg1, %mul3A_2116 : i32
    "tpu.region"() ({
      %run_scoped3A_2206 = tpu.sem_alloc : memref<!tpu.dma_semaphore, #tpu.memory_space<semaphore_mem>>
      %dma_start3A = tpu.memref_slice %arg3[%mul3A_2117, %mul3A_2051] : memref<4096x512xf32, #tpu.memory_space<hbm>> -> memref<256x128xf32, #tpu.memory_space<hbm>>
      %dma_start3A_2207 = tpu.memref_slice %arg3[%mul3A_2117, %mul3A_2051] : memref<4096x512xf32, #tpu.memory_space<hbm>> -> memref<256x128xf32, #tpu.memory_space<hbm>>
      tpu.enqueue_dma source(%dma_start3A_2207 : memref<256x128xf32, #tpu.memory_space<hbm>>) target(%arg6 : memref<256x128xf32, #tpu.memory_space<vmem>>) target_semaphore(%run_scoped3A_2206 : memref<!tpu.dma_semaphore, #tpu.memory_space<semaphore_mem>>)
      %dma_wait3A = tpu.memref_slice %arg3[%mul3A_2117, %mul3A_2051] : memref<4096x512xf32, #tpu.memory_space<hbm>> -> memref<256x128xf32, #tpu.memory_space<hbm>>
      %dma_wait3A_2208 = tpu.memref_slice %arg3[%mul3A_2117, %mul3A_2051] : memref<4096x512xf32, #tpu.memory_space<hbm>> -> memref<256x128xf32, #tpu.memory_space<hbm>>
      tpu.wait_dma2 semaphore(%run_scoped3A_2206 : memref<!tpu.dma_semaphore, #tpu.memory_space<semaphore_mem>>) src(%dma_wait3A_2208 : memref<256x128xf32, #tpu.memory_space<hbm>>) dst(%arg6 : memref<256x128xf32, #tpu.memory_space<vmem>>)
      tpu.yield
    }) : () -> ()
    %run_scoped3A = arith.constant 0 : i32
    "tpu.region"() ({
      %run_scoped3A_2206 = tpu.sem_alloc : memref<!tpu.dma_semaphore, #tpu.memory_space<semaphore_mem>>
      %dma_start3A = arith.constant 0 : i32
      %dma_start3A_2207 = arith.constant 0 : i32
      %dma_start3A_2208 = tpu.memref_slice %arg6[%dma_start3A, %dma_start3A_2207] : memref<256x128xf32, #tpu.memory_space<vmem>> -> memref<128x128xf32, #tpu.memory_space<vmem>>
      %dma_start3A_2209 = arith.constant 0 : i32
      %dma_start3A_2210 = tpu.memref_slice %arg5[%run_scoped3A, %dma_start3A_2209] : memref<2x128xi32, #tpu.memory_space<vmem>> -> memref<1x128xi32, #tpu.memory_space<vmem>>
      %dma_start3A_2211 = tpu.memref_squeeze %dma_start3A_2210 : memref<1x128xi32, #tpu.memory_space<vmem>> -> memref<128xi32, #tpu.memory_space<vmem>>
      %dma_start3A_2212 = arith.constant 0 : i32
      %dma_start3A_2213 = arith.constant 0 : i32
      %dma_start3A_2214 = tpu.memref_slice %arg8[%dma_start3A_2212, %dma_start3A_2213] : memref<8192x128xf32, #tpu.memory_space<vmem_shared>> -> memref<8192x128xf32, #tpu.memory_space<vmem_shared>>
      tpu.enqueue_indirect_dma source(%dma_start3A_2208 : memref<128x128xf32, #tpu.memory_space<vmem>>) target(%dma_start3A_2214 : memref<8192x128xf32, #tpu.memory_space<vmem_shared>>) offsets(%dma_start3A_2211 : memref<128xi32, #tpu.memory_space<vmem>>) semaphore(%run_scoped3A_2206 : memref<!tpu.dma_semaphore, #tpu.memory_space<semaphore_mem>>) {add = true}
      %dma_wait3A = arith.constant 0 : i32
      %dma_wait3A_2215 = arith.constant 0 : i32
      %dma_wait3A_2216 = tpu.memref_slice %arg6[%dma_wait3A, %dma_wait3A_2215] : memref<256x128xf32, #tpu.memory_space<vmem>> -> memref<128x128xf32, #tpu.memory_space<vmem>>
      %dma_wait3A_2217 = arith.constant 0 : i32
      %dma_wait3A_2218 = tpu.memref_slice %arg5[%run_scoped3A, %dma_wait3A_2217] : memref<2x128xi32, #tpu.memory_space<vmem>> -> memref<1x128xi32, #tpu.memory_space<vmem>>
      %dma_wait3A_2219 = tpu.memref_squeeze %dma_wait3A_2218 : memref<1x128xi32, #tpu.memory_space<vmem>> -> memref<128xi32, #tpu.memory_space<vmem>>
      %dma_wait3A_2220 = arith.constant 0 : i32
      %dma_wait3A_2221 = arith.constant 0 : i32
      %dma_wait3A_2222 = tpu.memref_slice %arg8[%dma_wait3A_2220, %dma_wait3A_2221] : memref<8192x128xf32, #tpu.memory_space<vmem_shared>> -> memref<8192x128xf32, #tpu.memory_space<vmem_shared>>
      tpu.wait_indirect_dma semaphore(%run_scoped3A_2206 : memref<!tpu.dma_semaphore, #tpu.memory_space<semaphore_mem>>) src(%dma_wait3A_2216 : memref<128x128xf32, #tpu.memory_space<vmem>>) dst(%dma_wait3A_2222 : memref<8192x128xf32, #tpu.memory_space<vmem_shared>>)
      tpu.yield
    }) : () -> ()
    %run_scoped3A_2118 = arith.constant 1 : i32
    "tpu.region"() ({
      %run_scoped3A_2206 = tpu.sem_alloc : memref<!tpu.dma_semaphore, #tpu.memory_space<semaphore_mem>>
      %dma_start3A = arith.constant 128 : i32
      %dma_start3A_2207 = arith.constant 0 : i32
      %dma_start3A_2208 = tpu.memref_slice %arg6[%dma_start3A, %dma_start3A_2207] : memref<256x128xf32, #tpu.memory_space<vmem>> -> memref<128x128xf32, #tpu.memory_space<vmem>>
      %dma_start3A_2209 = arith.constant 0 : i32
      %dma_start3A_2210 = tpu.memref_slice %arg5[%run_scoped3A_2118, %dma_start3A_2209] : memref<2x128xi32, #tpu.memory_space<vmem>> -> memref<1x128xi32, #tpu.memory_space<vmem>>
      %dma_start3A_2211 = tpu.memref_squeeze %dma_start3A_2210 : memref<1x128xi32, #tpu.memory_space<vmem>> -> memref<128xi32, #tpu.memory_space<vmem>>
      %dma_start3A_2212 = arith.constant 0 : i32
      %dma_start3A_2213 = arith.constant 0 : i32
      %dma_start3A_2214 = tpu.memref_slice %arg8[%dma_start3A_2212, %dma_start3A_2213] : memref<8192x128xf32, #tpu.memory_space<vmem_shared>> -> memref<8192x128xf32, #tpu.memory_space<vmem_shared>>
      tpu.enqueue_indirect_dma source(%dma_start3A_2208 : memref<128x128xf32, #tpu.memory_space<vmem>>) target(%dma_start3A_2214 : memref<8192x128xf32, #tpu.memory_space<vmem_shared>>) offsets(%dma_start3A_2211 : memref<128xi32, #tpu.memory_space<vmem>>) semaphore(%run_scoped3A_2206 : memref<!tpu.dma_semaphore, #tpu.memory_space<semaphore_mem>>) {add = true}
      %dma_wait3A = arith.constant 128 : i32
      %dma_wait3A_2215 = arith.constant 0 : i32
      %dma_wait3A_2216 = tpu.memref_slice %arg6[%dma_wait3A, %dma_wait3A_2215] : memref<256x128xf32, #tpu.memory_space<vmem>> -> memref<128x128xf32, #tpu.memory_space<vmem>>
      %dma_wait3A_2217 = arith.constant 0 : i32
      %dma_wait3A_2218 = tpu.memref_slice %arg5[%run_scoped3A_2118, %dma_wait3A_2217] : memref<2x128xi32, #tpu.memory_space<vmem>> -> memref<1x128xi32, #tpu.memory_space<vmem>>
      %dma_wait3A_2219 = tpu.memref_squeeze %dma_wait3A_2218 : memref<1x128xi32, #tpu.memory_space<vmem>> -> memref<128xi32, #tpu.memory_space<vmem>>
      %dma_wait3A_2220 = arith.constant 0 : i32
      %dma_wait3A_2221 = arith.constant 0 : i32
      %dma_wait3A_2222 = tpu.memref_slice %arg8[%dma_wait3A_2220, %dma_wait3A_2221] : memref<8192x128xf32, #tpu.memory_space<vmem_shared>> -> memref<8192x128xf32, #tpu.memory_space<vmem_shared>>
      tpu.wait_indirect_dma semaphore(%run_scoped3A_2206 : memref<!tpu.dma_semaphore, #tpu.memory_space<semaphore_mem>>) src(%dma_wait3A_2216 : memref<128x128xf32, #tpu.memory_space<vmem>>) dst(%dma_wait3A_2222 : memref<8192x128xf32, #tpu.memory_space<vmem_shared>>)
      tpu.yield
    }) : () -> ()
    %barrier3A_2119 = arith.constant 0 : index
    tpu.barrier barrier_id(%barrier3A_2119)
    %mul3A_2120 = arith.constant 512 : i32
    %mul3A_2121 = arith.muli %arg1, %mul3A_2120 : i32
    %mul3A_2122 = arith.constant 512 : i32
    %mul3A_2123 = arith.muli %arg1, %mul3A_2122 : i32
    "tpu.region"() ({
      %run_scoped3A_2206 = tpu.sem_alloc : memref<!tpu.dma_semaphore, #tpu.memory_space<semaphore_mem>>
      %dma_start3A = tpu.memref_slice %arg4[%mul3A_2123, %mul3A_2051] : memref<8192x512xf32, #tpu.memory_space<hbm>> -> memref<512x128xf32, #tpu.memory_space<hbm>>
      %dma_start3A_2207 = arith.constant 0 : i32
      %dma_start3A_2208 = tpu.memref_slice %arg8[%mul3A_2121, %dma_start3A_2207] : memref<8192x128xf32, #tpu.memory_space<vmem_shared>> -> memref<512x128xf32, #tpu.memory_space<vmem_shared>>
      tpu.enqueue_dma source(%dma_start3A_2208 : memref<512x128xf32, #tpu.memory_space<vmem_shared>>) target(%dma_start3A : memref<512x128xf32, #tpu.memory_space<hbm>>) target_semaphore(%run_scoped3A_2206 : memref<!tpu.dma_semaphore, #tpu.memory_space<semaphore_mem>>)
      %dma_wait3A = tpu.memref_slice %arg4[%mul3A_2123, %mul3A_2051] : memref<8192x512xf32, #tpu.memory_space<hbm>> -> memref<512x128xf32, #tpu.memory_space<hbm>>
      %dma_wait3A_2209 = arith.constant 0 : i32
      %dma_wait3A_2210 = tpu.memref_slice %arg8[%mul3A_2121, %dma_wait3A_2209] : memref<8192x128xf32, #tpu.memory_space<vmem_shared>> -> memref<512x128xf32, #tpu.memory_space<vmem_shared>>
      tpu.wait_dma2 semaphore(%run_scoped3A_2206 : memref<!tpu.dma_semaphore, #tpu.memory_space<semaphore_mem>>) src(%dma_wait3A_2210 : memref<512x128xf32, #tpu.memory_space<vmem_shared>>) dst(%dma_wait3A : memref<512x128xf32, #tpu.memory_space<hbm>>)
      tpu.yield
    }) : () -> ()
    %barrier3A_2124 = arith.constant 0 : index
    tpu.barrier barrier_id(%barrier3A_2124)
    %mul3A_2125 = arith.constant 2 : i32
    %mul3A_2126 = arith.muli %arg0, %mul3A_2125 : i32
    %add3A_2127 = arith.constant 1 : i32
    %add3A_2128 = arith.addi %mul3A_2126, %add3A_2127 : i32
    %mul3A_2129 = arith.constant 128 : i32
    %mul3A_2130 = arith.muli %add3A_2128, %mul3A_2129 : i32
    %mul3A_2131 = arith.constant 512 : i32
    %mul3A_2132 = arith.muli %arg1, %mul3A_2131 : i32
    %add3A_2133 = arith.constant 0 : i32
    %add3A_2134 = arith.addi %mul3A_2132, %add3A_2133 : i32
    "tpu.region"() ({
      %run_scoped3A_2206 = tpu.sem_alloc : memref<!tpu.dma_semaphore, #tpu.memory_space<semaphore_mem>>
      %dma_start3A = arith.constant 0 : i32
      %dma_start3A_2207 = tpu.memref_slice %arg8[%add3A_2134, %dma_start3A] : memref<8192x128xf32, #tpu.memory_space<vmem_shared>> -> memref<32x128xf32, #tpu.memory_space<vmem_shared>>
      %dma_start3A_2208 = arith.constant 0 : i32
      %dma_start3A_2209 = tpu.memref_slice %arg8[%add3A_2134, %dma_start3A_2208] : memref<8192x128xf32, #tpu.memory_space<vmem_shared>> -> memref<32x128xf32, #tpu.memory_space<vmem_shared>>
      tpu.enqueue_dma source(%arg7 : memref<32x128xf32, #tpu.memory_space<vmem>>) target(%dma_start3A_2209 : memref<32x128xf32, #tpu.memory_space<vmem_shared>>) target_semaphore(%run_scoped3A_2206 : memref<!tpu.dma_semaphore, #tpu.memory_space<semaphore_mem>>)
      %dma_wait3A = arith.constant 0 : i32
      %dma_wait3A_2210 = tpu.memref_slice %arg8[%add3A_2134, %dma_wait3A] : memref<8192x128xf32, #tpu.memory_space<vmem_shared>> -> memref<32x128xf32, #tpu.memory_space<vmem_shared>>
      %dma_wait3A_2211 = arith.constant 0 : i32
      %dma_wait3A_2212 = tpu.memref_slice %arg8[%add3A_2134, %dma_wait3A_2211] : memref<8192x128xf32, #tpu.memory_space<vmem_shared>> -> memref<32x128xf32, #tpu.memory_space<vmem_shared>>
      tpu.wait_dma2 semaphore(%run_scoped3A_2206 : memref<!tpu.dma_semaphore, #tpu.memory_space<semaphore_mem>>) src(%arg7 : memref<32x128xf32, #tpu.memory_space<vmem>>) dst(%dma_wait3A_2212 : memref<32x128xf32, #tpu.memory_space<vmem_shared>>)
      tpu.yield
    }) : () -> ()
    %mul3A_2135 = arith.constant 512 : i32
    %mul3A_2136 = arith.muli %arg1, %mul3A_2135 : i32
    %add3A_2137 = arith.constant 32 : i32
    %add3A_2138 = arith.addi %mul3A_2136, %add3A_2137 : i32
    "tpu.region"() ({
      %run_scoped3A_2206 = tpu.sem_alloc : memref<!tpu.dma_semaphore, #tpu.memory_space<semaphore_mem>>
      %dma_start3A = arith.constant 0 : i32
      %dma_start3A_2207 = tpu.memref_slice %arg8[%add3A_2138, %dma_start3A] : memref<8192x128xf32, #tpu.memory_space<vmem_shared>> -> memref<32x128xf32, #tpu.memory_space<vmem_shared>>
      %dma_start3A_2208 = arith.constant 0 : i32
      %dma_start3A_2209 = tpu.memref_slice %arg8[%add3A_2138, %dma_start3A_2208] : memref<8192x128xf32, #tpu.memory_space<vmem_shared>> -> memref<32x128xf32, #tpu.memory_space<vmem_shared>>
      tpu.enqueue_dma source(%arg7 : memref<32x128xf32, #tpu.memory_space<vmem>>) target(%dma_start3A_2209 : memref<32x128xf32, #tpu.memory_space<vmem_shared>>) target_semaphore(%run_scoped3A_2206 : memref<!tpu.dma_semaphore, #tpu.memory_space<semaphore_mem>>)
      %dma_wait3A = arith.constant 0 : i32
      %dma_wait3A_2210 = tpu.memref_slice %arg8[%add3A_2138, %dma_wait3A] : memref<8192x128xf32, #tpu.memory_space<vmem_shared>> -> memref<32x128xf32, #tpu.memory_space<vmem_shared>>
      %dma_wait3A_2211 = arith.constant 0 : i32
      %dma_wait3A_2212 = tpu.memref_slice %arg8[%add3A_2138, %dma_wait3A_2211] : memref<8192x128xf32, #tpu.memory_space<vmem_shared>> -> memref<32x128xf32, #tpu.memory_space<vmem_shared>>
      tpu.wait_dma2 semaphore(%run_scoped3A_2206 : memref<!tpu.dma_semaphore, #tpu.memory_space<semaphore_mem>>) src(%arg7 : memref<32x128xf32, #tpu.memory_space<vmem>>) dst(%dma_wait3A_2212 : memref<32x128xf32, #tpu.memory_space<vmem_shared>>)
      tpu.yield
    }) : () -> ()
    %mul3A_2139 = arith.constant 512 : i32
    %mul3A_2140 = arith.muli %arg1, %mul3A_2139 : i32
    %add3A_2141 = arith.constant 64 : i32
    %add3A_2142 = arith.addi %mul3A_2140, %add3A_2141 : i32
    "tpu.region"() ({
      %run_scoped3A_2206 = tpu.sem_alloc : memref<!tpu.dma_semaphore, #tpu.memory_space<semaphore_mem>>
      %dma_start3A = arith.constant 0 : i32
      %dma_start3A_2207 = tpu.memref_slice %arg8[%add3A_2142, %dma_start3A] : memref<8192x128xf32, #tpu.memory_space<vmem_shared>> -> memref<32x128xf32, #tpu.memory_space<vmem_shared>>
      %dma_start3A_2208 = arith.constant 0 : i32
      %dma_start3A_2209 = tpu.memref_slice %arg8[%add3A_2142, %dma_start3A_2208] : memref<8192x128xf32, #tpu.memory_space<vmem_shared>> -> memref<32x128xf32, #tpu.memory_space<vmem_shared>>
      tpu.enqueue_dma source(%arg7 : memref<32x128xf32, #tpu.memory_space<vmem>>) target(%dma_start3A_2209 : memref<32x128xf32, #tpu.memory_space<vmem_shared>>) target_semaphore(%run_scoped3A_2206 : memref<!tpu.dma_semaphore, #tpu.memory_space<semaphore_mem>>)
      %dma_wait3A = arith.constant 0 : i32
      %dma_wait3A_2210 = tpu.memref_slice %arg8[%add3A_2142, %dma_wait3A] : memref<8192x128xf32, #tpu.memory_space<vmem_shared>> -> memref<32x128xf32, #tpu.memory_space<vmem_shared>>
      %dma_wait3A_2211 = arith.constant 0 : i32
      %dma_wait3A_2212 = tpu.memref_slice %arg8[%add3A_2142, %dma_wait3A_2211] : memref<8192x128xf32, #tpu.memory_space<vmem_shared>> -> memref<32x128xf32, #tpu.memory_space<vmem_shared>>
      tpu.wait_dma2 semaphore(%run_scoped3A_2206 : memref<!tpu.dma_semaphore, #tpu.memory_space<semaphore_mem>>) src(%arg7 : memref<32x128xf32, #tpu.memory_space<vmem>>) dst(%dma_wait3A_2212 : memref<32x128xf32, #tpu.memory_space<vmem_shared>>)
      tpu.yield
    }) : () -> ()
    %mul3A_2143 = arith.constant 512 : i32
    %mul3A_2144 = arith.muli %arg1, %mul3A_2143 : i32
    %add3A_2145 = arith.constant 96 : i32
    %add3A_2146 = arith.addi %mul3A_2144, %add3A_2145 : i32
    "tpu.region"() ({
      %run_scoped3A_2206 = tpu.sem_alloc : memref<!tpu.dma_semaphore, #tpu.memory_space<semaphore_mem>>
      %dma_start3A = arith.constant 0 : i32
      %dma_start3A_2207 = tpu.memref_slice %arg8[%add3A_2146, %dma_start3A] : memref<8192x128xf32, #tpu.memory_space<vmem_shared>> -> memref<32x128xf32, #tpu.memory_space<vmem_shared>>
      %dma_start3A_2208 = arith.constant 0 : i32
      %dma_start3A_2209 = tpu.memref_slice %arg8[%add3A_2146, %dma_start3A_2208] : memref<8192x128xf32, #tpu.memory_space<vmem_shared>> -> memref<32x128xf32, #tpu.memory_space<vmem_shared>>
      tpu.enqueue_dma source(%arg7 : memref<32x128xf32, #tpu.memory_space<vmem>>) target(%dma_start3A_2209 : memref<32x128xf32, #tpu.memory_space<vmem_shared>>) target_semaphore(%run_scoped3A_2206 : memref<!tpu.dma_semaphore, #tpu.memory_space<semaphore_mem>>)
      %dma_wait3A = arith.constant 0 : i32
      %dma_wait3A_2210 = tpu.memref_slice %arg8[%add3A_2146, %dma_wait3A] : memref<8192x128xf32, #tpu.memory_space<vmem_shared>> -> memref<32x128xf32, #tpu.memory_space<vmem_shared>>
      %dma_wait3A_2211 = arith.constant 0 : i32
      %dma_wait3A_2212 = tpu.memref_slice %arg8[%add3A_2146, %dma_wait3A_2211] : memref<8192x128xf32, #tpu.memory_space<vmem_shared>> -> memref<32x128xf32, #tpu.memory_space<vmem_shared>>
      tpu.wait_dma2 semaphore(%run_scoped3A_2206 : memref<!tpu.dma_semaphore, #tpu.memory_space<semaphore_mem>>) src(%arg7 : memref<32x128xf32, #tpu.memory_space<vmem>>) dst(%dma_wait3A_2212 : memref<32x128xf32, #tpu.memory_space<vmem_shared>>)
      tpu.yield
    }) : () -> ()
    %mul3A_2147 = arith.constant 512 : i32
    %mul3A_2148 = arith.muli %arg1, %mul3A_2147 : i32
    %add3A_2149 = arith.constant 128 : i32
    %add3A_2150 = arith.addi %mul3A_2148, %add3A_2149 : i32
    "tpu.region"() ({
      %run_scoped3A_2206 = tpu.sem_alloc : memref<!tpu.dma_semaphore, #tpu.memory_space<semaphore_mem>>
      %dma_start3A = arith.constant 0 : i32
      %dma_start3A_2207 = tpu.memref_slice %arg8[%add3A_2150, %dma_start3A] : memref<8192x128xf32, #tpu.memory_space<vmem_shared>> -> memref<32x128xf32, #tpu.memory_space<vmem_shared>>
      %dma_start3A_2208 = arith.constant 0 : i32
      %dma_start3A_2209 = tpu.memref_slice %arg8[%add3A_2150, %dma_start3A_2208] : memref<8192x128xf32, #tpu.memory_space<vmem_shared>> -> memref<32x128xf32, #tpu.memory_space<vmem_shared>>
      tpu.enqueue_dma source(%arg7 : memref<32x128xf32, #tpu.memory_space<vmem>>) target(%dma_start3A_2209 : memref<32x128xf32, #tpu.memory_space<vmem_shared>>) target_semaphore(%run_scoped3A_2206 : memref<!tpu.dma_semaphore, #tpu.memory_space<semaphore_mem>>)
      %dma_wait3A = arith.constant 0 : i32
      %dma_wait3A_2210 = tpu.memref_slice %arg8[%add3A_2150, %dma_wait3A] : memref<8192x128xf32, #tpu.memory_space<vmem_shared>> -> memref<32x128xf32, #tpu.memory_space<vmem_shared>>
      %dma_wait3A_2211 = arith.constant 0 : i32
      %dma_wait3A_2212 = tpu.memref_slice %arg8[%add3A_2150, %dma_wait3A_2211] : memref<8192x128xf32, #tpu.memory_space<vmem_shared>> -> memref<32x128xf32, #tpu.memory_space<vmem_shared>>
      tpu.wait_dma2 semaphore(%run_scoped3A_2206 : memref<!tpu.dma_semaphore, #tpu.memory_space<semaphore_mem>>) src(%arg7 : memref<32x128xf32, #tpu.memory_space<vmem>>) dst(%dma_wait3A_2212 : memref<32x128xf32, #tpu.memory_space<vmem_shared>>)
      tpu.yield
    }) : () -> ()
    %mul3A_2151 = arith.constant 512 : i32
    %mul3A_2152 = arith.muli %arg1, %mul3A_2151 : i32
    %add3A_2153 = arith.constant 160 : i32
    %add3A_2154 = arith.addi %mul3A_2152, %add3A_2153 : i32
    "tpu.region"() ({
      %run_scoped3A_2206 = tpu.sem_alloc : memref<!tpu.dma_semaphore, #tpu.memory_space<semaphore_mem>>
      %dma_start3A = arith.constant 0 : i32
      %dma_start3A_2207 = tpu.memref_slice %arg8[%add3A_2154, %dma_start3A] : memref<8192x128xf32, #tpu.memory_space<vmem_shared>> -> memref<32x128xf32, #tpu.memory_space<vmem_shared>>
      %dma_start3A_2208 = arith.constant 0 : i32
      %dma_start3A_2209 = tpu.memref_slice %arg8[%add3A_2154, %dma_start3A_2208] : memref<8192x128xf32, #tpu.memory_space<vmem_shared>> -> memref<32x128xf32, #tpu.memory_space<vmem_shared>>
      tpu.enqueue_dma source(%arg7 : memref<32x128xf32, #tpu.memory_space<vmem>>) target(%dma_start3A_2209 : memref<32x128xf32, #tpu.memory_space<vmem_shared>>) target_semaphore(%run_scoped3A_2206 : memref<!tpu.dma_semaphore, #tpu.memory_space<semaphore_mem>>)
      %dma_wait3A = arith.constant 0 : i32
      %dma_wait3A_2210 = tpu.memref_slice %arg8[%add3A_2154, %dma_wait3A] : memref<8192x128xf32, #tpu.memory_space<vmem_shared>> -> memref<32x128xf32, #tpu.memory_space<vmem_shared>>
      %dma_wait3A_2211 = arith.constant 0 : i32
      %dma_wait3A_2212 = tpu.memref_slice %arg8[%add3A_2154, %dma_wait3A_2211] : memref<8192x128xf32, #tpu.memory_space<vmem_shared>> -> memref<32x128xf32, #tpu.memory_space<vmem_shared>>
      tpu.wait_dma2 semaphore(%run_scoped3A_2206 : memref<!tpu.dma_semaphore, #tpu.memory_space<semaphore_mem>>) src(%arg7 : memref<32x128xf32, #tpu.memory_space<vmem>>) dst(%dma_wait3A_2212 : memref<32x128xf32, #tpu.memory_space<vmem_shared>>)
      tpu.yield
    }) : () -> ()
    %mul3A_2155 = arith.constant 512 : i32
    %mul3A_2156 = arith.muli %arg1, %mul3A_2155 : i32
    %add3A_2157 = arith.constant 192 : i32
    %add3A_2158 = arith.addi %mul3A_2156, %add3A_2157 : i32
    "tpu.region"() ({
      %run_scoped3A_2206 = tpu.sem_alloc : memref<!tpu.dma_semaphore, #tpu.memory_space<semaphore_mem>>
      %dma_start3A = arith.constant 0 : i32
      %dma_start3A_2207 = tpu.memref_slice %arg8[%add3A_2158, %dma_start3A] : memref<8192x128xf32, #tpu.memory_space<vmem_shared>> -> memref<32x128xf32, #tpu.memory_space<vmem_shared>>
      %dma_start3A_2208 = arith.constant 0 : i32
      %dma_start3A_2209 = tpu.memref_slice %arg8[%add3A_2158, %dma_start3A_2208] : memref<8192x128xf32, #tpu.memory_space<vmem_shared>> -> memref<32x128xf32, #tpu.memory_space<vmem_shared>>
      tpu.enqueue_dma source(%arg7 : memref<32x128xf32, #tpu.memory_space<vmem>>) target(%dma_start3A_2209 : memref<32x128xf32, #tpu.memory_space<vmem_shared>>) target_semaphore(%run_scoped3A_2206 : memref<!tpu.dma_semaphore, #tpu.memory_space<semaphore_mem>>)
      %dma_wait3A = arith.constant 0 : i32
      %dma_wait3A_2210 = tpu.memref_slice %arg8[%add3A_2158, %dma_wait3A] : memref<8192x128xf32, #tpu.memory_space<vmem_shared>> -> memref<32x128xf32, #tpu.memory_space<vmem_shared>>
      %dma_wait3A_2211 = arith.constant 0 : i32
      %dma_wait3A_2212 = tpu.memref_slice %arg8[%add3A_2158, %dma_wait3A_2211] : memref<8192x128xf32, #tpu.memory_space<vmem_shared>> -> memref<32x128xf32, #tpu.memory_space<vmem_shared>>
      tpu.wait_dma2 semaphore(%run_scoped3A_2206 : memref<!tpu.dma_semaphore, #tpu.memory_space<semaphore_mem>>) src(%arg7 : memref<32x128xf32, #tpu.memory_space<vmem>>) dst(%dma_wait3A_2212 : memref<32x128xf32, #tpu.memory_space<vmem_shared>>)
      tpu.yield
    }) : () -> ()
    %mul3A_2159 = arith.constant 512 : i32
    %mul3A_2160 = arith.muli %arg1, %mul3A_2159 : i32
    %add3A_2161 = arith.constant 224 : i32
    %add3A_2162 = arith.addi %mul3A_2160, %add3A_2161 : i32
    "tpu.region"() ({
      %run_scoped3A_2206 = tpu.sem_alloc : memref<!tpu.dma_semaphore, #tpu.memory_space<semaphore_mem>>
      %dma_start3A = arith.constant 0 : i32
      %dma_start3A_2207 = tpu.memref_slice %arg8[%add3A_2162, %dma_start3A] : memref<8192x128xf32, #tpu.memory_space<vmem_shared>> -> memref<32x128xf32, #tpu.memory_space<vmem_shared>>
      %dma_start3A_2208 = arith.constant 0 : i32
      %dma_start3A_2209 = tpu.memref_slice %arg8[%add3A_2162, %dma_start3A_2208] : memref<8192x128xf32, #tpu.memory_space<vmem_shared>> -> memref<32x128xf32, #tpu.memory_space<vmem_shared>>
      tpu.enqueue_dma source(%arg7 : memref<32x128xf32, #tpu.memory_space<vmem>>) target(%dma_start3A_2209 : memref<32x128xf32, #tpu.memory_space<vmem_shared>>) target_semaphore(%run_scoped3A_2206 : memref<!tpu.dma_semaphore, #tpu.memory_space<semaphore_mem>>)
      %dma_wait3A = arith.constant 0 : i32
      %dma_wait3A_2210 = tpu.memref_slice %arg8[%add3A_2162, %dma_wait3A] : memref<8192x128xf32, #tpu.memory_space<vmem_shared>> -> memref<32x128xf32, #tpu.memory_space<vmem_shared>>
      %dma_wait3A_2211 = arith.constant 0 : i32
      %dma_wait3A_2212 = tpu.memref_slice %arg8[%add3A_2162, %dma_wait3A_2211] : memref<8192x128xf32, #tpu.memory_space<vmem_shared>> -> memref<32x128xf32, #tpu.memory_space<vmem_shared>>
      tpu.wait_dma2 semaphore(%run_scoped3A_2206 : memref<!tpu.dma_semaphore, #tpu.memory_space<semaphore_mem>>) src(%arg7 : memref<32x128xf32, #tpu.memory_space<vmem>>) dst(%dma_wait3A_2212 : memref<32x128xf32, #tpu.memory_space<vmem_shared>>)
      tpu.yield
    }) : () -> ()
    %mul3A_2163 = arith.constant 512 : i32
    %mul3A_2164 = arith.muli %arg1, %mul3A_2163 : i32
    %add3A_2165 = arith.constant 256 : i32
    %add3A_2166 = arith.addi %mul3A_2164, %add3A_2165 : i32
    "tpu.region"() ({
      %run_scoped3A_2206 = tpu.sem_alloc : memref<!tpu.dma_semaphore, #tpu.memory_space<semaphore_mem>>
      %dma_start3A = arith.constant 0 : i32
      %dma_start3A_2207 = tpu.memref_slice %arg8[%add3A_2166, %dma_start3A] : memref<8192x128xf32, #tpu.memory_space<vmem_shared>> -> memref<32x128xf32, #tpu.memory_space<vmem_shared>>
      %dma_start3A_2208 = arith.constant 0 : i32
      %dma_start3A_2209 = tpu.memref_slice %arg8[%add3A_2166, %dma_start3A_2208] : memref<8192x128xf32, #tpu.memory_space<vmem_shared>> -> memref<32x128xf32, #tpu.memory_space<vmem_shared>>
      tpu.enqueue_dma source(%arg7 : memref<32x128xf32, #tpu.memory_space<vmem>>) target(%dma_start3A_2209 : memref<32x128xf32, #tpu.memory_space<vmem_shared>>) target_semaphore(%run_scoped3A_2206 : memref<!tpu.dma_semaphore, #tpu.memory_space<semaphore_mem>>)
      %dma_wait3A = arith.constant 0 : i32
      %dma_wait3A_2210 = tpu.memref_slice %arg8[%add3A_2166, %dma_wait3A] : memref<8192x128xf32, #tpu.memory_space<vmem_shared>> -> memref<32x128xf32, #tpu.memory_space<vmem_shared>>
      %dma_wait3A_2211 = arith.constant 0 : i32
      %dma_wait3A_2212 = tpu.memref_slice %arg8[%add3A_2166, %dma_wait3A_2211] : memref<8192x128xf32, #tpu.memory_space<vmem_shared>> -> memref<32x128xf32, #tpu.memory_space<vmem_shared>>
      tpu.wait_dma2 semaphore(%run_scoped3A_2206 : memref<!tpu.dma_semaphore, #tpu.memory_space<semaphore_mem>>) src(%arg7 : memref<32x128xf32, #tpu.memory_space<vmem>>) dst(%dma_wait3A_2212 : memref<32x128xf32, #tpu.memory_space<vmem_shared>>)
      tpu.yield
    }) : () -> ()
    %mul3A_2167 = arith.constant 512 : i32
    %mul3A_2168 = arith.muli %arg1, %mul3A_2167 : i32
    %add3A_2169 = arith.constant 288 : i32
    %add3A_2170 = arith.addi %mul3A_2168, %add3A_2169 : i32
    "tpu.region"() ({
      %run_scoped3A_2206 = tpu.sem_alloc : memref<!tpu.dma_semaphore, #tpu.memory_space<semaphore_mem>>
      %dma_start3A = arith.constant 0 : i32
      %dma_start3A_2207 = tpu.memref_slice %arg8[%add3A_2170, %dma_start3A] : memref<8192x128xf32, #tpu.memory_space<vmem_shared>> -> memref<32x128xf32, #tpu.memory_space<vmem_shared>>
      %dma_start3A_2208 = arith.constant 0 : i32
      %dma_start3A_2209 = tpu.memref_slice %arg8[%add3A_2170, %dma_start3A_2208] : memref<8192x128xf32, #tpu.memory_space<vmem_shared>> -> memref<32x128xf32, #tpu.memory_space<vmem_shared>>
      tpu.enqueue_dma source(%arg7 : memref<32x128xf32, #tpu.memory_space<vmem>>) target(%dma_start3A_2209 : memref<32x128xf32, #tpu.memory_space<vmem_shared>>) target_semaphore(%run_scoped3A_2206 : memref<!tpu.dma_semaphore, #tpu.memory_space<semaphore_mem>>)
      %dma_wait3A = arith.constant 0 : i32
      %dma_wait3A_2210 = tpu.memref_slice %arg8[%add3A_2170, %dma_wait3A] : memref<8192x128xf32, #tpu.memory_space<vmem_shared>> -> memref<32x128xf32, #tpu.memory_space<vmem_shared>>
      %dma_wait3A_2211 = arith.constant 0 : i32
      %dma_wait3A_2212 = tpu.memref_slice %arg8[%add3A_2170, %dma_wait3A_2211] : memref<8192x128xf32, #tpu.memory_space<vmem_shared>> -> memref<32x128xf32, #tpu.memory_space<vmem_shared>>
      tpu.wait_dma2 semaphore(%run_scoped3A_2206 : memref<!tpu.dma_semaphore, #tpu.memory_space<semaphore_mem>>) src(%arg7 : memref<32x128xf32, #tpu.memory_space<vmem>>) dst(%dma_wait3A_2212 : memref<32x128xf32, #tpu.memory_space<vmem_shared>>)
      tpu.yield
    }) : () -> ()
    %mul3A_2171 = arith.constant 512 : i32
    %mul3A_2172 = arith.muli %arg1, %mul3A_2171 : i32
    %add3A_2173 = arith.constant 320 : i32
    %add3A_2174 = arith.addi %mul3A_2172, %add3A_2173 : i32
    "tpu.region"() ({
      %run_scoped3A_2206 = tpu.sem_alloc : memref<!tpu.dma_semaphore, #tpu.memory_space<semaphore_mem>>
      %dma_start3A = arith.constant 0 : i32
      %dma_start3A_2207 = tpu.memref_slice %arg8[%add3A_2174, %dma_start3A] : memref<8192x128xf32, #tpu.memory_space<vmem_shared>> -> memref<32x128xf32, #tpu.memory_space<vmem_shared>>
      %dma_start3A_2208 = arith.constant 0 : i32
      %dma_start3A_2209 = tpu.memref_slice %arg8[%add3A_2174, %dma_start3A_2208] : memref<8192x128xf32, #tpu.memory_space<vmem_shared>> -> memref<32x128xf32, #tpu.memory_space<vmem_shared>>
      tpu.enqueue_dma source(%arg7 : memref<32x128xf32, #tpu.memory_space<vmem>>) target(%dma_start3A_2209 : memref<32x128xf32, #tpu.memory_space<vmem_shared>>) target_semaphore(%run_scoped3A_2206 : memref<!tpu.dma_semaphore, #tpu.memory_space<semaphore_mem>>)
      %dma_wait3A = arith.constant 0 : i32
      %dma_wait3A_2210 = tpu.memref_slice %arg8[%add3A_2174, %dma_wait3A] : memref<8192x128xf32, #tpu.memory_space<vmem_shared>> -> memref<32x128xf32, #tpu.memory_space<vmem_shared>>
      %dma_wait3A_2211 = arith.constant 0 : i32
      %dma_wait3A_2212 = tpu.memref_slice %arg8[%add3A_2174, %dma_wait3A_2211] : memref<8192x128xf32, #tpu.memory_space<vmem_shared>> -> memref<32x128xf32, #tpu.memory_space<vmem_shared>>
      tpu.wait_dma2 semaphore(%run_scoped3A_2206 : memref<!tpu.dma_semaphore, #tpu.memory_space<semaphore_mem>>) src(%arg7 : memref<32x128xf32, #tpu.memory_space<vmem>>) dst(%dma_wait3A_2212 : memref<32x128xf32, #tpu.memory_space<vmem_shared>>)
      tpu.yield
    }) : () -> ()
    %mul3A_2175 = arith.constant 512 : i32
    %mul3A_2176 = arith.muli %arg1, %mul3A_2175 : i32
    %add3A_2177 = arith.constant 352 : i32
    %add3A_2178 = arith.addi %mul3A_2176, %add3A_2177 : i32
    "tpu.region"() ({
      %run_scoped3A_2206 = tpu.sem_alloc : memref<!tpu.dma_semaphore, #tpu.memory_space<semaphore_mem>>
      %dma_start3A = arith.constant 0 : i32
      %dma_start3A_2207 = tpu.memref_slice %arg8[%add3A_2178, %dma_start3A] : memref<8192x128xf32, #tpu.memory_space<vmem_shared>> -> memref<32x128xf32, #tpu.memory_space<vmem_shared>>
      %dma_start3A_2208 = arith.constant 0 : i32
      %dma_start3A_2209 = tpu.memref_slice %arg8[%add3A_2178, %dma_start3A_2208] : memref<8192x128xf32, #tpu.memory_space<vmem_shared>> -> memref<32x128xf32, #tpu.memory_space<vmem_shared>>
      tpu.enqueue_dma source(%arg7 : memref<32x128xf32, #tpu.memory_space<vmem>>) target(%dma_start3A_2209 : memref<32x128xf32, #tpu.memory_space<vmem_shared>>) target_semaphore(%run_scoped3A_2206 : memref<!tpu.dma_semaphore, #tpu.memory_space<semaphore_mem>>)
      %dma_wait3A = arith.constant 0 : i32
      %dma_wait3A_2210 = tpu.memref_slice %arg8[%add3A_2178, %dma_wait3A] : memref<8192x128xf32, #tpu.memory_space<vmem_shared>> -> memref<32x128xf32, #tpu.memory_space<vmem_shared>>
      %dma_wait3A_2211 = arith.constant 0 : i32
      %dma_wait3A_2212 = tpu.memref_slice %arg8[%add3A_2178, %dma_wait3A_2211] : memref<8192x128xf32, #tpu.memory_space<vmem_shared>> -> memref<32x128xf32, #tpu.memory_space<vmem_shared>>
      tpu.wait_dma2 semaphore(%run_scoped3A_2206 : memref<!tpu.dma_semaphore, #tpu.memory_space<semaphore_mem>>) src(%arg7 : memref<32x128xf32, #tpu.memory_space<vmem>>) dst(%dma_wait3A_2212 : memref<32x128xf32, #tpu.memory_space<vmem_shared>>)
      tpu.yield
    }) : () -> ()
    %mul3A_2179 = arith.constant 512 : i32
    %mul3A_2180 = arith.muli %arg1, %mul3A_2179 : i32
    %add3A_2181 = arith.constant 384 : i32
    %add3A_2182 = arith.addi %mul3A_2180, %add3A_2181 : i32
    "tpu.region"() ({
      %run_scoped3A_2206 = tpu.sem_alloc : memref<!tpu.dma_semaphore, #tpu.memory_space<semaphore_mem>>
      %dma_start3A = arith.constant 0 : i32
      %dma_start3A_2207 = tpu.memref_slice %arg8[%add3A_2182, %dma_start3A] : memref<8192x128xf32, #tpu.memory_space<vmem_shared>> -> memref<32x128xf32, #tpu.memory_space<vmem_shared>>
      %dma_start3A_2208 = arith.constant 0 : i32
      %dma_start3A_2209 = tpu.memref_slice %arg8[%add3A_2182, %dma_start3A_2208] : memref<8192x128xf32, #tpu.memory_space<vmem_shared>> -> memref<32x128xf32, #tpu.memory_space<vmem_shared>>
      tpu.enqueue_dma source(%arg7 : memref<32x128xf32, #tpu.memory_space<vmem>>) target(%dma_start3A_2209 : memref<32x128xf32, #tpu.memory_space<vmem_shared>>) target_semaphore(%run_scoped3A_2206 : memref<!tpu.dma_semaphore, #tpu.memory_space<semaphore_mem>>)
      %dma_wait3A = arith.constant 0 : i32
      %dma_wait3A_2210 = tpu.memref_slice %arg8[%add3A_2182, %dma_wait3A] : memref<8192x128xf32, #tpu.memory_space<vmem_shared>> -> memref<32x128xf32, #tpu.memory_space<vmem_shared>>
      %dma_wait3A_2211 = arith.constant 0 : i32
      %dma_wait3A_2212 = tpu.memref_slice %arg8[%add3A_2182, %dma_wait3A_2211] : memref<8192x128xf32, #tpu.memory_space<vmem_shared>> -> memref<32x128xf32, #tpu.memory_space<vmem_shared>>
      tpu.wait_dma2 semaphore(%run_scoped3A_2206 : memref<!tpu.dma_semaphore, #tpu.memory_space<semaphore_mem>>) src(%arg7 : memref<32x128xf32, #tpu.memory_space<vmem>>) dst(%dma_wait3A_2212 : memref<32x128xf32, #tpu.memory_space<vmem_shared>>)
      tpu.yield
    }) : () -> ()
    %mul3A_2183 = arith.constant 512 : i32
    %mul3A_2184 = arith.muli %arg1, %mul3A_2183 : i32
    %add3A_2185 = arith.constant 416 : i32
    %add3A_2186 = arith.addi %mul3A_2184, %add3A_2185 : i32
    "tpu.region"() ({
      %run_scoped3A_2206 = tpu.sem_alloc : memref<!tpu.dma_semaphore, #tpu.memory_space<semaphore_mem>>
      %dma_start3A = arith.constant 0 : i32
      %dma_start3A_2207 = tpu.memref_slice %arg8[%add3A_2186, %dma_start3A] : memref<8192x128xf32, #tpu.memory_space<vmem_shared>> -> memref<32x128xf32, #tpu.memory_space<vmem_shared>>
      %dma_start3A_2208 = arith.constant 0 : i32
      %dma_start3A_2209 = tpu.memref_slice %arg8[%add3A_2186, %dma_start3A_2208] : memref<8192x128xf32, #tpu.memory_space<vmem_shared>> -> memref<32x128xf32, #tpu.memory_space<vmem_shared>>
      tpu.enqueue_dma source(%arg7 : memref<32x128xf32, #tpu.memory_space<vmem>>) target(%dma_start3A_2209 : memref<32x128xf32, #tpu.memory_space<vmem_shared>>) target_semaphore(%run_scoped3A_2206 : memref<!tpu.dma_semaphore, #tpu.memory_space<semaphore_mem>>)
      %dma_wait3A = arith.constant 0 : i32
      %dma_wait3A_2210 = tpu.memref_slice %arg8[%add3A_2186, %dma_wait3A] : memref<8192x128xf32, #tpu.memory_space<vmem_shared>> -> memref<32x128xf32, #tpu.memory_space<vmem_shared>>
      %dma_wait3A_2211 = arith.constant 0 : i32
      %dma_wait3A_2212 = tpu.memref_slice %arg8[%add3A_2186, %dma_wait3A_2211] : memref<8192x128xf32, #tpu.memory_space<vmem_shared>> -> memref<32x128xf32, #tpu.memory_space<vmem_shared>>
      tpu.wait_dma2 semaphore(%run_scoped3A_2206 : memref<!tpu.dma_semaphore, #tpu.memory_space<semaphore_mem>>) src(%arg7 : memref<32x128xf32, #tpu.memory_space<vmem>>) dst(%dma_wait3A_2212 : memref<32x128xf32, #tpu.memory_space<vmem_shared>>)
      tpu.yield
    }) : () -> ()
    %mul3A_2187 = arith.constant 512 : i32
    %mul3A_2188 = arith.muli %arg1, %mul3A_2187 : i32
    %add3A_2189 = arith.constant 448 : i32
    %add3A_2190 = arith.addi %mul3A_2188, %add3A_2189 : i32
    "tpu.region"() ({
      %run_scoped3A_2206 = tpu.sem_alloc : memref<!tpu.dma_semaphore, #tpu.memory_space<semaphore_mem>>
      %dma_start3A = arith.constant 0 : i32
      %dma_start3A_2207 = tpu.memref_slice %arg8[%add3A_2190, %dma_start3A] : memref<8192x128xf32, #tpu.memory_space<vmem_shared>> -> memref<32x128xf32, #tpu.memory_space<vmem_shared>>
      %dma_start3A_2208 = arith.constant 0 : i32
      %dma_start3A_2209 = tpu.memref_slice %arg8[%add3A_2190, %dma_start3A_2208] : memref<8192x128xf32, #tpu.memory_space<vmem_shared>> -> memref<32x128xf32, #tpu.memory_space<vmem_shared>>
      tpu.enqueue_dma source(%arg7 : memref<32x128xf32, #tpu.memory_space<vmem>>) target(%dma_start3A_2209 : memref<32x128xf32, #tpu.memory_space<vmem_shared>>) target_semaphore(%run_scoped3A_2206 : memref<!tpu.dma_semaphore, #tpu.memory_space<semaphore_mem>>)
      %dma_wait3A = arith.constant 0 : i32
      %dma_wait3A_2210 = tpu.memref_slice %arg8[%add3A_2190, %dma_wait3A] : memref<8192x128xf32, #tpu.memory_space<vmem_shared>> -> memref<32x128xf32, #tpu.memory_space<vmem_shared>>
      %dma_wait3A_2211 = arith.constant 0 : i32
      %dma_wait3A_2212 = tpu.memref_slice %arg8[%add3A_2190, %dma_wait3A_2211] : memref<8192x128xf32, #tpu.memory_space<vmem_shared>> -> memref<32x128xf32, #tpu.memory_space<vmem_shared>>
      tpu.wait_dma2 semaphore(%run_scoped3A_2206 : memref<!tpu.dma_semaphore, #tpu.memory_space<semaphore_mem>>) src(%arg7 : memref<32x128xf32, #tpu.memory_space<vmem>>) dst(%dma_wait3A_2212 : memref<32x128xf32, #tpu.memory_space<vmem_shared>>)
      tpu.yield
    }) : () -> ()
    %mul3A_2191 = arith.constant 512 : i32
    %mul3A_2192 = arith.muli %arg1, %mul3A_2191 : i32
    %add3A_2193 = arith.constant 480 : i32
    %add3A_2194 = arith.addi %mul3A_2192, %add3A_2193 : i32
    "tpu.region"() ({
      %run_scoped3A_2206 = tpu.sem_alloc : memref<!tpu.dma_semaphore, #tpu.memory_space<semaphore_mem>>
      %dma_start3A = arith.constant 0 : i32
      %dma_start3A_2207 = tpu.memref_slice %arg8[%add3A_2194, %dma_start3A] : memref<8192x128xf32, #tpu.memory_space<vmem_shared>> -> memref<32x128xf32, #tpu.memory_space<vmem_shared>>
      %dma_start3A_2208 = arith.constant 0 : i32
      %dma_start3A_2209 = tpu.memref_slice %arg8[%add3A_2194, %dma_start3A_2208] : memref<8192x128xf32, #tpu.memory_space<vmem_shared>> -> memref<32x128xf32, #tpu.memory_space<vmem_shared>>
      tpu.enqueue_dma source(%arg7 : memref<32x128xf32, #tpu.memory_space<vmem>>) target(%dma_start3A_2209 : memref<32x128xf32, #tpu.memory_space<vmem_shared>>) target_semaphore(%run_scoped3A_2206 : memref<!tpu.dma_semaphore, #tpu.memory_space<semaphore_mem>>)
      %dma_wait3A = arith.constant 0 : i32
      %dma_wait3A_2210 = tpu.memref_slice %arg8[%add3A_2194, %dma_wait3A] : memref<8192x128xf32, #tpu.memory_space<vmem_shared>> -> memref<32x128xf32, #tpu.memory_space<vmem_shared>>
      %dma_wait3A_2211 = arith.constant 0 : i32
      %dma_wait3A_2212 = tpu.memref_slice %arg8[%add3A_2194, %dma_wait3A_2211] : memref<8192x128xf32, #tpu.memory_space<vmem_shared>> -> memref<32x128xf32, #tpu.memory_space<vmem_shared>>
      tpu.wait_dma2 semaphore(%run_scoped3A_2206 : memref<!tpu.dma_semaphore, #tpu.memory_space<semaphore_mem>>) src(%arg7 : memref<32x128xf32, #tpu.memory_space<vmem>>) dst(%dma_wait3A_2212 : memref<32x128xf32, #tpu.memory_space<vmem_shared>>)
      tpu.yield
    }) : () -> ()
    %barrier3A_2195 = arith.constant 0 : index
    tpu.barrier barrier_id(%barrier3A_2195)
    %mul3A_2196 = arith.constant 256 : i32
    %mul3A_2197 = arith.muli %arg1, %mul3A_2196 : i32
    "tpu.region"() ({
      %run_scoped3A_2206 = tpu.sem_alloc : memref<!tpu.dma_semaphore, #tpu.memory_space<semaphore_mem>>
      %dma_start3A = tpu.memref_slice %arg3[%mul3A_2197, %mul3A_2130] : memref<4096x512xf32, #tpu.memory_space<hbm>> -> memref<256x128xf32, #tpu.memory_space<hbm>>
      %dma_start3A_2207 = tpu.memref_slice %arg3[%mul3A_2197, %mul3A_2130] : memref<4096x512xf32, #tpu.memory_space<hbm>> -> memref<256x128xf32, #tpu.memory_space<hbm>>
      tpu.enqueue_dma source(%dma_start3A_2207 : memref<256x128xf32, #tpu.memory_space<hbm>>) target(%arg6 : memref<256x128xf32, #tpu.memory_space<vmem>>) target_semaphore(%run_scoped3A_2206 : memref<!tpu.dma_semaphore, #tpu.memory_space<semaphore_mem>>)
      %dma_wait3A = tpu.memref_slice %arg3[%mul3A_2197, %mul3A_2130] : memref<4096x512xf32, #tpu.memory_space<hbm>> -> memref<256x128xf32, #tpu.memory_space<hbm>>
      %dma_wait3A_2208 = tpu.memref_slice %arg3[%mul3A_2197, %mul3A_2130] : memref<4096x512xf32, #tpu.memory_space<hbm>> -> memref<256x128xf32, #tpu.memory_space<hbm>>
      tpu.wait_dma2 semaphore(%run_scoped3A_2206 : memref<!tpu.dma_semaphore, #tpu.memory_space<semaphore_mem>>) src(%dma_wait3A_2208 : memref<256x128xf32, #tpu.memory_space<hbm>>) dst(%arg6 : memref<256x128xf32, #tpu.memory_space<vmem>>)
      tpu.yield
    }) : () -> ()
    %run_scoped3A_2198 = arith.constant 0 : i32
    "tpu.region"() ({
      %run_scoped3A_2206 = tpu.sem_alloc : memref<!tpu.dma_semaphore, #tpu.memory_space<semaphore_mem>>
      %dma_start3A = arith.constant 0 : i32
      %dma_start3A_2207 = arith.constant 0 : i32
      %dma_start3A_2208 = tpu.memref_slice %arg6[%dma_start3A, %dma_start3A_2207] : memref<256x128xf32, #tpu.memory_space<vmem>> -> memref<128x128xf32, #tpu.memory_space<vmem>>
      %dma_start3A_2209 = arith.constant 0 : i32
      %dma_start3A_2210 = tpu.memref_slice %arg5[%run_scoped3A_2198, %dma_start3A_2209] : memref<2x128xi32, #tpu.memory_space<vmem>> -> memref<1x128xi32, #tpu.memory_space<vmem>>
      %dma_start3A_2211 = tpu.memref_squeeze %dma_start3A_2210 : memref<1x128xi32, #tpu.memory_space<vmem>> -> memref<128xi32, #tpu.memory_space<vmem>>
      %dma_start3A_2212 = arith.constant 0 : i32
      %dma_start3A_2213 = arith.constant 0 : i32
      %dma_start3A_2214 = tpu.memref_slice %arg8[%dma_start3A_2212, %dma_start3A_2213] : memref<8192x128xf32, #tpu.memory_space<vmem_shared>> -> memref<8192x128xf32, #tpu.memory_space<vmem_shared>>
      tpu.enqueue_indirect_dma source(%dma_start3A_2208 : memref<128x128xf32, #tpu.memory_space<vmem>>) target(%dma_start3A_2214 : memref<8192x128xf32, #tpu.memory_space<vmem_shared>>) offsets(%dma_start3A_2211 : memref<128xi32, #tpu.memory_space<vmem>>) semaphore(%run_scoped3A_2206 : memref<!tpu.dma_semaphore, #tpu.memory_space<semaphore_mem>>) {add = true}
      %dma_wait3A = arith.constant 0 : i32
      %dma_wait3A_2215 = arith.constant 0 : i32
      %dma_wait3A_2216 = tpu.memref_slice %arg6[%dma_wait3A, %dma_wait3A_2215] : memref<256x128xf32, #tpu.memory_space<vmem>> -> memref<128x128xf32, #tpu.memory_space<vmem>>
      %dma_wait3A_2217 = arith.constant 0 : i32
      %dma_wait3A_2218 = tpu.memref_slice %arg5[%run_scoped3A_2198, %dma_wait3A_2217] : memref<2x128xi32, #tpu.memory_space<vmem>> -> memref<1x128xi32, #tpu.memory_space<vmem>>
      %dma_wait3A_2219 = tpu.memref_squeeze %dma_wait3A_2218 : memref<1x128xi32, #tpu.memory_space<vmem>> -> memref<128xi32, #tpu.memory_space<vmem>>
      %dma_wait3A_2220 = arith.constant 0 : i32
      %dma_wait3A_2221 = arith.constant 0 : i32
      %dma_wait3A_2222 = tpu.memref_slice %arg8[%dma_wait3A_2220, %dma_wait3A_2221] : memref<8192x128xf32, #tpu.memory_space<vmem_shared>> -> memref<8192x128xf32, #tpu.memory_space<vmem_shared>>
      tpu.wait_indirect_dma semaphore(%run_scoped3A_2206 : memref<!tpu.dma_semaphore, #tpu.memory_space<semaphore_mem>>) src(%dma_wait3A_2216 : memref<128x128xf32, #tpu.memory_space<vmem>>) dst(%dma_wait3A_2222 : memref<8192x128xf32, #tpu.memory_space<vmem_shared>>)
      tpu.yield
    }) : () -> ()
    %run_scoped3A_2199 = arith.constant 1 : i32
    "tpu.region"() ({
      %run_scoped3A_2206 = tpu.sem_alloc : memref<!tpu.dma_semaphore, #tpu.memory_space<semaphore_mem>>
      %dma_start3A = arith.constant 128 : i32
      %dma_start3A_2207 = arith.constant 0 : i32
      %dma_start3A_2208 = tpu.memref_slice %arg6[%dma_start3A, %dma_start3A_2207] : memref<256x128xf32, #tpu.memory_space<vmem>> -> memref<128x128xf32, #tpu.memory_space<vmem>>
      %dma_start3A_2209 = arith.constant 0 : i32
      %dma_start3A_2210 = tpu.memref_slice %arg5[%run_scoped3A_2199, %dma_start3A_2209] : memref<2x128xi32, #tpu.memory_space<vmem>> -> memref<1x128xi32, #tpu.memory_space<vmem>>
      %dma_start3A_2211 = tpu.memref_squeeze %dma_start3A_2210 : memref<1x128xi32, #tpu.memory_space<vmem>> -> memref<128xi32, #tpu.memory_space<vmem>>
      %dma_start3A_2212 = arith.constant 0 : i32
      %dma_start3A_2213 = arith.constant 0 : i32
      %dma_start3A_2214 = tpu.memref_slice %arg8[%dma_start3A_2212, %dma_start3A_2213] : memref<8192x128xf32, #tpu.memory_space<vmem_shared>> -> memref<8192x128xf32, #tpu.memory_space<vmem_shared>>
      tpu.enqueue_indirect_dma source(%dma_start3A_2208 : memref<128x128xf32, #tpu.memory_space<vmem>>) target(%dma_start3A_2214 : memref<8192x128xf32, #tpu.memory_space<vmem_shared>>) offsets(%dma_start3A_2211 : memref<128xi32, #tpu.memory_space<vmem>>) semaphore(%run_scoped3A_2206 : memref<!tpu.dma_semaphore, #tpu.memory_space<semaphore_mem>>) {add = true}
      %dma_wait3A = arith.constant 128 : i32
      %dma_wait3A_2215 = arith.constant 0 : i32
      %dma_wait3A_2216 = tpu.memref_slice %arg6[%dma_wait3A, %dma_wait3A_2215] : memref<256x128xf32, #tpu.memory_space<vmem>> -> memref<128x128xf32, #tpu.memory_space<vmem>>
      %dma_wait3A_2217 = arith.constant 0 : i32
      %dma_wait3A_2218 = tpu.memref_slice %arg5[%run_scoped3A_2199, %dma_wait3A_2217] : memref<2x128xi32, #tpu.memory_space<vmem>> -> memref<1x128xi32, #tpu.memory_space<vmem>>
      %dma_wait3A_2219 = tpu.memref_squeeze %dma_wait3A_2218 : memref<1x128xi32, #tpu.memory_space<vmem>> -> memref<128xi32, #tpu.memory_space<vmem>>
      %dma_wait3A_2220 = arith.constant 0 : i32
      %dma_wait3A_2221 = arith.constant 0 : i32
      %dma_wait3A_2222 = tpu.memref_slice %arg8[%dma_wait3A_2220, %dma_wait3A_2221] : memref<8192x128xf32, #tpu.memory_space<vmem_shared>> -> memref<8192x128xf32, #tpu.memory_space<vmem_shared>>
      tpu.wait_indirect_dma semaphore(%run_scoped3A_2206 : memref<!tpu.dma_semaphore, #tpu.memory_space<semaphore_mem>>) src(%dma_wait3A_2216 : memref<128x128xf32, #tpu.memory_space<vmem>>) dst(%dma_wait3A_2222 : memref<8192x128xf32, #tpu.memory_space<vmem_shared>>)
      tpu.yield
    }) : () -> ()
    %barrier3A_2200 = arith.constant 0 : index
    tpu.barrier barrier_id(%barrier3A_2200)
    %mul3A_2201 = arith.constant 512 : i32
    %mul3A_2202 = arith.muli %arg1, %mul3A_2201 : i32
    %mul3A_2203 = arith.constant 512 : i32
    %mul3A_2204 = arith.muli %arg1, %mul3A_2203 : i32
    "tpu.region"() ({
      %run_scoped3A_2206 = tpu.sem_alloc : memref<!tpu.dma_semaphore, #tpu.memory_space<semaphore_mem>>
      %dma_start3A = tpu.memref_slice %arg4[%mul3A_2204, %mul3A_2130] : memref<8192x512xf32, #tpu.memory_space<hbm>> -> memref<512x128xf32, #tpu.memory_space<hbm>>
      %dma_start3A_2207 = arith.constant 0 : i32
      %dma_start3A_2208 = tpu.memref_slice %arg8[%mul3A_2202, %dma_start3A_2207] : memref<8192x128xf32, #tpu.memory_space<vmem_shared>> -> memref<512x128xf32, #tpu.memory_space<vmem_shared>>
      tpu.enqueue_dma source(%dma_start3A_2208 : memref<512x128xf32, #tpu.memory_space<vmem_shared>>) target(%dma_start3A : memref<512x128xf32, #tpu.memory_space<hbm>>) target_semaphore(%run_scoped3A_2206 : memref<!tpu.dma_semaphore, #tpu.memory_space<semaphore_mem>>)
      %dma_wait3A = tpu.memref_slice %arg4[%mul3A_2204, %mul3A_2130] : memref<8192x512xf32, #tpu.memory_space<hbm>> -> memref<512x128xf32, #tpu.memory_space<hbm>>
      %dma_wait3A_2209 = arith.constant 0 : i32
      %dma_wait3A_2210 = tpu.memref_slice %arg8[%mul3A_2202, %dma_wait3A_2209] : memref<8192x128xf32, #tpu.memory_space<vmem_shared>> -> memref<512x128xf32, #tpu.memory_space<vmem_shared>>
      tpu.wait_dma2 semaphore(%run_scoped3A_2206 : memref<!tpu.dma_semaphore, #tpu.memory_space<semaphore_mem>>) src(%dma_wait3A_2210 : memref<512x128xf32, #tpu.memory_space<vmem_shared>>) dst(%dma_wait3A : memref<512x128xf32, #tpu.memory_space<hbm>>)
      tpu.yield
    }) : () -> ()
    %barrier3A_2205 = arith.constant 0 : index
    tpu.barrier barrier_id(%barrier3A_2205)
    return
  }
}

module attributes {stable_mosaic.version = 14 : i64} {
  func.func @_router_kernel(%arg0: memref<8192x512xf32, #tpu.memory_space<vmem>>, %arg1: memref<512x32xf32, #tpu.memory_space<vmem>>, %arg2: memref<32x8192xf32, #tpu.memory_space<vmem>>, %arg3: memref<32x16xf32, #tpu.memory_space<vmem>>) attributes {dimension_semantics = [], scalar_prefetch = 0 : i64, scratch_operands = 0 : i64, tpu.core_type = #tpu.core_type<tc>} {
    %get3A = arith.constant 0 : index
    %get3A_0 = arith.constant 0 : index
    %get3A_1 = vector.load %arg0[%get3A, %get3A_0] : memref<8192x512xf32, #tpu.memory_space<vmem>>, vector<8192x512xf32>
    %get3A_2 = arith.constant 0 : index
    %get3A_3 = arith.constant 0 : index
    %get3A_4 = vector.load %arg1[%get3A_2, %get3A_3] : memref<512x32xf32, #tpu.memory_space<vmem>>, vector<512x32xf32>
    %dot_general3A = arith.constant dense<0.000000e+00> : vector<8192x32xf32>
    %dot_general3A_5 = tpu.matmul %get3A_1, %get3A_4, %dot_general3A {dimension_numbers = #tpu.dot_dimension_numbers<[1], [0], [0], [1], [0, 0, 1, 1], [], []>, transpose_lhs_hint = false} : vector<8192x512xf32>, vector<512x32xf32>, vector<8192x32xf32> -> vector<8192x32xf32>
    %reduce_max3A = arith.constant dense<0xFF800000> : vector<8192xf32>
    %reduce_max3A_6 = vector.multi_reduction <maximumf>, %dot_general3A_5, %reduce_max3A [1] : vector<8192x32xf32> to vector<8192xf32>
    %broadcast_in_dim3A = vector.shape_cast %reduce_max3A_6 : vector<8192xf32> to vector<8192x1xf32>
    %sub3A = vector.broadcast %broadcast_in_dim3A : vector<8192x1xf32> to vector<8192x32xf32>
    %sub3A_7 = arith.subf %dot_general3A_5, %sub3A : vector<8192x32xf32>
    %exp3A = math.exp %sub3A_7 : vector<8192x32xf32>
    %reduce_sum3A = arith.constant dense<0.000000e+00> : vector<8192xf32>
    %reduce_sum3A_8 = vector.multi_reduction <add>, %exp3A, %reduce_sum3A [1] : vector<8192x32xf32> to vector<8192xf32>
    %broadcast_in_dim3A_9 = vector.shape_cast %reduce_sum3A_8 : vector<8192xf32> to vector<8192x1xf32>
    %div3A = vector.broadcast %broadcast_in_dim3A_9 : vector<8192x1xf32> to vector<8192x32xf32>
    %div3A_10 = arith.divf %exp3A, %div3A : vector<8192x32xf32>
    %transpose3A = tpu.transpose %div3A_10, [1, 0] : vector<8192x32xf32> -> vector<32x8192xf32>
    %swap3A = arith.constant 0 : index
    %swap3A_11 = arith.constant 0 : index
    %swap3A_12 = vector.load %arg2[%swap3A, %swap3A_11] : memref<32x8192xf32, #tpu.memory_space<vmem>>, vector<32x8192xf32>
    tpu.vector_store %arg2[%swap3A, %swap3A_11], %transpose3A {strides = array<i32>} : memref<32x8192xf32, #tpu.memory_space<vmem>>, vector<32x8192xf32>,
    %bitcast_convert_type3A = tpu.bitcast %transpose3A : vector<32x8192xf32> -> vector<32x8192xi32>
    %broadcast_in_dim3A_13 = arith.constant 0 : i32
    %broadcast_in_dim3A_14 = vector.broadcast %broadcast_in_dim3A_13 : i32 to vector<32x1xi32>
    %broadcast_in_dim3A_15 = arith.constant 1065353217 : i32
    %broadcast_in_dim3A_16 = vector.broadcast %broadcast_in_dim3A_15 : i32 to vector<32x1xi32>
    %scan3A = arith.constant 0 : i32
    %scan3A_17 = arith.constant 30 : i32
    %scan3A_18 = arith.addi %scan3A, %scan3A_17 : i32
    %scan3A_19 = arith.constant 1 : i32
    %scan3A_20:2 = scf.for %scan3A_27 = %scan3A to %scan3A_18 step %scan3A_19 iter_args(%scan3A_28 = %broadcast_in_dim3A_14, %scan3A_29 = %broadcast_in_dim3A_16) -> (vector<32x1xi32>, vector<32x1xi32>)  : i32 {
      %sub3A_30 = arith.subi %scan3A_29, %scan3A_28 : vector<32x1xi32>
      %shift_right_logical3A = arith.constant 1 : i32
      %shift_right_logical3A_31 = vector.broadcast %shift_right_logical3A : i32 to vector<32x1xi32>
      %shift_right_logical3A_32 = arith.shrui %sub3A_30, %shift_right_logical3A_31 : vector<32x1xi32>
      %add3A = arith.addi %scan3A_28, %shift_right_logical3A_32 : vector<32x1xi32>
      %ge3A = vector.broadcast %add3A : vector<32x1xi32> to vector<32x8192xi32>
      %ge3A_33 = arith.cmpi sge, %bitcast_convert_type3A, %ge3A : vector<32x8192xi32>
      %convert_element_type3A = arith.extui %ge3A_33 : vector<32x8192xi1> to vector<32x8192xi32>
      %reduce_sum3A_34 = arith.constant dense<0> : vector<32xi32>
      %reduce_sum3A_35 = vector.multi_reduction <add>, %convert_element_type3A, %reduce_sum3A_34 [1] : vector<32x8192xi32> to vector<32xi32>
      %broadcast_in_dim3A_36 = vector.shape_cast %reduce_sum3A_35 : vector<32xi32> to vector<32x1xi32>
      %ge3A_37 = arith.constant 128 : i32
      %ge3A_38 = vector.broadcast %ge3A_37 : i32 to vector<32x1xi32>
      %ge3A_39 = arith.cmpi sge, %broadcast_in_dim3A_36, %ge3A_38 : vector<32x1xi32>
      %select_n3A = arith.select %ge3A_39, %add3A, %scan3A_28 : vector<32x1xi1>, vector<32x1xi32>
      %select_n3A_40 = arith.select %ge3A_39, %scan3A_29, %add3A : vector<32x1xi1>, vector<32x1xi32>
      scf.yield %select_n3A, %select_n3A_40 : vector<32x1xi32>, vector<32x1xi32>
    }
    %bitcast_convert_type3A_21 = tpu.bitcast %scan3A_20#0 : vector<32x1xi32> -> vector<32x1xf32>
    %broadcast_in_dim3A_22 = vector.shape_cast %bitcast_convert_type3A_21 : vector<32x1xf32> to vector<32x1xf32>
    %broadcast_in_dim3A_23 = vector.broadcast %broadcast_in_dim3A_22 : vector<32x1xf32> to vector<32x16xf32>
    %swap3A_24 = arith.constant 0 : index
    %swap3A_25 = arith.constant 0 : index
    %swap3A_26 = vector.load %arg3[%swap3A_24, %swap3A_25] : memref<32x16xf32, #tpu.memory_space<vmem>>, vector<32x16xf32>
    tpu.vector_store %arg3[%swap3A_24, %swap3A_25], %broadcast_in_dim3A_23 {strides = array<i32>} : memref<32x16xf32, #tpu.memory_space<vmem>>, vector<32x16xf32>,
    return
  }
}

module attributes {stable_mosaic.version = 14 : i64} {
  func.func @_ffn_kernel(%arg0: i32, %arg1: memref<128x512xf32, #tpu.memory_space<vmem>>, %arg2: memref<1x512x2048xf32, #tpu.memory_space<vmem>>, %arg3: memref<1x1x2048xf32, #tpu.memory_space<vmem>>, %arg4: memref<1x2048x512xf32, #tpu.memory_space<vmem>>, %arg5: memref<1x1x512xf32, #tpu.memory_space<vmem>>, %arg6: memref<1x1x128xf32, #tpu.memory_space<vmem>>, %arg7: memref<128x512xf32, #tpu.memory_space<vmem>>) attributes {dimension_semantics = [#tpu.dimension_semantics<arbitrary>], iteration_bounds = array<i64: 32>, scalar_prefetch = 0 : i64, scratch_operands = 0 : i64, tpu.core_type = #tpu.core_type<tc>, window_params = [{transform_indices = @transform_0, window_bounds = array<i64: 128, 512>}, {transform_indices = @transform_1, window_bounds = array<i64: 1, 512, 2048>}, {transform_indices = @transform_2, window_bounds = array<i64: 1, 1, 2048>}, {transform_indices = @transform_3, window_bounds = array<i64: 1, 2048, 512>}, {transform_indices = @transform_4, window_bounds = array<i64: 1, 1, 512>}, {transform_indices = @transform_5, window_bounds = array<i64: 1, 1, 128>}, {transform_indices = @transform_6, window_bounds = array<i64: 128, 512>}]} {
    %get3A = arith.constant 0 : index
    %get3A_0 = arith.constant 0 : index
    %get3A_1 = vector.load %arg1[%get3A, %get3A_0] : memref<128x512xf32, #tpu.memory_space<vmem>>, vector<128x512xf32>
    %convert_element_type3A = arith.truncf %get3A_1 : vector<128x512xf32> to vector<128x512xbf16>
    %get3A_2 = arith.constant 0 : index
    %get3A_3 = arith.constant 0 : index
    %get3A_4 = arith.constant 0 : index
    %get3A_5 = vector.load %arg2[%get3A_2, %get3A_3, %get3A_4] : memref<1x512x2048xf32, #tpu.memory_space<vmem>>, vector<1x512x2048xf32>
    %get3A_6 = vector.shape_cast %get3A_5 : vector<1x512x2048xf32> to vector<512x2048xf32>
    %convert_element_type3A_7 = arith.truncf %get3A_6 : vector<512x2048xf32> to vector<512x2048xbf16>
    %dot_general3A = arith.constant dense<0.000000e+00> : vector<128x2048xf32>
    %dot_general3A_8 = tpu.matmul %convert_element_type3A, %convert_element_type3A_7, %dot_general3A {dimension_numbers = #tpu.dot_dimension_numbers<[1], [0], [0], [1], [0, 0, 1, 1], [], []>, transpose_lhs_hint = false} : vector<128x512xbf16>, vector<512x2048xbf16>, vector<128x2048xf32> -> vector<128x2048xf32>
    %get3A_9 = arith.constant 0 : index
    %get3A_10 = arith.constant 0 : index
    %get3A_11 = arith.constant 0 : index
    %get3A_12 = vector.load %arg3[%get3A_9, %get3A_10, %get3A_11] : memref<1x1x2048xf32, #tpu.memory_space<vmem>>, vector<1x1x2048xf32>
    %get3A_13 = vector.shape_cast %get3A_12 : vector<1x1x2048xf32> to vector<1x2048xf32>
    %add3A = vector.broadcast %get3A_13 : vector<1x2048xf32> to vector<128x2048xf32>
    %add3A_14 = arith.addf %dot_general3A_8, %add3A : vector<128x2048xf32>
    %integer_pow3A = arith.mulf %add3A_14, %add3A_14 : vector<128x2048xf32>
    %integer_pow3A_15 = arith.mulf %add3A_14, %integer_pow3A : vector<128x2048xf32>
    %mul3A = arith.constant 4.471500e-02 : f32
    %mul3A_16 = vector.broadcast %mul3A : f32 to vector<128x2048xf32>
    %mul3A_17 = arith.mulf %mul3A_16, %integer_pow3A_15 : vector<128x2048xf32>
    %add3A_18 = arith.addf %add3A_14, %mul3A_17 : vector<128x2048xf32>
    %mul3A_19 = arith.constant 0.797884583 : f32
    %mul3A_20 = vector.broadcast %mul3A_19 : f32 to vector<128x2048xf32>
    %mul3A_21 = arith.mulf %mul3A_20, %add3A_18 : vector<128x2048xf32>
    %tanh3A = math.tanh %mul3A_21 : vector<128x2048xf32>
    %add3A_22 = arith.constant 1.000000e+00 : f32
    %add3A_23 = vector.broadcast %add3A_22 : f32 to vector<128x2048xf32>
    %add3A_24 = arith.addf %add3A_23, %tanh3A : vector<128x2048xf32>
    %mul3A_25 = arith.constant 5.000000e-01 : f32
    %mul3A_26 = vector.broadcast %mul3A_25 : f32 to vector<128x2048xf32>
    %mul3A_27 = arith.mulf %mul3A_26, %add3A_24 : vector<128x2048xf32>
    %mul3A_28 = arith.mulf %add3A_14, %mul3A_27 : vector<128x2048xf32>
    %convert_element_type3A_29 = arith.truncf %mul3A_28 : vector<128x2048xf32> to vector<128x2048xbf16>
    %get3A_30 = arith.constant 0 : index
    %get3A_31 = arith.constant 0 : index
    %get3A_32 = arith.constant 0 : index
    %get3A_33 = vector.load %arg4[%get3A_30, %get3A_31, %get3A_32] : memref<1x2048x512xf32, #tpu.memory_space<vmem>>, vector<1x2048x512xf32>
    %get3A_34 = vector.shape_cast %get3A_33 : vector<1x2048x512xf32> to vector<2048x512xf32>
    %convert_element_type3A_35 = arith.truncf %get3A_34 : vector<2048x512xf32> to vector<2048x512xbf16>
    %dot_general3A_36 = arith.constant dense<0.000000e+00> : vector<128x512xf32>
    %dot_general3A_37 = tpu.matmul %convert_element_type3A_29, %convert_element_type3A_35, %dot_general3A_36 {dimension_numbers = #tpu.dot_dimension_numbers<[1], [0], [0], [1], [0, 0, 1, 1], [], []>, transpose_lhs_hint = false} : vector<128x2048xbf16>, vector<2048x512xbf16>, vector<128x512xf32> -> vector<128x512xf32>
    %get3A_38 = arith.constant 0 : index
    %get3A_39 = arith.constant 0 : index
    %get3A_40 = arith.constant 0 : index
    %get3A_41 = vector.load %arg5[%get3A_38, %get3A_39, %get3A_40] : memref<1x1x512xf32, #tpu.memory_space<vmem>>, vector<1x1x512xf32>
    %get3A_42 = vector.shape_cast %get3A_41 : vector<1x1x512xf32> to vector<1x512xf32>
    %add3A_43 = vector.broadcast %get3A_42 : vector<1x512xf32> to vector<128x512xf32>
    %add3A_44 = arith.addf %dot_general3A_37, %add3A_43 : vector<128x512xf32>
    %get3A_45 = arith.constant 0 : index
    %get3A_46 = arith.constant 0 : index
    %get3A_47 = arith.constant 0 : index
    %get3A_48 = vector.load %arg6[%get3A_45, %get3A_46, %get3A_47] : memref<1x1x128xf32, #tpu.memory_space<vmem>>, vector<1x1x128xf32>
    %get3A_49 = vector.shape_cast %get3A_48 : vector<1x1x128xf32> to vector<128xf32>
    %reshape3A = vector.shape_cast %get3A_49 : vector<128xf32> to vector<128x1xf32>
    %mul3A_50 = vector.broadcast %reshape3A : vector<128x1xf32> to vector<128x512xf32>
    %mul3A_51 = arith.mulf %add3A_44, %mul3A_50 : vector<128x512xf32>
    %swap3A = arith.constant 0 : index
    %swap3A_52 = arith.constant 0 : index
    %swap3A_53 = vector.load %arg7[%swap3A, %swap3A_52] : memref<128x512xf32, #tpu.memory_space<vmem>>, vector<128x512xf32>
    tpu.vector_store %arg7[%swap3A, %swap3A_52], %mul3A_51 {strides = array<i32>} : memref<128x512xf32, #tpu.memory_space<vmem>>, vector<128x512xf32>,
    return
  }
  func.func @transform_0(%arg0: i32) -> (i32, i32) {
    %c0_i32 = arith.constant 0 : i32
    %c0_i32_0 = arith.constant 0 : i32
    return %arg0, %c0_i32 : i32, i32
  }
  func.func @transform_1(%arg0: i32) -> (i32, i32, i32) {
    %c0_i32 = arith.constant 0 : i32
    %c0_i32_0 = arith.constant 0 : i32
    %c0_i32_1 = arith.constant 0 : i32
    return %arg0, %c0_i32, %c0_i32_0 : i32, i32, i32
  }
  func.func @transform_2(%arg0: i32) -> (i32, i32, i32) {
    %c0_i32 = arith.constant 0 : i32
    %c0_i32_0 = arith.constant 0 : i32
    %c0_i32_1 = arith.constant 0 : i32
    return %arg0, %c0_i32, %c0_i32_0 : i32, i32, i32
  }
  func.func @transform_3(%arg0: i32) -> (i32, i32, i32) {
    %c0_i32 = arith.constant 0 : i32
    %c0_i32_0 = arith.constant 0 : i32
    %c0_i32_1 = arith.constant 0 : i32
    return %arg0, %c0_i32, %c0_i32_0 : i32, i32, i32
  }
  func.func @transform_4(%arg0: i32) -> (i32, i32, i32) {
    %c0_i32 = arith.constant 0 : i32
    %c0_i32_0 = arith.constant 0 : i32
    %c0_i32_1 = arith.constant 0 : i32
    return %arg0, %c0_i32, %c0_i32_0 : i32, i32, i32
  }
  func.func @transform_5(%arg0: i32) -> (i32, i32, i32) {
    %c0_i32 = arith.constant 0 : i32
    %c0_i32_0 = arith.constant 0 : i32
    %c0_i32_1 = arith.constant 0 : i32
    return %arg0, %c0_i32, %c0_i32_0 : i32, i32, i32
  }
  func.func @transform_6(%arg0: i32) -> (i32, i32) {
    %c0_i32 = arith.constant 0 : i32
    %c0_i32_0 = arith.constant 0 : i32
    return %arg0, %c0_i32 : i32, i32
  }
}

</mosaic_0001>

<sc_bundles>
// kernel: kernel.6.cloned.1.call-start
scs
__scs_entry_jumppad:
0x0: {  	(pc) =	sbr.rel $0x88, $3  }
0x1: {  	(tag) =	ssettag $0x0;
	lr =	simm.s32 $0x1  }
0x2: {  	[smem:$0x3F9B] =	sst lr;
	_ =	strace $0xD0000000  }
0x3: {  	_ = 	snop  }
0x4: {  	_ = 	snop  }
0x5: {  	_ = 	snop  }
0x6: {  	_ = 	snop  }
0x7: {  	_ = 	snop  }
__scs_overlays_trampoline_lowered:
0x8: {  	[smem:$0x3FAA] =	sst s0  }
0x9: {  	[smem:$0x3FAB] =	sst s1  }
0xa: {  	[smem:$0x3FAC] =	sst s2  }
0xb: {  	[smem:$0x3FAD] =	sst s3  }
0xc: {  	[smem:$0x3FAE] =	sst s4  }
0xd: {  	[smem:$0x3FAF] =	sst s5  }
0xe: {  	[smem:$0x3FB0] =	sst s6  }
0xf: {  	[smem:$0x3FB1] =	sst s7  }
0x10: {  	[smem:$0x3FB2] =	sst s8  }
0x11: {  	[smem:$0x3FB3] =	sst s9;
	s0 =	simm.s32 @!p0 $0x0  }
0x12: {  	s1 =	sld [smem:$0x3F99];
	s0 =	simm.s32 @p0 $0x1  }
0x13: {  	[smem:$0x3FB4] =	sst s0;
	s0 =	simm.s32 @!p1 $0x0  }
0x14: {  	s2 =	sld [smem:$0x3F98];
	s0 =	simm.s32 @p1 $0x1  }
0x15: {  	[smem:$0x3FB5] =	sst s0;
	s0 =	simm.s32 @!p2 $0x0  }
0x16: {  	s3 =	sld [smem:$0x3FDB];
	s0 =	simm.s32 @p2 $0x1  }
0x17: {  	s4 =	simm.s32 $0x1BF5;
	[smem:$0x3FB7] =	sst s0  }
0x18: {  	s0 =	sld [smem:$0x3F9A];
	_ =	swait.ge [sflag:s4], $0x0  }
0x19: {  	s7 =	sld [smem:$0x3F9B]  }
0x1a: {  	s8 =	sadd.s32 $0xFFFFE003, lr  }
0x1b: {  	s9 =	sadd.s32 $0xFFFFFEF7, lr;
	s5 =	simm.s32 $0xFFFFFFFF;
	p2 =	slt.u32 s8, $0xFFFFF086  }
0x1c: {  	p1 =	slt.u32 s9, $0xF7A;
	s5 =	simm.s32 @!p2 $0x0  }
0x1d: {  	s5 =	simm.s32 @p1 $0x1;
	p0 =	seq.s32 s7, s2  }
0x1e: {  	s7 =	smul.u32 @!p0 $0xF7A, s2;
	p2 =	seq.s32 @!p0 s5, $0x0  }
0x1f: {  	s9 =	smul.u32 $0xF7A, s1;
	s8 =	simm.s32 @!p0 $0x1BF5;
	p2 =	por !p2, p0  }
0x20: {  	[sflag:s8] =	ssyncset.s32 @!p0 $0xFFFFF086;
	s6 =	sadd.s32 @!p0 s3, s7;
	s7 =	simm.s32 @!p0 $0x108  }
0x21: {  	s3 =	sadd.s32 s3, s9;
	s6 =	sadd.s32 @!p0 $0x88, s6;
	s7 =	simm.s32 @p2 $0x1082  }
0x22: {  	[simem:s7], [sflag:s8] =	dma.local @!p0 [hbm:s6], $0xF7A  }
0x23: {  	s9 =	sor.u32 $0xD0000000, s2;
	s6 =	simm.s32 $0x108;
	_ =	swait.ge @!p0 [sflag:s8], $0x0  }
0x24: {  	s3 =	sadd.s32 $0x88, s3;
	s6 =	simm.s32 @!p1 $0x1082;
	[sflag:s4] =	ssyncset.s32 $0xFFFFF086  }
0x25: {  	[simem:s6], [sflag:s4] =	dma.local [hbm:s3], $0xF7A  }
0x26: {  	[smem:$0x3F9B] =	sst s1;
	(tag) =	ssettag s2;
	_ =	strace s9  }
0x27: {  	s1 =	sld [smem:$0x3FAB]  }
0x28: {  	s2 =	sld [smem:$0x3FAC]  }
0x29: {  	s4 =	sld [smem:$0x3FAE]  }
0x2a: {  	p0 =	seq.s32 s5, $0x0;
	s5 =	sld [smem:$0x3FAF]  }
0x2b: {  	s6 =	sld [smem:$0x3FB0]  }
0x2c: {  	s7 =	sld [smem:$0x3FB1]  }
0x2d: {  	s3 =	simm.s32 $0x108;
	s8 =	sld [smem:$0x3FB2]  }
0x2e: {  	s3 =	simm.s32 @!p0 $0x1082;
	s9 =	sld [smem:$0x3FB3]  }
0x2f: {  	lr =	sadd.s32 s0, s3;
	s0 =	sld [smem:$0x3FAA]  }
0x30: {  	s3 =	sld [smem:$0x3FAD]  }
0x31: {  	[smem:$0x3FB6] =	sst s10  }
0x32: {  	s10 =	sld [smem:$0x3FB4];
	_ =	sdelay $0x3  }
0x33: {  	p0 =	seq.s32 s10, $0x1;
	s10 =	sld [smem:$0x3FB6];
	_ =	sdelay $0x3  }
0x34: {  	[smem:$0x3FB6] =	sst s10  }
0x35: {  	s10 =	sld [smem:$0x3FB5];
	_ =	sdelay $0x3  }
0x36: {  	p1 =	seq.s32 s10, $0x1;
	s10 =	sld [smem:$0x3FB6];
	_ =	sdelay $0x3  }
0x37: {  	[smem:$0x3FB6] =	sst s10  }
0x38: {  	s10 =	sld [smem:$0x3FB7]  }
0x39: {  	_ = 	snop;
	(pc) =	sbr.ind lr, $3  }
0x3a: {  	_ = 	snop  }
0x3b: {  	_ = 	snop  }
0x3c: {  	p2 =	seq.s32 s10, $0x1;
	s10 =	sld [smem:$0x3FB6]  }
0x3d: {  	_ =	shalt  }
0x3e: {  	_ =	shalt  }
0x3f: {  	_ =	shalt  }
0x40: {  	_ =	shalt  }
0x41: {  	_ =	shalt  }
0x42: {  	_ =	shalt  }
0x43: {  	_ =	shalt  }
0x44: {  	_ =	shalt  }
0x45: {  	_ =	shalt  }
0x46: {  	_ =	shalt  }
0x47: {  	_ =	shalt  }
0x48: {  	_ =	shalt  }
0x49: {  	_ =	shalt  }
0x4a: {  	_ =	shalt  }
0x4b: {  	_ =	shalt  }
0x4c: {  	_ =	shalt  }
0x4d: {  	_ =	shalt  }
0x4e: {  	_ =	shalt  }
0x4f: {  	_ =	shalt  }
0x50: {  	_ =	shalt  }
0x51: {  	_ =	shalt  }
0x52: {  	_ =	shalt  }
0x53: {  	_ =	shalt  }
0x54: {  	_ =	shalt  }
0x55: {  	_ =	shalt  }
0x56: {  	_ =	shalt  }
0x57: {  	_ =	shalt  }
0x58: {  	_ =	shalt  }
0x59: {  	_ =	shalt  }
0x5a: {  	_ =	shalt  }
0x5b: {  	_ =	shalt  }
0x5c: {  	_ =	shalt  }
0x5d: {  	_ =	shalt  }
0x5e: {  	_ =	shalt  }
0x5f: {  	_ =	shalt  }
0x60: {  	_ =	shalt  }
0x61: {  	_ =	shalt  }
0x62: {  	_ =	shalt  }
0x63: {  	_ =	shalt  }
0x64: {  	_ =	shalt  }
0x65: {  	_ =	shalt  }
0x66: {  	_ =	shalt  }
0x67: {  	_ =	shalt  }
0x68: {  	_ =	shalt  }
0x69: {  	_ =	shalt  }
0x6a: {  	_ =	shalt  }
0x6b: {  	_ =	shalt  }
0x6c: {  	_ =	shalt  }
0x6d: {  	_ =	shalt  }
0x6e: {  	_ =	shalt  }
0x6f: {  	_ =	shalt  }
0x70: {  	_ =	shalt  }
0x71: {  	_ =	shalt  }
0x72: {  	_ =	shalt  }
0x73: {  	_ =	shalt  }
0x74: {  	_ =	shalt  }
0x75: {  	_ =	shalt  }
0x76: {  	_ =	shalt  }
0x77: {  	_ =	shalt  }
0x78: {  	_ =	shalt  }
0x79: {  	_ =	shalt  }
0x7a: {  	_ =	shalt  }
0x7b: {  	_ =	shalt  }
0x7c: {  	_ =	shalt  }
0x7d: {  	_ =	shalt  }
0x7e: {  	_ =	shalt  }
0x7f: {  	_ =	shalt  }
0x80: {  	_ =	shalt  }
0x81: {  	_ =	shalt  }
0x82: {  	_ =	shalt  }
0x83: {  	_ =	shalt  }
0x84: {  	_ =	shalt  }
0x85: {  	_ =	shalt  }
0x86: {  	_ =	shalt  }
0x87: {  	_ =	shalt  }
.Lfunc_end0:
.L_simem_size_0:
called_computation_lowered:
.L_overlay_start_0:
0x88: {  	s2 =	sld [smem:$0x3FD9]  }
0x89: {  	s3 =	sld [smem:$0x3FFE];
	_ =	sdelay $0x1  }
0x8a: {  	s1 =	srdreg.scid  }
0x8b: {  	s0 =	sand.u32 $0x1, s1  }
0x8c: {  	s17 =	sshll.u32 s0, $0xA;
	s2 =	sadd.s32 s3, s2  }
0x8d: {  	s2 =	sadd.s32 s2, s17  }
0x8e: {  	[smem:$0x3FC2] =	sst s2  }
0x8f: {  	_ = 	snop  }
0x90: {  	s2 =	sld [smem:$0x3FC9]  }
0x91: {  	s18 =	sld [smem:$0x3FD0];
	(tm) =	ssettm $0x1  }
0x92: {  	s4 =	sld [smem:$0x3FFB];
	_ =	sdelay $0x3  }
0x93: {  	_ =	strace s4  }
0x94: {  	s4 =	sld [smem:$0x3FFC];
	_ =	sdelay $0x3  }
0x95: {  	_ =	strace s4  }
0x96: {  	s4 =	sld [smem:$0x3FFD];
	_ =	sdelay $0x3  }
0x97: {  	_ =	strace s4  }
0x98: {  	_ =	strace $0x8FFFFFFF  }
0x99: {  	s19 =	sld [smem:$0x3FDB];
	_ =	sdelay $0x1  }
0x9a: {  	s5 =	simm.s32 $_scs_section_size  }
0x9b: {  	s6 =	simm.s32 $_size__tile_overlayer_lowered;
	s7 =	simm.s32 $_tile_overlayer_lowered  }
0x9c: {  	s22 =	simm.s32 $0x1BFF;
	s21 =	sshll.u32 s7, $0x1;
	s4 =	sadd.s32 s5, s19  }
0x9d: {  	s8 =	simm.s32 $0x0;
	s20 =	sshll.u32 s6, $0x1;
	s6 =	sadd.s32 s21, s4  }
0x9e: {  	[timem:s8], [sflag:s22] =	dma.local [hbm:s6], s20  }
0x9f: {  	_ =	swait.ge [sflag:s22], s20  }
0xa0: {  	s5 =	ssub.s32 $0x0, s20;
	[sflag:s22] =	ssyncset.done $0x0  }
0xa1: {  	[sflag:s22] =	ssyncadd.s32 s5;
	_ =	sdelay $0x1  }
0xa2: {  	s23 =	simm.s32 $0x1B8B  }
0xa3: {  	_ =	swait.ge [sflag:s23], $0x1  }
0xa4: {  	[sflag:s23] =	ssyncset.done $0x0  }
0xa5: {  	s25 =	simm.s32 $0x1B8E;
	s24 =	sld [smem:$0x3FFE];
	[sflag:s23] =	ssyncadd.s32 $0xFFFFFFFF  }
0xa6: {  	s26 =	simm.s32 $execute0_lowered;
	[smem:$0x3FD2] =	sst s25  }
0xa7: {  	s6 =	sshll.u32 s26, $0x1;
	_ =	strace $0x80000046;
	[dreg:$0x1] =	wrdreg $0xFFFFFFFF  }
0xa8: {  	s28 =	simm.s32 $_size_execute0_lowered;
	s4 =	sadd.s32 s4, s6;
	[dreg:$0x0] =	wrdreg $0x0  }
0xa9: {  	s6 =	sshll.u32 s28, $0x1;
	[dreg:$0x2] =	wrdreg s4  }
0xaa: {  	[dreg:$0x3] =	wrdreg s6  }
0xab: {  	[dreg:$0x4] =	wrdreg $0xC0  }
0xac: {  	_ =	task [dreg:s8], $0x5FFFF  }
0xad: {  	[dreg:$0x1] =	wrdreg $0xFFFFFFFF  }
0xae: {  	[dreg:$0x0] =	wrdreg $0x60  }
0xaf: {  	[dreg:$0x2] =	wrdreg s24  }
0xb0: {  	[dreg:$0x3] =	wrdreg s2  }
0xb1: {  	[dreg:$0x4] =	wrdreg s18  }
0xb2: {  	[dreg:$0x5] =	wrdreg $0x9  }
0xb3: {  	_ =	task.clear_ibuf [dreg:s8], $0x6FFFF;
	_ =	strace $0x90000046  }
0xb4: {  	s29 =	simm.s32 $0x9;
	_ =	strace $0x80000048  }
0xb5: {  	_ =	swait.ge [sflag:s29], $0x1  }
0xb6: {  	[sflag:s29] =	ssyncadd.s32 $0xFFFFFFFF  }
0xb7: {  	_ =	strace $0x90000048  }
0xb8: {  	_ =	sfence  }
0xb9: {  	s30 =	sld [smem:$0x0];
	_ =	sdelay $0x2  }
0xba: {  	s31 =	sshll.u32 s1, $0xD;
	s1 =	sshrl.u32 s1, $0x2  }
0xbb: {  	s3 =	sand.u32 $0x4000, s31;
	s1 =	sadd.s32 s1, s30  }
0xbc: {  	s0 =	sor.u32 s3, s0;
	s1 =	sshll.u32 s1, $0x11  }
0xbd: {  	s0 =	sor.u32 s1, s0  }
0xbe: {  	s0 =	sadd.s32 $0x8F2B, s0  }
0xbf: {  	[sflag:s0] =	ssyncadd.remote.s32 $0x1  }
0xc0: {  	_ =	sfence.sel $0xFFFF  }
0xc1: {  	[dreg:$0x0] =	wrdreg $0xFFFFFFFF;
	(pc) =	sbr.abs _section_cstart, $3  }
0xc2: {  	[dreg:$0x1] =	wrdreg $0xFFFFFFFF  }
0xc3: {  	_ =	task.clear_ibuf [dreg:s8], $0x2FFFF;
	_ =	strace $0x9FFFFFFF  }
0xc4: {  	(tm) =	ssettm $0x7FFFFFFF  }
0xc5: {  	_ =	shalt  }
tec
execute0_lowered:
.L_overlay_start_1:
0x0: {  	(tag) =	ssettag $0x1  }
0x1: {  	s0 =	rddreg [dreg:$0x0]  }
0x2: {  	s2 =	rddreg [dreg:$0x1]  }
0x3: {  	s1 =	rddreg [dreg:$0x2];
	s4 =	srdreg.scid  }
0x4: {  	s6 =	stileid.u32;
	s3 =	simm.s32 $0x0;
	s13 =	simm.s32 $0x2  }
0x5: {  	s15 =	simm.s32 $0x2080;
	s16 =	simm.s32 $0x2180;
	s17 =	simm.s32 $0x2280  }
0x6: {  	s20 =	simm.s32 $0x4380;
	s28 =	simm.s32 $0x10380;
	s29 =	simm.s32 $0x10B80  }
0x7: {  	s30 =	simm.s32 $0x11380;
	s31 =	simm.s32 $0x11B80;
	s11 =	simm.s32 $0x13380  }
0x8: {  	s12 =	simm.s32 $0x13B80;
	s14 =	simm.s32 $0x1;
	s18 =	simm.s32 $0x0  }
0x9: {  	s4 =	sand.u32 $0x1, s4;
	s5 =	sshll.u32 s6, $0x1;
	[smem:$0x7FF] =	sst s3  }
0xa: {  	s22 =	sshrl.u32 s6, $0x2;
	s8 =	sadd.s32 $0x100, s2;
	s9 =	sor.u32 s4, s5  }
0xb: {  	_ =	strace $0x80000047;
	s7 =	sshll.u32 s22, $0x10;
	s4 =	ssub.s32 $0x2, s4  }
0xc: {  	s5 =	sshll.u32 s22, $0xA;
	s23 =	sshll.u32 s9, $0x7;
	s25 =	sshrl.u32 s4, $0x1  }
0xd: {  	s26 =	sshll.u32 s9, $0xD;
	s6 =	sand.u32 $0x380, s23;
	s10 =	ssub.s32 s4, s25  }
0xe: {  	s9 =	sadd.s32 s1, s26;
	s23 =	simm.s32 $0xE380;
	s25 =	simm.s32 $0xF380  }
0xf: {  	v0 =	vlaneseq.u32;
	v1 =	vimm.s32 $0x0;
	s26 =	simm.s32 $0xFB80;
	s7 =	sor.u32 s7, s6;
	s5 =	sor.u32 s5, s6  }
0x10: {  	vm0 =	vmmov $0xffff;
	v2 =	vor.u32 $0x10, v0;
	v3 =	vor.u32 $0x20, v0;
	s1 =	simm.s32 $0x12B80;
	s24 =	sshrl.u32 s7, $0x3;
	s5 =	sshrl.u32 s5, $0x3  }
0x11: {  	v4 =	vor.u32 $0x30, v0;
	v5 =	vor.u32 $0x40, v0;
	v6 =	vor.u32 $0x50, v0;
	s10 =	smax.u32 s10, $0x1;
	s6 =	sadd.s32 s24, s0;
	s0 =	sadd.s32 s5, s0  }
0x12: {  	v7 =	vor.u32 $0x60, v0;
	v8 =	vor.u32 $0x70, v0;
	v10 =	vshrl.u32 v0, $0x3;
	s24 =	simm.s32 $0xEB80;
	s4 =	sadd.s32 $0x1E00, s6;
	s5 =	sadd.s32 $0x9E00, s0  }
0x13: {  	v9 =	vand.u32 $0x7, v0;
	v11 =	vor.u32 $0x8, v0;
	v10 =	vmul.u32 $0x8, v10;
	s6 =	sadd.s32 $0xA200, s0;
	s7 =	sadd.s32 $0xA000, s0;
	s0 =	simm.s32 $0x12380  }
.LBB2_1:
0x14: {  	s19 =	simm.s32 $0x80;
	s21 =	simm.s32 $0x400  }
0x15: {  	[tilespmem:s3], [sflag:$0x2] =	stream.strided.gather [hbm4b:s4+s19], $0x2000, s21, s19, $0x38;
	[tilespmem:$0x14380] =	vst v63  }
0x16: {  	_ =	swait.ge [sflag:s13], $0x2000  }
0x17: {  	[sflag:s13] =	ssyncset.done $0x0  }
0x18: {  	s22 =	simm.s32 $0x2000;
	[sflag:s13] =	ssyncadd.s32 $0xFFFFE000  }
0x19: {  	[tilespmem:s22], [sflag:$0x2] =	stream.linear.gather [hbm4b:s5+s3], $0x80, $0x38;
	[tilespmem:$0x14380] =	vst v63  }
0x1a: {  	_ =	swait.ge [sflag:s13], $0x80  }
0x1b: {  	[sflag:s13] =	ssyncset.done $0x0  }
0x1c: {  	[sflag:s13] =	ssyncadd.s32 $0xFFFFFF80  }
0x1d: {  	v12 =	vld [tilespmem:$0x2000]  }
0x1e: {  	v17 =	vld [tilespmem:s3+$0x0];
	_ =	sdelay $0x4  }
0x1f: {  	vm2 =	vgt.f32 v17, v12  }
0x20: {  	v13 =	vsel vm2, $0x1, v1  }
0x21: {  	(xrf0) =	vadd.scan.msk.s32 $0xffff, v13  }
0x22: {  	vm1 =	veq.f32 v17, v12  }
0x23: {  	v13 =	vsel vm1, $0x1, v1  }
0x24: {  	(xrf0) =	vadd.scan.msk.s32 $0xffff, v13;
	_ =	sdelay $0x2  }
0x25: {  	v13, _, _ =	vpop (xrf0)  }
0x26: {  	v13 =	vadd.s32 v13, v1  }
0x27: {  	v18 =	vadd.s32 $0xFFFFFFFF, v13  }
0x28: {  	v16, _, _ =	vpop (xrf0)  }
0x29: {  	v16 =	vadd.s32 v16, v1  }
0x2a: {  	v16 =	vadd.s32 $0xFFFFFFFF, v16  }
0x2b: {  	v15 =	vor.u32 s3, v0;
	v14 =	vmpcnt.ones.xlane vm1;
	v13 =	vmpcnt.ones.xlane vm2  }
0x2c: {  	[tilespmem:v18+s15+$0x0] =	vst.idx.msk vm2, v15  }
0x2d: {  	s19 =	simm.s32 $0x10;
	s21 =	simm.s32 $0x0;
	v14 =	vadd.s32 v1, v14;
	v13 =	vadd.s32 v1, v13;
	[tilespmem:v18+s16+$0x0] =	vst.idx.msk vm2, v17  }
.LBB2_2:
0x2e: {  	p0 =	sne.s32 s19, $0x1FF0  }
0x2f: {  	[tilespmem:v16+s17+$0x0] =	vst.idx.msk vm1, v15;
	s21 =	sadd.s32 $0x10, s21;
	v15 =	vmov v13;
	v16 =	vmov v14;
	s22 =	smov.u32 s19;
	s19 =	sadd.s32 $0x10, s19  }
0x30: {  	v17 =	vld [tilespmem:s21+$0x0];
	_ =	sdelay $0x4  }
0x31: {  	vm2 =	vgt.f32 v17, v12  }
0x32: {  	v18 =	vsel vm2, $0x1, v1;
	v19 =	vmpcnt.ones.xlane vm2  }
0x33: {  	vm1 =	veq.f32 v17, v12;
	(xrf0) =	vadd.scan.msk.s32 $0xffff, v18  }
0x34: {  	v18 =	vsel vm1, $0x1, v1;
	v13 =	vadd.s32 v13, v19;
	v19 =	vmpcnt.ones.xlane vm1  }
0x35: {  	(xrf0) =	vadd.scan.msk.s32 $0xffff, v18  }
0x36: {  	v14 =	vadd.s32 v14, v19;
	_ =	sdelay $0x2  }
0x37: {  	v18, _, _ =	vpop (xrf0)  }
0x38: {  	v19 =	vadd.s32 v18, v15  }
0x39: {  	v18 =	vadd.s32 $0xFFFFFFFF, v19;
	v15, _, _ =	vpop (xrf0)  }
0x3a: {  	v15 =	vadd.s32 v15, v16  }
.Ltmp0:
0x3b: {  	v16 =	vadd.s32 $0xFFFFFFFF, v15;
	(pc) =	sbr.rel @p0 .LBB2_2-.Ltmp0, $4  }
0x3c: {  	_ = 	snop  }
0x3d: {  	v15 =	vor.u32 s22, v0  }
0x3e: {  	[tilespmem:v18+s15+$0x0] =	vst.idx.msk vm2, v15  }
0x3f: {  	[tilespmem:v18+s16+$0x0] =	vst.idx.msk vm2, v17  }
0x40: {  	_ =	sdelay $0x3  }
0x41: {  	v14 =	vsub.s32 $0x80, v13  }
0x42: {  	[tilespmem:v16+s17+$0x0] =	vst.idx.msk vm1, v15;
	vm1 =	vgt.s32 v14, v0  }
0x43: {  	v35 =	vadd.s32 v0, v13;
	v15 =	vld [tilespmem:$0x2280];
	_ =	sdelay $0x4  }
0x44: {  	[tilespmem:v35+s15+$0x0] =	vst.idx.msk vm1, v15  }
0x45: {  	[tilespmem:v35+s16+$0x0] =	vst.idx.msk vm1, v12;
	vm1 =	vgt.s32 v14, v2  }
0x46: {  	v36 =	vadd.s32 v2, v13;
	v15 =	vld [tilespmem:$0x2290];
	_ =	sdelay $0x4  }
0x47: {  	[tilespmem:v36+s15+$0x0] =	vst.idx.msk vm1, v15  }
0x48: {  	[tilespmem:v36+s16+$0x0] =	vst.idx.msk vm1, v12;
	vm1 =	vgt.s32 v14, v3  }
0x49: {  	v37 =	vadd.s32 v3, v13;
	v15 =	vld [tilespmem:$0x22A0];
	_ =	sdelay $0x4  }
0x4a: {  	[tilespmem:v37+s15+$0x0] =	vst.idx.msk vm1, v15  }
0x4b: {  	[tilespmem:v37+s16+$0x0] =	vst.idx.msk vm1, v12;
	vm1 =	vgt.s32 v14, v4  }
0x4c: {  	v38 =	vadd.s32 v4, v13;
	v15 =	vld [tilespmem:$0x22B0];
	_ =	sdelay $0x4  }
0x4d: {  	[tilespmem:v38+s15+$0x0] =	vst.idx.msk vm1, v15  }
0x4e: {  	[tilespmem:v38+s16+$0x0] =	vst.idx.msk vm1, v12;
	vm1 =	vgt.s32 v14, v5  }
0x4f: {  	v39 =	vadd.s32 v5, v13;
	v15 =	vld [tilespmem:$0x22C0];
	_ =	sdelay $0x4  }
0x50: {  	[tilespmem:v39+s15+$0x0] =	vst.idx.msk vm1, v15  }
0x51: {  	[tilespmem:v39+s16+$0x0] =	vst.idx.msk vm1, v12;
	vm1 =	vgt.s32 v14, v6  }
0x52: {  	v40 =	vadd.s32 v6, v13;
	v15 =	vld [tilespmem:$0x22D0];
	_ =	sdelay $0x4  }
0x53: {  	[tilespmem:v40+s15+$0x0] =	vst.idx.msk vm1, v15  }
0x54: {  	[tilespmem:v40+s16+$0x0] =	vst.idx.msk vm1, v12;
	vm1 =	vgt.s32 v14, v7  }
0x55: {  	v41 =	vadd.s32 v7, v13;
	v15 =	vld [tilespmem:$0x22E0];
	_ =	sdelay $0x4  }
0x56: {  	[tilespmem:v41+s15+$0x0] =	vst.idx.msk vm1, v15  }
0x57: {  	[tilespmem:v41+s16+$0x0] =	vst.idx.msk vm1, v12;
	vm1 =	vgt.s32 v14, v8  }
0x58: {  	v43 =	vadd.s32 v8, v13;
	v42 =	vld [tilespmem:$0x22F0];
	_ =	sdelay $0x4  }
0x59: {  	[tilespmem:v43+s15+$0x0] =	vst.idx.msk vm1, v42  }
0x5a: {  	[tilespmem:v43+s16+$0x0] =	vst.idx.msk vm1, v12  }
0x5b: {  	v12 =	vld [tilespmem:$0x2080]  }
0x5c: {  	v13 =	vld [tilespmem:$0x2180]  }
0x5d: {  	v14 =	vld [tilespmem:$0x2090]  }
0x5e: {  	v15 =	vld [tilespmem:$0x2190]  }
0x5f: {  	v16 =	vld [tilespmem:$0x20A0]  }
0x60: {  	v44 =	vld [tilespmem:$0x21A0];
	[tilespmem:$0x4280] =	vst v12  }
0x61: {  	v45 =	vld [tilespmem:$0x20B0];
	[tilespmem:$0x4300] =	vst v13  }
0x62: {  	v46 =	vld [tilespmem:$0x21B0];
	[tilespmem:$0x4290] =	vst v14  }
0x63: {  	v47 =	vld [tilespmem:$0x20C0];
	[tilespmem:$0x4310] =	vst v15  }
0x64: {  	v48 =	vld [tilespmem:$0x21C0];
	[tilespmem:$0x42A0] =	vst v16  }
0x65: {  	v49 =	vld [tilespmem:$0x20D0];
	[tilespmem:$0x4320] =	vst v44  }
0x66: {  	v50 =	vld [tilespmem:$0x21D0];
	[tilespmem:$0x42B0] =	vst v45  }
0x67: {  	v51 =	vld [tilespmem:$0x20E0];
	[tilespmem:$0x4330] =	vst v46  }
0x68: {  	v52 =	vld [tilespmem:$0x21E0];
	[tilespmem:$0x42C0] =	vst v47  }
0x69: {  	v53 =	vld [tilespmem:$0x20F0];
	[tilespmem:$0x4340] =	vst v48  }
0x6a: {  	v54 =	vld [tilespmem:$0x21F0];
	[tilespmem:$0x42D0] =	vst v49  }
0x6b: {  	[tilespmem:$0x4350] =	vst v50  }
0x6c: {  	[tilespmem:$0x42E0] =	vst v51  }
0x6d: {  	[tilespmem:$0x4360] =	vst v52  }
0x6e: {  	[tilespmem:$0x42F0] =	vst v53  }
0x6f: {  	s19 =	simm.s32 $0x4280;
	[tilespmem:$0x4370] =	vst v54  }
0x70: {  	[hbm4b:s6+s3] =	stream.linear.scatter [tilespmem:s19], [sflag:$0x2], $0x80, $0x38;
	[tilespmem:$0x14380] =	vst v63  }
0x71: {  	_ =	swait.ge [sflag:s13], $0x80  }
0x72: {  	[sflag:s13] =	ssyncset.done $0x0  }
0x73: {  	s21 =	simm.s32 $0x4300;
	[sflag:s13] =	ssyncadd.s32 $0xFFFFFF80  }
0x74: {  	[hbm4b:s7+s3] =	stream.linear.scatter [tilespmem:s21], [sflag:$0x2], $0x80, $0x38;
	[tilespmem:$0x14380] =	vst v63  }
0x75: {  	_ =	swait.ge [sflag:s13], $0x80  }
0x76: {  	[sflag:s13] =	ssyncset.done $0x0  }
0x77: {  	[sflag:s13] =	ssyncadd.s32 $0xFFFFFF80  }
0x78: {  	v55 =	vld [tilespmem:$0x4280];
	_ =	sdelay $0x4  }
0x79: {  	v56 =	vshll.u32 v55, $0x2  }
0x7a: {  	v12 =	vand.u32 $0x7, v55;
	v13 =	vand.u32 $0xFFFFFFE0, v56  }
0x7b: {  	v12 =	vor.u32 v12, v13  }
0x7c: {  	v13 =	vperm.xlane v12, v9;
	_ =	sdelay $0x1  }
0x7d: {  	v13 =	vadd.s32 v10, v13;
	_ =	sdelay $0x1  }
0x7e: {  	v12 =	vperm.xlane v12, v11;
	_ =	sdelay $0x1  }
0x7f: {  	v12 =	vadd.s32 v10, v12  }
0x80: {  	[tilespmem:s20], [sflag:$0x1] =	stream.indirect_vreg.gather [hbm4b:s2+s3], $0x80, v13, vm0, $0xb8;
	[tilespmem:$0x14380] =	vst v63  }
0x81: {  	s22 =	simm.s32 $0x4B80  }
0x82: {  	[tilespmem:s22], [sflag:$0x1] =	stream.indirect_vreg.gather [hbm4b:s8+s3], $0x80, v13, vm0, $0xb8;
	[tilespmem:$0x14380] =	vst v63  }
0x83: {  	s21 =	simm.s32 $0x5380  }
0x84: {  	[tilespmem:s21], [sflag:$0x1] =	stream.indirect_vreg.gather [hbm4b:s2+s3], $0x80, v12, vm0, $0xb8;
	[tilespmem:$0x14380] =	vst v63  }
0x85: {  	s22 =	simm.s32 $0x5B80  }
0x86: {  	[tilespmem:s22], [sflag:$0x1] =	stream.indirect_vreg.gather [hbm4b:s8+s3], $0x80, v12, vm0, $0xb8;
	[tilespmem:$0x14380] =	vst v63  }
0x87: {  	v12 =	vld [tilespmem:$0x4290];
	_ =	sdelay $0x4  }
0x88: {  	v57 =	vshll.u32 v12, $0x2  }
0x89: {  	v12 =	vand.u32 $0x7, v12;
	v13 =	vand.u32 $0xFFFFFFE0, v57  }
0x8a: {  	v12 =	vor.u32 v12, v13  }
0x8b: {  	v13 =	vperm.xlane v12, v9;
	_ =	sdelay $0x1  }
0x8c: {  	v13 =	vadd.s32 v10, v13;
	_ =	sdelay $0x1  }
0x8d: {  	v12 =	vperm.xlane v12, v11;
	_ =	sdelay $0x1  }
0x8e: {  	s21 =	simm.s32 $0x6380;
	v12 =	vadd.s32 v10, v12  }
0x8f: {  	[tilespmem:s21], [sflag:$0x1] =	stream.indirect_vreg.gather [hbm4b:s2+s3], $0x80, v13, vm0, $0xb8;
	[tilespmem:$0x14380] =	vst v63  }
0x90: {  	s22 =	simm.s32 $0x6B80  }
0x91: {  	[tilespmem:s22], [sflag:$0x1] =	stream.indirect_vreg.gather [hbm4b:s8+s3], $0x80, v13, vm0, $0xb8;
	[tilespmem:$0x14380] =	vst v63  }
0x92: {  	s21 =	simm.s32 $0x7380  }
0x93: {  	[tilespmem:s21], [sflag:$0x1] =	stream.indirect_vreg.gather [hbm4b:s2+s3], $0x80, v12, vm0, $0xb8;
	[tilespmem:$0x14380] =	vst v63  }
0x94: {  	s22 =	simm.s32 $0x7B80  }
0x95: {  	[tilespmem:s22], [sflag:$0x1] =	stream.indirect_vreg.gather [hbm4b:s8+s3], $0x80, v12, vm0, $0xb8;
	[tilespmem:$0x14380] =	vst v63  }
0x96: {  	v12 =	vld [tilespmem:$0x42A0];
	_ =	sdelay $0x4  }
0x97: {  	v58 =	vshll.u32 v12, $0x2  }
0x98: {  	v12 =	vand.u32 $0x7, v12;
	v13 =	vand.u32 $0xFFFFFFE0, v58  }
0x99: {  	v12 =	vor.u32 v12, v13  }
0x9a: {  	v13 =	vperm.xlane v12, v9;
	_ =	sdelay $0x1  }
0x9b: {  	v13 =	vadd.s32 v10, v13;
	_ =	sdelay $0x1  }
0x9c: {  	v12 =	vperm.xlane v12, v11;
	_ =	sdelay $0x1  }
0x9d: {  	s21 =	simm.s32 $0x8380;
	v12 =	vadd.s32 v10, v12  }
0x9e: {  	[tilespmem:s21], [sflag:$0x1] =	stream.indirect_vreg.gather [hbm4b:s2+s3], $0x80, v13, vm0, $0xb8;
	[tilespmem:$0x14380] =	vst v63  }
0x9f: {  	s22 =	simm.s32 $0x8B80  }
0xa0: {  	[tilespmem:s22], [sflag:$0x1] =	stream.indirect_vreg.gather [hbm4b:s8+s3], $0x80, v13, vm0, $0xb8;
	[tilespmem:$0x14380] =	vst v63  }
0xa1: {  	s21 =	simm.s32 $0x9380  }
0xa2: {  	[tilespmem:s21], [sflag:$0x1] =	stream.indirect_vreg.gather [hbm4b:s2+s3], $0x80, v12, vm0, $0xb8;
	[tilespmem:$0x14380] =	vst v63  }
0xa3: {  	s22 =	simm.s32 $0x9B80  }
0xa4: {  	[tilespmem:s22], [sflag:$0x1] =	stream.indirect_vreg.gather [hbm4b:s8+s3], $0x80, v12, vm0, $0xb8;
	[tilespmem:$0x14380] =	vst v63  }
0xa5: {  	v12 =	vld [tilespmem:$0x42B0];
	_ =	sdelay $0x4  }
0xa6: {  	v59 =	vshll.u32 v12, $0x2  }
0xa7: {  	v12 =	vand.u32 $0x7, v12;
	v13 =	vand.u32 $0xFFFFFFE0, v59  }
0xa8: {  	v12 =	vor.u32 v12, v13  }
0xa9: {  	v13 =	vperm.xlane v12, v9;
	_ =	sdelay $0x1  }
0xaa: {  	v13 =	vadd.s32 v10, v13;
	_ =	sdelay $0x1  }
0xab: {  	v12 =	vperm.xlane v12, v11;
	_ =	sdelay $0x1  }
0xac: {  	s21 =	simm.s32 $0xA380;
	v12 =	vadd.s32 v10, v12  }
0xad: {  	[tilespmem:s21], [sflag:$0x1] =	stream.indirect_vreg.gather [hbm4b:s2+s3], $0x80, v13, vm0, $0xb8;
	[tilespmem:$0x14380] =	vst v63  }
0xae: {  	s22 =	simm.s32 $0xAB80  }
0xaf: {  	[tilespmem:s22], [sflag:$0x1] =	stream.indirect_vreg.gather [hbm4b:s8+s3], $0x80, v13, vm0, $0xb8;
	[tilespmem:$0x14380] =	vst v63  }
0xb0: {  	s21 =	simm.s32 $0xB380  }
0xb1: {  	[tilespmem:s21], [sflag:$0x1] =	stream.indirect_vreg.gather [hbm4b:s2+s3], $0x80, v12, vm0, $0xb8;
	[tilespmem:$0x14380] =	vst v63  }
0xb2: {  	s22 =	simm.s32 $0xBB80  }
0xb3: {  	[tilespmem:s22], [sflag:$0x1] =	stream.indirect_vreg.gather [hbm4b:s8+s3], $0x80, v12, vm0, $0xb8;
	[tilespmem:$0x14380] =	vst v63  }
0xb4: {  	v12 =	vld [tilespmem:$0x42C0];
	_ =	sdelay $0x4  }
0xb5: {  	v60 =	vshll.u32 v12, $0x2  }
0xb6: {  	v12 =	vand.u32 $0x7, v12;
	v13 =	vand.u32 $0xFFFFFFE0, v60  }
0xb7: {  	v12 =	vor.u32 v12, v13  }
0xb8: {  	v13 =	vperm.xlane v12, v9;
	_ =	sdelay $0x1  }
0xb9: {  	v13 =	vadd.s32 v10, v13;
	_ =	sdelay $0x1  }
0xba: {  	v12 =	vperm.xlane v12, v11;
	_ =	sdelay $0x1  }
0xbb: {  	s21 =	simm.s32 $0xC380;
	v12 =	vadd.s32 v10, v12  }
0xbc: {  	[tilespmem:s21], [sflag:$0x1] =	stream.indirect_vreg.gather [hbm4b:s2+s3], $0x80, v13, vm0, $0xb8;
	[tilespmem:$0x14380] =	vst v63  }
0xbd: {  	s22 =	simm.s32 $0xCB80  }
0xbe: {  	[tilespmem:s22], [sflag:$0x1] =	stream.indirect_vreg.gather [hbm4b:s8+s3], $0x80, v13, vm0, $0xb8;
	[tilespmem:$0x14380] =	vst v63  }
0xbf: {  	s21 =	simm.s32 $0xD380  }
0xc0: {  	[tilespmem:s21], [sflag:$0x1] =	stream.indirect_vreg.gather [hbm4b:s2+s3], $0x80, v12, vm0, $0xb8;
	[tilespmem:$0x14380] =	vst v63  }
0xc1: {  	s22 =	simm.s32 $0xDB80  }
0xc2: {  	[tilespmem:s22], [sflag:$0x1] =	stream.indirect_vreg.gather [hbm4b:s8+s3], $0x80, v12, vm0, $0xb8;
	[tilespmem:$0x14380] =	vst v63  }
0xc3: {  	v12 =	vld [tilespmem:$0x42D0];
	_ =	sdelay $0x4  }
0xc4: {  	v61 =	vshll.u32 v12, $0x2  }
0xc5: {  	v12 =	vand.u32 $0x7, v12;
	v13 =	vand.u32 $0xFFFFFFE0, v61  }
0xc6: {  	v12 =	vor.u32 v12, v13  }
0xc7: {  	v13 =	vperm.xlane v12, v9;
	_ =	sdelay $0x1  }
0xc8: {  	v13 =	vadd.s32 v10, v13;
	_ =	sdelay $0x1  }
0xc9: {  	v12 =	vperm.xlane v12, v11;
	_ =	sdelay $0x1  }
0xca: {  	v12 =	vadd.s32 v10, v12  }
0xcb: {  	[tilespmem:s23], [sflag:$0x1] =	stream.indirect_vreg.gather [hbm4b:s2+s3], $0x80, v13, vm0, $0xb8;
	[tilespmem:$0x14380] =	vst v63  }
0xcc: {  	_ = 	snop  }
0xcd: {  	[tilespmem:s24], [sflag:$0x1] =	stream.indirect_vreg.gather [hbm4b:s8+s3], $0x80, v13, vm0, $0xb8;
	[tilespmem:$0x14380] =	vst v63  }
0xce: {  	_ = 	snop  }
0xcf: {  	[tilespmem:s25], [sflag:$0x1] =	stream.indirect_vreg.gather [hbm4b:s2+s3], $0x80, v12, vm0, $0xb8;
	[tilespmem:$0x14380] =	vst v63  }
0xd0: {  	_ = 	snop  }
0xd1: {  	[tilespmem:s26], [sflag:$0x1] =	stream.indirect_vreg.gather [hbm4b:s8+s3], $0x80, v12, vm0, $0xb8;
	[tilespmem:$0x14380] =	vst v63  }
0xd2: {  	v12 =	vld [tilespmem:$0x42E0];
	_ =	sdelay $0x4  }
0xd3: {  	v62 =	vshll.u32 v12, $0x2  }
0xd4: {  	v12 =	vand.u32 $0x7, v12;
	v13 =	vand.u32 $0xFFFFFFE0, v62  }
0xd5: {  	v12 =	vor.u32 v12, v13  }
0xd6: {  	v13 =	vperm.xlane v12, v9;
	_ =	sdelay $0x1  }
0xd7: {  	v13 =	vadd.s32 v10, v13;
	_ =	sdelay $0x1  }
0xd8: {  	v12 =	vperm.xlane v12, v11;
	_ =	sdelay $0x1  }
0xd9: {  	v12 =	vadd.s32 v10, v12  }
0xda: {  	[tilespmem:s28], [sflag:$0x1] =	stream.indirect_vreg.gather [hbm4b:s2+s3], $0x80, v13, vm0, $0xb8;
	[tilespmem:$0x14380] =	vst v63  }
0xdb: {  	_ = 	snop  }
0xdc: {  	[tilespmem:s29], [sflag:$0x1] =	stream.indirect_vreg.gather [hbm4b:s8+s3], $0x80, v13, vm0, $0xb8;
	[tilespmem:$0x14380] =	vst v63  }
0xdd: {  	_ = 	snop  }
0xde: {  	[tilespmem:s30], [sflag:$0x1] =	stream.indirect_vreg.gather [hbm4b:s2+s3], $0x80, v12, vm0, $0xb8;
	[tilespmem:$0x14380] =	vst v63  }
0xdf: {  	_ = 	snop  }
0xe0: {  	[tilespmem:s31], [sflag:$0x1] =	stream.indirect_vreg.gather [hbm4b:s8+s3], $0x80, v12, vm0, $0xb8;
	[tilespmem:$0x14380] =	vst v63  }
0xe1: {  	v12 =	vld [tilespmem:$0x42F0];
	_ =	sdelay $0x4  }
0xe2: {  	v63 =	vshll.u32 v12, $0x2  }
0xe3: {  	v12 =	vand.u32 $0x7, v12;
	v13 =	vand.u32 $0xFFFFFFE0, v63  }
0xe4: {  	v12 =	vor.u32 v12, v13  }
0xe5: {  	v13 =	vperm.xlane v12, v9;
	_ =	sdelay $0x1  }
0xe6: {  	v13 =	vadd.s32 v10, v13;
	_ =	sdelay $0x1  }
0xe7: {  	v12 =	vperm.xlane v12, v11;
	_ =	sdelay $0x1  }
0xe8: {  	v12 =	vadd.s32 v10, v12  }
0xe9: {  	[tilespmem:s0], [sflag:$0x1] =	stream.indirect_vreg.gather [hbm4b:s2+s3], $0x80, v13, vm0, $0xb8;
	[tilespmem:$0x14380] =	vst v63  }
0xea: {  	_ = 	snop  }
0xeb: {  	[tilespmem:s1], [sflag:$0x1] =	stream.indirect_vreg.gather [hbm4b:s8+s3], $0x80, v13, vm0, $0xb8;
	[tilespmem:$0x14380] =	vst v63  }
0xec: {  	_ = 	snop  }
0xed: {  	[tilespmem:s11], [sflag:$0x1] =	stream.indirect_vreg.gather [hbm4b:s2+s3], $0x80, v12, vm0, $0xb8;
	[tilespmem:$0x14380] =	vst v63  }
0xee: {  	_ = 	snop  }
0xef: {  	[tilespmem:s12], [sflag:$0x1] =	stream.indirect_vreg.gather [hbm4b:s8+s3], $0x80, v12, vm0, $0xb8;
	[tilespmem:$0x14380] =	vst v63  }
0xf0: {  	s18 =	sadd.s32 $0x1, s18;
	_ =	swait.ge [sflag:s14], $0x10000  }
0xf1: {  	p0 =	sne.s32 s18, s10;
	[sflag:s14] =	ssyncset.done $0x0  }
.Ltmp1:
0xf2: {  	[sflag:s14] =	ssyncadd.s32 $0xFFFF0000;
	(pc) =	sbr.rel @p0 .LBB2_1-.Ltmp1, $4  }
0xf3: {  	[hbm4b:s9+s3] =	stream.linear.scatter [tilespmem:s20], [sflag:$0x2], $0x10000, $0x38;
	[tilespmem:$0x14380] =	vst v63  }
0xf4: {  	_ =	swait.ge [sflag:s13], $0x10000  }
0xf5: {  	[sflag:s13] =	ssyncset.done $0x0  }
0xf6: {  	[sflag:s13] =	ssyncadd.s32 $0xFFFF0000  }
0xf7: {  	_ =	sfence.sel $0x180000  }
0xf8: {  	[bflag:$0x0] =	sbarrier.arrive $0xFFFF  }
0xf9: {  	_ =	strace $0x90000047  }
0xfa: {  	s0 =	stileid.u32;
	[bflag:$0x2] =	sbarrier.arrive $0xFFFF  }
0xfb: {  	p0 =	sne.s32 s0, $0x0;
	s0 =	rddreg [dreg:$0x3]  }
0xfc: {  	s0 =	sadd.s32 @!p0 $0x100000, s0  }
0xfd: {  	[sflag:s0] =	ssyncadd.tile.s32 @!p0 $0x1;
	_ =	shalt  }
.Lfunc_end2:
_tile_overlayer_lowered:
.L_overlay_start_2:
0xfe: {  	(tag) =	ssettag $0x2  }
0xff: {  	s0 =	rddreg [dreg:$0x0];
	s2 =	stileid.u32  }
0x100: {  	s1 =	rddreg [dreg:$0x1];
	p0 =	sne.s32 s2, $0x0  }
0x101: {  	s3 =	rddreg [dreg:$0x2];
	[bflag:$0x3] =	sbarrier.arrive $0xFFFF;
	s2 =	simm.s32 @!p0 $0x1C02  }
0x102: {  	[timem:s3], [sflag:s2] =	dma.local @!p0 [hbm:s0], s1  }
0x103: {  	s0 =	simm.s32 @!p0 $0x2  }
0x104: {  	_ =	swait.ge @!p0 [sflag:s0], s1  }
0x105: {  	s1 =	ssub.s32 @!p0 $0x0, s1;
	[sflag:s0] =	ssyncset.done @!p0 $0x0  }
0x106: {  	[sflag:s0] =	ssyncadd.s32 @!p0 s1  }
0x107: {  	[bflag:$0x3] =	sbarrier.arrive $0xFFFF  }
0x108: {  	_ =	shalt  }

// kernel: kernel.9.cloned.1.call-start
scs
__scs_entry_jumppad:
0x0: {  	(pc) =	sbr.rel $0x88, $3  }
0x1: {  	(tag) =	ssettag $0x0;
	lr =	simm.s32 $0x1  }
0x2: {  	[smem:$0x3F9B] =	sst lr;
	_ =	strace $0xD0000000  }
0x3: {  	_ = 	snop  }
0x4: {  	_ = 	snop  }
0x5: {  	_ = 	snop  }
0x6: {  	_ = 	snop  }
0x7: {  	_ = 	snop  }
__scs_overlays_trampoline_lowered:
0x8: {  	[smem:$0x3FAA] =	sst s0  }
0x9: {  	[smem:$0x3FAB] =	sst s1  }
0xa: {  	[smem:$0x3FAC] =	sst s2  }
0xb: {  	[smem:$0x3FAD] =	sst s3  }
0xc: {  	[smem:$0x3FAE] =	sst s4  }
0xd: {  	[smem:$0x3FAF] =	sst s5  }
0xe: {  	[smem:$0x3FB0] =	sst s6  }
0xf: {  	[smem:$0x3FB1] =	sst s7  }
0x10: {  	[smem:$0x3FB2] =	sst s8  }
0x11: {  	[smem:$0x3FB3] =	sst s9;
	s0 =	simm.s32 @!p0 $0x0  }
0x12: {  	s1 =	sld [smem:$0x3F99];
	s0 =	simm.s32 @p0 $0x1  }
0x13: {  	[smem:$0x3FB4] =	sst s0;
	s0 =	simm.s32 @!p1 $0x0  }
0x14: {  	s2 =	sld [smem:$0x3F98];
	s0 =	simm.s32 @p1 $0x1  }
0x15: {  	[smem:$0x3FB5] =	sst s0;
	s0 =	simm.s32 @!p2 $0x0  }
0x16: {  	s3 =	sld [smem:$0x3FDB];
	s0 =	simm.s32 @p2 $0x1  }
0x17: {  	s4 =	simm.s32 $0x1BF5;
	[smem:$0x3FB7] =	sst s0  }
0x18: {  	s0 =	sld [smem:$0x3F9A];
	_ =	swait.ge [sflag:s4], $0x0  }
0x19: {  	s7 =	sld [smem:$0x3F9B]  }
0x1a: {  	s8 =	sadd.s32 $0xFFFFE003, lr  }
0x1b: {  	s9 =	sadd.s32 $0xFFFFFEF7, lr;
	s5 =	simm.s32 $0xFFFFFFFF;
	p2 =	slt.u32 s8, $0xFFFFF086  }
0x1c: {  	p1 =	slt.u32 s9, $0xF7A;
	s5 =	simm.s32 @!p2 $0x0  }
0x1d: {  	s5 =	simm.s32 @p1 $0x1;
	p0 =	seq.s32 s7, s2  }
0x1e: {  	s7 =	smul.u32 @!p0 $0xF7A, s2;
	p2 =	seq.s32 @!p0 s5, $0x0  }
0x1f: {  	s9 =	smul.u32 $0xF7A, s1;
	s8 =	simm.s32 @!p0 $0x1BF5;
	p2 =	por !p2, p0  }
0x20: {  	[sflag:s8] =	ssyncset.s32 @!p0 $0xFFFFF086;
	s6 =	sadd.s32 @!p0 s3, s7;
	s7 =	simm.s32 @!p0 $0x108  }
0x21: {  	s3 =	sadd.s32 s3, s9;
	s6 =	sadd.s32 @!p0 $0x88, s6;
	s7 =	simm.s32 @p2 $0x1082  }
0x22: {  	[simem:s7], [sflag:s8] =	dma.local @!p0 [hbm:s6], $0xF7A  }
0x23: {  	s9 =	sor.u32 $0xD0000000, s2;
	s6 =	simm.s32 $0x108;
	_ =	swait.ge @!p0 [sflag:s8], $0x0  }
0x24: {  	s3 =	sadd.s32 $0x88, s3;
	s6 =	simm.s32 @!p1 $0x1082;
	[sflag:s4] =	ssyncset.s32 $0xFFFFF086  }
0x25: {  	[simem:s6], [sflag:s4] =	dma.local [hbm:s3], $0xF7A  }
0x26: {  	[smem:$0x3F9B] =	sst s1;
	(tag) =	ssettag s2;
	_ =	strace s9  }
0x27: {  	s1 =	sld [smem:$0x3FAB]  }
0x28: {  	s2 =	sld [smem:$0x3FAC]  }
0x29: {  	s4 =	sld [smem:$0x3FAE]  }
0x2a: {  	p0 =	seq.s32 s5, $0x0;
	s5 =	sld [smem:$0x3FAF]  }
0x2b: {  	s6 =	sld [smem:$0x3FB0]  }
0x2c: {  	s7 =	sld [smem:$0x3FB1]  }
0x2d: {  	s3 =	simm.s32 $0x108;
	s8 =	sld [smem:$0x3FB2]  }
0x2e: {  	s3 =	simm.s32 @!p0 $0x1082;
	s9 =	sld [smem:$0x3FB3]  }
0x2f: {  	lr =	sadd.s32 s0, s3;
	s0 =	sld [smem:$0x3FAA]  }
0x30: {  	s3 =	sld [smem:$0x3FAD]  }
0x31: {  	[smem:$0x3FB6] =	sst s10  }
0x32: {  	s10 =	sld [smem:$0x3FB4];
	_ =	sdelay $0x3  }
0x33: {  	p0 =	seq.s32 s10, $0x1;
	s10 =	sld [smem:$0x3FB6];
	_ =	sdelay $0x3  }
0x34: {  	[smem:$0x3FB6] =	sst s10  }
0x35: {  	s10 =	sld [smem:$0x3FB5];
	_ =	sdelay $0x3  }
0x36: {  	p1 =	seq.s32 s10, $0x1;
	s10 =	sld [smem:$0x3FB6];
	_ =	sdelay $0x3  }
0x37: {  	[smem:$0x3FB6] =	sst s10  }
0x38: {  	s10 =	sld [smem:$0x3FB7]  }
0x39: {  	_ = 	snop;
	(pc) =	sbr.ind lr, $3  }
0x3a: {  	_ = 	snop  }
0x3b: {  	_ = 	snop  }
0x3c: {  	p2 =	seq.s32 s10, $0x1;
	s10 =	sld [smem:$0x3FB6]  }
0x3d: {  	_ =	shalt  }
0x3e: {  	_ =	shalt  }
0x3f: {  	_ =	shalt  }
0x40: {  	_ =	shalt  }
0x41: {  	_ =	shalt  }
0x42: {  	_ =	shalt  }
0x43: {  	_ =	shalt  }
0x44: {  	_ =	shalt  }
0x45: {  	_ =	shalt  }
0x46: {  	_ =	shalt  }
0x47: {  	_ =	shalt  }
0x48: {  	_ =	shalt  }
0x49: {  	_ =	shalt  }
0x4a: {  	_ =	shalt  }
0x4b: {  	_ =	shalt  }
0x4c: {  	_ =	shalt  }
0x4d: {  	_ =	shalt  }
0x4e: {  	_ =	shalt  }
0x4f: {  	_ =	shalt  }
0x50: {  	_ =	shalt  }
0x51: {  	_ =	shalt  }
0x52: {  	_ =	shalt  }
0x53: {  	_ =	shalt  }
0x54: {  	_ =	shalt  }
0x55: {  	_ =	shalt  }
0x56: {  	_ =	shalt  }
0x57: {  	_ =	shalt  }
0x58: {  	_ =	shalt  }
0x59: {  	_ =	shalt  }
0x5a: {  	_ =	shalt  }
0x5b: {  	_ =	shalt  }
0x5c: {  	_ =	shalt  }
0x5d: {  	_ =	shalt  }
0x5e: {  	_ =	shalt  }
0x5f: {  	_ =	shalt  }
0x60: {  	_ =	shalt  }
0x61: {  	_ =	shalt  }
0x62: {  	_ =	shalt  }
0x63: {  	_ =	shalt  }
0x64: {  	_ =	shalt  }
0x65: {  	_ =	shalt  }
0x66: {  	_ =	shalt  }
0x67: {  	_ =	shalt  }
0x68: {  	_ =	shalt  }
0x69: {  	_ =	shalt  }
0x6a: {  	_ =	shalt  }
0x6b: {  	_ =	shalt  }
0x6c: {  	_ =	shalt  }
0x6d: {  	_ =	shalt  }
0x6e: {  	_ =	shalt  }
0x6f: {  	_ =	shalt  }
0x70: {  	_ =	shalt  }
0x71: {  	_ =	shalt  }
0x72: {  	_ =	shalt  }
0x73: {  	_ =	shalt  }
0x74: {  	_ =	shalt  }
0x75: {  	_ =	shalt  }
0x76: {  	_ =	shalt  }
0x77: {  	_ =	shalt  }
0x78: {  	_ =	shalt  }
0x79: {  	_ =	shalt  }
0x7a: {  	_ =	shalt  }
0x7b: {  	_ =	shalt  }
0x7c: {  	_ =	shalt  }
0x7d: {  	_ =	shalt  }
0x7e: {  	_ =	shalt  }
0x7f: {  	_ =	shalt  }
0x80: {  	_ =	shalt  }
0x81: {  	_ =	shalt  }
0x82: {  	_ =	shalt  }
0x83: {  	_ =	shalt  }
0x84: {  	_ =	shalt  }
0x85: {  	_ =	shalt  }
0x86: {  	_ =	shalt  }
0x87: {  	_ =	shalt  }
.Lfunc_end0:
.L_simem_size_0:
called_computation.1_lowered:
.L_overlay_start_0:
0x88: {  	s2 =	sld [smem:$0x3FD9]  }
0x89: {  	s3 =	sld [smem:$0x3FFE];
	_ =	sdelay $0x1  }
0x8a: {  	s1 =	srdreg.scid  }
0x8b: {  	s0 =	sand.u32 $0x1, s1  }
0x8c: {  	s17 =	sshll.u32 s0, $0xA;
	s2 =	sadd.s32 s3, s2  }
0x8d: {  	s2 =	sadd.s32 s2, s17  }
0x8e: {  	[smem:$0x3FC2] =	sst s2  }
0x8f: {  	_ = 	snop  }
0x90: {  	s2 =	sld [smem:$0x3FD0];
	(tm) =	ssettm $0x1  }
0x91: {  	s18 =	sld [smem:$0x3FFB];
	_ =	sdelay $0x3  }
0x92: {  	_ =	strace s18  }
0x93: {  	s3 =	sld [smem:$0x3FFC];
	_ =	sdelay $0x3  }
0x94: {  	_ =	strace s3  }
0x95: {  	s3 =	sld [smem:$0x3FFD];
	_ =	sdelay $0x3  }
0x96: {  	_ =	strace s3  }
0x97: {  	_ =	strace $0x8FFFFFFF  }
0x98: {  	s19 =	sld [smem:$0x3FDB];
	_ =	sdelay $0x1  }
0x99: {  	s4 =	simm.s32 $_scs_section_size  }
0x9a: {  	s5 =	simm.s32 $_size__tile_overlayer_lowered;
	s6 =	simm.s32 $_tile_overlayer_lowered  }
0x9b: {  	s22 =	simm.s32 $0x1BFF;
	s21 =	sshll.u32 s6, $0x1;
	s3 =	sadd.s32 s4, s19  }
0x9c: {  	s7 =	simm.s32 $0x0;
	s20 =	sshll.u32 s5, $0x1;
	s5 =	sadd.s32 s21, s3  }
0x9d: {  	[timem:s7], [sflag:s22] =	dma.local [hbm:s5], s20  }
0x9e: {  	_ =	swait.ge [sflag:s22], s20  }
0x9f: {  	s4 =	ssub.s32 $0x0, s20;
	[sflag:s22] =	ssyncset.done $0x0  }
0xa0: {  	[sflag:s22] =	ssyncadd.s32 s4;
	_ =	sdelay $0x1  }
0xa1: {  	s23 =	simm.s32 $0x1B8B  }
0xa2: {  	_ =	swait.ge [sflag:s23], $0x1  }
0xa3: {  	[sflag:s23] =	ssyncset.done $0x0  }
0xa4: {  	s25 =	simm.s32 $0x1B8E;
	s24 =	sld [smem:$0x3FFE];
	[sflag:s23] =	ssyncadd.s32 $0xFFFFFFFF  }
0xa5: {  	s26 =	simm.s32 $execute0_lowered;
	[smem:$0x3FD2] =	sst s25  }
0xa6: {  	s5 =	sshll.u32 s26, $0x1;
	_ =	strace $0x80000049;
	[dreg:$0x1] =	wrdreg $0xFFFFFFFF  }
0xa7: {  	s28 =	simm.s32 $_size_execute0_lowered;
	s3 =	sadd.s32 s3, s5;
	[dreg:$0x0] =	wrdreg $0x0  }
0xa8: {  	s5 =	sshll.u32 s28, $0x1;
	[dreg:$0x2] =	wrdreg s3  }
0xa9: {  	[dreg:$0x3] =	wrdreg s5  }
0xaa: {  	[dreg:$0x4] =	wrdreg $0xC0  }
0xab: {  	_ =	task [dreg:s7], $0x5FFFF  }
0xac: {  	[dreg:$0x1] =	wrdreg $0xFFFFFFFF  }
0xad: {  	[dreg:$0x0] =	wrdreg $0x60  }
0xae: {  	[dreg:$0x2] =	wrdreg s24  }
0xaf: {  	[dreg:$0x3] =	wrdreg s2  }
0xb0: {  	[dreg:$0x4] =	wrdreg $0x91000  }
0xb1: {  	[dreg:$0x5] =	wrdreg $0x9  }
0xb2: {  	_ =	task.clear_ibuf [dreg:s7], $0x6FFFF;
	_ =	strace $0x90000049  }
0xb3: {  	s29 =	simm.s32 $0x9;
	_ =	strace $0x8000004B  }
0xb4: {  	_ =	swait.ge [sflag:s29], $0x1  }
0xb5: {  	[sflag:s29] =	ssyncadd.s32 $0xFFFFFFFF  }
0xb6: {  	_ =	strace $0x9000004B  }
0xb7: {  	_ =	sfence  }
0xb8: {  	s30 =	sld [smem:$0x0];
	_ =	sdelay $0x2  }
0xb9: {  	s31 =	sshll.u32 s1, $0xD;
	s1 =	sshrl.u32 s1, $0x2  }
0xba: {  	s3 =	sand.u32 $0x4000, s31;
	s1 =	sadd.s32 s1, s30  }
0xbb: {  	s0 =	sor.u32 s3, s0;
	s1 =	sshll.u32 s1, $0x11  }
0xbc: {  	s0 =	sor.u32 s1, s0  }
0xbd: {  	s0 =	sadd.s32 $0x8F2B, s0  }
0xbe: {  	[sflag:s0] =	ssyncadd.remote.s32 $0x1  }
0xbf: {  	_ =	sfence.sel $0xFFFF  }
0xc0: {  	[dreg:$0x0] =	wrdreg $0xFFFFFFFF;
	(pc) =	sbr.abs _section_cstart, $3  }
0xc1: {  	[dreg:$0x1] =	wrdreg $0xFFFFFFFF  }
0xc2: {  	_ =	task.clear_ibuf [dreg:s7], $0x2FFFF;
	_ =	strace $0x9FFFFFFF  }
0xc3: {  	(tm) =	ssettm $0x7FFFFFFF  }
tec
execute0_lowered:
.L_overlay_start_1:
0x0: {  	(tag) =	ssettag $0x1  }
0x1: {  	s4 =	rddreg [dreg:$0x0]  }
0x2: {  	s0 =	rddreg [dreg:$0x1];
	s2 =	simm.s32 $0x0  }
0x3: {  	v0 =	vimm.f32 $0.0e+00;
	[smem:$0x7FF] =	sst s2  }
0x4: {  	s1 =	rddreg [dreg:$0x2];
	_ =	strace $0x8000004A;
	[tilespmem:$0x8100] =	vst v0  }
0x5: {  	[tilespmem:$0x90F0] =	vst v0  }
0x6: {  	[tilespmem:$0x90E0] =	vst v0  }
0x7: {  	[tilespmem:$0x90D0] =	vst v0  }
0x8: {  	[tilespmem:$0x90C0] =	vst v0  }
0x9: {  	[tilespmem:$0x90B0] =	vst v0  }
0xa: {  	[tilespmem:$0x90A0] =	vst v0  }
0xb: {  	[tilespmem:$0x9090] =	vst v0  }
0xc: {  	[tilespmem:$0x9080] =	vst v0  }
0xd: {  	[tilespmem:$0x9070] =	vst v0  }
0xe: {  	[tilespmem:$0x9060] =	vst v0  }
0xf: {  	[tilespmem:$0x9050] =	vst v0  }
0x10: {  	[tilespmem:$0x9040] =	vst v0  }
0x11: {  	[tilespmem:$0x9030] =	vst v0  }
0x12: {  	[tilespmem:$0x9020] =	vst v0  }
0x13: {  	[tilespmem:$0x9010] =	vst v0  }
0x14: {  	[tilespmem:$0x9000] =	vst v0  }
0x15: {  	[tilespmem:$0x8FF0] =	vst v0  }
0x16: {  	[tilespmem:$0x8FE0] =	vst v0  }
0x17: {  	[tilespmem:$0x8FD0] =	vst v0  }
0x18: {  	[tilespmem:$0x8FC0] =	vst v0  }
0x19: {  	[tilespmem:$0x8FB0] =	vst v0  }
0x1a: {  	[tilespmem:$0x8FA0] =	vst v0  }
0x1b: {  	[tilespmem:$0x8F90] =	vst v0  }
0x1c: {  	[tilespmem:$0x8F80] =	vst v0  }
0x1d: {  	[tilespmem:$0x8F70] =	vst v0  }
0x1e: {  	[tilespmem:$0x8F60] =	vst v0  }
0x1f: {  	[tilespmem:$0x8F50] =	vst v0  }
0x20: {  	[tilespmem:$0x8F40] =	vst v0  }
0x21: {  	[tilespmem:$0x8F30] =	vst v0  }
0x22: {  	[tilespmem:$0x8F20] =	vst v0  }
0x23: {  	[tilespmem:$0x8F10] =	vst v0  }
0x24: {  	[tilespmem:$0x8F00] =	vst v0  }
0x25: {  	[tilespmem:$0x8EF0] =	vst v0  }
0x26: {  	[tilespmem:$0x8EE0] =	vst v0  }
0x27: {  	[tilespmem:$0x8ED0] =	vst v0  }
0x28: {  	[tilespmem:$0x8EC0] =	vst v0  }
0x29: {  	[tilespmem:$0x8EB0] =	vst v0  }
0x2a: {  	[tilespmem:$0x8EA0] =	vst v0  }
0x2b: {  	[tilespmem:$0x8E90] =	vst v0  }
0x2c: {  	[tilespmem:$0x8E80] =	vst v0  }
0x2d: {  	[tilespmem:$0x8E70] =	vst v0  }
0x2e: {  	[tilespmem:$0x8E60] =	vst v0  }
0x2f: {  	[tilespmem:$0x8E50] =	vst v0  }
0x30: {  	[tilespmem:$0x8E40] =	vst v0  }
0x31: {  	[tilespmem:$0x8E30] =	vst v0  }
0x32: {  	[tilespmem:$0x8E20] =	vst v0  }
0x33: {  	[tilespmem:$0x8E10] =	vst v0  }
0x34: {  	[tilespmem:$0x8E00] =	vst v0  }
0x35: {  	[tilespmem:$0x8DF0] =	vst v0  }
0x36: {  	[tilespmem:$0x8DE0] =	vst v0  }
0x37: {  	[tilespmem:$0x8DD0] =	vst v0  }
0x38: {  	[tilespmem:$0x8DC0] =	vst v0  }
0x39: {  	[tilespmem:$0x8DB0] =	vst v0  }
0x3a: {  	[tilespmem:$0x8DA0] =	vst v0  }
0x3b: {  	[tilespmem:$0x8D90] =	vst v0  }
0x3c: {  	[tilespmem:$0x8D80] =	vst v0  }
0x3d: {  	[tilespmem:$0x8D70] =	vst v0  }
0x3e: {  	[tilespmem:$0x8D60] =	vst v0  }
0x3f: {  	[tilespmem:$0x8D50] =	vst v0  }
0x40: {  	[tilespmem:$0x8D40] =	vst v0  }
0x41: {  	[tilespmem:$0x8D30] =	vst v0  }
0x42: {  	[tilespmem:$0x8D20] =	vst v0  }
0x43: {  	[tilespmem:$0x8D10] =	vst v0  }
0x44: {  	[tilespmem:$0x8D00] =	vst v0  }
0x45: {  	[tilespmem:$0x8CF0] =	vst v0  }
0x46: {  	[tilespmem:$0x8CE0] =	vst v0  }
0x47: {  	[tilespmem:$0x8CD0] =	vst v0  }
0x48: {  	[tilespmem:$0x8CC0] =	vst v0  }
0x49: {  	[tilespmem:$0x8CB0] =	vst v0  }
0x4a: {  	[tilespmem:$0x8CA0] =	vst v0  }
0x4b: {  	[tilespmem:$0x8C90] =	vst v0  }
0x4c: {  	[tilespmem:$0x8C80] =	vst v0  }
0x4d: {  	[tilespmem:$0x8C70] =	vst v0  }
0x4e: {  	[tilespmem:$0x8C60] =	vst v0  }
0x4f: {  	[tilespmem:$0x8C50] =	vst v0  }
0x50: {  	[tilespmem:$0x8C40] =	vst v0  }
0x51: {  	[tilespmem:$0x8C30] =	vst v0  }
0x52: {  	[tilespmem:$0x8C20] =	vst v0  }
0x53: {  	[tilespmem:$0x8C10] =	vst v0  }
0x54: {  	[tilespmem:$0x8C00] =	vst v0  }
0x55: {  	[tilespmem:$0x8BF0] =	vst v0  }
0x56: {  	[tilespmem:$0x8BE0] =	vst v0  }
0x57: {  	[tilespmem:$0x8BD0] =	vst v0  }
0x58: {  	[tilespmem:$0x8BC0] =	vst v0  }
0x59: {  	[tilespmem:$0x8BB0] =	vst v0  }
0x5a: {  	[tilespmem:$0x8BA0] =	vst v0  }
0x5b: {  	[tilespmem:$0x8B90] =	vst v0  }
0x5c: {  	[tilespmem:$0x8B80] =	vst v0  }
0x5d: {  	[tilespmem:$0x8B70] =	vst v0  }
0x5e: {  	[tilespmem:$0x8B60] =	vst v0  }
0x5f: {  	[tilespmem:$0x8B50] =	vst v0  }
0x60: {  	[tilespmem:$0x8B40] =	vst v0  }
0x61: {  	[tilespmem:$0x8B30] =	vst v0  }
0x62: {  	[tilespmem:$0x8B20] =	vst v0  }
0x63: {  	[tilespmem:$0x8B10] =	vst v0  }
0x64: {  	[tilespmem:$0x8B00] =	vst v0  }
0x65: {  	[tilespmem:$0x8AF0] =	vst v0  }
0x66: {  	[tilespmem:$0x8AE0] =	vst v0  }
0x67: {  	[tilespmem:$0x8AD0] =	vst v0  }
0x68: {  	[tilespmem:$0x8AC0] =	vst v0  }
0x69: {  	[tilespmem:$0x8AB0] =	vst v0  }
0x6a: {  	[tilespmem:$0x8AA0] =	vst v0  }
0x6b: {  	[tilespmem:$0x8A90] =	vst v0  }
0x6c: {  	[tilespmem:$0x8A80] =	vst v0  }
0x6d: {  	[tilespmem:$0x8A70] =	vst v0  }
0x6e: {  	[tilespmem:$0x8A60] =	vst v0  }
0x6f: {  	[tilespmem:$0x8A50] =	vst v0  }
0x70: {  	[tilespmem:$0x8A40] =	vst v0  }
0x71: {  	[tilespmem:$0x8A30] =	vst v0  }
0x72: {  	[tilespmem:$0x8A20] =	vst v0  }
0x73: {  	[tilespmem:$0x8A10] =	vst v0  }
0x74: {  	[tilespmem:$0x8A00] =	vst v0  }
0x75: {  	[tilespmem:$0x89F0] =	vst v0  }
0x76: {  	[tilespmem:$0x89E0] =	vst v0  }
0x77: {  	[tilespmem:$0x89D0] =	vst v0  }
0x78: {  	[tilespmem:$0x89C0] =	vst v0  }
0x79: {  	[tilespmem:$0x89B0] =	vst v0  }
0x7a: {  	[tilespmem:$0x89A0] =	vst v0  }
0x7b: {  	[tilespmem:$0x8990] =	vst v0  }
0x7c: {  	[tilespmem:$0x8980] =	vst v0  }
0x7d: {  	[tilespmem:$0x8970] =	vst v0  }
0x7e: {  	[tilespmem:$0x8960] =	vst v0  }
0x7f: {  	[tilespmem:$0x8950] =	vst v0  }
0x80: {  	[tilespmem:$0x8940] =	vst v0  }
0x81: {  	[tilespmem:$0x8930] =	vst v0  }
0x82: {  	[tilespmem:$0x8920] =	vst v0  }
0x83: {  	[tilespmem:$0x8910] =	vst v0  }
0x84: {  	[tilespmem:$0x8900] =	vst v0  }
0x85: {  	[tilespmem:$0x88F0] =	vst v0  }
0x86: {  	[tilespmem:$0x88E0] =	vst v0  }
0x87: {  	[tilespmem:$0x88D0] =	vst v0  }
0x88: {  	[tilespmem:$0x88C0] =	vst v0  }
0x89: {  	[tilespmem:$0x88B0] =	vst v0  }
0x8a: {  	[tilespmem:$0x88A0] =	vst v0  }
0x8b: {  	[tilespmem:$0x8890] =	vst v0  }
0x8c: {  	[tilespmem:$0x8880] =	vst v0  }
0x8d: {  	[tilespmem:$0x8870] =	vst v0  }
0x8e: {  	[tilespmem:$0x8860] =	vst v0  }
0x8f: {  	[tilespmem:$0x8850] =	vst v0  }
0x90: {  	[tilespmem:$0x8840] =	vst v0  }
0x91: {  	[tilespmem:$0x8830] =	vst v0  }
0x92: {  	[tilespmem:$0x8820] =	vst v0  }
0x93: {  	[tilespmem:$0x8810] =	vst v0  }
0x94: {  	[tilespmem:$0x8800] =	vst v0  }
0x95: {  	[tilespmem:$0x87F0] =	vst v0  }
0x96: {  	[tilespmem:$0x87E0] =	vst v0  }
0x97: {  	[tilespmem:$0x87D0] =	vst v0  }
0x98: {  	[tilespmem:$0x87C0] =	vst v0  }
0x99: {  	[tilespmem:$0x87B0] =	vst v0  }
0x9a: {  	[tilespmem:$0x87A0] =	vst v0  }
0x9b: {  	[tilespmem:$0x8790] =	vst v0  }
0x9c: {  	[tilespmem:$0x8780] =	vst v0  }
0x9d: {  	[tilespmem:$0x8770] =	vst v0  }
0x9e: {  	[tilespmem:$0x8760] =	vst v0  }
0x9f: {  	[tilespmem:$0x8750] =	vst v0  }
0xa0: {  	[tilespmem:$0x8740] =	vst v0  }
0xa1: {  	[tilespmem:$0x8730] =	vst v0  }
0xa2: {  	[tilespmem:$0x8720] =	vst v0  }
0xa3: {  	[tilespmem:$0x8710] =	vst v0  }
0xa4: {  	[tilespmem:$0x8700] =	vst v0  }
0xa5: {  	[tilespmem:$0x86F0] =	vst v0  }
0xa6: {  	[tilespmem:$0x86E0] =	vst v0  }
0xa7: {  	[tilespmem:$0x86D0] =	vst v0  }
0xa8: {  	[tilespmem:$0x86C0] =	vst v0  }
0xa9: {  	[tilespmem:$0x86B0] =	vst v0  }
0xaa: {  	[tilespmem:$0x86A0] =	vst v0  }
0xab: {  	[tilespmem:$0x8690] =	vst v0  }
0xac: {  	[tilespmem:$0x8680] =	vst v0  }
0xad: {  	[tilespmem:$0x8670] =	vst v0  }
0xae: {  	[tilespmem:$0x8660] =	vst v0  }
0xaf: {  	[tilespmem:$0x8650] =	vst v0  }
0xb0: {  	[tilespmem:$0x8640] =	vst v0  }
0xb1: {  	[tilespmem:$0x8630] =	vst v0  }
0xb2: {  	[tilespmem:$0x8620] =	vst v0  }
0xb3: {  	[tilespmem:$0x8610] =	vst v0  }
0xb4: {  	[tilespmem:$0x8600] =	vst v0  }
0xb5: {  	[tilespmem:$0x85F0] =	vst v0  }
0xb6: {  	[tilespmem:$0x85E0] =	vst v0  }
0xb7: {  	[tilespmem:$0x85D0] =	vst v0  }
0xb8: {  	[tilespmem:$0x85C0] =	vst v0  }
0xb9: {  	[tilespmem:$0x85B0] =	vst v0  }
0xba: {  	[tilespmem:$0x85A0] =	vst v0  }
0xbb: {  	[tilespmem:$0x8590] =	vst v0  }
0xbc: {  	[tilespmem:$0x8580] =	vst v0  }
0xbd: {  	[tilespmem:$0x8570] =	vst v0  }
0xbe: {  	[tilespmem:$0x8560] =	vst v0  }
0xbf: {  	[tilespmem:$0x8550] =	vst v0  }
0xc0: {  	[tilespmem:$0x8540] =	vst v0  }
0xc1: {  	[tilespmem:$0x8530] =	vst v0  }
0xc2: {  	[tilespmem:$0x8520] =	vst v0  }
0xc3: {  	[tilespmem:$0x8510] =	vst v0  }
0xc4: {  	[tilespmem:$0x8500] =	vst v0  }
0xc5: {  	[tilespmem:$0x84F0] =	vst v0  }
0xc6: {  	[tilespmem:$0x84E0] =	vst v0  }
0xc7: {  	[tilespmem:$0x84D0] =	vst v0  }
0xc8: {  	[tilespmem:$0x84C0] =	vst v0  }
0xc9: {  	[tilespmem:$0x84B0] =	vst v0  }
0xca: {  	[tilespmem:$0x84A0] =	vst v0  }
0xcb: {  	[tilespmem:$0x8490] =	vst v0  }
0xcc: {  	[tilespmem:$0x8480] =	vst v0  }
0xcd: {  	[tilespmem:$0x8470] =	vst v0  }
0xce: {  	[tilespmem:$0x8460] =	vst v0  }
0xcf: {  	[tilespmem:$0x8450] =	vst v0  }
0xd0: {  	[tilespmem:$0x8440] =	vst v0  }
0xd1: {  	[tilespmem:$0x8430] =	vst v0  }
0xd2: {  	[tilespmem:$0x8420] =	vst v0  }
0xd3: {  	[tilespmem:$0x8410] =	vst v0  }
0xd4: {  	[tilespmem:$0x8400] =	vst v0  }
0xd5: {  	[tilespmem:$0x83F0] =	vst v0  }
0xd6: {  	[tilespmem:$0x83E0] =	vst v0  }
0xd7: {  	[tilespmem:$0x83D0] =	vst v0  }
0xd8: {  	[tilespmem:$0x83C0] =	vst v0  }
0xd9: {  	[tilespmem:$0x83B0] =	vst v0  }
0xda: {  	[tilespmem:$0x83A0] =	vst v0  }
0xdb: {  	[tilespmem:$0x8390] =	vst v0  }
0xdc: {  	[tilespmem:$0x8380] =	vst v0  }
0xdd: {  	[tilespmem:$0x8370] =	vst v0  }
0xde: {  	[tilespmem:$0x8360] =	vst v0  }
0xdf: {  	[tilespmem:$0x8350] =	vst v0  }
0xe0: {  	[tilespmem:$0x8340] =	vst v0  }
0xe1: {  	[tilespmem:$0x8330] =	vst v0  }
0xe2: {  	[tilespmem:$0x8320] =	vst v0  }
0xe3: {  	[tilespmem:$0x8310] =	vst v0  }
0xe4: {  	[tilespmem:$0x8300] =	vst v0  }
0xe5: {  	[tilespmem:$0x82F0] =	vst v0  }
0xe6: {  	[tilespmem:$0x82E0] =	vst v0  }
0xe7: {  	[tilespmem:$0x82D0] =	vst v0  }
0xe8: {  	[tilespmem:$0x82C0] =	vst v0  }
0xe9: {  	[tilespmem:$0x82B0] =	vst v0  }
0xea: {  	[tilespmem:$0x82A0] =	vst v0  }
0xeb: {  	[tilespmem:$0x8290] =	vst v0  }
0xec: {  	[tilespmem:$0x8280] =	vst v0  }
0xed: {  	[tilespmem:$0x8270] =	vst v0  }
0xee: {  	[tilespmem:$0x8260] =	vst v0  }
0xef: {  	[tilespmem:$0x8250] =	vst v0  }
0xf0: {  	[tilespmem:$0x8240] =	vst v0  }
0xf1: {  	[tilespmem:$0x8230] =	vst v0  }
0xf2: {  	[tilespmem:$0x8220] =	vst v0  }
0xf3: {  	[tilespmem:$0x8210] =	vst v0  }
0xf4: {  	[tilespmem:$0x8200] =	vst v0  }
0xf5: {  	[tilespmem:$0x81F0] =	vst v0  }
0xf6: {  	[tilespmem:$0x81E0] =	vst v0  }
0xf7: {  	[tilespmem:$0x81D0] =	vst v0  }
0xf8: {  	[tilespmem:$0x81C0] =	vst v0  }
0xf9: {  	[tilespmem:$0x81B0] =	vst v0  }
0xfa: {  	[tilespmem:$0x81A0] =	vst v0  }
0xfb: {  	[tilespmem:$0x8190] =	vst v0  }
0xfc: {  	s28 =	stileid.u32;
	[tilespmem:$0x8180] =	vst v0  }
0xfd: {  	s5 =	srdreg.scid;
	s3 =	sshll.u32 s28, $0x5;
	[tilespmem:$0x8170] =	vst v0  }
0xfe: {  	s6 =	sadd.s32 s3, s4;
	s3 =	sand.u32 $0x1, s5;
	[tilespmem:$0x8140] =	vst v0  }
0xff: {  	s18 =	sshll.u32 s28, $0x11;
	s8 =	sshll.u32 s28, $0x12;
	[tilespmem:$0x8110] =	vst v0;
	s7 =	sshll.u32 s3, $0xB  }
0x100: {  	s4 =	sadd.s32 $0xA400, s4;
	[tilespmem:$0x8160] =	vst v0;
	s9 =	sor.u32 s7, s18;
	s6 =	sadd.s32 $0xA200, s6  }
0x101: {  	[tilespmem:$0x8130] =	vst v0;
	[dreg:$0x4] =	wrdreg s6;
	s20 =	sor.u32 s7, s8;
	s7 =	sor.u32 $0x400, s7  }
0x102: {  	[tilespmem:$0x8150] =	vst v0;
	s19 =	sshrl.u32 s9, $0x3;
	s9 =	sshrl.u32 s20, $0x3;
	s5 =	sor.u32 s18, s7  }
0x103: {  	[tilespmem:$0x8120] =	vst v0;
	s22 =	sor.u32 s8, s7;
	s24 =	rddreg [dreg:$0x4];
	s6 =	sadd.s32 s4, s19  }
0x104: {  	[tilespmem:s2], [sflag:$0x1] =	stream.linear.gather [hbm4b:s24+s2], $0x100, $0x38;
	[tilespmem:$0x19100] =	vst v63  }
0x105: {  	s21 =	sadd.s32 s0, s9;
	s5 =	sshrl.u32 s5, $0x3;
	[dreg:$0x5] =	wrdreg s6  }
0x106: {  	s23 =	sshrl.u32 s22, $0x3;
	[dreg:$0x6] =	wrdreg s21;
	s4 =	sadd.s32 s4, s5  }
0x107: {  	s0 =	sadd.s32 s0, s23;
	[dreg:$0x7] =	wrdreg s4  }
0x108: {  	[dreg:$0x8] =	wrdreg s0;
	s4 =	simm.s32 $0x1  }
0x109: {  	_ =	swait.ge [sflag:s4], $0x100  }
0x10a: {  	s25 =	sshrl.u32 s8, $0x2;
	[sflag:s4] =	ssyncset.done $0x0  }
0x10b: {  	s5 =	sadd.s32 s25, s1;
	s6 =	simm.s32 $0x8100;
	[sflag:s4] =	ssyncadd.s32 $0xFFFFFF00  }
0x10c: {  	[spmem:s5] =	stream.linear.scatter [tilespmem:s6], [sflag:$0x1], $0x1000, $0x38;
	[tilespmem:$0x19100] =	vst v63  }
0x10d: {  	_ =	swait.ge [sflag:s4], $0x1000  }
0x10e: {  	[sflag:s4] =	ssyncset.done $0x0  }
0x10f: {  	s7 =	sadd.s32 $0x1000, s5;
	[sflag:s4] =	ssyncadd.s32 $0xFFFFF000  }
0x110: {  	[spmem:s7] =	stream.linear.scatter [tilespmem:s6], [sflag:$0x1], $0x1000, $0x38;
	[tilespmem:$0x19100] =	vst v63  }
0x111: {  	_ =	swait.ge [sflag:s4], $0x1000  }
0x112: {  	[sflag:s4] =	ssyncset.done $0x0  }
0x113: {  	s8 =	sadd.s32 $0x2000, s5;
	[sflag:s4] =	ssyncadd.s32 $0xFFFFF000  }
0x114: {  	[spmem:s8] =	stream.linear.scatter [tilespmem:s6], [sflag:$0x1], $0x1000, $0x38;
	[tilespmem:$0x19100] =	vst v63  }
0x115: {  	_ =	swait.ge [sflag:s4], $0x1000  }
0x116: {  	[sflag:s4] =	ssyncset.done $0x0  }
0x117: {  	s9 =	sadd.s32 $0x3000, s5;
	[sflag:s4] =	ssyncadd.s32 $0xFFFFF000  }
0x118: {  	[spmem:s9] =	stream.linear.scatter [tilespmem:s6], [sflag:$0x1], $0x1000, $0x38;
	[tilespmem:$0x19100] =	vst v63  }
0x119: {  	_ =	swait.ge [sflag:s4], $0x1000  }
0x11a: {  	[sflag:s4] =	ssyncset.done $0x0  }
0x11b: {  	s10 =	sadd.s32 $0x4000, s5;
	[sflag:s4] =	ssyncadd.s32 $0xFFFFF000  }
0x11c: {  	[spmem:s10] =	stream.linear.scatter [tilespmem:s6], [sflag:$0x1], $0x1000, $0x38;
	[tilespmem:$0x19100] =	vst v63  }
0x11d: {  	_ =	swait.ge [sflag:s4], $0x1000  }
0x11e: {  	[sflag:s4] =	ssyncset.done $0x0  }
0x11f: {  	s11 =	sadd.s32 $0x5000, s5;
	[sflag:s4] =	ssyncadd.s32 $0xFFFFF000  }
0x120: {  	[spmem:s11] =	stream.linear.scatter [tilespmem:s6], [sflag:$0x1], $0x1000, $0x38;
	[tilespmem:$0x19100] =	vst v63  }
0x121: {  	_ =	swait.ge [sflag:s4], $0x1000  }
0x122: {  	[sflag:s4] =	ssyncset.done $0x0  }
0x123: {  	s12 =	sadd.s32 $0x6000, s5;
	[sflag:s4] =	ssyncadd.s32 $0xFFFFF000  }
0x124: {  	[spmem:s12] =	stream.linear.scatter [tilespmem:s6], [sflag:$0x1], $0x1000, $0x38;
	[tilespmem:$0x19100] =	vst v63  }
0x125: {  	_ =	swait.ge [sflag:s4], $0x1000  }
0x126: {  	[sflag:s4] =	ssyncset.done $0x0  }
0x127: {  	s13 =	sadd.s32 $0x7000, s5;
	[sflag:s4] =	ssyncadd.s32 $0xFFFFF000  }
0x128: {  	[spmem:s13] =	stream.linear.scatter [tilespmem:s6], [sflag:$0x1], $0x1000, $0x38;
	[tilespmem:$0x19100] =	vst v63  }
0x129: {  	_ =	swait.ge [sflag:s4], $0x1000  }
0x12a: {  	[sflag:s4] =	ssyncset.done $0x0  }
0x12b: {  	s14 =	sadd.s32 $0x8000, s5;
	[sflag:s4] =	ssyncadd.s32 $0xFFFFF000  }
0x12c: {  	[spmem:s14] =	stream.linear.scatter [tilespmem:s6], [sflag:$0x1], $0x1000, $0x38;
	[tilespmem:$0x19100] =	vst v63  }
0x12d: {  	_ =	swait.ge [sflag:s4], $0x1000  }
0x12e: {  	[sflag:s4] =	ssyncset.done $0x0  }
0x12f: {  	s15 =	sadd.s32 $0x9000, s5;
	[sflag:s4] =	ssyncadd.s32 $0xFFFFF000  }
0x130: {  	[spmem:s15] =	stream.linear.scatter [tilespmem:s6], [sflag:$0x1], $0x1000, $0x38;
	[tilespmem:$0x19100] =	vst v63  }
0x131: {  	_ =	swait.ge [sflag:s4], $0x1000  }
0x132: {  	[sflag:s4] =	ssyncset.done $0x0  }
0x133: {  	s16 =	sadd.s32 $0xA000, s5;
	[sflag:s4] =	ssyncadd.s32 $0xFFFFF000  }
0x134: {  	[spmem:s16] =	stream.linear.scatter [tilespmem:s6], [sflag:$0x1], $0x1000, $0x38;
	[tilespmem:$0x19100] =	vst v63  }
0x135: {  	_ =	swait.ge [sflag:s4], $0x1000  }
0x136: {  	[sflag:s4] =	ssyncset.done $0x0  }
0x137: {  	s17 =	sadd.s32 $0xB000, s5;
	[sflag:s4] =	ssyncadd.s32 $0xFFFFF000  }
0x138: {  	[spmem:s17] =	stream.linear.scatter [tilespmem:s6], [sflag:$0x1], $0x1000, $0x38;
	[tilespmem:$0x19100] =	vst v63  }
0x139: {  	_ =	swait.ge [sflag:s4], $0x1000  }
0x13a: {  	[sflag:s4] =	ssyncset.done $0x0  }
0x13b: {  	s18 =	sadd.s32 $0xC000, s5;
	[sflag:s4] =	ssyncadd.s32 $0xFFFFF000  }
0x13c: {  	[spmem:s18] =	stream.linear.scatter [tilespmem:s6], [sflag:$0x1], $0x1000, $0x38;
	[tilespmem:$0x19100] =	vst v63  }
0x13d: {  	_ =	swait.ge [sflag:s4], $0x1000  }
0x13e: {  	[sflag:s4] =	ssyncset.done $0x0  }
0x13f: {  	s19 =	sadd.s32 $0xD000, s5;
	[sflag:s4] =	ssyncadd.s32 $0xFFFFF000  }
0x140: {  	[spmem:s19] =	stream.linear.scatter [tilespmem:s6], [sflag:$0x1], $0x1000, $0x38;
	[tilespmem:$0x19100] =	vst v63  }
0x141: {  	_ =	swait.ge [sflag:s4], $0x1000  }
0x142: {  	[sflag:s4] =	ssyncset.done $0x0  }
0x143: {  	s20 =	sadd.s32 $0xE000, s5;
	[sflag:s4] =	ssyncadd.s32 $0xFFFFF000  }
0x144: {  	[spmem:s20] =	stream.linear.scatter [tilespmem:s6], [sflag:$0x1], $0x1000, $0x38;
	[tilespmem:$0x19100] =	vst v63  }
0x145: {  	_ =	swait.ge [sflag:s4], $0x1000  }
0x146: {  	[sflag:s4] =	ssyncset.done $0x0  }
0x147: {  	s21 =	sadd.s32 $0xF000, s5;
	[sflag:s4] =	ssyncadd.s32 $0xFFFFF000  }
0x148: {  	[spmem:s21] =	stream.linear.scatter [tilespmem:s6], [sflag:$0x1], $0x1000, $0x38;
	[tilespmem:$0x19100] =	vst v63  }
0x149: {  	_ =	swait.ge [sflag:s4], $0x1000  }
0x14a: {  	[sflag:s4] =	ssyncset.done $0x0  }
0x14b: {  	[sflag:s4] =	ssyncadd.s32 $0xFFFFF000  }
0x14c: {  	s22 =	simm.s32 $0x400;
	[bflag:$0x0] =	sbarrier.arrive $0xFFFF  }
0x14d: {  	s24 =	simm.s32 $0x100;
	s23 =	simm.s32 $0x1000;
	s26 =	rddreg [dreg:$0x5]  }
0x14e: {  	[tilespmem:s24], [sflag:$0x1] =	stream.strided.gather [hbm4b:s26+s22], $0x8000, s23, s22, $0x38;
	[tilespmem:$0x19100] =	vst v63  }
0x14f: {  	_ =	swait.ge [sflag:s4], $0x8000  }
0x150: {  	[sflag:s4] =	ssyncset.done $0x0  }
0x151: {  	s25 =	simm.s32 $0x80;
	[sflag:s4] =	ssyncadd.s32 $0xFFFF8000  }
0x152: {  	[spmem:s1] =	stream.indirect.scatter.add.f32 [tilespmem:s24], [sflag:$0x1], $0x80, s2, s25, $0xb8;
	[tilespmem:$0x19100] =	vst v63  }
0x153: {  	_ =	swait.ge [sflag:s4], $0x4000  }
0x154: {  	[sflag:s4] =	ssyncset.done $0x0  }
0x155: {  	s26 =	simm.s32 $0x4100;
	[sflag:s4] =	ssyncadd.s32 $0xFFFFC000  }
0x156: {  	[spmem:s1] =	stream.indirect.scatter.add.f32 [tilespmem:s26], [sflag:$0x1], $0x80, s25, s25, $0xb8;
	[tilespmem:$0x19100] =	vst v63  }
0x157: {  	_ =	swait.ge [sflag:s4], $0x4000  }
0x158: {  	[sflag:s4] =	ssyncset.done $0x0  }
0x159: {  	s29 =	simm.s32 $0x8;
	[sflag:s4] =	ssyncadd.s32 $0xFFFFC000  }
0x15a: {  	s30 =	simm.s32 $0x200;
	s28 =	sshll.u32 s28, $0x6;
	[bflag:$0x0] =	sbarrier.arrive $0xFFFF  }
0x15b: {  	s28 =	sor.u32 $0x1C01, s28;
	s31 =	sshrl.u32 s5, $0x3;
	s0 =	rddreg [dreg:$0x6]  }
0x15c: {  	[hbm:s0@s30], [sflag:s28] =	dma.strided [spmem:s31@s25], $0x2000, s29, $0x10   }
0x15d: {  	_ =	swait.ge [sflag:s4], $0x2000  }
0x15e: {  	[sflag:s4] =	ssyncset.done $0x0  }
0x15f: {  	[sflag:s4] =	ssyncadd.s32 $0xFFFFE000  }
0x160: {  	[bflag:$0x0] =	sbarrier.arrive $0xFFFF  }
0x161: {  	[spmem:s5] =	stream.linear.scatter [tilespmem:s6], [sflag:$0x1], $0x1000, $0x38;
	[tilespmem:$0x19100] =	vst v63  }
0x162: {  	_ =	swait.ge [sflag:s4], $0x1000  }
0x163: {  	[sflag:s4] =	ssyncset.done $0x0  }
0x164: {  	[sflag:s4] =	ssyncadd.s32 $0xFFFFF000  }
0x165: {  	[spmem:s7] =	stream.linear.scatter [tilespmem:s6], [sflag:$0x1], $0x1000, $0x38;
	[tilespmem:$0x19100] =	vst v63  }
0x166: {  	_ =	swait.ge [sflag:s4], $0x1000  }
0x167: {  	[sflag:s4] =	ssyncset.done $0x0  }
0x168: {  	[sflag:s4] =	ssyncadd.s32 $0xFFFFF000  }
0x169: {  	[spmem:s8] =	stream.linear.scatter [tilespmem:s6], [sflag:$0x1], $0x1000, $0x38;
	[tilespmem:$0x19100] =	vst v63  }
0x16a: {  	_ =	swait.ge [sflag:s4], $0x1000  }
0x16b: {  	[sflag:s4] =	ssyncset.done $0x0  }
0x16c: {  	[sflag:s4] =	ssyncadd.s32 $0xFFFFF000  }
0x16d: {  	[spmem:s9] =	stream.linear.scatter [tilespmem:s6], [sflag:$0x1], $0x1000, $0x38;
	[tilespmem:$0x19100] =	vst v63  }
0x16e: {  	_ =	swait.ge [sflag:s4], $0x1000  }
0x16f: {  	[sflag:s4] =	ssyncset.done $0x0  }
0x170: {  	[sflag:s4] =	ssyncadd.s32 $0xFFFFF000  }
0x171: {  	[spmem:s10] =	stream.linear.scatter [tilespmem:s6], [sflag:$0x1], $0x1000, $0x38;
	[tilespmem:$0x19100] =	vst v63  }
0x172: {  	_ =	swait.ge [sflag:s4], $0x1000  }
0x173: {  	[sflag:s4] =	ssyncset.done $0x0  }
0x174: {  	[sflag:s4] =	ssyncadd.s32 $0xFFFFF000  }
0x175: {  	[spmem:s11] =	stream.linear.scatter [tilespmem:s6], [sflag:$0x1], $0x1000, $0x38;
	[tilespmem:$0x19100] =	vst v63  }
0x176: {  	_ =	swait.ge [sflag:s4], $0x1000  }
0x177: {  	[sflag:s4] =	ssyncset.done $0x0  }
0x178: {  	[sflag:s4] =	ssyncadd.s32 $0xFFFFF000  }
0x179: {  	[spmem:s12] =	stream.linear.scatter [tilespmem:s6], [sflag:$0x1], $0x1000, $0x38;
	[tilespmem:$0x19100] =	vst v63  }
0x17a: {  	_ =	swait.ge [sflag:s4], $0x1000  }
0x17b: {  	[sflag:s4] =	ssyncset.done $0x0  }
0x17c: {  	[sflag:s4] =	ssyncadd.s32 $0xFFFFF000  }
0x17d: {  	[spmem:s13] =	stream.linear.scatter [tilespmem:s6], [sflag:$0x1], $0x1000, $0x38;
	[tilespmem:$0x19100] =	vst v63  }
0x17e: {  	_ =	swait.ge [sflag:s4], $0x1000  }
0x17f: {  	[sflag:s4] =	ssyncset.done $0x0  }
0x180: {  	[sflag:s4] =	ssyncadd.s32 $0xFFFFF000  }
0x181: {  	[spmem:s14] =	stream.linear.scatter [tilespmem:s6], [sflag:$0x1], $0x1000, $0x38;
	[tilespmem:$0x19100] =	vst v63  }
0x182: {  	_ =	swait.ge [sflag:s4], $0x1000  }
0x183: {  	[sflag:s4] =	ssyncset.done $0x0  }
0x184: {  	[sflag:s4] =	ssyncadd.s32 $0xFFFFF000  }
0x185: {  	[spmem:s15] =	stream.linear.scatter [tilespmem:s6], [sflag:$0x1], $0x1000, $0x38;
	[tilespmem:$0x19100] =	vst v63  }
0x186: {  	_ =	swait.ge [sflag:s4], $0x1000  }
0x187: {  	[sflag:s4] =	ssyncset.done $0x0  }
0x188: {  	[sflag:s4] =	ssyncadd.s32 $0xFFFFF000  }
0x189: {  	[spmem:s16] =	stream.linear.scatter [tilespmem:s6], [sflag:$0x1], $0x1000, $0x38;
	[tilespmem:$0x19100] =	vst v63  }
0x18a: {  	_ =	swait.ge [sflag:s4], $0x1000  }
0x18b: {  	[sflag:s4] =	ssyncset.done $0x0  }
0x18c: {  	[sflag:s4] =	ssyncadd.s32 $0xFFFFF000  }
0x18d: {  	[spmem:s17] =	stream.linear.scatter [tilespmem:s6], [sflag:$0x1], $0x1000, $0x38;
	[tilespmem:$0x19100] =	vst v63  }
0x18e: {  	_ =	swait.ge [sflag:s4], $0x1000  }
0x18f: {  	[sflag:s4] =	ssyncset.done $0x0  }
0x190: {  	[sflag:s4] =	ssyncadd.s32 $0xFFFFF000  }
0x191: {  	[spmem:s18] =	stream.linear.scatter [tilespmem:s6], [sflag:$0x1], $0x1000, $0x38;
	[tilespmem:$0x19100] =	vst v63  }
0x192: {  	_ =	swait.ge [sflag:s4], $0x1000  }
0x193: {  	[sflag:s4] =	ssyncset.done $0x0  }
0x194: {  	[sflag:s4] =	ssyncadd.s32 $0xFFFFF000  }
0x195: {  	[spmem:s19] =	stream.linear.scatter [tilespmem:s6], [sflag:$0x1], $0x1000, $0x38;
	[tilespmem:$0x19100] =	vst v63  }
0x196: {  	_ =	swait.ge [sflag:s4], $0x1000  }
0x197: {  	[sflag:s4] =	ssyncset.done $0x0  }
0x198: {  	[sflag:s4] =	ssyncadd.s32 $0xFFFFF000  }
0x199: {  	[spmem:s20] =	stream.linear.scatter [tilespmem:s6], [sflag:$0x1], $0x1000, $0x38;
	[tilespmem:$0x19100] =	vst v63  }
0x19a: {  	_ =	swait.ge [sflag:s4], $0x1000  }
0x19b: {  	[sflag:s4] =	ssyncset.done $0x0  }
0x19c: {  	[sflag:s4] =	ssyncadd.s32 $0xFFFFF000  }
0x19d: {  	[spmem:s21] =	stream.linear.scatter [tilespmem:s6], [sflag:$0x1], $0x1000, $0x38;
	[tilespmem:$0x19100] =	vst v63  }
0x19e: {  	_ =	swait.ge [sflag:s4], $0x1000  }
0x19f: {  	[sflag:s4] =	ssyncset.done $0x0  }
0x1a0: {  	[sflag:s4] =	ssyncadd.s32 $0xFFFFF000  }
0x1a1: {  	[bflag:$0x0] =	sbarrier.arrive $0xFFFF  }
0x1a2: {  	s0 =	rddreg [dreg:$0x7]  }
0x1a3: {  	[tilespmem:s24], [sflag:$0x1] =	stream.strided.gather [hbm4b:s0+s22], $0x8000, s23, s22, $0x38;
	[tilespmem:$0x19100] =	vst v63  }
0x1a4: {  	_ =	swait.ge [sflag:s4], $0x8000  }
0x1a5: {  	[sflag:s4] =	ssyncset.done $0x0  }
0x1a6: {  	[sflag:s4] =	ssyncadd.s32 $0xFFFF8000  }
0x1a7: {  	[spmem:s1] =	stream.indirect.scatter.add.f32 [tilespmem:s24], [sflag:$0x1], $0x80, s2, s25, $0xb8;
	[tilespmem:$0x19100] =	vst v63  }
0x1a8: {  	_ =	swait.ge [sflag:s4], $0x4000  }
0x1a9: {  	[sflag:s4] =	ssyncset.done $0x0  }
0x1aa: {  	[sflag:s4] =	ssyncadd.s32 $0xFFFFC000  }
0x1ab: {  	[spmem:s1] =	stream.indirect.scatter.add.f32 [tilespmem:s26], [sflag:$0x1], $0x80, s25, s25, $0xb8;
	[tilespmem:$0x19100] =	vst v63  }
0x1ac: {  	_ =	swait.ge [sflag:s4], $0x4000  }
0x1ad: {  	[sflag:s4] =	ssyncset.done $0x0  }
0x1ae: {  	[sflag:s4] =	ssyncadd.s32 $0xFFFFC000  }
0x1af: {  	[bflag:$0x0] =	sbarrier.arrive $0xFFFF  }
0x1b0: {  	s0 =	ssub.s32 $0x2, s3;
	s3 =	rddreg [dreg:$0x8]  }
0x1b1: {  	[dreg:$0x9] =	wrdreg s3;
	s3 =	sshrl.u32 s0, $0x1  }
0x1b2: {  	s0 =	ssub.s32 s0, s3  }
0x1b3: {  	s0 =	smax.u32 s0, $0x1  }
0x1b4: {  	p0 =	sne.s32 s0, $0x1  }
.Ltmp0:
0x1b5: {  	s3 =	rddreg [dreg:$0x9];
	(pc) =	sbr.rel @!p0 .LBB2_2-.Ltmp0, $4  }
0x1b6: {  	[hbm:s3@s30], [sflag:s28] =	dma.strided [spmem:s31@s25], $0x2000, s29, $0x10   }
0x1b7: {  	_ =	swait.ge [sflag:s4], $0x2000  }
0x1b8: {  	[sflag:s4] =	ssyncset.done $0x0  }
0x1b9: {  	s0 =	sadd.s32 $0xFFFFFFFF, s0;
	[sflag:s4] =	ssyncadd.s32 $0xFFFFE000  }
.LBB2_1:
0x1ba: {  	[bflag:$0x0] =	sbarrier.arrive $0xFFFF  }
0x1bb: {  	[tilespmem:$0x8100] =	vst v0  }
0x1bc: {  	[tilespmem:$0x90F0] =	vst v0  }
0x1bd: {  	[tilespmem:$0x90E0] =	vst v0  }
0x1be: {  	[tilespmem:$0x90D0] =	vst v0  }
0x1bf: {  	[tilespmem:$0x90C0] =	vst v0  }
0x1c0: {  	[tilespmem:$0x90B0] =	vst v0  }
0x1c1: {  	[tilespmem:$0x90A0] =	vst v0  }
0x1c2: {  	[tilespmem:$0x9090] =	vst v0  }
0x1c3: {  	[tilespmem:$0x9080] =	vst v0  }
0x1c4: {  	[tilespmem:$0x9070] =	vst v0  }
0x1c5: {  	[tilespmem:$0x9060] =	vst v0  }
0x1c6: {  	[tilespmem:$0x9050] =	vst v0  }
0x1c7: {  	[tilespmem:$0x9040] =	vst v0  }
0x1c8: {  	[tilespmem:$0x9030] =	vst v0  }
0x1c9: {  	[tilespmem:$0x9020] =	vst v0  }
0x1ca: {  	[tilespmem:$0x9010] =	vst v0  }
0x1cb: {  	[tilespmem:$0x9000] =	vst v0  }
0x1cc: {  	[tilespmem:$0x8FF0] =	vst v0  }
0x1cd: {  	[tilespmem:$0x8FE0] =	vst v0  }
0x1ce: {  	[tilespmem:$0x8FD0] =	vst v0  }
0x1cf: {  	[tilespmem:$0x8FC0] =	vst v0  }
0x1d0: {  	[tilespmem:$0x8FB0] =	vst v0  }
0x1d1: {  	[tilespmem:$0x8FA0] =	vst v0  }
0x1d2: {  	[tilespmem:$0x8F90] =	vst v0  }
0x1d3: {  	[tilespmem:$0x8F80] =	vst v0  }
0x1d4: {  	[tilespmem:$0x8F70] =	vst v0  }
0x1d5: {  	[tilespmem:$0x8F60] =	vst v0  }
0x1d6: {  	[tilespmem:$0x8F50] =	vst v0  }
0x1d7: {  	[tilespmem:$0x8F40] =	vst v0  }
0x1d8: {  	[tilespmem:$0x8F30] =	vst v0  }
0x1d9: {  	[tilespmem:$0x8F20] =	vst v0  }
0x1da: {  	[tilespmem:$0x8F10] =	vst v0  }
0x1db: {  	[tilespmem:$0x8F00] =	vst v0  }
0x1dc: {  	[tilespmem:$0x8EF0] =	vst v0  }
0x1dd: {  	[tilespmem:$0x8EE0] =	vst v0  }
0x1de: {  	[tilespmem:$0x8ED0] =	vst v0  }
0x1df: {  	[tilespmem:$0x8EC0] =	vst v0  }
0x1e0: {  	[tilespmem:$0x8EB0] =	vst v0  }
0x1e1: {  	[tilespmem:$0x8EA0] =	vst v0  }
0x1e2: {  	[tilespmem:$0x8E90] =	vst v0  }
0x1e3: {  	[tilespmem:$0x8E80] =	vst v0  }
0x1e4: {  	[tilespmem:$0x8E70] =	vst v0  }
0x1e5: {  	[tilespmem:$0x8E60] =	vst v0  }
0x1e6: {  	[tilespmem:$0x8E50] =	vst v0  }
0x1e7: {  	[tilespmem:$0x8E40] =	vst v0  }
0x1e8: {  	[tilespmem:$0x8E30] =	vst v0  }
0x1e9: {  	[tilespmem:$0x8E20] =	vst v0  }
0x1ea: {  	[tilespmem:$0x8E10] =	vst v0  }
0x1eb: {  	[tilespmem:$0x8E00] =	vst v0  }
0x1ec: {  	[tilespmem:$0x8DF0] =	vst v0  }
0x1ed: {  	[tilespmem:$0x8DE0] =	vst v0  }
0x1ee: {  	[tilespmem:$0x8DD0] =	vst v0  }
0x1ef: {  	[tilespmem:$0x8DC0] =	vst v0  }
0x1f0: {  	[tilespmem:$0x8DB0] =	vst v0  }
0x1f1: {  	[tilespmem:$0x8DA0] =	vst v0  }
0x1f2: {  	[tilespmem:$0x8D90] =	vst v0  }
0x1f3: {  	[tilespmem:$0x8D80] =	vst v0  }
0x1f4: {  	[tilespmem:$0x8D70] =	vst v0  }
0x1f5: {  	[tilespmem:$0x8D60] =	vst v0  }
0x1f6: {  	[tilespmem:$0x8D50] =	vst v0  }
0x1f7: {  	[tilespmem:$0x8D40] =	vst v0  }
0x1f8: {  	[tilespmem:$0x8D30] =	vst v0  }
0x1f9: {  	[tilespmem:$0x8D20] =	vst v0  }
0x1fa: {  	[tilespmem:$0x8D10] =	vst v0  }
0x1fb: {  	[tilespmem:$0x8D00] =	vst v0  }
0x1fc: {  	[tilespmem:$0x8CF0] =	vst v0  }
0x1fd: {  	[tilespmem:$0x8CE0] =	vst v0  }
0x1fe: {  	[tilespmem:$0x8CD0] =	vst v0  }
0x1ff: {  	[tilespmem:$0x8CC0] =	vst v0  }
0x200: {  	[tilespmem:$0x8CB0] =	vst v0  }
0x201: {  	[tilespmem:$0x8CA0] =	vst v0  }
0x202: {  	[tilespmem:$0x8C90] =	vst v0  }
0x203: {  	[tilespmem:$0x8C80] =	vst v0  }
0x204: {  	[tilespmem:$0x8C70] =	vst v0  }
0x205: {  	[tilespmem:$0x8C60] =	vst v0  }
0x206: {  	[tilespmem:$0x8C50] =	vst v0  }
0x207: {  	[tilespmem:$0x8C40] =	vst v0  }
0x208: {  	[tilespmem:$0x8C30] =	vst v0  }
0x209: {  	[tilespmem:$0x8C20] =	vst v0  }
0x20a: {  	[tilespmem:$0x8C10] =	vst v0  }
0x20b: {  	[tilespmem:$0x8C00] =	vst v0  }
0x20c: {  	[tilespmem:$0x8BF0] =	vst v0  }
0x20d: {  	[tilespmem:$0x8BE0] =	vst v0  }
0x20e: {  	[tilespmem:$0x8BD0] =	vst v0  }
0x20f: {  	[tilespmem:$0x8BC0] =	vst v0  }
0x210: {  	[tilespmem:$0x8BB0] =	vst v0  }
0x211: {  	[tilespmem:$0x8BA0] =	vst v0  }
0x212: {  	[tilespmem:$0x8B90] =	vst v0  }
0x213: {  	[tilespmem:$0x8B80] =	vst v0  }
0x214: {  	[tilespmem:$0x8B70] =	vst v0  }
0x215: {  	[tilespmem:$0x8B60] =	vst v0  }
0x216: {  	[tilespmem:$0x8B50] =	vst v0  }
0x217: {  	[tilespmem:$0x8B40] =	vst v0  }
0x218: {  	[tilespmem:$0x8B30] =	vst v0  }
0x219: {  	[tilespmem:$0x8B20] =	vst v0  }
0x21a: {  	[tilespmem:$0x8B10] =	vst v0  }
0x21b: {  	[tilespmem:$0x8B00] =	vst v0  }
0x21c: {  	[tilespmem:$0x8AF0] =	vst v0  }
0x21d: {  	[tilespmem:$0x8AE0] =	vst v0  }
0x21e: {  	[tilespmem:$0x8AD0] =	vst v0  }
0x21f: {  	[tilespmem:$0x8AC0] =	vst v0  }
0x220: {  	[tilespmem:$0x8AB0] =	vst v0  }
0x221: {  	[tilespmem:$0x8AA0] =	vst v0  }
0x222: {  	[tilespmem:$0x8A90] =	vst v0  }
0x223: {  	[tilespmem:$0x8A80] =	vst v0  }
0x224: {  	[tilespmem:$0x8A70] =	vst v0  }
0x225: {  	[tilespmem:$0x8A60] =	vst v0  }
0x226: {  	[tilespmem:$0x8A50] =	vst v0  }
0x227: {  	[tilespmem:$0x8A40] =	vst v0  }
0x228: {  	[tilespmem:$0x8A30] =	vst v0  }
0x229: {  	[tilespmem:$0x8A20] =	vst v0  }
0x22a: {  	[tilespmem:$0x8A10] =	vst v0  }
0x22b: {  	[tilespmem:$0x8A00] =	vst v0  }
0x22c: {  	[tilespmem:$0x89F0] =	vst v0  }
0x22d: {  	[tilespmem:$0x89E0] =	vst v0  }
0x22e: {  	[tilespmem:$0x89D0] =	vst v0  }
0x22f: {  	[tilespmem:$0x89C0] =	vst v0  }
0x230: {  	[tilespmem:$0x89B0] =	vst v0  }
0x231: {  	[tilespmem:$0x89A0] =	vst v0  }
0x232: {  	[tilespmem:$0x8990] =	vst v0  }
0x233: {  	[tilespmem:$0x8980] =	vst v0  }
0x234: {  	[tilespmem:$0x8970] =	vst v0  }
0x235: {  	[tilespmem:$0x8960] =	vst v0  }
0x236: {  	[tilespmem:$0x8950] =	vst v0  }
0x237: {  	[tilespmem:$0x8940] =	vst v0  }
0x238: {  	[tilespmem:$0x8930] =	vst v0  }
0x239: {  	[tilespmem:$0x8920] =	vst v0  }
0x23a: {  	[tilespmem:$0x8910] =	vst v0  }
0x23b: {  	[tilespmem:$0x8900] =	vst v0  }
0x23c: {  	[tilespmem:$0x88F0] =	vst v0  }
0x23d: {  	[tilespmem:$0x88E0] =	vst v0  }
0x23e: {  	[tilespmem:$0x88D0] =	vst v0  }
0x23f: {  	[tilespmem:$0x88C0] =	vst v0  }
0x240: {  	[tilespmem:$0x88B0] =	vst v0  }
0x241: {  	[tilespmem:$0x88A0] =	vst v0  }
0x242: {  	[tilespmem:$0x8890] =	vst v0  }
0x243: {  	[tilespmem:$0x8880] =	vst v0  }
0x244: {  	[tilespmem:$0x8870] =	vst v0  }
0x245: {  	[tilespmem:$0x8860] =	vst v0  }
0x246: {  	[tilespmem:$0x8850] =	vst v0  }
0x247: {  	[tilespmem:$0x8840] =	vst v0  }
0x248: {  	[tilespmem:$0x8830] =	vst v0  }
0x249: {  	[tilespmem:$0x8820] =	vst v0  }
0x24a: {  	[tilespmem:$0x8810] =	vst v0  }
0x24b: {  	[tilespmem:$0x8800] =	vst v0  }
0x24c: {  	[tilespmem:$0x87F0] =	vst v0  }
0x24d: {  	[tilespmem:$0x87E0] =	vst v0  }
0x24e: {  	[tilespmem:$0x87D0] =	vst v0  }
0x24f: {  	[tilespmem:$0x87C0] =	vst v0  }
0x250: {  	[tilespmem:$0x87B0] =	vst v0  }
0x251: {  	[tilespmem:$0x87A0] =	vst v0  }
0x252: {  	[tilespmem:$0x8790] =	vst v0  }
0x253: {  	[tilespmem:$0x8780] =	vst v0  }
0x254: {  	[tilespmem:$0x8770] =	vst v0  }
0x255: {  	[tilespmem:$0x8760] =	vst v0  }
0x256: {  	[tilespmem:$0x8750] =	vst v0  }
0x257: {  	[tilespmem:$0x8740] =	vst v0  }
0x258: {  	[tilespmem:$0x8730] =	vst v0  }
0x259: {  	[tilespmem:$0x8720] =	vst v0  }
0x25a: {  	[tilespmem:$0x8710] =	vst v0  }
0x25b: {  	[tilespmem:$0x8700] =	vst v0  }
0x25c: {  	[tilespmem:$0x86F0] =	vst v0  }
0x25d: {  	[tilespmem:$0x86E0] =	vst v0  }
0x25e: {  	[tilespmem:$0x86D0] =	vst v0  }
0x25f: {  	[tilespmem:$0x86C0] =	vst v0  }
0x260: {  	[tilespmem:$0x86B0] =	vst v0  }
0x261: {  	[tilespmem:$0x86A0] =	vst v0  }
0x262: {  	[tilespmem:$0x8690] =	vst v0  }
0x263: {  	[tilespmem:$0x8680] =	vst v0  }
0x264: {  	[tilespmem:$0x8670] =	vst v0  }
0x265: {  	[tilespmem:$0x8660] =	vst v0  }
0x266: {  	[tilespmem:$0x8650] =	vst v0  }
0x267: {  	[tilespmem:$0x8640] =	vst v0  }
0x268: {  	[tilespmem:$0x8630] =	vst v0  }
0x269: {  	[tilespmem:$0x8620] =	vst v0  }
0x26a: {  	[tilespmem:$0x8610] =	vst v0  }
0x26b: {  	[tilespmem:$0x8600] =	vst v0  }
0x26c: {  	[tilespmem:$0x85F0] =	vst v0  }
0x26d: {  	[tilespmem:$0x85E0] =	vst v0  }
0x26e: {  	[tilespmem:$0x85D0] =	vst v0  }
0x26f: {  	[tilespmem:$0x85C0] =	vst v0  }
0x270: {  	[tilespmem:$0x85B0] =	vst v0  }
0x271: {  	[tilespmem:$0x85A0] =	vst v0  }
0x272: {  	[tilespmem:$0x8590] =	vst v0  }
0x273: {  	[tilespmem:$0x8580] =	vst v0  }
0x274: {  	[tilespmem:$0x8570] =	vst v0  }
0x275: {  	[tilespmem:$0x8560] =	vst v0  }
0x276: {  	[tilespmem:$0x8550] =	vst v0  }
0x277: {  	[tilespmem:$0x8540] =	vst v0  }
0x278: {  	[tilespmem:$0x8530] =	vst v0  }
0x279: {  	[tilespmem:$0x8520] =	vst v0  }
0x27a: {  	[tilespmem:$0x8510] =	vst v0  }
0x27b: {  	[tilespmem:$0x8500] =	vst v0  }
0x27c: {  	[tilespmem:$0x84F0] =	vst v0  }
0x27d: {  	[tilespmem:$0x84E0] =	vst v0  }
0x27e: {  	[tilespmem:$0x84D0] =	vst v0  }
0x27f: {  	[tilespmem:$0x84C0] =	vst v0  }
0x280: {  	[tilespmem:$0x84B0] =	vst v0  }
0x281: {  	[tilespmem:$0x84A0] =	vst v0  }
0x282: {  	[tilespmem:$0x8490] =	vst v0  }
0x283: {  	[tilespmem:$0x8480] =	vst v0  }
0x284: {  	[tilespmem:$0x8470] =	vst v0  }
0x285: {  	[tilespmem:$0x8460] =	vst v0  }
0x286: {  	[tilespmem:$0x8450] =	vst v0  }
0x287: {  	[tilespmem:$0x8440] =	vst v0  }
0x288: {  	[tilespmem:$0x8430] =	vst v0  }
0x289: {  	[tilespmem:$0x8420] =	vst v0  }
0x28a: {  	[tilespmem:$0x8410] =	vst v0  }
0x28b: {  	[tilespmem:$0x8400] =	vst v0  }
0x28c: {  	[tilespmem:$0x83F0] =	vst v0  }
0x28d: {  	[tilespmem:$0x83E0] =	vst v0  }
0x28e: {  	[tilespmem:$0x83D0] =	vst v0  }
0x28f: {  	[tilespmem:$0x83C0] =	vst v0  }
0x290: {  	[tilespmem:$0x83B0] =	vst v0  }
0x291: {  	[tilespmem:$0x83A0] =	vst v0  }
0x292: {  	[tilespmem:$0x8390] =	vst v0  }
0x293: {  	[tilespmem:$0x8380] =	vst v0  }
0x294: {  	[tilespmem:$0x8370] =	vst v0  }
0x295: {  	[tilespmem:$0x8360] =	vst v0  }
0x296: {  	[tilespmem:$0x8350] =	vst v0  }
0x297: {  	[tilespmem:$0x8340] =	vst v0  }
0x298: {  	[tilespmem:$0x8330] =	vst v0  }
0x299: {  	[tilespmem:$0x8320] =	vst v0  }
0x29a: {  	[tilespmem:$0x8310] =	vst v0  }
0x29b: {  	[tilespmem:$0x8300] =	vst v0  }
0x29c: {  	[tilespmem:$0x82F0] =	vst v0  }
0x29d: {  	[tilespmem:$0x82E0] =	vst v0  }
0x29e: {  	[tilespmem:$0x82D0] =	vst v0  }
0x29f: {  	[tilespmem:$0x82C0] =	vst v0  }
0x2a0: {  	[tilespmem:$0x82B0] =	vst v0  }
0x2a1: {  	[tilespmem:$0x82A0] =	vst v0  }
0x2a2: {  	[tilespmem:$0x8290] =	vst v0  }
0x2a3: {  	[tilespmem:$0x8280] =	vst v0  }
0x2a4: {  	[tilespmem:$0x8270] =	vst v0  }
0x2a5: {  	[tilespmem:$0x8260] =	vst v0  }
0x2a6: {  	[tilespmem:$0x8250] =	vst v0  }
0x2a7: {  	[tilespmem:$0x8240] =	vst v0  }
0x2a8: {  	[tilespmem:$0x8230] =	vst v0  }
0x2a9: {  	[tilespmem:$0x8220] =	vst v0  }
0x2aa: {  	[tilespmem:$0x8210] =	vst v0  }
0x2ab: {  	[tilespmem:$0x8200] =	vst v0  }
0x2ac: {  	[tilespmem:$0x81F0] =	vst v0  }
0x2ad: {  	[tilespmem:$0x81E0] =	vst v0  }
0x2ae: {  	[tilespmem:$0x81D0] =	vst v0  }
0x2af: {  	[tilespmem:$0x81C0] =	vst v0  }
0x2b0: {  	[tilespmem:$0x81B0] =	vst v0  }
0x2b1: {  	[tilespmem:$0x81A0] =	vst v0  }
0x2b2: {  	[tilespmem:$0x8190] =	vst v0  }
0x2b3: {  	[tilespmem:$0x8180] =	vst v0  }
0x2b4: {  	[tilespmem:$0x8170] =	vst v0  }
0x2b5: {  	[tilespmem:$0x8160] =	vst v0  }
0x2b6: {  	[tilespmem:$0x8150] =	vst v0  }
0x2b7: {  	[tilespmem:$0x8140] =	vst v0  }
0x2b8: {  	[tilespmem:$0x8130] =	vst v0  }
0x2b9: {  	[tilespmem:$0x8120] =	vst v0  }
0x2ba: {  	s3 =	rddreg [dreg:$0x4];
	[tilespmem:$0x8110] =	vst v0  }
0x2bb: {  	[tilespmem:s2], [sflag:$0x1] =	stream.linear.gather [hbm4b:s3+s2], $0x100, $0x38;
	[tilespmem:$0x19100] =	vst v63  }
0x2bc: {  	_ =	swait.ge [sflag:s4], $0x100  }
0x2bd: {  	[sflag:s4] =	ssyncset.done $0x0  }
0x2be: {  	[sflag:s4] =	ssyncadd.s32 $0xFFFFFF00  }
0x2bf: {  	[spmem:s5] =	stream.linear.scatter [tilespmem:s6], [sflag:$0x1], $0x1000, $0x38;
	[tilespmem:$0x19100] =	vst v63  }
0x2c0: {  	_ =	swait.ge [sflag:s4], $0x1000  }
0x2c1: {  	[sflag:s4] =	ssyncset.done $0x0  }
0x2c2: {  	[sflag:s4] =	ssyncadd.s32 $0xFFFFF000  }
0x2c3: {  	[spmem:s7] =	stream.linear.scatter [tilespmem:s6], [sflag:$0x1], $0x1000, $0x38;
	[tilespmem:$0x19100] =	vst v63  }
0x2c4: {  	_ =	swait.ge [sflag:s4], $0x1000  }
0x2c5: {  	[sflag:s4] =	ssyncset.done $0x0  }
0x2c6: {  	[sflag:s4] =	ssyncadd.s32 $0xFFFFF000  }
0x2c7: {  	[spmem:s8] =	stream.linear.scatter [tilespmem:s6], [sflag:$0x1], $0x1000, $0x38;
	[tilespmem:$0x19100] =	vst v63  }
0x2c8: {  	_ =	swait.ge [sflag:s4], $0x1000  }
0x2c9: {  	[sflag:s4] =	ssyncset.done $0x0  }
0x2ca: {  	[sflag:s4] =	ssyncadd.s32 $0xFFFFF000  }
0x2cb: {  	[spmem:s9] =	stream.linear.scatter [tilespmem:s6], [sflag:$0x1], $0x1000, $0x38;
	[tilespmem:$0x19100] =	vst v63  }
0x2cc: {  	_ =	swait.ge [sflag:s4], $0x1000  }
0x2cd: {  	[sflag:s4] =	ssyncset.done $0x0  }
0x2ce: {  	[sflag:s4] =	ssyncadd.s32 $0xFFFFF000  }
0x2cf: {  	[spmem:s10] =	stream.linear.scatter [tilespmem:s6], [sflag:$0x1], $0x1000, $0x38;
	[tilespmem:$0x19100] =	vst v63  }
0x2d0: {  	_ =	swait.ge [sflag:s4], $0x1000  }
0x2d1: {  	[sflag:s4] =	ssyncset.done $0x0  }
0x2d2: {  	[sflag:s4] =	ssyncadd.s32 $0xFFFFF000  }
0x2d3: {  	[spmem:s11] =	stream.linear.scatter [tilespmem:s6], [sflag:$0x1], $0x1000, $0x38;
	[tilespmem:$0x19100] =	vst v63  }
0x2d4: {  	_ =	swait.ge [sflag:s4], $0x1000  }
0x2d5: {  	[sflag:s4] =	ssyncset.done $0x0  }
0x2d6: {  	[sflag:s4] =	ssyncadd.s32 $0xFFFFF000  }
0x2d7: {  	[spmem:s12] =	stream.linear.scatter [tilespmem:s6], [sflag:$0x1], $0x1000, $0x38;
	[tilespmem:$0x19100] =	vst v63  }
0x2d8: {  	_ =	swait.ge [sflag:s4], $0x1000  }
0x2d9: {  	[sflag:s4] =	ssyncset.done $0x0  }
0x2da: {  	[sflag:s4] =	ssyncadd.s32 $0xFFFFF000  }
0x2db: {  	[spmem:s13] =	stream.linear.scatter [tilespmem:s6], [sflag:$0x1], $0x1000, $0x38;
	[tilespmem:$0x19100] =	vst v63  }
0x2dc: {  	_ =	swait.ge [sflag:s4], $0x1000  }
0x2dd: {  	[sflag:s4] =	ssyncset.done $0x0  }
0x2de: {  	[sflag:s4] =	ssyncadd.s32 $0xFFFFF000  }
0x2df: {  	[spmem:s14] =	stream.linear.scatter [tilespmem:s6], [sflag:$0x1], $0x1000, $0x38;
	[tilespmem:$0x19100] =	vst v63  }
0x2e0: {  	_ =	swait.ge [sflag:s4], $0x1000  }
0x2e1: {  	[sflag:s4] =	ssyncset.done $0x0  }
0x2e2: {  	[sflag:s4] =	ssyncadd.s32 $0xFFFFF000  }
0x2e3: {  	[spmem:s15] =	stream.linear.scatter [tilespmem:s6], [sflag:$0x1], $0x1000, $0x38;
	[tilespmem:$0x19100] =	vst v63  }
0x2e4: {  	_ =	swait.ge [sflag:s4], $0x1000  }
0x2e5: {  	[sflag:s4] =	ssyncset.done $0x0  }
0x2e6: {  	[sflag:s4] =	ssyncadd.s32 $0xFFFFF000  }
0x2e7: {  	[spmem:s16] =	stream.linear.scatter [tilespmem:s6], [sflag:$0x1], $0x1000, $0x38;
	[tilespmem:$0x19100] =	vst v63  }
0x2e8: {  	_ =	swait.ge [sflag:s4], $0x1000  }
0x2e9: {  	[sflag:s4] =	ssyncset.done $0x0  }
0x2ea: {  	[sflag:s4] =	ssyncadd.s32 $0xFFFFF000  }
0x2eb: {  	[spmem:s17] =	stream.linear.scatter [tilespmem:s6], [sflag:$0x1], $0x1000, $0x38;
	[tilespmem:$0x19100] =	vst v63  }
0x2ec: {  	_ =	swait.ge [sflag:s4], $0x1000  }
0x2ed: {  	[sflag:s4] =	ssyncset.done $0x0  }
0x2ee: {  	[sflag:s4] =	ssyncadd.s32 $0xFFFFF000  }
0x2ef: {  	[spmem:s18] =	stream.linear.scatter [tilespmem:s6], [sflag:$0x1], $0x1000, $0x38;
	[tilespmem:$0x19100] =	vst v63  }
0x2f0: {  	_ =	swait.ge [sflag:s4], $0x1000  }
0x2f1: {  	[sflag:s4] =	ssyncset.done $0x0  }
0x2f2: {  	[sflag:s4] =	ssyncadd.s32 $0xFFFFF000  }
0x2f3: {  	[spmem:s19] =	stream.linear.scatter [tilespmem:s6], [sflag:$0x1], $0x1000, $0x38;
	[tilespmem:$0x19100] =	vst v63  }
0x2f4: {  	_ =	swait.ge [sflag:s4], $0x1000  }
0x2f5: {  	[sflag:s4] =	ssyncset.done $0x0  }
0x2f6: {  	[sflag:s4] =	ssyncadd.s32 $0xFFFFF000  }
0x2f7: {  	[spmem:s20] =	stream.linear.scatter [tilespmem:s6], [sflag:$0x1], $0x1000, $0x38;
	[tilespmem:$0x19100] =	vst v63  }
0x2f8: {  	_ =	swait.ge [sflag:s4], $0x1000  }
0x2f9: {  	[sflag:s4] =	ssyncset.done $0x0  }
0x2fa: {  	[sflag:s4] =	ssyncadd.s32 $0xFFFFF000  }
0x2fb: {  	[spmem:s21] =	stream.linear.scatter [tilespmem:s6], [sflag:$0x1], $0x1000, $0x38;
	[tilespmem:$0x19100] =	vst v63  }
0x2fc: {  	_ =	swait.ge [sflag:s4], $0x1000  }
0x2fd: {  	[sflag:s4] =	ssyncset.done $0x0  }
0x2fe: {  	[sflag:s4] =	ssyncadd.s32 $0xFFFFF000  }
0x2ff: {  	[bflag:$0x0] =	sbarrier.arrive $0xFFFF  }
0x300: {  	s3 =	rddreg [dreg:$0x5]  }
0x301: {  	[tilespmem:s24], [sflag:$0x1] =	stream.strided.gather [hbm4b:s3+s22], $0x8000, s23, s22, $0x38;
	[tilespmem:$0x19100] =	vst v63  }
0x302: {  	_ =	swait.ge [sflag:s4], $0x8000  }
0x303: {  	[sflag:s4] =	ssyncset.done $0x0  }
0x304: {  	[sflag:s4] =	ssyncadd.s32 $0xFFFF8000  }
0x305: {  	[spmem:s1] =	stream.indirect.scatter.add.f32 [tilespmem:s24], [sflag:$0x1], $0x80, s2, s25, $0xb8;
	[tilespmem:$0x19100] =	vst v63  }
0x306: {  	_ =	swait.ge [sflag:s4], $0x4000  }
0x307: {  	[sflag:s4] =	ssyncset.done $0x0  }
0x308: {  	[sflag:s4] =	ssyncadd.s32 $0xFFFFC000  }
0x309: {  	[spmem:s1] =	stream.indirect.scatter.add.f32 [tilespmem:s26], [sflag:$0x1], $0x80, s25, s25, $0xb8;
	[tilespmem:$0x19100] =	vst v63  }
0x30a: {  	_ =	swait.ge [sflag:s4], $0x4000  }
0x30b: {  	[sflag:s4] =	ssyncset.done $0x0  }
0x30c: {  	[sflag:s4] =	ssyncadd.s32 $0xFFFFC000  }
0x30d: {  	[bflag:$0x0] =	sbarrier.arrive $0xFFFF  }
0x30e: {  	s3 =	rddreg [dreg:$0x6]  }
0x30f: {  	[hbm:s3@s30], [sflag:s28] =	dma.strided [spmem:s31@s25], $0x2000, s29, $0x10   }
0x310: {  	_ =	swait.ge [sflag:s4], $0x2000  }
0x311: {  	[sflag:s4] =	ssyncset.done $0x0  }
0x312: {  	[sflag:s4] =	ssyncadd.s32 $0xFFFFE000  }
0x313: {  	[bflag:$0x0] =	sbarrier.arrive $0xFFFF  }
0x314: {  	[spmem:s5] =	stream.linear.scatter [tilespmem:s6], [sflag:$0x1], $0x1000, $0x38;
	[tilespmem:$0x19100] =	vst v63  }
0x315: {  	_ =	swait.ge [sflag:s4], $0x1000  }
0x316: {  	[sflag:s4] =	ssyncset.done $0x0  }
0x317: {  	[sflag:s4] =	ssyncadd.s32 $0xFFFFF000  }
0x318: {  	[spmem:s7] =	stream.linear.scatter [tilespmem:s6], [sflag:$0x1], $0x1000, $0x38;
	[tilespmem:$0x19100] =	vst v63  }
0x319: {  	_ =	swait.ge [sflag:s4], $0x1000  }
0x31a: {  	[sflag:s4] =	ssyncset.done $0x0  }
0x31b: {  	[sflag:s4] =	ssyncadd.s32 $0xFFFFF000  }
0x31c: {  	[spmem:s8] =	stream.linear.scatter [tilespmem:s6], [sflag:$0x1], $0x1000, $0x38;
	[tilespmem:$0x19100] =	vst v63  }
0x31d: {  	_ =	swait.ge [sflag:s4], $0x1000  }
0x31e: {  	[sflag:s4] =	ssyncset.done $0x0  }
0x31f: {  	[sflag:s4] =	ssyncadd.s32 $0xFFFFF000  }
0x320: {  	[spmem:s9] =	stream.linear.scatter [tilespmem:s6], [sflag:$0x1], $0x1000, $0x38;
	[tilespmem:$0x19100] =	vst v63  }
0x321: {  	_ =	swait.ge [sflag:s4], $0x1000  }
0x322: {  	[sflag:s4] =	ssyncset.done $0x0  }
0x323: {  	[sflag:s4] =	ssyncadd.s32 $0xFFFFF000  }
0x324: {  	[spmem:s10] =	stream.linear.scatter [tilespmem:s6], [sflag:$0x1], $0x1000, $0x38;
	[tilespmem:$0x19100] =	vst v63  }
0x325: {  	_ =	swait.ge [sflag:s4], $0x1000  }
0x326: {  	[sflag:s4] =	ssyncset.done $0x0  }
0x327: {  	[sflag:s4] =	ssyncadd.s32 $0xFFFFF000  }
0x328: {  	[spmem:s11] =	stream.linear.scatter [tilespmem:s6], [sflag:$0x1], $0x1000, $0x38;
	[tilespmem:$0x19100] =	vst v63  }
0x329: {  	_ =	swait.ge [sflag:s4], $0x1000  }
0x32a: {  	[sflag:s4] =	ssyncset.done $0x0  }
0x32b: {  	[sflag:s4] =	ssyncadd.s32 $0xFFFFF000  }
0x32c: {  	[spmem:s12] =	stream.linear.scatter [tilespmem:s6], [sflag:$0x1], $0x1000, $0x38;
	[tilespmem:$0x19100] =	vst v63  }
0x32d: {  	_ =	swait.ge [sflag:s4], $0x1000  }
0x32e: {  	[sflag:s4] =	ssyncset.done $0x0  }
0x32f: {  	[sflag:s4] =	ssyncadd.s32 $0xFFFFF000  }
0x330: {  	[spmem:s13] =	stream.linear.scatter [tilespmem:s6], [sflag:$0x1], $0x1000, $0x38;
	[tilespmem:$0x19100] =	vst v63  }
0x331: {  	_ =	swait.ge [sflag:s4], $0x1000  }
0x332: {  	[sflag:s4] =	ssyncset.done $0x0  }
0x333: {  	[sflag:s4] =	ssyncadd.s32 $0xFFFFF000  }
0x334: {  	[spmem:s14] =	stream.linear.scatter [tilespmem:s6], [sflag:$0x1], $0x1000, $0x38;
	[tilespmem:$0x19100] =	vst v63  }
0x335: {  	_ =	swait.ge [sflag:s4], $0x1000  }
0x336: {  	[sflag:s4] =	ssyncset.done $0x0  }
0x337: {  	[sflag:s4] =	ssyncadd.s32 $0xFFFFF000  }
0x338: {  	[spmem:s15] =	stream.linear.scatter [tilespmem:s6], [sflag:$0x1], $0x1000, $0x38;
	[tilespmem:$0x19100] =	vst v63  }
0x339: {  	_ =	swait.ge [sflag:s4], $0x1000  }
0x33a: {  	[sflag:s4] =	ssyncset.done $0x0  }
0x33b: {  	[sflag:s4] =	ssyncadd.s32 $0xFFFFF000  }
0x33c: {  	[spmem:s16] =	stream.linear.scatter [tilespmem:s6], [sflag:$0x1], $0x1000, $0x38;
	[tilespmem:$0x19100] =	vst v63  }
0x33d: {  	_ =	swait.ge [sflag:s4], $0x1000  }
0x33e: {  	[sflag:s4] =	ssyncset.done $0x0  }
0x33f: {  	[sflag:s4] =	ssyncadd.s32 $0xFFFFF000  }
0x340: {  	[spmem:s17] =	stream.linear.scatter [tilespmem:s6], [sflag:$0x1], $0x1000, $0x38;
	[tilespmem:$0x19100] =	vst v63  }
0x341: {  	_ =	swait.ge [sflag:s4], $0x1000  }
0x342: {  	[sflag:s4] =	ssyncset.done $0x0  }
0x343: {  	[sflag:s4] =	ssyncadd.s32 $0xFFFFF000  }
0x344: {  	[spmem:s18] =	stream.linear.scatter [tilespmem:s6], [sflag:$0x1], $0x1000, $0x38;
	[tilespmem:$0x19100] =	vst v63  }
0x345: {  	_ =	swait.ge [sflag:s4], $0x1000  }
0x346: {  	[sflag:s4] =	ssyncset.done $0x0  }
0x347: {  	[sflag:s4] =	ssyncadd.s32 $0xFFFFF000  }
0x348: {  	[spmem:s19] =	stream.linear.scatter [tilespmem:s6], [sflag:$0x1], $0x1000, $0x38;
	[tilespmem:$0x19100] =	vst v63  }
0x349: {  	_ =	swait.ge [sflag:s4], $0x1000  }
0x34a: {  	[sflag:s4] =	ssyncset.done $0x0  }
0x34b: {  	[sflag:s4] =	ssyncadd.s32 $0xFFFFF000  }
0x34c: {  	[spmem:s20] =	stream.linear.scatter [tilespmem:s6], [sflag:$0x1], $0x1000, $0x38;
	[tilespmem:$0x19100] =	vst v63  }
0x34d: {  	_ =	swait.ge [sflag:s4], $0x1000  }
0x34e: {  	[sflag:s4] =	ssyncset.done $0x0  }
0x34f: {  	[sflag:s4] =	ssyncadd.s32 $0xFFFFF000  }
0x350: {  	[spmem:s21] =	stream.linear.scatter [tilespmem:s6], [sflag:$0x1], $0x1000, $0x38;
	[tilespmem:$0x19100] =	vst v63  }
0x351: {  	_ =	swait.ge [sflag:s4], $0x1000  }
0x352: {  	[sflag:s4] =	ssyncset.done $0x0  }
0x353: {  	[sflag:s4] =	ssyncadd.s32 $0xFFFFF000  }
0x354: {  	[bflag:$0x0] =	sbarrier.arrive $0xFFFF  }
0x355: {  	s3 =	rddreg [dreg:$0x7]  }
0x356: {  	[tilespmem:s24], [sflag:$0x1] =	stream.strided.gather [hbm4b:s3+s22], $0x8000, s23, s22, $0x38;
	[tilespmem:$0x19100] =	vst v63  }
0x357: {  	_ =	swait.ge [sflag:s4], $0x8000  }
0x358: {  	[sflag:s4] =	ssyncset.done $0x0  }
0x359: {  	[sflag:s4] =	ssyncadd.s32 $0xFFFF8000  }
0x35a: {  	[spmem:s1] =	stream.indirect.scatter.add.f32 [tilespmem:s24], [sflag:$0x1], $0x80, s2, s25, $0xb8;
	[tilespmem:$0x19100] =	vst v63  }
0x35b: {  	_ =	swait.ge [sflag:s4], $0x4000  }
0x35c: {  	[sflag:s4] =	ssyncset.done $0x0  }
0x35d: {  	[sflag:s4] =	ssyncadd.s32 $0xFFFFC000  }
0x35e: {  	[spmem:s1] =	stream.indirect.scatter.add.f32 [tilespmem:s26], [sflag:$0x1], $0x80, s25, s25, $0xb8;
	[tilespmem:$0x19100] =	vst v63  }
0x35f: {  	_ =	swait.ge [sflag:s4], $0x4000  }
0x360: {  	[sflag:s4] =	ssyncset.done $0x0  }
0x361: {  	[sflag:s4] =	ssyncadd.s32 $0xFFFFC000  }
0x362: {  	p0 =	sne.s32 s0, $0x1;
	[bflag:$0x0] =	sbarrier.arrive $0xFFFF  }
.Ltmp1:
0x363: {  	s3 =	rddreg [dreg:$0x8];
	(pc) =	sbr.rel @p0 .LBB2_1-.Ltmp1, $4  }
0x364: {  	[hbm:s3@s30], [sflag:s28] =	dma.strided [spmem:s31@s25], $0x2000, s29, $0x10   }
0x365: {  	_ =	swait.ge [sflag:s4], $0x2000  }
0x366: {  	[sflag:s4] =	ssyncset.done $0x0  }
0x367: {  	s0 =	sadd.s32 $0xFFFFFFFF, s0;
	[sflag:s4] =	ssyncadd.s32 $0xFFFFE000  }
.LBB2_2:
0x368: {  	[bflag:$0x0] =	sbarrier.arrive $0xFFFF  }
0x369: {  	_ =	sfence.sel $0x180000  }
0x36a: {  	[bflag:$0x0] =	sbarrier.arrive $0xFFFF  }
0x36b: {  	_ =	strace $0x9000004A  }
0x36c: {  	s0 =	stileid.u32;
	[bflag:$0x2] =	sbarrier.arrive $0xFFFF  }
0x36d: {  	p0 =	sne.s32 s0, $0x0;
	s0 =	rddreg [dreg:$0x3]  }
0x36e: {  	s0 =	sadd.s32 @!p0 $0x100000, s0  }
0x36f: {  	[sflag:s0] =	ssyncadd.tile.s32 @!p0 $0x1;
	_ =	shalt  }
.Lfunc_end2:
_tile_overlayer_lowered:
.L_overlay_start_2:
0x370: {  	(tag) =	ssettag $0x2  }
0x371: {  	s0 =	rddreg [dreg:$0x0];
	s2 =	stileid.u32  }
0x372: {  	s1 =	rddreg [dreg:$0x1];
	p0 =	sne.s32 s2, $0x0  }
0x373: {  	s3 =	rddreg [dreg:$0x2];
	[bflag:$0x3] =	sbarrier.arrive $0xFFFF;
	s2 =	simm.s32 @!p0 $0x1C01  }
0x374: {  	[timem:s3], [sflag:s2] =	dma.local @!p0 [hbm:s0], s1  }
0x375: {  	s0 =	simm.s32 @!p0 $0x1  }
0x376: {  	_ =	swait.ge @!p0 [sflag:s0], s1  }
0x377: {  	s1 =	ssub.s32 @!p0 $0x0, s1;
	[sflag:s0] =	ssyncset.done @!p0 $0x0  }
0x378: {  	[sflag:s0] =	ssyncadd.s32 @!p0 s1  }
0x379: {  	[bflag:$0x3] =	sbarrier.arrive $0xFFFF  }
0x37a: {  	_ =	shalt  }

</sc_bundles>
